<compile_context>
chip_gen: v7x
topology: tpu7x:2x2x1
jax: 0.10.2.dev20260603
libtpu: 0.0.44.dev20260713+nightly
codegen_flags: <defaults>
</compile_context>

<pallas_src>
import functools

import jax
import jax.numpy as jnp
from jax import lax
from jax.experimental import pallas as pl
from jax.experimental.pallas import tpu as pltpu
from jax.experimental.pallas import tpu_sc as plsc

NC = 2
NS = 16
NW = NC * NS
LANES = 16
IDXW = 128
FW = 128


def _dot_t(a, w):
    return lax.dot_general(a, w, (((1,), (1,)), ((), ())),
                           preferred_element_type=jnp.float32)


K = 8


def _seg_sum_sc(y, src2, dst2, n_pad, ept):
    n_steps = ept // IDXW
    n_pairs = n_steps // (2 * K)
    zr = n_pad // NS
    mesh = plsc.VectorSubcoreMesh(core_axis_name="c", subcore_axis_name="s")

    @functools.partial(
        pl.kernel,
        out_type=jax.ShapeDtypeStruct((NC, n_pad, FW), jnp.float32),
        mesh=mesh,
        scratch_types=[
            pltpu.VMEM((2, K, IDXW), jnp.int32),
            pltpu.VMEM((2, K, IDXW), jnp.int32),
            pltpu.VMEM((2, IDXW, FW), jnp.float32),
            pltpu.VMEM_SHARED((n_pad, FW), jnp.float32),
            pltpu.SemaphoreType.DMA,
            pltpu.SemaphoreType.DMA,
            pltpu.SemaphoreType.DMA,
            pltpu.SemaphoreType.DMA,
        ],
    )
    def k(y_hbm, src_hbm, dst_hbm, out_hbm, sidx, didx, rows, acc,
          gsem0, gsem1, ssem0, ssem1):
        c = lax.axis_index("c")
        s = lax.axis_index("s")
        wid = s * NC + c
        off = pl.multiple_of(s * zr, 8)
        gsem = (gsem0, gsem1)
        ssem = (ssem0, ssem1)
        tile_r0 = wid * n_steps

        def swait(b):
            pltpu.make_async_copy(y_hbm.at[pl.ds(0, IDXW)], rows.at[b],
                                  ssem[b]).wait()

        r00 = pl.multiple_of(tile_r0, 8)
        pltpu.sync_copy(src_hbm.at[pl.ds(r00, K)], sidx.at[0])
        pltpu.sync_copy(dst_hbm.at[pl.ds(r00, K)], didx.at[0])

        def zrow(i, carry):
            for j in range(FW // LANES):
                rows[0, i, pl.ds(j * LANES, LANES)] = jnp.zeros((LANES,),
                                                                jnp.float32)
            return carry
        lax.fori_loop(0, IDXW, zrow, 0)
        for zo in range(0, zr, IDXW):
            zn = min(IDXW, zr - zo)
            pltpu.sync_copy(rows.at[0, pl.ds(0, zn)],
                            acc.at[pl.ds(pl.multiple_of(off + zo, 8), zn)])
        plsc.subcore_barrier()

        def chunk(p, carry):
            r0 = pl.multiple_of(tile_r0 + p * K, 8)
            pltpu.sync_copy(src_hbm.at[pl.ds(r0, K)], sidx.at[0])
            pltpu.sync_copy(dst_hbm.at[pl.ds(r0, K)], didx.at[0])
            for j in range(K):
                pltpu.async_copy(y_hbm.at[sidx.at[0, j]], rows.at[0], gsem[0])
                pltpu.make_async_copy(y_hbm.at[pl.ds(0, IDXW)], rows.at[0],
                                      gsem[0]).wait()
                pltpu.async_copy(rows.at[0], acc.at[didx.at[0, j]], ssem[0],
                                 add=True)
                swait(0)
            return carry
        lax.fori_loop(0, 2 * n_pairs, chunk, 0)

        plsc.subcore_barrier()
        pltpu.sync_copy(acc.at[pl.ds(off, zr)],
                        out_hbm.at[c, pl.ds(off, zr)])

    return k(y, src2, dst2)


def _mm2_tc(x, wl, wr):
    n = x.shape[0]
    h = wl.shape[0]

    def body(x_ref, wl_ref, wr_ref, y_ref, r_ref):
        xv = x_ref[...]
        y_ref[...] = jnp.concatenate(
            [_dot_t(xv, wl_ref[...]), jnp.ones((n, FW - h), jnp.float32)], axis=1)
        r_ref[...] = _dot_t(xv, wr_ref[...])

    return pl.pallas_call(
        body,
        out_shape=(jax.ShapeDtypeStruct((n, FW), jnp.float32),
                   jax.ShapeDtypeStruct((n, wr.shape[0]), jnp.float32)),
    )(x, wl, wr)


def _mean_from_acc(acc_ref, cnt_ref, n, h):
    csum = cnt_ref[0, 0:n, h:FW] + cnt_ref[1, 0:n, h:FW]
    cnt = jnp.sum(csum, axis=1, keepdims=True) * (1.0 / (FW - h))
    inv = 1.0 / jnp.maximum(cnt, 1.0)
    a = acc_ref[0, 0:n, 0:h] + acc_ref[1, 0:n, 0:h]
    return a * inv


def _comb_mm_tc(acc, cnt, b, r, wl, wr, n):
    hw = wl.shape[1]

    def body(acc_ref, cnt_ref, b_ref, r_ref, wl_ref, wr_ref, y_ref, r2_ref):
        m = _mean_from_acc(acc_ref, cnt_ref, n, hw)
        h = jnp.maximum(m + b_ref[...] + r_ref[...], 0.0)
        y_ref[...] = jnp.concatenate(
            [_dot_t(h, wl_ref[...]), jnp.zeros((n, FW - wl.shape[0]), jnp.float32)],
            axis=1)
        r2_ref[...] = _dot_t(h, wr_ref[...])

    return pl.pallas_call(
        body,
        out_shape=(jax.ShapeDtypeStruct((n, FW), jnp.float32),
                   jax.ShapeDtypeStruct((n, wr.shape[0]), jnp.float32)),
    )(acc, cnt, b, r, wl, wr)


def _comb_h_tc(acc, cnt, b, r, wr3, n):
    hw = r.shape[1]

    def body(acc_ref, cnt_ref, b_ref, r_ref, wr3_ref, h_ref, r3_ref):
        m = _mean_from_acc(acc_ref, cnt_ref, n, hw)
        h = jnp.maximum(m + b_ref[...] + r_ref[...], 0.0)
        h_ref[...] = jnp.concatenate(
            [h, jnp.zeros((n, FW - hw), jnp.float32)], axis=1)
        r3_ref[...] = _dot_t(h, wr3_ref[...])

    return pl.pallas_call(
        body,
        out_shape=(jax.ShapeDtypeStruct((n, FW), jnp.float32),
                   jax.ShapeDtypeStruct((n, wr3.shape[0]), jnp.float32)),
    )(acc, cnt, b, r, wr3)


def _final_tc(acc, cnt, b, r3, wl3, n):
    hw = wl3.shape[1]

    def body(acc_ref, cnt_ref, b_ref, r3_ref, wl3_ref, dx_ref):
        m = _mean_from_acc(acc_ref, cnt_ref, n, hw)
        dx_ref[...] = _dot_t(m, wl3_ref[...]) + b_ref[...] + r3_ref[...]

    return pl.pallas_call(
        body,
        out_shape=jax.ShapeDtypeStruct((n, wl3.shape[0]), jnp.float32),
    )(acc, cnt, b, r3, wl3)


def kernel(t, x, edge_index, Wl1, bl1, Wr1, Wl2, bl2, Wr2, Wl3, bl3, Wr3):
    del t
    n, d = x.shape
    e = edge_index.shape[1]

    ept = -(-e // (NW * IDXW * 2 * K)) * (IDXW * 2 * K)
    e_pad = ept * NW
    n_pad = -(-(n + 1) // (NS * 8)) * (NS * 8)

    ei = edge_index.astype(jnp.int32)
    pad = e_pad - e
    src2 = jnp.concatenate([ei[0], jnp.zeros((pad,), jnp.int32)]).reshape(-1, IDXW)
    dst2 = jnp.concatenate([ei[1], jnp.full((pad,), n, jnp.int32)]).reshape(-1, IDXW)

    bl1r = bl1.reshape(1, -1)
    bl2r = bl2.reshape(1, -1)
    bl3r = bl3.reshape(1, -1)

    y1, r1 = _mm2_tc(x, Wl1, Wr1)
    acc1 = _seg_sum_sc(y1, src2, dst2, n_pad, ept)
    y2, r2 = _comb_mm_tc(acc1, acc1, bl1r, r1, Wl2, Wr2, n)
    acc2 = _seg_sum_sc(y2, src2, dst2, n_pad, ept)
    h2, r3 = _comb_h_tc(acc2, acc1, bl2r, r2, Wr3, n)
    acc3 = _seg_sum_sc(h2, src2, dst2, n_pad, ept)
    dx = _final_tc(acc3, acc1, bl3r, r3, Wl3, n)
    return dx

# --- scband reference (transcript-rebuilt; emitter-appended) ---
"""Pipeline reference for scband-graph-odefunc-14594298872163 (READ-ONLY COPY).

The authoritative reference and input builder live on the scoring server;
editing this copy changes nothing except your own understanding.
"""

import jax, jax.numpy as jnp
import numpy as np

N = 10000
E = 320000
D = 128
H = 64

def setup_inputs(seed: int = 0) -> dict:
    key = jax.random.key(seed)
    ks = jax.random.split(key, 12)
    t = jnp.zeros((1,), dtype=jnp.float32)
    x = jax.random.normal(ks[0], (N, D), dtype=jnp.float32)
    edge_index = jax.random.randint(ks[1], (2, E), 0, N, dtype=jnp.int64)
    def lin(k, out_d, in_d):
        return jax.random.normal(k, (out_d, in_d), dtype=jnp.float32) * (1.0 / np.sqrt(in_d))
    Wl1 = lin(ks[2], H, D); bl1 = jnp.zeros((H,), dtype=jnp.float32); Wr1 = lin(ks[3], H, D)
    Wl2 = lin(ks[4], H, H); bl2 = jnp.zeros((H,), dtype=jnp.float32); Wr2 = lin(ks[5], H, H)
    Wl3 = lin(ks[6], D, H); bl3 = jnp.zeros((D,), dtype=jnp.float32); Wr3 = lin(ks[7], D, H)
    return {"t": t, "x": x, "edge_index": edge_index,
            "Wl1": Wl1, "bl1": bl1, "Wr1": Wr1,
            "Wl2": Wl2, "bl2": bl2, "Wr2": Wr2,
            "Wl3": Wl3, "bl3": bl3, "Wr3": Wr3}

def _sage_conv(x, edge_index, Wl, bl, Wr):
    # PyG SAGEConv with mean aggregation:
    # out = lin_l(mean_{j in N(i)} x_j) + lin_r(x_i)
    src = edge_index[0]
    dst = edge_index[1]
    n = x.shape[0]
    msgs = jnp.take(x, src, axis=0)
    agg = jax.ops.segment_sum(msgs, dst, num_segments=n)
    cnt = jax.ops.segment_sum(jnp.ones((src.shape[0], 1), dtype=x.dtype), dst, num_segments=n)
    agg = agg / jnp.clip(cnt, 1.0, None)
    return agg @ Wl.T + bl + x @ Wr.T

def reference(t, x, edge_index, Wl1, bl1, Wr1, Wl2, bl2, Wr2, Wl3, bl3, Wr3):
    h = _sage_conv(x, edge_index, Wl1, bl1, Wr1)
    h = jax.nn.relu(h)
    h = _sage_conv(h, edge_index, Wl2, bl2, Wr2)
    h = jax.nn.relu(h)
    dx_dt = _sage_conv(h, edge_index, Wl3, bl3, Wr3)
    return dx_dt

if __name__ == "__main__":
    import jax
    _d = setup_inputs()
    print(jax.jit(kernel)(*tuple(_d.values())))

</pallas_src>

<mosaic_0001>
#map = affine_map<(d0, d1) -> (0, 0)>
#map1 = affine_map<(d0, d1) -> (0, 0, 0)>
module attributes {stable_mosaic.version = 14 : i64} {
  func.func @k(%arg0: i32, %arg1: i32, %arg2: memref<10000x128xf32, #tpu.memory_space<hbm>>, %arg3: memref<2560x128xi32, #tpu.memory_space<hbm>>, %arg4: memref<2560x128xi32, #tpu.memory_space<hbm>>, %arg5: memref<2x10112x128xf32, #tpu.memory_space<hbm>>, %arg6: memref<2x8x128xi32, #tpu.memory_space<vmem>>, %arg7: memref<2x8x128xi32, #tpu.memory_space<vmem>>, %arg8: memref<2x128x128xf32, #tpu.memory_space<vmem>>, %arg9: memref<10112x128xf32, #tpu.memory_space<vmem_shared>>, %arg10: memref<!tpu.dma_semaphore, #tpu.memory_space<semaphore_mem>>, %arg11: memref<!tpu.dma_semaphore, #tpu.memory_space<semaphore_mem>>, %arg12: memref<!tpu.dma_semaphore, #tpu.memory_space<semaphore_mem>>, %arg13: memref<!tpu.dma_semaphore, #tpu.memory_space<semaphore_mem>>) attributes {dimension_semantics = [#tpu.dimension_semantics<core_parallel>, #tpu.dimension_semantics<subcore_parallel>], iteration_bounds = array<i64: 2, 16>, scalar_prefetch = 0 : i64, scratch_operands = 8 : i64, tpu.core_type = #tpu.core_type<sc_vector_subcore>, window_params = [{transform_indices = #map}, {transform_indices = #map}, {transform_indices = #map}, {transform_indices = #map1}]} {
    %mul3A = arith.constant 2 : i32
    %mul3A_0 = arith.muli %arg1, %mul3A : i32
    %add3A = arith.addi %mul3A_0, %arg0 : i32
    %mul3A_1 = arith.constant 632 : i32
    %mul3A_2 = arith.muli %arg1, %mul3A_1 : i32
    %multiple_of3A = tpu.assume_multiple %mul3A_2, 8 : i32
    %mul3A_3 = arith.constant 80 : i32
    %mul3A_4 = arith.muli %add3A, %mul3A_3 : i32
    %multiple_of3A_5 = tpu.assume_multiple %mul3A_4, 8 : i32
    %run_scoped3A = arith.constant 0 : i32
    "tpu.region"() ({
      %run_scoped3A_39 = tpu.sem_alloc : memref<!tpu.dma_semaphore, #tpu.memory_space<semaphore_mem>>
      %dma_start3A = arith.constant 0 : i32
      %dma_start3A_40 = arith.constant 0 : i32
      %dma_start3A_41 = tpu.memref_slice %arg6[%run_scoped3A, %dma_start3A, %dma_start3A_40] : memref<2x8x128xi32, #tpu.memory_space<vmem>> -> memref<1x8x128xi32, #tpu.memory_space<vmem>>
      %dma_start3A_42 = tpu.memref_squeeze %dma_start3A_41 : memref<1x8x128xi32, #tpu.memory_space<vmem>> -> memref<8x128xi32, #tpu.memory_space<vmem>>
      %dma_start3A_43 = arith.constant 0 : i32
      %dma_start3A_44 = tpu.memref_slice %arg3[%multiple_of3A_5, %dma_start3A_43] : memref<2560x128xi32, #tpu.memory_space<hbm>> -> memref<8x128xi32, #tpu.memory_space<hbm>>
      %dma_start3A_45 = arith.constant 0 : i32
      %dma_start3A_46 = arith.constant 0 : i32
      %dma_start3A_47 = tpu.memref_slice %arg6[%run_scoped3A, %dma_start3A_45, %dma_start3A_46] : memref<2x8x128xi32, #tpu.memory_space<vmem>> -> memref<1x8x128xi32, #tpu.memory_space<vmem>>
      %dma_start3A_48 = tpu.memref_squeeze %dma_start3A_47 : memref<1x8x128xi32, #tpu.memory_space<vmem>> -> memref<8x128xi32, #tpu.memory_space<vmem>>
      %dma_start3A_49 = arith.constant 0 : i32
      %dma_start3A_50 = tpu.memref_slice %arg3[%multiple_of3A_5, %dma_start3A_49] : memref<2560x128xi32, #tpu.memory_space<hbm>> -> memref<8x128xi32, #tpu.memory_space<hbm>>
      tpu.enqueue_dma source(%dma_start3A_50 : memref<8x128xi32, #tpu.memory_space<hbm>>) target(%dma_start3A_48 : memref<8x128xi32, #tpu.memory_space<vmem>>) target_semaphore(%run_scoped3A_39 : memref<!tpu.dma_semaphore, #tpu.memory_space<semaphore_mem>>)
      %dma_wait3A = arith.constant 0 : i32
      %dma_wait3A_51 = arith.constant 0 : i32
      %dma_wait3A_52 = tpu.memref_slice %arg6[%run_scoped3A, %dma_wait3A, %dma_wait3A_51] : memref<2x8x128xi32, #tpu.memory_space<vmem>> -> memref<1x8x128xi32, #tpu.memory_space<vmem>>
      %dma_wait3A_53 = tpu.memref_squeeze %dma_wait3A_52 : memref<1x8x128xi32, #tpu.memory_space<vmem>> -> memref<8x128xi32, #tpu.memory_space<vmem>>
      %dma_wait3A_54 = arith.constant 0 : i32
      %dma_wait3A_55 = tpu.memref_slice %arg3[%multiple_of3A_5, %dma_wait3A_54] : memref<2560x128xi32, #tpu.memory_space<hbm>> -> memref<8x128xi32, #tpu.memory_space<hbm>>
      %dma_wait3A_56 = arith.constant 0 : i32
      %dma_wait3A_57 = arith.constant 0 : i32
      %dma_wait3A_58 = tpu.memref_slice %arg6[%run_scoped3A, %dma_wait3A_56, %dma_wait3A_57] : memref<2x8x128xi32, #tpu.memory_space<vmem>> -> memref<1x8x128xi32, #tpu.memory_space<vmem>>
      %dma_wait3A_59 = tpu.memref_squeeze %dma_wait3A_58 : memref<1x8x128xi32, #tpu.memory_space<vmem>> -> memref<8x128xi32, #tpu.memory_space<vmem>>
      %dma_wait3A_60 = arith.constant 0 : i32
      %dma_wait3A_61 = tpu.memref_slice %arg3[%multiple_of3A_5, %dma_wait3A_60] : memref<2560x128xi32, #tpu.memory_space<hbm>> -> memref<8x128xi32, #tpu.memory_space<hbm>>
      tpu.wait_dma2 semaphore(%run_scoped3A_39 : memref<!tpu.dma_semaphore, #tpu.memory_space<semaphore_mem>>) src(%dma_wait3A_61 : memref<8x128xi32, #tpu.memory_space<hbm>>) dst(%dma_wait3A_59 : memref<8x128xi32, #tpu.memory_space<vmem>>)
      tpu.yield
    }) : () -> ()
    %run_scoped3A_6 = arith.constant 0 : i32
    "tpu.region"() ({
      %run_scoped3A_39 = tpu.sem_alloc : memref<!tpu.dma_semaphore, #tpu.memory_space<semaphore_mem>>
      %dma_start3A = arith.constant 0 : i32
      %dma_start3A_40 = arith.constant 0 : i32
      %dma_start3A_41 = tpu.memref_slice %arg7[%run_scoped3A_6, %dma_start3A, %dma_start3A_40] : memref<2x8x128xi32, #tpu.memory_space<vmem>> -> memref<1x8x128xi32, #tpu.memory_space<vmem>>
      %dma_start3A_42 = tpu.memref_squeeze %dma_start3A_41 : memref<1x8x128xi32, #tpu.memory_space<vmem>> -> memref<8x128xi32, #tpu.memory_space<vmem>>
      %dma_start3A_43 = arith.constant 0 : i32
      %dma_start3A_44 = tpu.memref_slice %arg4[%multiple_of3A_5, %dma_start3A_43] : memref<2560x128xi32, #tpu.memory_space<hbm>> -> memref<8x128xi32, #tpu.memory_space<hbm>>
      %dma_start3A_45 = arith.constant 0 : i32
      %dma_start3A_46 = arith.constant 0 : i32
      %dma_start3A_47 = tpu.memref_slice %arg7[%run_scoped3A_6, %dma_start3A_45, %dma_start3A_46] : memref<2x8x128xi32, #tpu.memory_space<vmem>> -> memref<1x8x128xi32, #tpu.memory_space<vmem>>
      %dma_start3A_48 = tpu.memref_squeeze %dma_start3A_47 : memref<1x8x128xi32, #tpu.memory_space<vmem>> -> memref<8x128xi32, #tpu.memory_space<vmem>>
      %dma_start3A_49 = arith.constant 0 : i32
      %dma_start3A_50 = tpu.memref_slice %arg4[%multiple_of3A_5, %dma_start3A_49] : memref<2560x128xi32, #tpu.memory_space<hbm>> -> memref<8x128xi32, #tpu.memory_space<hbm>>
      tpu.enqueue_dma source(%dma_start3A_50 : memref<8x128xi32, #tpu.memory_space<hbm>>) target(%dma_start3A_48 : memref<8x128xi32, #tpu.memory_space<vmem>>) target_semaphore(%run_scoped3A_39 : memref<!tpu.dma_semaphore, #tpu.memory_space<semaphore_mem>>)
      %dma_wait3A = arith.constant 0 : i32
      %dma_wait3A_51 = arith.constant 0 : i32
      %dma_wait3A_52 = tpu.memref_slice %arg7[%run_scoped3A_6, %dma_wait3A, %dma_wait3A_51] : memref<2x8x128xi32, #tpu.memory_space<vmem>> -> memref<1x8x128xi32, #tpu.memory_space<vmem>>
      %dma_wait3A_53 = tpu.memref_squeeze %dma_wait3A_52 : memref<1x8x128xi32, #tpu.memory_space<vmem>> -> memref<8x128xi32, #tpu.memory_space<vmem>>
      %dma_wait3A_54 = arith.constant 0 : i32
      %dma_wait3A_55 = tpu.memref_slice %arg4[%multiple_of3A_5, %dma_wait3A_54] : memref<2560x128xi32, #tpu.memory_space<hbm>> -> memref<8x128xi32, #tpu.memory_space<hbm>>
      %dma_wait3A_56 = arith.constant 0 : i32
      %dma_wait3A_57 = arith.constant 0 : i32
      %dma_wait3A_58 = tpu.memref_slice %arg7[%run_scoped3A_6, %dma_wait3A_56, %dma_wait3A_57] : memref<2x8x128xi32, #tpu.memory_space<vmem>> -> memref<1x8x128xi32, #tpu.memory_space<vmem>>
      %dma_wait3A_59 = tpu.memref_squeeze %dma_wait3A_58 : memref<1x8x128xi32, #tpu.memory_space<vmem>> -> memref<8x128xi32, #tpu.memory_space<vmem>>
      %dma_wait3A_60 = arith.constant 0 : i32
      %dma_wait3A_61 = tpu.memref_slice %arg4[%multiple_of3A_5, %dma_wait3A_60] : memref<2560x128xi32, #tpu.memory_space<hbm>> -> memref<8x128xi32, #tpu.memory_space<hbm>>
      tpu.wait_dma2 semaphore(%run_scoped3A_39 : memref<!tpu.dma_semaphore, #tpu.memory_space<semaphore_mem>>) src(%dma_wait3A_61 : memref<8x128xi32, #tpu.memory_space<hbm>>) dst(%dma_wait3A_59 : memref<8x128xi32, #tpu.memory_space<vmem>>)
      tpu.yield
    }) : () -> ()
    %scan3A = arith.constant 0 : i32
    %scan3A_7 = arith.constant 0 : i32
    %scan3A_8 = arith.constant 128 : i32
    %scan3A_9 = arith.addi %scan3A_7, %scan3A_8 : i32
    %scan3A_10 = arith.constant 1 : i32
    scf.for %scan3A_39 = %scan3A_7 to %scan3A_9 step %scan3A_10  : i32 {
      %broadcast_in_dim3A = arith.constant 0.000000e+00 : f32
      %broadcast_in_dim3A_40 = vector.broadcast %broadcast_in_dim3A : f32 to vector<16xf32>
      %swap3A = arith.constant 0 : i32
      %swap3A_41 = arith.index_cast %swap3A : i32 to index
      %swap3A_42 = arith.index_cast %scan3A_39 : i32 to index
      %swap3A_43 = arith.constant 0 : index
      %swap3A_44 = tpu.vector_load %arg8[%swap3A_41, %swap3A_42, %swap3A_43] {strides = array<i32>} : memref<2x128x128xf32, #tpu.memory_space<vmem>>, vector<1x1x16xf32>,
      %swap3A_45 = vector.shape_cast %swap3A_44 : vector<1x1x16xf32> to vector<16xf32>
      %swap3A_46 = vector.shape_cast %broadcast_in_dim3A_40 : vector<16xf32> to vector<1x1x16xf32>
      tpu.vector_store %arg8[%swap3A_41, %swap3A_42, %swap3A_43], %swap3A_46 {strides = array<i32>} : memref<2x128x128xf32, #tpu.memory_space<vmem>>, vector<1x1x16xf32>,
      %broadcast_in_dim3A_47 = arith.constant 0.000000e+00 : f32
      %broadcast_in_dim3A_48 = vector.broadcast %broadcast_in_dim3A_47 : f32 to vector<16xf32>
      %swap3A_49 = arith.constant 0 : i32
      %swap3A_50 = arith.index_cast %swap3A_49 : i32 to index
      %swap3A_51 = arith.index_cast %scan3A_39 : i32 to index
      %swap3A_52 = arith.constant 16 : index
      %swap3A_53 = tpu.vector_load %arg8[%swap3A_50, %swap3A_51, %swap3A_52] {strides = array<i32>} : memref<2x128x128xf32, #tpu.memory_space<vmem>>, vector<1x1x16xf32>,
      %swap3A_54 = vector.shape_cast %swap3A_53 : vector<1x1x16xf32> to vector<16xf32>
      %swap3A_55 = vector.shape_cast %broadcast_in_dim3A_48 : vector<16xf32> to vector<1x1x16xf32>
      tpu.vector_store %arg8[%swap3A_50, %swap3A_51, %swap3A_52], %swap3A_55 {strides = array<i32>} : memref<2x128x128xf32, #tpu.memory_space<vmem>>, vector<1x1x16xf32>,
      %broadcast_in_dim3A_56 = arith.constant 0.000000e+00 : f32
      %broadcast_in_dim3A_57 = vector.broadcast %broadcast_in_dim3A_56 : f32 to vector<16xf32>
      %swap3A_58 = arith.constant 0 : i32
      %swap3A_59 = arith.index_cast %swap3A_58 : i32 to index
      %swap3A_60 = arith.index_cast %scan3A_39 : i32 to index
      %swap3A_61 = arith.constant 32 : index
      %swap3A_62 = tpu.vector_load %arg8[%swap3A_59, %swap3A_60, %swap3A_61] {strides = array<i32>} : memref<2x128x128xf32, #tpu.memory_space<vmem>>, vector<1x1x16xf32>,
      %swap3A_63 = vector.shape_cast %swap3A_62 : vector<1x1x16xf32> to vector<16xf32>
      %swap3A_64 = vector.shape_cast %broadcast_in_dim3A_57 : vector<16xf32> to vector<1x1x16xf32>
      tpu.vector_store %arg8[%swap3A_59, %swap3A_60, %swap3A_61], %swap3A_64 {strides = array<i32>} : memref<2x128x128xf32, #tpu.memory_space<vmem>>, vector<1x1x16xf32>,
      %broadcast_in_dim3A_65 = arith.constant 0.000000e+00 : f32
      %broadcast_in_dim3A_66 = vector.broadcast %broadcast_in_dim3A_65 : f32 to vector<16xf32>
      %swap3A_67 = arith.constant 0 : i32
      %swap3A_68 = arith.index_cast %swap3A_67 : i32 to index
      %swap3A_69 = arith.index_cast %scan3A_39 : i32 to index
      %swap3A_70 = arith.constant 48 : index
      %swap3A_71 = tpu.vector_load %arg8[%swap3A_68, %swap3A_69, %swap3A_70] {strides = array<i32>} : memref<2x128x128xf32, #tpu.memory_space<vmem>>, vector<1x1x16xf32>,
      %swap3A_72 = vector.shape_cast %swap3A_71 : vector<1x1x16xf32> to vector<16xf32>
      %swap3A_73 = vector.shape_cast %broadcast_in_dim3A_66 : vector<16xf32> to vector<1x1x16xf32>
      tpu.vector_store %arg8[%swap3A_68, %swap3A_69, %swap3A_70], %swap3A_73 {strides = array<i32>} : memref<2x128x128xf32, #tpu.memory_space<vmem>>, vector<1x1x16xf32>,
      %broadcast_in_dim3A_74 = arith.constant 0.000000e+00 : f32
      %broadcast_in_dim3A_75 = vector.broadcast %broadcast_in_dim3A_74 : f32 to vector<16xf32>
      %swap3A_76 = arith.constant 0 : i32
      %swap3A_77 = arith.index_cast %swap3A_76 : i32 to index
      %swap3A_78 = arith.index_cast %scan3A_39 : i32 to index
      %swap3A_79 = arith.constant 64 : index
      %swap3A_80 = tpu.vector_load %arg8[%swap3A_77, %swap3A_78, %swap3A_79] {strides = array<i32>} : memref<2x128x128xf32, #tpu.memory_space<vmem>>, vector<1x1x16xf32>,
      %swap3A_81 = vector.shape_cast %swap3A_80 : vector<1x1x16xf32> to vector<16xf32>
      %swap3A_82 = vector.shape_cast %broadcast_in_dim3A_75 : vector<16xf32> to vector<1x1x16xf32>
      tpu.vector_store %arg8[%swap3A_77, %swap3A_78, %swap3A_79], %swap3A_82 {strides = array<i32>} : memref<2x128x128xf32, #tpu.memory_space<vmem>>, vector<1x1x16xf32>,
      %broadcast_in_dim3A_83 = arith.constant 0.000000e+00 : f32
      %broadcast_in_dim3A_84 = vector.broadcast %broadcast_in_dim3A_83 : f32 to vector<16xf32>
      %swap3A_85 = arith.constant 0 : i32
      %swap3A_86 = arith.index_cast %swap3A_85 : i32 to index
      %swap3A_87 = arith.index_cast %scan3A_39 : i32 to index
      %swap3A_88 = arith.constant 80 : index
      %swap3A_89 = tpu.vector_load %arg8[%swap3A_86, %swap3A_87, %swap3A_88] {strides = array<i32>} : memref<2x128x128xf32, #tpu.memory_space<vmem>>, vector<1x1x16xf32>,
      %swap3A_90 = vector.shape_cast %swap3A_89 : vector<1x1x16xf32> to vector<16xf32>
      %swap3A_91 = vector.shape_cast %broadcast_in_dim3A_84 : vector<16xf32> to vector<1x1x16xf32>
      tpu.vector_store %arg8[%swap3A_86, %swap3A_87, %swap3A_88], %swap3A_91 {strides = array<i32>} : memref<2x128x128xf32, #tpu.memory_space<vmem>>, vector<1x1x16xf32>,
      %broadcast_in_dim3A_92 = arith.constant 0.000000e+00 : f32
      %broadcast_in_dim3A_93 = vector.broadcast %broadcast_in_dim3A_92 : f32 to vector<16xf32>
      %swap3A_94 = arith.constant 0 : i32
      %swap3A_95 = arith.index_cast %swap3A_94 : i32 to index
      %swap3A_96 = arith.index_cast %scan3A_39 : i32 to index
      %swap3A_97 = arith.constant 96 : index
      %swap3A_98 = tpu.vector_load %arg8[%swap3A_95, %swap3A_96, %swap3A_97] {strides = array<i32>} : memref<2x128x128xf32, #tpu.memory_space<vmem>>, vector<1x1x16xf32>,
      %swap3A_99 = vector.shape_cast %swap3A_98 : vector<1x1x16xf32> to vector<16xf32>
      %swap3A_100 = vector.shape_cast %broadcast_in_dim3A_93 : vector<16xf32> to vector<1x1x16xf32>
      tpu.vector_store %arg8[%swap3A_95, %swap3A_96, %swap3A_97], %swap3A_100 {strides = array<i32>} : memref<2x128x128xf32, #tpu.memory_space<vmem>>, vector<1x1x16xf32>,
      %broadcast_in_dim3A_101 = arith.constant 0.000000e+00 : f32
      %broadcast_in_dim3A_102 = vector.broadcast %broadcast_in_dim3A_101 : f32 to vector<16xf32>
      %swap3A_103 = arith.constant 0 : i32
      %swap3A_104 = arith.index_cast %swap3A_103 : i32 to index
      %swap3A_105 = arith.index_cast %scan3A_39 : i32 to index
      %swap3A_106 = arith.constant 112 : index
      %swap3A_107 = tpu.vector_load %arg8[%swap3A_104, %swap3A_105, %swap3A_106] {strides = array<i32>} : memref<2x128x128xf32, #tpu.memory_space<vmem>>, vector<1x1x16xf32>,
      %swap3A_108 = vector.shape_cast %swap3A_107 : vector<1x1x16xf32> to vector<16xf32>
      %swap3A_109 = vector.shape_cast %broadcast_in_dim3A_102 : vector<16xf32> to vector<1x1x16xf32>
      tpu.vector_store %arg8[%swap3A_104, %swap3A_105, %swap3A_106], %swap3A_109 {strides = array<i32>} : memref<2x128x128xf32, #tpu.memory_space<vmem>>, vector<1x1x16xf32>,
    }
    %scan3A_11 = arith.constant 128 : i32
    %add3A_12 = arith.constant 0 : i32
    %add3A_13 = arith.addi %multiple_of3A, %add3A_12 : i32
    %multiple_of3A_14 = tpu.assume_multiple %add3A_13, 8 : i32
    %run_scoped3A_15 = arith.constant 0 : i32
    "tpu.region"() ({
      %run_scoped3A_39 = tpu.sem_alloc : memref<!tpu.dma_semaphore, #tpu.memory_space<semaphore_mem>>
      %dma_start3A = arith.constant 0 : i32
      %dma_start3A_40 = arith.constant 0 : i32
      %dma_start3A_41 = tpu.memref_slice %arg8[%run_scoped3A_15, %dma_start3A, %dma_start3A_40] : memref<2x128x128xf32, #tpu.memory_space<vmem>> -> memref<1x128x128xf32, #tpu.memory_space<vmem>>
      %dma_start3A_42 = tpu.memref_squeeze %dma_start3A_41 : memref<1x128x128xf32, #tpu.memory_space<vmem>> -> memref<128x128xf32, #tpu.memory_space<vmem>>
      %dma_start3A_43 = arith.constant 0 : i32
      %dma_start3A_44 = tpu.memref_slice %arg9[%multiple_of3A_14, %dma_start3A_43] : memref<10112x128xf32, #tpu.memory_space<vmem_shared>> -> memref<128x128xf32, #tpu.memory_space<vmem_shared>>
      %dma_start3A_45 = arith.constant 0 : i32
      %dma_start3A_46 = tpu.memref_slice %arg9[%multiple_of3A_14, %dma_start3A_45] : memref<10112x128xf32, #tpu.memory_space<vmem_shared>> -> memref<128x128xf32, #tpu.memory_space<vmem_shared>>
      %dma_start3A_47 = arith.constant 0 : i32
      %dma_start3A_48 = arith.constant 0 : i32
      %dma_start3A_49 = tpu.memref_slice %arg8[%run_scoped3A_15, %dma_start3A_47, %dma_start3A_48] : memref<2x128x128xf32, #tpu.memory_space<vmem>> -> memref<1x128x128xf32, #tpu.memory_space<vmem>>
      %dma_start3A_50 = tpu.memref_squeeze %dma_start3A_49 : memref<1x128x128xf32, #tpu.memory_space<vmem>> -> memref<128x128xf32, #tpu.memory_space<vmem>>
      tpu.enqueue_dma source(%dma_start3A_50 : memref<128x128xf32, #tpu.memory_space<vmem>>) target(%dma_start3A_46 : memref<128x128xf32, #tpu.memory_space<vmem_shared>>) target_semaphore(%run_scoped3A_39 : memref<!tpu.dma_semaphore, #tpu.memory_space<semaphore_mem>>)
      %dma_wait3A = arith.constant 0 : i32
      %dma_wait3A_51 = arith.constant 0 : i32
      %dma_wait3A_52 = tpu.memref_slice %arg8[%run_scoped3A_15, %dma_wait3A, %dma_wait3A_51] : memref<2x128x128xf32, #tpu.memory_space<vmem>> -> memref<1x128x128xf32, #tpu.memory_space<vmem>>
      %dma_wait3A_53 = tpu.memref_squeeze %dma_wait3A_52 : memref<1x128x128xf32, #tpu.memory_space<vmem>> -> memref<128x128xf32, #tpu.memory_space<vmem>>
      %dma_wait3A_54 = arith.constant 0 : i32
      %dma_wait3A_55 = tpu.memref_slice %arg9[%multiple_of3A_14, %dma_wait3A_54] : memref<10112x128xf32, #tpu.memory_space<vmem_shared>> -> memref<128x128xf32, #tpu.memory_space<vmem_shared>>
      %dma_wait3A_56 = arith.constant 0 : i32
      %dma_wait3A_57 = tpu.memref_slice %arg9[%multiple_of3A_14, %dma_wait3A_56] : memref<10112x128xf32, #tpu.memory_space<vmem_shared>> -> memref<128x128xf32, #tpu.memory_space<vmem_shared>>
      %dma_wait3A_58 = arith.constant 0 : i32
      %dma_wait3A_59 = arith.constant 0 : i32
      %dma_wait3A_60 = tpu.memref_slice %arg8[%run_scoped3A_15, %dma_wait3A_58, %dma_wait3A_59] : memref<2x128x128xf32, #tpu.memory_space<vmem>> -> memref<1x128x128xf32, #tpu.memory_space<vmem>>
      %dma_wait3A_61 = tpu.memref_squeeze %dma_wait3A_60 : memref<1x128x128xf32, #tpu.memory_space<vmem>> -> memref<128x128xf32, #tpu.memory_space<vmem>>
      tpu.wait_dma2 semaphore(%run_scoped3A_39 : memref<!tpu.dma_semaphore, #tpu.memory_space<semaphore_mem>>) src(%dma_wait3A_61 : memref<128x128xf32, #tpu.memory_space<vmem>>) dst(%dma_wait3A_57 : memref<128x128xf32, #tpu.memory_space<vmem_shared>>)
      tpu.yield
    }) : () -> ()
    %add3A_16 = arith.constant 128 : i32
    %add3A_17 = arith.addi %multiple_of3A, %add3A_16 : i32
    %multiple_of3A_18 = tpu.assume_multiple %add3A_17, 8 : i32
    %run_scoped3A_19 = arith.constant 0 : i32
    "tpu.region"() ({
      %run_scoped3A_39 = tpu.sem_alloc : memref<!tpu.dma_semaphore, #tpu.memory_space<semaphore_mem>>
      %dma_start3A = arith.constant 0 : i32
      %dma_start3A_40 = arith.constant 0 : i32
      %dma_start3A_41 = tpu.memref_slice %arg8[%run_scoped3A_19, %dma_start3A, %dma_start3A_40] : memref<2x128x128xf32, #tpu.memory_space<vmem>> -> memref<1x128x128xf32, #tpu.memory_space<vmem>>
      %dma_start3A_42 = tpu.memref_squeeze %dma_start3A_41 : memref<1x128x128xf32, #tpu.memory_space<vmem>> -> memref<128x128xf32, #tpu.memory_space<vmem>>
      %dma_start3A_43 = arith.constant 0 : i32
      %dma_start3A_44 = tpu.memref_slice %arg9[%multiple_of3A_18, %dma_start3A_43] : memref<10112x128xf32, #tpu.memory_space<vmem_shared>> -> memref<128x128xf32, #tpu.memory_space<vmem_shared>>
      %dma_start3A_45 = arith.constant 0 : i32
      %dma_start3A_46 = tpu.memref_slice %arg9[%multiple_of3A_18, %dma_start3A_45] : memref<10112x128xf32, #tpu.memory_space<vmem_shared>> -> memref<128x128xf32, #tpu.memory_space<vmem_shared>>
      %dma_start3A_47 = arith.constant 0 : i32
      %dma_start3A_48 = arith.constant 0 : i32
      %dma_start3A_49 = tpu.memref_slice %arg8[%run_scoped3A_19, %dma_start3A_47, %dma_start3A_48] : memref<2x128x128xf32, #tpu.memory_space<vmem>> -> memref<1x128x128xf32, #tpu.memory_space<vmem>>
      %dma_start3A_50 = tpu.memref_squeeze %dma_start3A_49 : memref<1x128x128xf32, #tpu.memory_space<vmem>> -> memref<128x128xf32, #tpu.memory_space<vmem>>
      tpu.enqueue_dma source(%dma_start3A_50 : memref<128x128xf32, #tpu.memory_space<vmem>>) target(%dma_start3A_46 : memref<128x128xf32, #tpu.memory_space<vmem_shared>>) target_semaphore(%run_scoped3A_39 : memref<!tpu.dma_semaphore, #tpu.memory_space<semaphore_mem>>)
      %dma_wait3A = arith.constant 0 : i32
      %dma_wait3A_51 = arith.constant 0 : i32
      %dma_wait3A_52 = tpu.memref_slice %arg8[%run_scoped3A_19, %dma_wait3A, %dma_wait3A_51] : memref<2x128x128xf32, #tpu.memory_space<vmem>> -> memref<1x128x128xf32, #tpu.memory_space<vmem>>
      %dma_wait3A_53 = tpu.memref_squeeze %dma_wait3A_52 : memref<1x128x128xf32, #tpu.memory_space<vmem>> -> memref<128x128xf32, #tpu.memory_space<vmem>>
      %dma_wait3A_54 = arith.constant 0 : i32
      %dma_wait3A_55 = tpu.memref_slice %arg9[%multiple_of3A_18, %dma_wait3A_54] : memref<10112x128xf32, #tpu.memory_space<vmem_shared>> -> memref<128x128xf32, #tpu.memory_space<vmem_shared>>
      %dma_wait3A_56 = arith.constant 0 : i32
      %dma_wait3A_57 = tpu.memref_slice %arg9[%multiple_of3A_18, %dma_wait3A_56] : memref<10112x128xf32, #tpu.memory_space<vmem_shared>> -> memref<128x128xf32, #tpu.memory_space<vmem_shared>>
      %dma_wait3A_58 = arith.constant 0 : i32
      %dma_wait3A_59 = arith.constant 0 : i32
      %dma_wait3A_60 = tpu.memref_slice %arg8[%run_scoped3A_19, %dma_wait3A_58, %dma_wait3A_59] : memref<2x128x128xf32, #tpu.memory_space<vmem>> -> memref<1x128x128xf32, #tpu.memory_space<vmem>>
      %dma_wait3A_61 = tpu.memref_squeeze %dma_wait3A_60 : memref<1x128x128xf32, #tpu.memory_space<vmem>> -> memref<128x128xf32, #tpu.memory_space<vmem>>
      tpu.wait_dma2 semaphore(%run_scoped3A_39 : memref<!tpu.dma_semaphore, #tpu.memory_space<semaphore_mem>>) src(%dma_wait3A_61 : memref<128x128xf32, #tpu.memory_space<vmem>>) dst(%dma_wait3A_57 : memref<128x128xf32, #tpu.memory_space<vmem_shared>>)
      tpu.yield
    }) : () -> ()
    %add3A_20 = arith.constant 256 : i32
    %add3A_21 = arith.addi %multiple_of3A, %add3A_20 : i32
    %multiple_of3A_22 = tpu.assume_multiple %add3A_21, 8 : i32
    %run_scoped3A_23 = arith.constant 0 : i32
    "tpu.region"() ({
      %run_scoped3A_39 = tpu.sem_alloc : memref<!tpu.dma_semaphore, #tpu.memory_space<semaphore_mem>>
      %dma_start3A = arith.constant 0 : i32
      %dma_start3A_40 = arith.constant 0 : i32
      %dma_start3A_41 = tpu.memref_slice %arg8[%run_scoped3A_23, %dma_start3A, %dma_start3A_40] : memref<2x128x128xf32, #tpu.memory_space<vmem>> -> memref<1x128x128xf32, #tpu.memory_space<vmem>>
      %dma_start3A_42 = tpu.memref_squeeze %dma_start3A_41 : memref<1x128x128xf32, #tpu.memory_space<vmem>> -> memref<128x128xf32, #tpu.memory_space<vmem>>
      %dma_start3A_43 = arith.constant 0 : i32
      %dma_start3A_44 = tpu.memref_slice %arg9[%multiple_of3A_22, %dma_start3A_43] : memref<10112x128xf32, #tpu.memory_space<vmem_shared>> -> memref<128x128xf32, #tpu.memory_space<vmem_shared>>
      %dma_start3A_45 = arith.constant 0 : i32
      %dma_start3A_46 = tpu.memref_slice %arg9[%multiple_of3A_22, %dma_start3A_45] : memref<10112x128xf32, #tpu.memory_space<vmem_shared>> -> memref<128x128xf32, #tpu.memory_space<vmem_shared>>
      %dma_start3A_47 = arith.constant 0 : i32
      %dma_start3A_48 = arith.constant 0 : i32
      %dma_start3A_49 = tpu.memref_slice %arg8[%run_scoped3A_23, %dma_start3A_47, %dma_start3A_48] : memref<2x128x128xf32, #tpu.memory_space<vmem>> -> memref<1x128x128xf32, #tpu.memory_space<vmem>>
      %dma_start3A_50 = tpu.memref_squeeze %dma_start3A_49 : memref<1x128x128xf32, #tpu.memory_space<vmem>> -> memref<128x128xf32, #tpu.memory_space<vmem>>
      tpu.enqueue_dma source(%dma_start3A_50 : memref<128x128xf32, #tpu.memory_space<vmem>>) target(%dma_start3A_46 : memref<128x128xf32, #tpu.memory_space<vmem_shared>>) target_semaphore(%run_scoped3A_39 : memref<!tpu.dma_semaphore, #tpu.memory_space<semaphore_mem>>)
      %dma_wait3A = arith.constant 0 : i32
      %dma_wait3A_51 = arith.constant 0 : i32
      %dma_wait3A_52 = tpu.memref_slice %arg8[%run_scoped3A_23, %dma_wait3A, %dma_wait3A_51] : memref<2x128x128xf32, #tpu.memory_space<vmem>> -> memref<1x128x128xf32, #tpu.memory_space<vmem>>
      %dma_wait3A_53 = tpu.memref_squeeze %dma_wait3A_52 : memref<1x128x128xf32, #tpu.memory_space<vmem>> -> memref<128x128xf32, #tpu.memory_space<vmem>>
      %dma_wait3A_54 = arith.constant 0 : i32
      %dma_wait3A_55 = tpu.memref_slice %arg9[%multiple_of3A_22, %dma_wait3A_54] : memref<10112x128xf32, #tpu.memory_space<vmem_shared>> -> memref<128x128xf32, #tpu.memory_space<vmem_shared>>
      %dma_wait3A_56 = arith.constant 0 : i32
      %dma_wait3A_57 = tpu.memref_slice %arg9[%multiple_of3A_22, %dma_wait3A_56] : memref<10112x128xf32, #tpu.memory_space<vmem_shared>> -> memref<128x128xf32, #tpu.memory_space<vmem_shared>>
      %dma_wait3A_58 = arith.constant 0 : i32
      %dma_wait3A_59 = arith.constant 0 : i32
      %dma_wait3A_60 = tpu.memref_slice %arg8[%run_scoped3A_23, %dma_wait3A_58, %dma_wait3A_59] : memref<2x128x128xf32, #tpu.memory_space<vmem>> -> memref<1x128x128xf32, #tpu.memory_space<vmem>>
      %dma_wait3A_61 = tpu.memref_squeeze %dma_wait3A_60 : memref<1x128x128xf32, #tpu.memory_space<vmem>> -> memref<128x128xf32, #tpu.memory_space<vmem>>
      tpu.wait_dma2 semaphore(%run_scoped3A_39 : memref<!tpu.dma_semaphore, #tpu.memory_space<semaphore_mem>>) src(%dma_wait3A_61 : memref<128x128xf32, #tpu.memory_space<vmem>>) dst(%dma_wait3A_57 : memref<128x128xf32, #tpu.memory_space<vmem_shared>>)
      tpu.yield
    }) : () -> ()
    %add3A_24 = arith.constant 384 : i32
    %add3A_25 = arith.addi %multiple_of3A, %add3A_24 : i32
    %multiple_of3A_26 = tpu.assume_multiple %add3A_25, 8 : i32
    %run_scoped3A_27 = arith.constant 0 : i32
    "tpu.region"() ({
      %run_scoped3A_39 = tpu.sem_alloc : memref<!tpu.dma_semaphore, #tpu.memory_space<semaphore_mem>>
      %dma_start3A = arith.constant 0 : i32
      %dma_start3A_40 = arith.constant 0 : i32
      %dma_start3A_41 = tpu.memref_slice %arg8[%run_scoped3A_27, %dma_start3A, %dma_start3A_40] : memref<2x128x128xf32, #tpu.memory_space<vmem>> -> memref<1x128x128xf32, #tpu.memory_space<vmem>>
      %dma_start3A_42 = tpu.memref_squeeze %dma_start3A_41 : memref<1x128x128xf32, #tpu.memory_space<vmem>> -> memref<128x128xf32, #tpu.memory_space<vmem>>
      %dma_start3A_43 = arith.constant 0 : i32
      %dma_start3A_44 = tpu.memref_slice %arg9[%multiple_of3A_26, %dma_start3A_43] : memref<10112x128xf32, #tpu.memory_space<vmem_shared>> -> memref<128x128xf32, #tpu.memory_space<vmem_shared>>
      %dma_start3A_45 = arith.constant 0 : i32
      %dma_start3A_46 = tpu.memref_slice %arg9[%multiple_of3A_26, %dma_start3A_45] : memref<10112x128xf32, #tpu.memory_space<vmem_shared>> -> memref<128x128xf32, #tpu.memory_space<vmem_shared>>
      %dma_start3A_47 = arith.constant 0 : i32
      %dma_start3A_48 = arith.constant 0 : i32
      %dma_start3A_49 = tpu.memref_slice %arg8[%run_scoped3A_27, %dma_start3A_47, %dma_start3A_48] : memref<2x128x128xf32, #tpu.memory_space<vmem>> -> memref<1x128x128xf32, #tpu.memory_space<vmem>>
      %dma_start3A_50 = tpu.memref_squeeze %dma_start3A_49 : memref<1x128x128xf32, #tpu.memory_space<vmem>> -> memref<128x128xf32, #tpu.memory_space<vmem>>
      tpu.enqueue_dma source(%dma_start3A_50 : memref<128x128xf32, #tpu.memory_space<vmem>>) target(%dma_start3A_46 : memref<128x128xf32, #tpu.memory_space<vmem_shared>>) target_semaphore(%run_scoped3A_39 : memref<!tpu.dma_semaphore, #tpu.memory_space<semaphore_mem>>)
      %dma_wait3A = arith.constant 0 : i32
      %dma_wait3A_51 = arith.constant 0 : i32
      %dma_wait3A_52 = tpu.memref_slice %arg8[%run_scoped3A_27, %dma_wait3A, %dma_wait3A_51] : memref<2x128x128xf32, #tpu.memory_space<vmem>> -> memref<1x128x128xf32, #tpu.memory_space<vmem>>
      %dma_wait3A_53 = tpu.memref_squeeze %dma_wait3A_52 : memref<1x128x128xf32, #tpu.memory_space<vmem>> -> memref<128x128xf32, #tpu.memory_space<vmem>>
      %dma_wait3A_54 = arith.constant 0 : i32
      %dma_wait3A_55 = tpu.memref_slice %arg9[%multiple_of3A_26, %dma_wait3A_54] : memref<10112x128xf32, #tpu.memory_space<vmem_shared>> -> memref<128x128xf32, #tpu.memory_space<vmem_shared>>
      %dma_wait3A_56 = arith.constant 0 : i32
      %dma_wait3A_57 = tpu.memref_slice %arg9[%multiple_of3A_26, %dma_wait3A_56] : memref<10112x128xf32, #tpu.memory_space<vmem_shared>> -> memref<128x128xf32, #tpu.memory_space<vmem_shared>>
      %dma_wait3A_58 = arith.constant 0 : i32
      %dma_wait3A_59 = arith.constant 0 : i32
      %dma_wait3A_60 = tpu.memref_slice %arg8[%run_scoped3A_27, %dma_wait3A_58, %dma_wait3A_59] : memref<2x128x128xf32, #tpu.memory_space<vmem>> -> memref<1x128x128xf32, #tpu.memory_space<vmem>>
      %dma_wait3A_61 = tpu.memref_squeeze %dma_wait3A_60 : memref<1x128x128xf32, #tpu.memory_space<vmem>> -> memref<128x128xf32, #tpu.memory_space<vmem>>
      tpu.wait_dma2 semaphore(%run_scoped3A_39 : memref<!tpu.dma_semaphore, #tpu.memory_space<semaphore_mem>>) src(%dma_wait3A_61 : memref<128x128xf32, #tpu.memory_space<vmem>>) dst(%dma_wait3A_57 : memref<128x128xf32, #tpu.memory_space<vmem_shared>>)
      tpu.yield
    }) : () -> ()
    %add3A_28 = arith.constant 512 : i32
    %add3A_29 = arith.addi %multiple_of3A, %add3A_28 : i32
    %multiple_of3A_30 = tpu.assume_multiple %add3A_29, 8 : i32
    %run_scoped3A_31 = arith.constant 0 : i32
    "tpu.region"() ({
      %run_scoped3A_39 = tpu.sem_alloc : memref<!tpu.dma_semaphore, #tpu.memory_space<semaphore_mem>>
      %dma_start3A = arith.constant 0 : i32
      %dma_start3A_40 = arith.constant 0 : i32
      %dma_start3A_41 = tpu.memref_slice %arg8[%run_scoped3A_31, %dma_start3A, %dma_start3A_40] : memref<2x128x128xf32, #tpu.memory_space<vmem>> -> memref<1x120x128xf32, #tpu.memory_space<vmem>>
      %dma_start3A_42 = tpu.memref_squeeze %dma_start3A_41 : memref<1x120x128xf32, #tpu.memory_space<vmem>> -> memref<120x128xf32, #tpu.memory_space<vmem>>
      %dma_start3A_43 = arith.constant 0 : i32
      %dma_start3A_44 = tpu.memref_slice %arg9[%multiple_of3A_30, %dma_start3A_43] : memref<10112x128xf32, #tpu.memory_space<vmem_shared>> -> memref<120x128xf32, #tpu.memory_space<vmem_shared>>
      %dma_start3A_45 = arith.constant 0 : i32
      %dma_start3A_46 = tpu.memref_slice %arg9[%multiple_of3A_30, %dma_start3A_45] : memref<10112x128xf32, #tpu.memory_space<vmem_shared>> -> memref<120x128xf32, #tpu.memory_space<vmem_shared>>
      %dma_start3A_47 = arith.constant 0 : i32
      %dma_start3A_48 = arith.constant 0 : i32
      %dma_start3A_49 = tpu.memref_slice %arg8[%run_scoped3A_31, %dma_start3A_47, %dma_start3A_48] : memref<2x128x128xf32, #tpu.memory_space<vmem>> -> memref<1x120x128xf32, #tpu.memory_space<vmem>>
      %dma_start3A_50 = tpu.memref_squeeze %dma_start3A_49 : memref<1x120x128xf32, #tpu.memory_space<vmem>> -> memref<120x128xf32, #tpu.memory_space<vmem>>
      tpu.enqueue_dma source(%dma_start3A_50 : memref<120x128xf32, #tpu.memory_space<vmem>>) target(%dma_start3A_46 : memref<120x128xf32, #tpu.memory_space<vmem_shared>>) target_semaphore(%run_scoped3A_39 : memref<!tpu.dma_semaphore, #tpu.memory_space<semaphore_mem>>)
      %dma_wait3A = arith.constant 0 : i32
      %dma_wait3A_51 = arith.constant 0 : i32
      %dma_wait3A_52 = tpu.memref_slice %arg8[%run_scoped3A_31, %dma_wait3A, %dma_wait3A_51] : memref<2x128x128xf32, #tpu.memory_space<vmem>> -> memref<1x120x128xf32, #tpu.memory_space<vmem>>
      %dma_wait3A_53 = tpu.memref_squeeze %dma_wait3A_52 : memref<1x120x128xf32, #tpu.memory_space<vmem>> -> memref<120x128xf32, #tpu.memory_space<vmem>>
      %dma_wait3A_54 = arith.constant 0 : i32
      %dma_wait3A_55 = tpu.memref_slice %arg9[%multiple_of3A_30, %dma_wait3A_54] : memref<10112x128xf32, #tpu.memory_space<vmem_shared>> -> memref<120x128xf32, #tpu.memory_space<vmem_shared>>
      %dma_wait3A_56 = arith.constant 0 : i32
      %dma_wait3A_57 = tpu.memref_slice %arg9[%multiple_of3A_30, %dma_wait3A_56] : memref<10112x128xf32, #tpu.memory_space<vmem_shared>> -> memref<120x128xf32, #tpu.memory_space<vmem_shared>>
      %dma_wait3A_58 = arith.constant 0 : i32
      %dma_wait3A_59 = arith.constant 0 : i32
      %dma_wait3A_60 = tpu.memref_slice %arg8[%run_scoped3A_31, %dma_wait3A_58, %dma_wait3A_59] : memref<2x128x128xf32, #tpu.memory_space<vmem>> -> memref<1x120x128xf32, #tpu.memory_space<vmem>>
      %dma_wait3A_61 = tpu.memref_squeeze %dma_wait3A_60 : memref<1x120x128xf32, #tpu.memory_space<vmem>> -> memref<120x128xf32, #tpu.memory_space<vmem>>
      tpu.wait_dma2 semaphore(%run_scoped3A_39 : memref<!tpu.dma_semaphore, #tpu.memory_space<semaphore_mem>>) src(%dma_wait3A_61 : memref<120x128xf32, #tpu.memory_space<vmem>>) dst(%dma_wait3A_57 : memref<120x128xf32, #tpu.memory_space<vmem_shared>>)
      tpu.yield
    }) : () -> ()
    %barrier3A = arith.constant 0 : index
    tpu.barrier barrier_id(%barrier3A)
    %scan3A_32 = arith.constant 0 : i32
    %scan3A_33 = arith.constant 0 : i32
    %scan3A_34 = arith.constant 10 : i32
    %scan3A_35 = arith.addi %scan3A_33, %scan3A_34 : i32
    %scan3A_36 = arith.constant 1 : i32
    scf.for %scan3A_39 = %scan3A_33 to %scan3A_35 step %scan3A_36  : i32 {
      %mul3A_40 = arith.constant 8 : i32
      %mul3A_41 = arith.muli %scan3A_39, %mul3A_40 : i32
      %add3A_42 = arith.addi %mul3A_4, %mul3A_41 : i32
      %multiple_of3A_43 = tpu.assume_multiple %add3A_42, 8 : i32
      %run_scoped3A_44 = arith.constant 0 : i32
      "tpu.region"() ({
        %run_scoped3A_492 = tpu.sem_alloc : memref<!tpu.dma_semaphore, #tpu.memory_space<semaphore_mem>>
        %dma_start3A_493 = arith.constant 0 : i32
        %dma_start3A_494 = arith.constant 0 : i32
        %dma_start3A_495 = tpu.memref_slice %arg6[%run_scoped3A_44, %dma_start3A_493, %dma_start3A_494] : memref<2x8x128xi32, #tpu.memory_space<vmem>> -> memref<1x8x128xi32, #tpu.memory_space<vmem>>
        %dma_start3A_496 = tpu.memref_squeeze %dma_start3A_495 : memref<1x8x128xi32, #tpu.memory_space<vmem>> -> memref<8x128xi32, #tpu.memory_space<vmem>>
        %dma_start3A_497 = arith.constant 0 : i32
        %dma_start3A_498 = tpu.memref_slice %arg3[%multiple_of3A_43, %dma_start3A_497] : memref<2560x128xi32, #tpu.memory_space<hbm>> -> memref<8x128xi32, #tpu.memory_space<hbm>>
        %dma_start3A_499 = arith.constant 0 : i32
        %dma_start3A_500 = arith.constant 0 : i32
        %dma_start3A_501 = tpu.memref_slice %arg6[%run_scoped3A_44, %dma_start3A_499, %dma_start3A_500] : memref<2x8x128xi32, #tpu.memory_space<vmem>> -> memref<1x8x128xi32, #tpu.memory_space<vmem>>
        %dma_start3A_502 = tpu.memref_squeeze %dma_start3A_501 : memref<1x8x128xi32, #tpu.memory_space<vmem>> -> memref<8x128xi32, #tpu.memory_space<vmem>>
        %dma_start3A_503 = arith.constant 0 : i32
        %dma_start3A_504 = tpu.memref_slice %arg3[%multiple_of3A_43, %dma_start3A_503] : memref<2560x128xi32, #tpu.memory_space<hbm>> -> memref<8x128xi32, #tpu.memory_space<hbm>>
        tpu.enqueue_dma source(%dma_start3A_504 : memref<8x128xi32, #tpu.memory_space<hbm>>) target(%dma_start3A_502 : memref<8x128xi32, #tpu.memory_space<vmem>>) target_semaphore(%run_scoped3A_492 : memref<!tpu.dma_semaphore, #tpu.memory_space<semaphore_mem>>)
        %dma_wait3A_505 = arith.constant 0 : i32
        %dma_wait3A_506 = arith.constant 0 : i32
        %dma_wait3A_507 = tpu.memref_slice %arg6[%run_scoped3A_44, %dma_wait3A_505, %dma_wait3A_506] : memref<2x8x128xi32, #tpu.memory_space<vmem>> -> memref<1x8x128xi32, #tpu.memory_space<vmem>>
        %dma_wait3A_508 = tpu.memref_squeeze %dma_wait3A_507 : memref<1x8x128xi32, #tpu.memory_space<vmem>> -> memref<8x128xi32, #tpu.memory_space<vmem>>
        %dma_wait3A_509 = arith.constant 0 : i32
        %dma_wait3A_510 = tpu.memref_slice %arg3[%multiple_of3A_43, %dma_wait3A_509] : memref<2560x128xi32, #tpu.memory_space<hbm>> -> memref<8x128xi32, #tpu.memory_space<hbm>>
        %dma_wait3A_511 = arith.constant 0 : i32
        %dma_wait3A_512 = arith.constant 0 : i32
        %dma_wait3A_513 = tpu.memref_slice %arg6[%run_scoped3A_44, %dma_wait3A_511, %dma_wait3A_512] : memref<2x8x128xi32, #tpu.memory_space<vmem>> -> memref<1x8x128xi32, #tpu.memory_space<vmem>>
        %dma_wait3A_514 = tpu.memref_squeeze %dma_wait3A_513 : memref<1x8x128xi32, #tpu.memory_space<vmem>> -> memref<8x128xi32, #tpu.memory_space<vmem>>
        %dma_wait3A_515 = arith.constant 0 : i32
        %dma_wait3A_516 = tpu.memref_slice %arg3[%multiple_of3A_43, %dma_wait3A_515] : memref<2560x128xi32, #tpu.memory_space<hbm>> -> memref<8x128xi32, #tpu.memory_space<hbm>>
        tpu.wait_dma2 semaphore(%run_scoped3A_492 : memref<!tpu.dma_semaphore, #tpu.memory_space<semaphore_mem>>) src(%dma_wait3A_516 : memref<8x128xi32, #tpu.memory_space<hbm>>) dst(%dma_wait3A_514 : memref<8x128xi32, #tpu.memory_space<vmem>>)
        tpu.yield
      }) : () -> ()
      %run_scoped3A_45 = arith.constant 0 : i32
      "tpu.region"() ({
        %run_scoped3A_492 = tpu.sem_alloc : memref<!tpu.dma_semaphore, #tpu.memory_space<semaphore_mem>>
        %dma_start3A_493 = arith.constant 0 : i32
        %dma_start3A_494 = arith.constant 0 : i32
        %dma_start3A_495 = tpu.memref_slice %arg7[%run_scoped3A_45, %dma_start3A_493, %dma_start3A_494] : memref<2x8x128xi32, #tpu.memory_space<vmem>> -> memref<1x8x128xi32, #tpu.memory_space<vmem>>
        %dma_start3A_496 = tpu.memref_squeeze %dma_start3A_495 : memref<1x8x128xi32, #tpu.memory_space<vmem>> -> memref<8x128xi32, #tpu.memory_space<vmem>>
        %dma_start3A_497 = arith.constant 0 : i32
        %dma_start3A_498 = tpu.memref_slice %arg4[%multiple_of3A_43, %dma_start3A_497] : memref<2560x128xi32, #tpu.memory_space<hbm>> -> memref<8x128xi32, #tpu.memory_space<hbm>>
        %dma_start3A_499 = arith.constant 0 : i32
        %dma_start3A_500 = arith.constant 0 : i32
        %dma_start3A_501 = tpu.memref_slice %arg7[%run_scoped3A_45, %dma_start3A_499, %dma_start3A_500] : memref<2x8x128xi32, #tpu.memory_space<vmem>> -> memref<1x8x128xi32, #tpu.memory_space<vmem>>
        %dma_start3A_502 = tpu.memref_squeeze %dma_start3A_501 : memref<1x8x128xi32, #tpu.memory_space<vmem>> -> memref<8x128xi32, #tpu.memory_space<vmem>>
        %dma_start3A_503 = arith.constant 0 : i32
        %dma_start3A_504 = tpu.memref_slice %arg4[%multiple_of3A_43, %dma_start3A_503] : memref<2560x128xi32, #tpu.memory_space<hbm>> -> memref<8x128xi32, #tpu.memory_space<hbm>>
        tpu.enqueue_dma source(%dma_start3A_504 : memref<8x128xi32, #tpu.memory_space<hbm>>) target(%dma_start3A_502 : memref<8x128xi32, #tpu.memory_space<vmem>>) target_semaphore(%run_scoped3A_492 : memref<!tpu.dma_semaphore, #tpu.memory_space<semaphore_mem>>)
        %dma_wait3A_505 = arith.constant 0 : i32
        %dma_wait3A_506 = arith.constant 0 : i32
        %dma_wait3A_507 = tpu.memref_slice %arg7[%run_scoped3A_45, %dma_wait3A_505, %dma_wait3A_506] : memref<2x8x128xi32, #tpu.memory_space<vmem>> -> memref<1x8x128xi32, #tpu.memory_space<vmem>>
        %dma_wait3A_508 = tpu.memref_squeeze %dma_wait3A_507 : memref<1x8x128xi32, #tpu.memory_space<vmem>> -> memref<8x128xi32, #tpu.memory_space<vmem>>
        %dma_wait3A_509 = arith.constant 0 : i32
        %dma_wait3A_510 = tpu.memref_slice %arg4[%multiple_of3A_43, %dma_wait3A_509] : memref<2560x128xi32, #tpu.memory_space<hbm>> -> memref<8x128xi32, #tpu.memory_space<hbm>>
        %dma_wait3A_511 = arith.constant 0 : i32
        %dma_wait3A_512 = arith.constant 0 : i32
        %dma_wait3A_513 = tpu.memref_slice %arg7[%run_scoped3A_45, %dma_wait3A_511, %dma_wait3A_512] : memref<2x8x128xi32, #tpu.memory_space<vmem>> -> memref<1x8x128xi32, #tpu.memory_space<vmem>>
        %dma_wait3A_514 = tpu.memref_squeeze %dma_wait3A_513 : memref<1x8x128xi32, #tpu.memory_space<vmem>> -> memref<8x128xi32, #tpu.memory_space<vmem>>
        %dma_wait3A_515 = arith.constant 0 : i32
        %dma_wait3A_516 = tpu.memref_slice %arg4[%multiple_of3A_43, %dma_wait3A_515] : memref<2560x128xi32, #tpu.memory_space<hbm>> -> memref<8x128xi32, #tpu.memory_space<hbm>>
        tpu.wait_dma2 semaphore(%run_scoped3A_492 : memref<!tpu.dma_semaphore, #tpu.memory_space<semaphore_mem>>) src(%dma_wait3A_516 : memref<8x128xi32, #tpu.memory_space<hbm>>) dst(%dma_wait3A_514 : memref<8x128xi32, #tpu.memory_space<vmem>>)
        tpu.yield
      }) : () -> ()
      %dma_start3A = arith.constant 0 : i32
      %dma_start3A_46 = arith.constant 0 : i32
      %dma_start3A_47 = arith.constant 0 : i32
      %dma_start3A_48 = arith.constant 0 : i32
      %dma_start3A_49 = arith.constant 0 : i32
      %dma_start3A_50 = tpu.memref_slice %arg8[%dma_start3A_47, %dma_start3A_48, %dma_start3A_49] : memref<2x128x128xf32, #tpu.memory_space<vmem>> -> memref<1x128x128xf32, #tpu.memory_space<vmem>>
      %dma_start3A_51 = tpu.memref_squeeze %dma_start3A_50 : memref<1x128x128xf32, #tpu.memory_space<vmem>> -> memref<128x128xf32, #tpu.memory_space<vmem>>
      %dma_start3A_52 = arith.constant 0 : i32
      %dma_start3A_53 = tpu.memref_slice %arg6[%dma_start3A, %dma_start3A_46, %dma_start3A_52] : memref<2x8x128xi32, #tpu.memory_space<vmem>> -> memref<1x1x128xi32, #tpu.memory_space<vmem>>
      %dma_start3A_54 = tpu.memref_squeeze %dma_start3A_53 : memref<1x1x128xi32, #tpu.memory_space<vmem>> -> memref<128xi32, #tpu.memory_space<vmem>>
      %dma_start3A_55 = arith.constant 0 : i32
      %dma_start3A_56 = arith.constant 0 : i32
      %dma_start3A_57 = tpu.memref_slice %arg2[%dma_start3A_55, %dma_start3A_56] : memref<10000x128xf32, #tpu.memory_space<hbm>> -> memref<10000x128xf32, #tpu.memory_space<hbm>>
      tpu.enqueue_indirect_dma source(%dma_start3A_57 : memref<10000x128xf32, #tpu.memory_space<hbm>>) target(%dma_start3A_51 : memref<128x128xf32, #tpu.memory_space<vmem>>) offsets(%dma_start3A_54 : memref<128xi32, #tpu.memory_space<vmem>>) semaphore(%arg10 : memref<!tpu.dma_semaphore, #tpu.memory_space<semaphore_mem>>)
      %dma_wait3A = arith.constant 0 : i32
      %dma_wait3A_58 = arith.constant 0 : i32
      %dma_wait3A_59 = arith.constant 0 : i32
      %dma_wait3A_60 = tpu.memref_slice %arg8[%dma_wait3A, %dma_wait3A_58, %dma_wait3A_59] : memref<2x128x128xf32, #tpu.memory_space<vmem>> -> memref<1x128x128xf32, #tpu.memory_space<vmem>>
      %dma_wait3A_61 = tpu.memref_squeeze %dma_wait3A_60 : memref<1x128x128xf32, #tpu.memory_space<vmem>> -> memref<128x128xf32, #tpu.memory_space<vmem>>
      %dma_wait3A_62 = arith.constant 0 : i32
      %dma_wait3A_63 = arith.constant 0 : i32
      %dma_wait3A_64 = tpu.memref_slice %arg2[%dma_wait3A_62, %dma_wait3A_63] : memref<10000x128xf32, #tpu.memory_space<hbm>> -> memref<128x128xf32, #tpu.memory_space<hbm>>
      %dma_wait3A_65 = arith.constant 0 : i32
      %dma_wait3A_66 = arith.constant 0 : i32
      %dma_wait3A_67 = tpu.memref_slice %arg8[%dma_wait3A, %dma_wait3A_65, %dma_wait3A_66] : memref<2x128x128xf32, #tpu.memory_space<vmem>> -> memref<1x128x128xf32, #tpu.memory_space<vmem>>
      %dma_wait3A_68 = tpu.memref_squeeze %dma_wait3A_67 : memref<1x128x128xf32, #tpu.memory_space<vmem>> -> memref<128x128xf32, #tpu.memory_space<vmem>>
      %dma_wait3A_69 = arith.constant 0 : i32
      %dma_wait3A_70 = arith.constant 0 : i32
      %dma_wait3A_71 = tpu.memref_slice %arg2[%dma_wait3A_69, %dma_wait3A_70] : memref<10000x128xf32, #tpu.memory_space<hbm>> -> memref<128x128xf32, #tpu.memory_space<hbm>>
      tpu.wait_dma2 semaphore(%arg10 : memref<!tpu.dma_semaphore, #tpu.memory_space<semaphore_mem>>) src(%dma_wait3A_71 : memref<128x128xf32, #tpu.memory_space<hbm>>) dst(%dma_wait3A_68 : memref<128x128xf32, #tpu.memory_space<vmem>>)
      %dma_start3A_72 = arith.constant 0 : i32
      %dma_start3A_73 = arith.constant 0 : i32
      %dma_start3A_74 = arith.constant 0 : i32
      %dma_start3A_75 = arith.constant 0 : i32
      %dma_start3A_76 = arith.constant 0 : i32
      %dma_start3A_77 = tpu.memref_slice %arg8[%dma_start3A_72, %dma_start3A_75, %dma_start3A_76] : memref<2x128x128xf32, #tpu.memory_space<vmem>> -> memref<1x128x128xf32, #tpu.memory_space<vmem>>
      %dma_start3A_78 = tpu.memref_squeeze %dma_start3A_77 : memref<1x128x128xf32, #tpu.memory_space<vmem>> -> memref<128x128xf32, #tpu.memory_space<vmem>>
      %dma_start3A_79 = arith.constant 0 : i32
      %dma_start3A_80 = tpu.memref_slice %arg7[%dma_start3A_73, %dma_start3A_74, %dma_start3A_79] : memref<2x8x128xi32, #tpu.memory_space<vmem>> -> memref<1x1x128xi32, #tpu.memory_space<vmem>>
      %dma_start3A_81 = tpu.memref_squeeze %dma_start3A_80 : memref<1x1x128xi32, #tpu.memory_space<vmem>> -> memref<128xi32, #tpu.memory_space<vmem>>
      %dma_start3A_82 = arith.constant 0 : i32
      %dma_start3A_83 = arith.constant 0 : i32
      %dma_start3A_84 = tpu.memref_slice %arg9[%dma_start3A_82, %dma_start3A_83] : memref<10112x128xf32, #tpu.memory_space<vmem_shared>> -> memref<10112x128xf32, #tpu.memory_space<vmem_shared>>
      tpu.enqueue_indirect_dma source(%dma_start3A_78 : memref<128x128xf32, #tpu.memory_space<vmem>>) target(%dma_start3A_84 : memref<10112x128xf32, #tpu.memory_space<vmem_shared>>) offsets(%dma_start3A_81 : memref<128xi32, #tpu.memory_space<vmem>>) semaphore(%arg12 : memref<!tpu.dma_semaphore, #tpu.memory_space<semaphore_mem>>) {add = true}
      %dma_wait3A_85 = arith.constant 0 : i32
      %dma_wait3A_86 = arith.constant 0 : i32
      %dma_wait3A_87 = arith.constant 0 : i32
      %dma_wait3A_88 = tpu.memref_slice %arg8[%dma_wait3A_85, %dma_wait3A_86, %dma_wait3A_87] : memref<2x128x128xf32, #tpu.memory_space<vmem>> -> memref<1x128x128xf32, #tpu.memory_space<vmem>>
      %dma_wait3A_89 = tpu.memref_squeeze %dma_wait3A_88 : memref<1x128x128xf32, #tpu.memory_space<vmem>> -> memref<128x128xf32, #tpu.memory_space<vmem>>
      %dma_wait3A_90 = arith.constant 0 : i32
      %dma_wait3A_91 = arith.constant 0 : i32
      %dma_wait3A_92 = tpu.memref_slice %arg2[%dma_wait3A_90, %dma_wait3A_91] : memref<10000x128xf32, #tpu.memory_space<hbm>> -> memref<128x128xf32, #tpu.memory_space<hbm>>
      %dma_wait3A_93 = arith.constant 0 : i32
      %dma_wait3A_94 = arith.constant 0 : i32
      %dma_wait3A_95 = tpu.memref_slice %arg8[%dma_wait3A_85, %dma_wait3A_93, %dma_wait3A_94] : memref<2x128x128xf32, #tpu.memory_space<vmem>> -> memref<1x128x128xf32, #tpu.memory_space<vmem>>
      %dma_wait3A_96 = tpu.memref_squeeze %dma_wait3A_95 : memref<1x128x128xf32, #tpu.memory_space<vmem>> -> memref<128x128xf32, #tpu.memory_space<vmem>>
      %dma_wait3A_97 = arith.constant 0 : i32
      %dma_wait3A_98 = arith.constant 0 : i32
      %dma_wait3A_99 = tpu.memref_slice %arg2[%dma_wait3A_97, %dma_wait3A_98] : memref<10000x128xf32, #tpu.memory_space<hbm>> -> memref<128x128xf32, #tpu.memory_space<hbm>>
      tpu.wait_dma2 semaphore(%arg12 : memref<!tpu.dma_semaphore, #tpu.memory_space<semaphore_mem>>) src(%dma_wait3A_99 : memref<128x128xf32, #tpu.memory_space<hbm>>) dst(%dma_wait3A_96 : memref<128x128xf32, #tpu.memory_space<vmem>>)
      %dma_start3A_100 = arith.constant 0 : i32
      %dma_start3A_101 = arith.constant 1 : i32
      %dma_start3A_102 = arith.constant 0 : i32
      %dma_start3A_103 = arith.constant 0 : i32
      %dma_start3A_104 = arith.constant 0 : i32
      %dma_start3A_105 = tpu.memref_slice %arg8[%dma_start3A_102, %dma_start3A_103, %dma_start3A_104] : memref<2x128x128xf32, #tpu.memory_space<vmem>> -> memref<1x128x128xf32, #tpu.memory_space<vmem>>
      %dma_start3A_106 = tpu.memref_squeeze %dma_start3A_105 : memref<1x128x128xf32, #tpu.memory_space<vmem>> -> memref<128x128xf32, #tpu.memory_space<vmem>>
      %dma_start3A_107 = arith.constant 0 : i32
      %dma_start3A_108 = tpu.memref_slice %arg6[%dma_start3A_100, %dma_start3A_101, %dma_start3A_107] : memref<2x8x128xi32, #tpu.memory_space<vmem>> -> memref<1x1x128xi32, #tpu.memory_space<vmem>>
      %dma_start3A_109 = tpu.memref_squeeze %dma_start3A_108 : memref<1x1x128xi32, #tpu.memory_space<vmem>> -> memref<128xi32, #tpu.memory_space<vmem>>
      %dma_start3A_110 = arith.constant 0 : i32
      %dma_start3A_111 = arith.constant 0 : i32
      %dma_start3A_112 = tpu.memref_slice %arg2[%dma_start3A_110, %dma_start3A_111] : memref<10000x128xf32, #tpu.memory_space<hbm>> -> memref<10000x128xf32, #tpu.memory_space<hbm>>
      tpu.enqueue_indirect_dma source(%dma_start3A_112 : memref<10000x128xf32, #tpu.memory_space<hbm>>) target(%dma_start3A_106 : memref<128x128xf32, #tpu.memory_space<vmem>>) offsets(%dma_start3A_109 : memref<128xi32, #tpu.memory_space<vmem>>) semaphore(%arg10 : memref<!tpu.dma_semaphore, #tpu.memory_space<semaphore_mem>>)
      %dma_wait3A_113 = arith.constant 0 : i32
      %dma_wait3A_114 = arith.constant 0 : i32
      %dma_wait3A_115 = arith.constant 0 : i32
      %dma_wait3A_116 = tpu.memref_slice %arg8[%dma_wait3A_113, %dma_wait3A_114, %dma_wait3A_115] : memref<2x128x128xf32, #tpu.memory_space<vmem>> -> memref<1x128x128xf32, #tpu.memory_space<vmem>>
      %dma_wait3A_117 = tpu.memref_squeeze %dma_wait3A_116 : memref<1x128x128xf32, #tpu.memory_space<vmem>> -> memref<128x128xf32, #tpu.memory_space<vmem>>
      %dma_wait3A_118 = arith.constant 0 : i32
      %dma_wait3A_119 = arith.constant 0 : i32
      %dma_wait3A_120 = tpu.memref_slice %arg2[%dma_wait3A_118, %dma_wait3A_119] : memref<10000x128xf32, #tpu.memory_space<hbm>> -> memref<128x128xf32, #tpu.memory_space<hbm>>
      %dma_wait3A_121 = arith.constant 0 : i32
      %dma_wait3A_122 = arith.constant 0 : i32
      %dma_wait3A_123 = tpu.memref_slice %arg8[%dma_wait3A_113, %dma_wait3A_121, %dma_wait3A_122] : memref<2x128x128xf32, #tpu.memory_space<vmem>> -> memref<1x128x128xf32, #tpu.memory_space<vmem>>
      %dma_wait3A_124 = tpu.memref_squeeze %dma_wait3A_123 : memref<1x128x128xf32, #tpu.memory_space<vmem>> -> memref<128x128xf32, #tpu.memory_space<vmem>>
      %dma_wait3A_125 = arith.constant 0 : i32
      %dma_wait3A_126 = arith.constant 0 : i32
      %dma_wait3A_127 = tpu.memref_slice %arg2[%dma_wait3A_125, %dma_wait3A_126] : memref<10000x128xf32, #tpu.memory_space<hbm>> -> memref<128x128xf32, #tpu.memory_space<hbm>>
      tpu.wait_dma2 semaphore(%arg10 : memref<!tpu.dma_semaphore, #tpu.memory_space<semaphore_mem>>) src(%dma_wait3A_127 : memref<128x128xf32, #tpu.memory_space<hbm>>) dst(%dma_wait3A_124 : memref<128x128xf32, #tpu.memory_space<vmem>>)
      %dma_start3A_128 = arith.constant 0 : i32
      %dma_start3A_129 = arith.constant 0 : i32
      %dma_start3A_130 = arith.constant 1 : i32
      %dma_start3A_131 = arith.constant 0 : i32
      %dma_start3A_132 = arith.constant 0 : i32
      %dma_start3A_133 = tpu.memref_slice %arg8[%dma_start3A_128, %dma_start3A_131, %dma_start3A_132] : memref<2x128x128xf32, #tpu.memory_space<vmem>> -> memref<1x128x128xf32, #tpu.memory_space<vmem>>
      %dma_start3A_134 = tpu.memref_squeeze %dma_start3A_133 : memref<1x128x128xf32, #tpu.memory_space<vmem>> -> memref<128x128xf32, #tpu.memory_space<vmem>>
      %dma_start3A_135 = arith.constant 0 : i32
      %dma_start3A_136 = tpu.memref_slice %arg7[%dma_start3A_129, %dma_start3A_130, %dma_start3A_135] : memref<2x8x128xi32, #tpu.memory_space<vmem>> -> memref<1x1x128xi32, #tpu.memory_space<vmem>>
      %dma_start3A_137 = tpu.memref_squeeze %dma_start3A_136 : memref<1x1x128xi32, #tpu.memory_space<vmem>> -> memref<128xi32, #tpu.memory_space<vmem>>
      %dma_start3A_138 = arith.constant 0 : i32
      %dma_start3A_139 = arith.constant 0 : i32
      %dma_start3A_140 = tpu.memref_slice %arg9[%dma_start3A_138, %dma_start3A_139] : memref<10112x128xf32, #tpu.memory_space<vmem_shared>> -> memref<10112x128xf32, #tpu.memory_space<vmem_shared>>
      tpu.enqueue_indirect_dma source(%dma_start3A_134 : memref<128x128xf32, #tpu.memory_space<vmem>>) target(%dma_start3A_140 : memref<10112x128xf32, #tpu.memory_space<vmem_shared>>) offsets(%dma_start3A_137 : memref<128xi32, #tpu.memory_space<vmem>>) semaphore(%arg12 : memref<!tpu.dma_semaphore, #tpu.memory_space<semaphore_mem>>) {add = true}
      %dma_wait3A_141 = arith.constant 0 : i32
      %dma_wait3A_142 = arith.constant 0 : i32
      %dma_wait3A_143 = arith.constant 0 : i32
      %dma_wait3A_144 = tpu.memref_slice %arg8[%dma_wait3A_141, %dma_wait3A_142, %dma_wait3A_143] : memref<2x128x128xf32, #tpu.memory_space<vmem>> -> memref<1x128x128xf32, #tpu.memory_space<vmem>>
      %dma_wait3A_145 = tpu.memref_squeeze %dma_wait3A_144 : memref<1x128x128xf32, #tpu.memory_space<vmem>> -> memref<128x128xf32, #tpu.memory_space<vmem>>
      %dma_wait3A_146 = arith.constant 0 : i32
      %dma_wait3A_147 = arith.constant 0 : i32
      %dma_wait3A_148 = tpu.memref_slice %arg2[%dma_wait3A_146, %dma_wait3A_147] : memref<10000x128xf32, #tpu.memory_space<hbm>> -> memref<128x128xf32, #tpu.memory_space<hbm>>
      %dma_wait3A_149 = arith.constant 0 : i32
      %dma_wait3A_150 = arith.constant 0 : i32
      %dma_wait3A_151 = tpu.memref_slice %arg8[%dma_wait3A_141, %dma_wait3A_149, %dma_wait3A_150] : memref<2x128x128xf32, #tpu.memory_space<vmem>> -> memref<1x128x128xf32, #tpu.memory_space<vmem>>
      %dma_wait3A_152 = tpu.memref_squeeze %dma_wait3A_151 : memref<1x128x128xf32, #tpu.memory_space<vmem>> -> memref<128x128xf32, #tpu.memory_space<vmem>>
      %dma_wait3A_153 = arith.constant 0 : i32
      %dma_wait3A_154 = arith.constant 0 : i32
      %dma_wait3A_155 = tpu.memref_slice %arg2[%dma_wait3A_153, %dma_wait3A_154] : memref<10000x128xf32, #tpu.memory_space<hbm>> -> memref<128x128xf32, #tpu.memory_space<hbm>>
      tpu.wait_dma2 semaphore(%arg12 : memref<!tpu.dma_semaphore, #tpu.memory_space<semaphore_mem>>) src(%dma_wait3A_155 : memref<128x128xf32, #tpu.memory_space<hbm>>) dst(%dma_wait3A_152 : memref<128x128xf32, #tpu.memory_space<vmem>>)
      %dma_start3A_156 = arith.constant 0 : i32
      %dma_start3A_157 = arith.constant 2 : i32
      %dma_start3A_158 = arith.constant 0 : i32
      %dma_start3A_159 = arith.constant 0 : i32
      %dma_start3A_160 = arith.constant 0 : i32
      %dma_start3A_161 = tpu.memref_slice %arg8[%dma_start3A_158, %dma_start3A_159, %dma_start3A_160] : memref<2x128x128xf32, #tpu.memory_space<vmem>> -> memref<1x128x128xf32, #tpu.memory_space<vmem>>
      %dma_start3A_162 = tpu.memref_squeeze %dma_start3A_161 : memref<1x128x128xf32, #tpu.memory_space<vmem>> -> memref<128x128xf32, #tpu.memory_space<vmem>>
      %dma_start3A_163 = arith.constant 0 : i32
      %dma_start3A_164 = tpu.memref_slice %arg6[%dma_start3A_156, %dma_start3A_157, %dma_start3A_163] : memref<2x8x128xi32, #tpu.memory_space<vmem>> -> memref<1x1x128xi32, #tpu.memory_space<vmem>>
      %dma_start3A_165 = tpu.memref_squeeze %dma_start3A_164 : memref<1x1x128xi32, #tpu.memory_space<vmem>> -> memref<128xi32, #tpu.memory_space<vmem>>
      %dma_start3A_166 = arith.constant 0 : i32
      %dma_start3A_167 = arith.constant 0 : i32
      %dma_start3A_168 = tpu.memref_slice %arg2[%dma_start3A_166, %dma_start3A_167] : memref<10000x128xf32, #tpu.memory_space<hbm>> -> memref<10000x128xf32, #tpu.memory_space<hbm>>
      tpu.enqueue_indirect_dma source(%dma_start3A_168 : memref<10000x128xf32, #tpu.memory_space<hbm>>) target(%dma_start3A_162 : memref<128x128xf32, #tpu.memory_space<vmem>>) offsets(%dma_start3A_165 : memref<128xi32, #tpu.memory_space<vmem>>) semaphore(%arg10 : memref<!tpu.dma_semaphore, #tpu.memory_space<semaphore_mem>>)
      %dma_wait3A_169 = arith.constant 0 : i32
      %dma_wait3A_170 = arith.constant 0 : i32
      %dma_wait3A_171 = arith.constant 0 : i32
      %dma_wait3A_172 = tpu.memref_slice %arg8[%dma_wait3A_169, %dma_wait3A_170, %dma_wait3A_171] : memref<2x128x128xf32, #tpu.memory_space<vmem>> -> memref<1x128x128xf32, #tpu.memory_space<vmem>>
      %dma_wait3A_173 = tpu.memref_squeeze %dma_wait3A_172 : memref<1x128x128xf32, #tpu.memory_space<vmem>> -> memref<128x128xf32, #tpu.memory_space<vmem>>
      %dma_wait3A_174 = arith.constant 0 : i32
      %dma_wait3A_175 = arith.constant 0 : i32
      %dma_wait3A_176 = tpu.memref_slice %arg2[%dma_wait3A_174, %dma_wait3A_175] : memref<10000x128xf32, #tpu.memory_space<hbm>> -> memref<128x128xf32, #tpu.memory_space<hbm>>
      %dma_wait3A_177 = arith.constant 0 : i32
      %dma_wait3A_178 = arith.constant 0 : i32
      %dma_wait3A_179 = tpu.memref_slice %arg8[%dma_wait3A_169, %dma_wait3A_177, %dma_wait3A_178] : memref<2x128x128xf32, #tpu.memory_space<vmem>> -> memref<1x128x128xf32, #tpu.memory_space<vmem>>
      %dma_wait3A_180 = tpu.memref_squeeze %dma_wait3A_179 : memref<1x128x128xf32, #tpu.memory_space<vmem>> -> memref<128x128xf32, #tpu.memory_space<vmem>>
      %dma_wait3A_181 = arith.constant 0 : i32
      %dma_wait3A_182 = arith.constant 0 : i32
      %dma_wait3A_183 = tpu.memref_slice %arg2[%dma_wait3A_181, %dma_wait3A_182] : memref<10000x128xf32, #tpu.memory_space<hbm>> -> memref<128x128xf32, #tpu.memory_space<hbm>>
      tpu.wait_dma2 semaphore(%arg10 : memref<!tpu.dma_semaphore, #tpu.memory_space<semaphore_mem>>) src(%dma_wait3A_183 : memref<128x128xf32, #tpu.memory_space<hbm>>) dst(%dma_wait3A_180 : memref<128x128xf32, #tpu.memory_space<vmem>>)
      %dma_start3A_184 = arith.constant 0 : i32
      %dma_start3A_185 = arith.constant 0 : i32
      %dma_start3A_186 = arith.constant 2 : i32
      %dma_start3A_187 = arith.constant 0 : i32
      %dma_start3A_188 = arith.constant 0 : i32
      %dma_start3A_189 = tpu.memref_slice %arg8[%dma_start3A_184, %dma_start3A_187, %dma_start3A_188] : memref<2x128x128xf32, #tpu.memory_space<vmem>> -> memref<1x128x128xf32, #tpu.memory_space<vmem>>
      %dma_start3A_190 = tpu.memref_squeeze %dma_start3A_189 : memref<1x128x128xf32, #tpu.memory_space<vmem>> -> memref<128x128xf32, #tpu.memory_space<vmem>>
      %dma_start3A_191 = arith.constant 0 : i32
      %dma_start3A_192 = tpu.memref_slice %arg7[%dma_start3A_185, %dma_start3A_186, %dma_start3A_191] : memref<2x8x128xi32, #tpu.memory_space<vmem>> -> memref<1x1x128xi32, #tpu.memory_space<vmem>>
      %dma_start3A_193 = tpu.memref_squeeze %dma_start3A_192 : memref<1x1x128xi32, #tpu.memory_space<vmem>> -> memref<128xi32, #tpu.memory_space<vmem>>
      %dma_start3A_194 = arith.constant 0 : i32
      %dma_start3A_195 = arith.constant 0 : i32
      %dma_start3A_196 = tpu.memref_slice %arg9[%dma_start3A_194, %dma_start3A_195] : memref<10112x128xf32, #tpu.memory_space<vmem_shared>> -> memref<10112x128xf32, #tpu.memory_space<vmem_shared>>
      tpu.enqueue_indirect_dma source(%dma_start3A_190 : memref<128x128xf32, #tpu.memory_space<vmem>>) target(%dma_start3A_196 : memref<10112x128xf32, #tpu.memory_space<vmem_shared>>) offsets(%dma_start3A_193 : memref<128xi32, #tpu.memory_space<vmem>>) semaphore(%arg12 : memref<!tpu.dma_semaphore, #tpu.memory_space<semaphore_mem>>) {add = true}
      %dma_wait3A_197 = arith.constant 0 : i32
      %dma_wait3A_198 = arith.constant 0 : i32
      %dma_wait3A_199 = arith.constant 0 : i32
      %dma_wait3A_200 = tpu.memref_slice %arg8[%dma_wait3A_197, %dma_wait3A_198, %dma_wait3A_199] : memref<2x128x128xf32, #tpu.memory_space<vmem>> -> memref<1x128x128xf32, #tpu.memory_space<vmem>>
      %dma_wait3A_201 = tpu.memref_squeeze %dma_wait3A_200 : memref<1x128x128xf32, #tpu.memory_space<vmem>> -> memref<128x128xf32, #tpu.memory_space<vmem>>
      %dma_wait3A_202 = arith.constant 0 : i32
      %dma_wait3A_203 = arith.constant 0 : i32
      %dma_wait3A_204 = tpu.memref_slice %arg2[%dma_wait3A_202, %dma_wait3A_203] : memref<10000x128xf32, #tpu.memory_space<hbm>> -> memref<128x128xf32, #tpu.memory_space<hbm>>
      %dma_wait3A_205 = arith.constant 0 : i32
      %dma_wait3A_206 = arith.constant 0 : i32
      %dma_wait3A_207 = tpu.memref_slice %arg8[%dma_wait3A_197, %dma_wait3A_205, %dma_wait3A_206] : memref<2x128x128xf32, #tpu.memory_space<vmem>> -> memref<1x128x128xf32, #tpu.memory_space<vmem>>
      %dma_wait3A_208 = tpu.memref_squeeze %dma_wait3A_207 : memref<1x128x128xf32, #tpu.memory_space<vmem>> -> memref<128x128xf32, #tpu.memory_space<vmem>>
      %dma_wait3A_209 = arith.constant 0 : i32
      %dma_wait3A_210 = arith.constant 0 : i32
      %dma_wait3A_211 = tpu.memref_slice %arg2[%dma_wait3A_209, %dma_wait3A_210] : memref<10000x128xf32, #tpu.memory_space<hbm>> -> memref<128x128xf32, #tpu.memory_space<hbm>>
      tpu.wait_dma2 semaphore(%arg12 : memref<!tpu.dma_semaphore, #tpu.memory_space<semaphore_mem>>) src(%dma_wait3A_211 : memref<128x128xf32, #tpu.memory_space<hbm>>) dst(%dma_wait3A_208 : memref<128x128xf32, #tpu.memory_space<vmem>>)
      %dma_start3A_212 = arith.constant 0 : i32
      %dma_start3A_213 = arith.constant 3 : i32
      %dma_start3A_214 = arith.constant 0 : i32
      %dma_start3A_215 = arith.constant 0 : i32
      %dma_start3A_216 = arith.constant 0 : i32
      %dma_start3A_217 = tpu.memref_slice %arg8[%dma_start3A_214, %dma_start3A_215, %dma_start3A_216] : memref<2x128x128xf32, #tpu.memory_space<vmem>> -> memref<1x128x128xf32, #tpu.memory_space<vmem>>
      %dma_start3A_218 = tpu.memref_squeeze %dma_start3A_217 : memref<1x128x128xf32, #tpu.memory_space<vmem>> -> memref<128x128xf32, #tpu.memory_space<vmem>>
      %dma_start3A_219 = arith.constant 0 : i32
      %dma_start3A_220 = tpu.memref_slice %arg6[%dma_start3A_212, %dma_start3A_213, %dma_start3A_219] : memref<2x8x128xi32, #tpu.memory_space<vmem>> -> memref<1x1x128xi32, #tpu.memory_space<vmem>>
      %dma_start3A_221 = tpu.memref_squeeze %dma_start3A_220 : memref<1x1x128xi32, #tpu.memory_space<vmem>> -> memref<128xi32, #tpu.memory_space<vmem>>
      %dma_start3A_222 = arith.constant 0 : i32
      %dma_start3A_223 = arith.constant 0 : i32
      %dma_start3A_224 = tpu.memref_slice %arg2[%dma_start3A_222, %dma_start3A_223] : memref<10000x128xf32, #tpu.memory_space<hbm>> -> memref<10000x128xf32, #tpu.memory_space<hbm>>
      tpu.enqueue_indirect_dma source(%dma_start3A_224 : memref<10000x128xf32, #tpu.memory_space<hbm>>) target(%dma_start3A_218 : memref<128x128xf32, #tpu.memory_space<vmem>>) offsets(%dma_start3A_221 : memref<128xi32, #tpu.memory_space<vmem>>) semaphore(%arg10 : memref<!tpu.dma_semaphore, #tpu.memory_space<semaphore_mem>>)
      %dma_wait3A_225 = arith.constant 0 : i32
      %dma_wait3A_226 = arith.constant 0 : i32
      %dma_wait3A_227 = arith.constant 0 : i32
      %dma_wait3A_228 = tpu.memref_slice %arg8[%dma_wait3A_225, %dma_wait3A_226, %dma_wait3A_227] : memref<2x128x128xf32, #tpu.memory_space<vmem>> -> memref<1x128x128xf32, #tpu.memory_space<vmem>>
      %dma_wait3A_229 = tpu.memref_squeeze %dma_wait3A_228 : memref<1x128x128xf32, #tpu.memory_space<vmem>> -> memref<128x128xf32, #tpu.memory_space<vmem>>
      %dma_wait3A_230 = arith.constant 0 : i32
      %dma_wait3A_231 = arith.constant 0 : i32
      %dma_wait3A_232 = tpu.memref_slice %arg2[%dma_wait3A_230, %dma_wait3A_231] : memref<10000x128xf32, #tpu.memory_space<hbm>> -> memref<128x128xf32, #tpu.memory_space<hbm>>
      %dma_wait3A_233 = arith.constant 0 : i32
      %dma_wait3A_234 = arith.constant 0 : i32
      %dma_wait3A_235 = tpu.memref_slice %arg8[%dma_wait3A_225, %dma_wait3A_233, %dma_wait3A_234] : memref<2x128x128xf32, #tpu.memory_space<vmem>> -> memref<1x128x128xf32, #tpu.memory_space<vmem>>
      %dma_wait3A_236 = tpu.memref_squeeze %dma_wait3A_235 : memref<1x128x128xf32, #tpu.memory_space<vmem>> -> memref<128x128xf32, #tpu.memory_space<vmem>>
      %dma_wait3A_237 = arith.constant 0 : i32
      %dma_wait3A_238 = arith.constant 0 : i32
      %dma_wait3A_239 = tpu.memref_slice %arg2[%dma_wait3A_237, %dma_wait3A_238] : memref<10000x128xf32, #tpu.memory_space<hbm>> -> memref<128x128xf32, #tpu.memory_space<hbm>>
      tpu.wait_dma2 semaphore(%arg10 : memref<!tpu.dma_semaphore, #tpu.memory_space<semaphore_mem>>) src(%dma_wait3A_239 : memref<128x128xf32, #tpu.memory_space<hbm>>) dst(%dma_wait3A_236 : memref<128x128xf32, #tpu.memory_space<vmem>>)
      %dma_start3A_240 = arith.constant 0 : i32
      %dma_start3A_241 = arith.constant 0 : i32
      %dma_start3A_242 = arith.constant 3 : i32
      %dma_start3A_243 = arith.constant 0 : i32
      %dma_start3A_244 = arith.constant 0 : i32
      %dma_start3A_245 = tpu.memref_slice %arg8[%dma_start3A_240, %dma_start3A_243, %dma_start3A_244] : memref<2x128x128xf32, #tpu.memory_space<vmem>> -> memref<1x128x128xf32, #tpu.memory_space<vmem>>
      %dma_start3A_246 = tpu.memref_squeeze %dma_start3A_245 : memref<1x128x128xf32, #tpu.memory_space<vmem>> -> memref<128x128xf32, #tpu.memory_space<vmem>>
      %dma_start3A_247 = arith.constant 0 : i32
      %dma_start3A_248 = tpu.memref_slice %arg7[%dma_start3A_241, %dma_start3A_242, %dma_start3A_247] : memref<2x8x128xi32, #tpu.memory_space<vmem>> -> memref<1x1x128xi32, #tpu.memory_space<vmem>>
      %dma_start3A_249 = tpu.memref_squeeze %dma_start3A_248 : memref<1x1x128xi32, #tpu.memory_space<vmem>> -> memref<128xi32, #tpu.memory_space<vmem>>
      %dma_start3A_250 = arith.constant 0 : i32
      %dma_start3A_251 = arith.constant 0 : i32
      %dma_start3A_252 = tpu.memref_slice %arg9[%dma_start3A_250, %dma_start3A_251] : memref<10112x128xf32, #tpu.memory_space<vmem_shared>> -> memref<10112x128xf32, #tpu.memory_space<vmem_shared>>
      tpu.enqueue_indirect_dma source(%dma_start3A_246 : memref<128x128xf32, #tpu.memory_space<vmem>>) target(%dma_start3A_252 : memref<10112x128xf32, #tpu.memory_space<vmem_shared>>) offsets(%dma_start3A_249 : memref<128xi32, #tpu.memory_space<vmem>>) semaphore(%arg12 : memref<!tpu.dma_semaphore, #tpu.memory_space<semaphore_mem>>) {add = true}
      %dma_wait3A_253 = arith.constant 0 : i32
      %dma_wait3A_254 = arith.constant 0 : i32
      %dma_wait3A_255 = arith.constant 0 : i32
      %dma_wait3A_256 = tpu.memref_slice %arg8[%dma_wait3A_253, %dma_wait3A_254, %dma_wait3A_255] : memref<2x128x128xf32, #tpu.memory_space<vmem>> -> memref<1x128x128xf32, #tpu.memory_space<vmem>>
      %dma_wait3A_257 = tpu.memref_squeeze %dma_wait3A_256 : memref<1x128x128xf32, #tpu.memory_space<vmem>> -> memref<128x128xf32, #tpu.memory_space<vmem>>
      %dma_wait3A_258 = arith.constant 0 : i32
      %dma_wait3A_259 = arith.constant 0 : i32
      %dma_wait3A_260 = tpu.memref_slice %arg2[%dma_wait3A_258, %dma_wait3A_259] : memref<10000x128xf32, #tpu.memory_space<hbm>> -> memref<128x128xf32, #tpu.memory_space<hbm>>
      %dma_wait3A_261 = arith.constant 0 : i32
      %dma_wait3A_262 = arith.constant 0 : i32
      %dma_wait3A_263 = tpu.memref_slice %arg8[%dma_wait3A_253, %dma_wait3A_261, %dma_wait3A_262] : memref<2x128x128xf32, #tpu.memory_space<vmem>> -> memref<1x128x128xf32, #tpu.memory_space<vmem>>
      %dma_wait3A_264 = tpu.memref_squeeze %dma_wait3A_263 : memref<1x128x128xf32, #tpu.memory_space<vmem>> -> memref<128x128xf32, #tpu.memory_space<vmem>>
      %dma_wait3A_265 = arith.constant 0 : i32
      %dma_wait3A_266 = arith.constant 0 : i32
      %dma_wait3A_267 = tpu.memref_slice %arg2[%dma_wait3A_265, %dma_wait3A_266] : memref<10000x128xf32, #tpu.memory_space<hbm>> -> memref<128x128xf32, #tpu.memory_space<hbm>>
      tpu.wait_dma2 semaphore(%arg12 : memref<!tpu.dma_semaphore, #tpu.memory_space<semaphore_mem>>) src(%dma_wait3A_267 : memref<128x128xf32, #tpu.memory_space<hbm>>) dst(%dma_wait3A_264 : memref<128x128xf32, #tpu.memory_space<vmem>>)
      %dma_start3A_268 = arith.constant 0 : i32
      %dma_start3A_269 = arith.constant 4 : i32
      %dma_start3A_270 = arith.constant 0 : i32
      %dma_start3A_271 = arith.constant 0 : i32
      %dma_start3A_272 = arith.constant 0 : i32
      %dma_start3A_273 = tpu.memref_slice %arg8[%dma_start3A_270, %dma_start3A_271, %dma_start3A_272] : memref<2x128x128xf32, #tpu.memory_space<vmem>> -> memref<1x128x128xf32, #tpu.memory_space<vmem>>
      %dma_start3A_274 = tpu.memref_squeeze %dma_start3A_273 : memref<1x128x128xf32, #tpu.memory_space<vmem>> -> memref<128x128xf32, #tpu.memory_space<vmem>>
      %dma_start3A_275 = arith.constant 0 : i32
      %dma_start3A_276 = tpu.memref_slice %arg6[%dma_start3A_268, %dma_start3A_269, %dma_start3A_275] : memref<2x8x128xi32, #tpu.memory_space<vmem>> -> memref<1x1x128xi32, #tpu.memory_space<vmem>>
      %dma_start3A_277 = tpu.memref_squeeze %dma_start3A_276 : memref<1x1x128xi32, #tpu.memory_space<vmem>> -> memref<128xi32, #tpu.memory_space<vmem>>
      %dma_start3A_278 = arith.constant 0 : i32
      %dma_start3A_279 = arith.constant 0 : i32
      %dma_start3A_280 = tpu.memref_slice %arg2[%dma_start3A_278, %dma_start3A_279] : memref<10000x128xf32, #tpu.memory_space<hbm>> -> memref<10000x128xf32, #tpu.memory_space<hbm>>
      tpu.enqueue_indirect_dma source(%dma_start3A_280 : memref<10000x128xf32, #tpu.memory_space<hbm>>) target(%dma_start3A_274 : memref<128x128xf32, #tpu.memory_space<vmem>>) offsets(%dma_start3A_277 : memref<128xi32, #tpu.memory_space<vmem>>) semaphore(%arg10 : memref<!tpu.dma_semaphore, #tpu.memory_space<semaphore_mem>>)
      %dma_wait3A_281 = arith.constant 0 : i32
      %dma_wait3A_282 = arith.constant 0 : i32
      %dma_wait3A_283 = arith.constant 0 : i32
      %dma_wait3A_284 = tpu.memref_slice %arg8[%dma_wait3A_281, %dma_wait3A_282, %dma_wait3A_283] : memref<2x128x128xf32, #tpu.memory_space<vmem>> -> memref<1x128x128xf32, #tpu.memory_space<vmem>>
      %dma_wait3A_285 = tpu.memref_squeeze %dma_wait3A_284 : memref<1x128x128xf32, #tpu.memory_space<vmem>> -> memref<128x128xf32, #tpu.memory_space<vmem>>
      %dma_wait3A_286 = arith.constant 0 : i32
      %dma_wait3A_287 = arith.constant 0 : i32
      %dma_wait3A_288 = tpu.memref_slice %arg2[%dma_wait3A_286, %dma_wait3A_287] : memref<10000x128xf32, #tpu.memory_space<hbm>> -> memref<128x128xf32, #tpu.memory_space<hbm>>
      %dma_wait3A_289 = arith.constant 0 : i32
      %dma_wait3A_290 = arith.constant 0 : i32
      %dma_wait3A_291 = tpu.memref_slice %arg8[%dma_wait3A_281, %dma_wait3A_289, %dma_wait3A_290] : memref<2x128x128xf32, #tpu.memory_space<vmem>> -> memref<1x128x128xf32, #tpu.memory_space<vmem>>
      %dma_wait3A_292 = tpu.memref_squeeze %dma_wait3A_291 : memref<1x128x128xf32, #tpu.memory_space<vmem>> -> memref<128x128xf32, #tpu.memory_space<vmem>>
      %dma_wait3A_293 = arith.constant 0 : i32
      %dma_wait3A_294 = arith.constant 0 : i32
      %dma_wait3A_295 = tpu.memref_slice %arg2[%dma_wait3A_293, %dma_wait3A_294] : memref<10000x128xf32, #tpu.memory_space<hbm>> -> memref<128x128xf32, #tpu.memory_space<hbm>>
      tpu.wait_dma2 semaphore(%arg10 : memref<!tpu.dma_semaphore, #tpu.memory_space<semaphore_mem>>) src(%dma_wait3A_295 : memref<128x128xf32, #tpu.memory_space<hbm>>) dst(%dma_wait3A_292 : memref<128x128xf32, #tpu.memory_space<vmem>>)
      %dma_start3A_296 = arith.constant 0 : i32
      %dma_start3A_297 = arith.constant 0 : i32
      %dma_start3A_298 = arith.constant 4 : i32
      %dma_start3A_299 = arith.constant 0 : i32
      %dma_start3A_300 = arith.constant 0 : i32
      %dma_start3A_301 = tpu.memref_slice %arg8[%dma_start3A_296, %dma_start3A_299, %dma_start3A_300] : memref<2x128x128xf32, #tpu.memory_space<vmem>> -> memref<1x128x128xf32, #tpu.memory_space<vmem>>
      %dma_start3A_302 = tpu.memref_squeeze %dma_start3A_301 : memref<1x128x128xf32, #tpu.memory_space<vmem>> -> memref<128x128xf32, #tpu.memory_space<vmem>>
      %dma_start3A_303 = arith.constant 0 : i32
      %dma_start3A_304 = tpu.memref_slice %arg7[%dma_start3A_297, %dma_start3A_298, %dma_start3A_303] : memref<2x8x128xi32, #tpu.memory_space<vmem>> -> memref<1x1x128xi32, #tpu.memory_space<vmem>>
      %dma_start3A_305 = tpu.memref_squeeze %dma_start3A_304 : memref<1x1x128xi32, #tpu.memory_space<vmem>> -> memref<128xi32, #tpu.memory_space<vmem>>
      %dma_start3A_306 = arith.constant 0 : i32
      %dma_start3A_307 = arith.constant 0 : i32
      %dma_start3A_308 = tpu.memref_slice %arg9[%dma_start3A_306, %dma_start3A_307] : memref<10112x128xf32, #tpu.memory_space<vmem_shared>> -> memref<10112x128xf32, #tpu.memory_space<vmem_shared>>
      tpu.enqueue_indirect_dma source(%dma_start3A_302 : memref<128x128xf32, #tpu.memory_space<vmem>>) target(%dma_start3A_308 : memref<10112x128xf32, #tpu.memory_space<vmem_shared>>) offsets(%dma_start3A_305 : memref<128xi32, #tpu.memory_space<vmem>>) semaphore(%arg12 : memref<!tpu.dma_semaphore, #tpu.memory_space<semaphore_mem>>) {add = true}
      %dma_wait3A_309 = arith.constant 0 : i32
      %dma_wait3A_310 = arith.constant 0 : i32
      %dma_wait3A_311 = arith.constant 0 : i32
      %dma_wait3A_312 = tpu.memref_slice %arg8[%dma_wait3A_309, %dma_wait3A_310, %dma_wait3A_311] : memref<2x128x128xf32, #tpu.memory_space<vmem>> -> memref<1x128x128xf32, #tpu.memory_space<vmem>>
      %dma_wait3A_313 = tpu.memref_squeeze %dma_wait3A_312 : memref<1x128x128xf32, #tpu.memory_space<vmem>> -> memref<128x128xf32, #tpu.memory_space<vmem>>
      %dma_wait3A_314 = arith.constant 0 : i32
      %dma_wait3A_315 = arith.constant 0 : i32
      %dma_wait3A_316 = tpu.memref_slice %arg2[%dma_wait3A_314, %dma_wait3A_315] : memref<10000x128xf32, #tpu.memory_space<hbm>> -> memref<128x128xf32, #tpu.memory_space<hbm>>
      %dma_wait3A_317 = arith.constant 0 : i32
      %dma_wait3A_318 = arith.constant 0 : i32
      %dma_wait3A_319 = tpu.memref_slice %arg8[%dma_wait3A_309, %dma_wait3A_317, %dma_wait3A_318] : memref<2x128x128xf32, #tpu.memory_space<vmem>> -> memref<1x128x128xf32, #tpu.memory_space<vmem>>
      %dma_wait3A_320 = tpu.memref_squeeze %dma_wait3A_319 : memref<1x128x128xf32, #tpu.memory_space<vmem>> -> memref<128x128xf32, #tpu.memory_space<vmem>>
      %dma_wait3A_321 = arith.constant 0 : i32
      %dma_wait3A_322 = arith.constant 0 : i32
      %dma_wait3A_323 = tpu.memref_slice %arg2[%dma_wait3A_321, %dma_wait3A_322] : memref<10000x128xf32, #tpu.memory_space<hbm>> -> memref<128x128xf32, #tpu.memory_space<hbm>>
      tpu.wait_dma2 semaphore(%arg12 : memref<!tpu.dma_semaphore, #tpu.memory_space<semaphore_mem>>) src(%dma_wait3A_323 : memref<128x128xf32, #tpu.memory_space<hbm>>) dst(%dma_wait3A_320 : memref<128x128xf32, #tpu.memory_space<vmem>>)
      %dma_start3A_324 = arith.constant 0 : i32
      %dma_start3A_325 = arith.constant 5 : i32
      %dma_start3A_326 = arith.constant 0 : i32
      %dma_start3A_327 = arith.constant 0 : i32
      %dma_start3A_328 = arith.constant 0 : i32
      %dma_start3A_329 = tpu.memref_slice %arg8[%dma_start3A_326, %dma_start3A_327, %dma_start3A_328] : memref<2x128x128xf32, #tpu.memory_space<vmem>> -> memref<1x128x128xf32, #tpu.memory_space<vmem>>
      %dma_start3A_330 = tpu.memref_squeeze %dma_start3A_329 : memref<1x128x128xf32, #tpu.memory_space<vmem>> -> memref<128x128xf32, #tpu.memory_space<vmem>>
      %dma_start3A_331 = arith.constant 0 : i32
      %dma_start3A_332 = tpu.memref_slice %arg6[%dma_start3A_324, %dma_start3A_325, %dma_start3A_331] : memref<2x8x128xi32, #tpu.memory_space<vmem>> -> memref<1x1x128xi32, #tpu.memory_space<vmem>>
      %dma_start3A_333 = tpu.memref_squeeze %dma_start3A_332 : memref<1x1x128xi32, #tpu.memory_space<vmem>> -> memref<128xi32, #tpu.memory_space<vmem>>
      %dma_start3A_334 = arith.constant 0 : i32
      %dma_start3A_335 = arith.constant 0 : i32
      %dma_start3A_336 = tpu.memref_slice %arg2[%dma_start3A_334, %dma_start3A_335] : memref<10000x128xf32, #tpu.memory_space<hbm>> -> memref<10000x128xf32, #tpu.memory_space<hbm>>
      tpu.enqueue_indirect_dma source(%dma_start3A_336 : memref<10000x128xf32, #tpu.memory_space<hbm>>) target(%dma_start3A_330 : memref<128x128xf32, #tpu.memory_space<vmem>>) offsets(%dma_start3A_333 : memref<128xi32, #tpu.memory_space<vmem>>) semaphore(%arg10 : memref<!tpu.dma_semaphore, #tpu.memory_space<semaphore_mem>>)
      %dma_wait3A_337 = arith.constant 0 : i32
      %dma_wait3A_338 = arith.constant 0 : i32
      %dma_wait3A_339 = arith.constant 0 : i32
      %dma_wait3A_340 = tpu.memref_slice %arg8[%dma_wait3A_337, %dma_wait3A_338, %dma_wait3A_339] : memref<2x128x128xf32, #tpu.memory_space<vmem>> -> memref<1x128x128xf32, #tpu.memory_space<vmem>>
      %dma_wait3A_341 = tpu.memref_squeeze %dma_wait3A_340 : memref<1x128x128xf32, #tpu.memory_space<vmem>> -> memref<128x128xf32, #tpu.memory_space<vmem>>
      %dma_wait3A_342 = arith.constant 0 : i32
      %dma_wait3A_343 = arith.constant 0 : i32
      %dma_wait3A_344 = tpu.memref_slice %arg2[%dma_wait3A_342, %dma_wait3A_343] : memref<10000x128xf32, #tpu.memory_space<hbm>> -> memref<128x128xf32, #tpu.memory_space<hbm>>
      %dma_wait3A_345 = arith.constant 0 : i32
      %dma_wait3A_346 = arith.constant 0 : i32
      %dma_wait3A_347 = tpu.memref_slice %arg8[%dma_wait3A_337, %dma_wait3A_345, %dma_wait3A_346] : memref<2x128x128xf32, #tpu.memory_space<vmem>> -> memref<1x128x128xf32, #tpu.memory_space<vmem>>
      %dma_wait3A_348 = tpu.memref_squeeze %dma_wait3A_347 : memref<1x128x128xf32, #tpu.memory_space<vmem>> -> memref<128x128xf32, #tpu.memory_space<vmem>>
      %dma_wait3A_349 = arith.constant 0 : i32
      %dma_wait3A_350 = arith.constant 0 : i32
      %dma_wait3A_351 = tpu.memref_slice %arg2[%dma_wait3A_349, %dma_wait3A_350] : memref<10000x128xf32, #tpu.memory_space<hbm>> -> memref<128x128xf32, #tpu.memory_space<hbm>>
      tpu.wait_dma2 semaphore(%arg10 : memref<!tpu.dma_semaphore, #tpu.memory_space<semaphore_mem>>) src(%dma_wait3A_351 : memref<128x128xf32, #tpu.memory_space<hbm>>) dst(%dma_wait3A_348 : memref<128x128xf32, #tpu.memory_space<vmem>>)
      %dma_start3A_352 = arith.constant 0 : i32
      %dma_start3A_353 = arith.constant 0 : i32
      %dma_start3A_354 = arith.constant 5 : i32
      %dma_start3A_355 = arith.constant 0 : i32
      %dma_start3A_356 = arith.constant 0 : i32
      %dma_start3A_357 = tpu.memref_slice %arg8[%dma_start3A_352, %dma_start3A_355, %dma_start3A_356] : memref<2x128x128xf32, #tpu.memory_space<vmem>> -> memref<1x128x128xf32, #tpu.memory_space<vmem>>
      %dma_start3A_358 = tpu.memref_squeeze %dma_start3A_357 : memref<1x128x128xf32, #tpu.memory_space<vmem>> -> memref<128x128xf32, #tpu.memory_space<vmem>>
      %dma_start3A_359 = arith.constant 0 : i32
      %dma_start3A_360 = tpu.memref_slice %arg7[%dma_start3A_353, %dma_start3A_354, %dma_start3A_359] : memref<2x8x128xi32, #tpu.memory_space<vmem>> -> memref<1x1x128xi32, #tpu.memory_space<vmem>>
      %dma_start3A_361 = tpu.memref_squeeze %dma_start3A_360 : memref<1x1x128xi32, #tpu.memory_space<vmem>> -> memref<128xi32, #tpu.memory_space<vmem>>
      %dma_start3A_362 = arith.constant 0 : i32
      %dma_start3A_363 = arith.constant 0 : i32
      %dma_start3A_364 = tpu.memref_slice %arg9[%dma_start3A_362, %dma_start3A_363] : memref<10112x128xf32, #tpu.memory_space<vmem_shared>> -> memref<10112x128xf32, #tpu.memory_space<vmem_shared>>
      tpu.enqueue_indirect_dma source(%dma_start3A_358 : memref<128x128xf32, #tpu.memory_space<vmem>>) target(%dma_start3A_364 : memref<10112x128xf32, #tpu.memory_space<vmem_shared>>) offsets(%dma_start3A_361 : memref<128xi32, #tpu.memory_space<vmem>>) semaphore(%arg12 : memref<!tpu.dma_semaphore, #tpu.memory_space<semaphore_mem>>) {add = true}
      %dma_wait3A_365 = arith.constant 0 : i32
      %dma_wait3A_366 = arith.constant 0 : i32
      %dma_wait3A_367 = arith.constant 0 : i32
      %dma_wait3A_368 = tpu.memref_slice %arg8[%dma_wait3A_365, %dma_wait3A_366, %dma_wait3A_367] : memref<2x128x128xf32, #tpu.memory_space<vmem>> -> memref<1x128x128xf32, #tpu.memory_space<vmem>>
      %dma_wait3A_369 = tpu.memref_squeeze %dma_wait3A_368 : memref<1x128x128xf32, #tpu.memory_space<vmem>> -> memref<128x128xf32, #tpu.memory_space<vmem>>
      %dma_wait3A_370 = arith.constant 0 : i32
      %dma_wait3A_371 = arith.constant 0 : i32
      %dma_wait3A_372 = tpu.memref_slice %arg2[%dma_wait3A_370, %dma_wait3A_371] : memref<10000x128xf32, #tpu.memory_space<hbm>> -> memref<128x128xf32, #tpu.memory_space<hbm>>
      %dma_wait3A_373 = arith.constant 0 : i32
      %dma_wait3A_374 = arith.constant 0 : i32
      %dma_wait3A_375 = tpu.memref_slice %arg8[%dma_wait3A_365, %dma_wait3A_373, %dma_wait3A_374] : memref<2x128x128xf32, #tpu.memory_space<vmem>> -> memref<1x128x128xf32, #tpu.memory_space<vmem>>
      %dma_wait3A_376 = tpu.memref_squeeze %dma_wait3A_375 : memref<1x128x128xf32, #tpu.memory_space<vmem>> -> memref<128x128xf32, #tpu.memory_space<vmem>>
      %dma_wait3A_377 = arith.constant 0 : i32
      %dma_wait3A_378 = arith.constant 0 : i32
      %dma_wait3A_379 = tpu.memref_slice %arg2[%dma_wait3A_377, %dma_wait3A_378] : memref<10000x128xf32, #tpu.memory_space<hbm>> -> memref<128x128xf32, #tpu.memory_space<hbm>>
      tpu.wait_dma2 semaphore(%arg12 : memref<!tpu.dma_semaphore, #tpu.memory_space<semaphore_mem>>) src(%dma_wait3A_379 : memref<128x128xf32, #tpu.memory_space<hbm>>) dst(%dma_wait3A_376 : memref<128x128xf32, #tpu.memory_space<vmem>>)
      %dma_start3A_380 = arith.constant 0 : i32
      %dma_start3A_381 = arith.constant 6 : i32
      %dma_start3A_382 = arith.constant 0 : i32
      %dma_start3A_383 = arith.constant 0 : i32
      %dma_start3A_384 = arith.constant 0 : i32
      %dma_start3A_385 = tpu.memref_slice %arg8[%dma_start3A_382, %dma_start3A_383, %dma_start3A_384] : memref<2x128x128xf32, #tpu.memory_space<vmem>> -> memref<1x128x128xf32, #tpu.memory_space<vmem>>
      %dma_start3A_386 = tpu.memref_squeeze %dma_start3A_385 : memref<1x128x128xf32, #tpu.memory_space<vmem>> -> memref<128x128xf32, #tpu.memory_space<vmem>>
      %dma_start3A_387 = arith.constant 0 : i32
      %dma_start3A_388 = tpu.memref_slice %arg6[%dma_start3A_380, %dma_start3A_381, %dma_start3A_387] : memref<2x8x128xi32, #tpu.memory_space<vmem>> -> memref<1x1x128xi32, #tpu.memory_space<vmem>>
      %dma_start3A_389 = tpu.memref_squeeze %dma_start3A_388 : memref<1x1x128xi32, #tpu.memory_space<vmem>> -> memref<128xi32, #tpu.memory_space<vmem>>
      %dma_start3A_390 = arith.constant 0 : i32
      %dma_start3A_391 = arith.constant 0 : i32
      %dma_start3A_392 = tpu.memref_slice %arg2[%dma_start3A_390, %dma_start3A_391] : memref<10000x128xf32, #tpu.memory_space<hbm>> -> memref<10000x128xf32, #tpu.memory_space<hbm>>
      tpu.enqueue_indirect_dma source(%dma_start3A_392 : memref<10000x128xf32, #tpu.memory_space<hbm>>) target(%dma_start3A_386 : memref<128x128xf32, #tpu.memory_space<vmem>>) offsets(%dma_start3A_389 : memref<128xi32, #tpu.memory_space<vmem>>) semaphore(%arg10 : memref<!tpu.dma_semaphore, #tpu.memory_space<semaphore_mem>>)
      %dma_wait3A_393 = arith.constant 0 : i32
      %dma_wait3A_394 = arith.constant 0 : i32
      %dma_wait3A_395 = arith.constant 0 : i32
      %dma_wait3A_396 = tpu.memref_slice %arg8[%dma_wait3A_393, %dma_wait3A_394, %dma_wait3A_395] : memref<2x128x128xf32, #tpu.memory_space<vmem>> -> memref<1x128x128xf32, #tpu.memory_space<vmem>>
      %dma_wait3A_397 = tpu.memref_squeeze %dma_wait3A_396 : memref<1x128x128xf32, #tpu.memory_space<vmem>> -> memref<128x128xf32, #tpu.memory_space<vmem>>
      %dma_wait3A_398 = arith.constant 0 : i32
      %dma_wait3A_399 = arith.constant 0 : i32
      %dma_wait3A_400 = tpu.memref_slice %arg2[%dma_wait3A_398, %dma_wait3A_399] : memref<10000x128xf32, #tpu.memory_space<hbm>> -> memref<128x128xf32, #tpu.memory_space<hbm>>
      %dma_wait3A_401 = arith.constant 0 : i32
      %dma_wait3A_402 = arith.constant 0 : i32
      %dma_wait3A_403 = tpu.memref_slice %arg8[%dma_wait3A_393, %dma_wait3A_401, %dma_wait3A_402] : memref<2x128x128xf32, #tpu.memory_space<vmem>> -> memref<1x128x128xf32, #tpu.memory_space<vmem>>
      %dma_wait3A_404 = tpu.memref_squeeze %dma_wait3A_403 : memref<1x128x128xf32, #tpu.memory_space<vmem>> -> memref<128x128xf32, #tpu.memory_space<vmem>>
      %dma_wait3A_405 = arith.constant 0 : i32
      %dma_wait3A_406 = arith.constant 0 : i32
      %dma_wait3A_407 = tpu.memref_slice %arg2[%dma_wait3A_405, %dma_wait3A_406] : memref<10000x128xf32, #tpu.memory_space<hbm>> -> memref<128x128xf32, #tpu.memory_space<hbm>>
      tpu.wait_dma2 semaphore(%arg10 : memref<!tpu.dma_semaphore, #tpu.memory_space<semaphore_mem>>) src(%dma_wait3A_407 : memref<128x128xf32, #tpu.memory_space<hbm>>) dst(%dma_wait3A_404 : memref<128x128xf32, #tpu.memory_space<vmem>>)
      %dma_start3A_408 = arith.constant 0 : i32
      %dma_start3A_409 = arith.constant 0 : i32
      %dma_start3A_410 = arith.constant 6 : i32
      %dma_start3A_411 = arith.constant 0 : i32
      %dma_start3A_412 = arith.constant 0 : i32
      %dma_start3A_413 = tpu.memref_slice %arg8[%dma_start3A_408, %dma_start3A_411, %dma_start3A_412] : memref<2x128x128xf32, #tpu.memory_space<vmem>> -> memref<1x128x128xf32, #tpu.memory_space<vmem>>
      %dma_start3A_414 = tpu.memref_squeeze %dma_start3A_413 : memref<1x128x128xf32, #tpu.memory_space<vmem>> -> memref<128x128xf32, #tpu.memory_space<vmem>>
      %dma_start3A_415 = arith.constant 0 : i32
      %dma_start3A_416 = tpu.memref_slice %arg7[%dma_start3A_409, %dma_start3A_410, %dma_start3A_415] : memref<2x8x128xi32, #tpu.memory_space<vmem>> -> memref<1x1x128xi32, #tpu.memory_space<vmem>>
      %dma_start3A_417 = tpu.memref_squeeze %dma_start3A_416 : memref<1x1x128xi32, #tpu.memory_space<vmem>> -> memref<128xi32, #tpu.memory_space<vmem>>
      %dma_start3A_418 = arith.constant 0 : i32
      %dma_start3A_419 = arith.constant 0 : i32
      %dma_start3A_420 = tpu.memref_slice %arg9[%dma_start3A_418, %dma_start3A_419] : memref<10112x128xf32, #tpu.memory_space<vmem_shared>> -> memref<10112x128xf32, #tpu.memory_space<vmem_shared>>
      tpu.enqueue_indirect_dma source(%dma_start3A_414 : memref<128x128xf32, #tpu.memory_space<vmem>>) target(%dma_start3A_420 : memref<10112x128xf32, #tpu.memory_space<vmem_shared>>) offsets(%dma_start3A_417 : memref<128xi32, #tpu.memory_space<vmem>>) semaphore(%arg12 : memref<!tpu.dma_semaphore, #tpu.memory_space<semaphore_mem>>) {add = true}
      %dma_wait3A_421 = arith.constant 0 : i32
      %dma_wait3A_422 = arith.constant 0 : i32
      %dma_wait3A_423 = arith.constant 0 : i32
      %dma_wait3A_424 = tpu.memref_slice %arg8[%dma_wait3A_421, %dma_wait3A_422, %dma_wait3A_423] : memref<2x128x128xf32, #tpu.memory_space<vmem>> -> memref<1x128x128xf32, #tpu.memory_space<vmem>>
      %dma_wait3A_425 = tpu.memref_squeeze %dma_wait3A_424 : memref<1x128x128xf32, #tpu.memory_space<vmem>> -> memref<128x128xf32, #tpu.memory_space<vmem>>
      %dma_wait3A_426 = arith.constant 0 : i32
      %dma_wait3A_427 = arith.constant 0 : i32
      %dma_wait3A_428 = tpu.memref_slice %arg2[%dma_wait3A_426, %dma_wait3A_427] : memref<10000x128xf32, #tpu.memory_space<hbm>> -> memref<128x128xf32, #tpu.memory_space<hbm>>
      %dma_wait3A_429 = arith.constant 0 : i32
      %dma_wait3A_430 = arith.constant 0 : i32
      %dma_wait3A_431 = tpu.memref_slice %arg8[%dma_wait3A_421, %dma_wait3A_429, %dma_wait3A_430] : memref<2x128x128xf32, #tpu.memory_space<vmem>> -> memref<1x128x128xf32, #tpu.memory_space<vmem>>
      %dma_wait3A_432 = tpu.memref_squeeze %dma_wait3A_431 : memref<1x128x128xf32, #tpu.memory_space<vmem>> -> memref<128x128xf32, #tpu.memory_space<vmem>>
      %dma_wait3A_433 = arith.constant 0 : i32
      %dma_wait3A_434 = arith.constant 0 : i32
      %dma_wait3A_435 = tpu.memref_slice %arg2[%dma_wait3A_433, %dma_wait3A_434] : memref<10000x128xf32, #tpu.memory_space<hbm>> -> memref<128x128xf32, #tpu.memory_space<hbm>>
      tpu.wait_dma2 semaphore(%arg12 : memref<!tpu.dma_semaphore, #tpu.memory_space<semaphore_mem>>) src(%dma_wait3A_435 : memref<128x128xf32, #tpu.memory_space<hbm>>) dst(%dma_wait3A_432 : memref<128x128xf32, #tpu.memory_space<vmem>>)
      %dma_start3A_436 = arith.constant 0 : i32
      %dma_start3A_437 = arith.constant 7 : i32
      %dma_start3A_438 = arith.constant 0 : i32
      %dma_start3A_439 = arith.constant 0 : i32
      %dma_start3A_440 = arith.constant 0 : i32
      %dma_start3A_441 = tpu.memref_slice %arg8[%dma_start3A_438, %dma_start3A_439, %dma_start3A_440] : memref<2x128x128xf32, #tpu.memory_space<vmem>> -> memref<1x128x128xf32, #tpu.memory_space<vmem>>
      %dma_start3A_442 = tpu.memref_squeeze %dma_start3A_441 : memref<1x128x128xf32, #tpu.memory_space<vmem>> -> memref<128x128xf32, #tpu.memory_space<vmem>>
      %dma_start3A_443 = arith.constant 0 : i32
      %dma_start3A_444 = tpu.memref_slice %arg6[%dma_start3A_436, %dma_start3A_437, %dma_start3A_443] : memref<2x8x128xi32, #tpu.memory_space<vmem>> -> memref<1x1x128xi32, #tpu.memory_space<vmem>>
      %dma_start3A_445 = tpu.memref_squeeze %dma_start3A_444 : memref<1x1x128xi32, #tpu.memory_space<vmem>> -> memref<128xi32, #tpu.memory_space<vmem>>
      %dma_start3A_446 = arith.constant 0 : i32
      %dma_start3A_447 = arith.constant 0 : i32
      %dma_start3A_448 = tpu.memref_slice %arg2[%dma_start3A_446, %dma_start3A_447] : memref<10000x128xf32, #tpu.memory_space<hbm>> -> memref<10000x128xf32, #tpu.memory_space<hbm>>
      tpu.enqueue_indirect_dma source(%dma_start3A_448 : memref<10000x128xf32, #tpu.memory_space<hbm>>) target(%dma_start3A_442 : memref<128x128xf32, #tpu.memory_space<vmem>>) offsets(%dma_start3A_445 : memref<128xi32, #tpu.memory_space<vmem>>) semaphore(%arg10 : memref<!tpu.dma_semaphore, #tpu.memory_space<semaphore_mem>>)
      %dma_wait3A_449 = arith.constant 0 : i32
      %dma_wait3A_450 = arith.constant 0 : i32
      %dma_wait3A_451 = arith.constant 0 : i32
      %dma_wait3A_452 = tpu.memref_slice %arg8[%dma_wait3A_449, %dma_wait3A_450, %dma_wait3A_451] : memref<2x128x128xf32, #tpu.memory_space<vmem>> -> memref<1x128x128xf32, #tpu.memory_space<vmem>>
      %dma_wait3A_453 = tpu.memref_squeeze %dma_wait3A_452 : memref<1x128x128xf32, #tpu.memory_space<vmem>> -> memref<128x128xf32, #tpu.memory_space<vmem>>
      %dma_wait3A_454 = arith.constant 0 : i32
      %dma_wait3A_455 = arith.constant 0 : i32
      %dma_wait3A_456 = tpu.memref_slice %arg2[%dma_wait3A_454, %dma_wait3A_455] : memref<10000x128xf32, #tpu.memory_space<hbm>> -> memref<128x128xf32, #tpu.memory_space<hbm>>
      %dma_wait3A_457 = arith.constant 0 : i32
      %dma_wait3A_458 = arith.constant 0 : i32
      %dma_wait3A_459 = tpu.memref_slice %arg8[%dma_wait3A_449, %dma_wait3A_457, %dma_wait3A_458] : memref<2x128x128xf32, #tpu.memory_space<vmem>> -> memref<1x128x128xf32, #tpu.memory_space<vmem>>
      %dma_wait3A_460 = tpu.memref_squeeze %dma_wait3A_459 : memref<1x128x128xf32, #tpu.memory_space<vmem>> -> memref<128x128xf32, #tpu.memory_space<vmem>>
      %dma_wait3A_461 = arith.constant 0 : i32
      %dma_wait3A_462 = arith.constant 0 : i32
      %dma_wait3A_463 = tpu.memref_slice %arg2[%dma_wait3A_461, %dma_wait3A_462] : memref<10000x128xf32, #tpu.memory_space<hbm>> -> memref<128x128xf32, #tpu.memory_space<hbm>>
      tpu.wait_dma2 semaphore(%arg10 : memref<!tpu.dma_semaphore, #tpu.memory_space<semaphore_mem>>) src(%dma_wait3A_463 : memref<128x128xf32, #tpu.memory_space<hbm>>) dst(%dma_wait3A_460 : memref<128x128xf32, #tpu.memory_space<vmem>>)
      %dma_start3A_464 = arith.constant 0 : i32
      %dma_start3A_465 = arith.constant 0 : i32
      %dma_start3A_466 = arith.constant 7 : i32
      %dma_start3A_467 = arith.constant 0 : i32
      %dma_start3A_468 = arith.constant 0 : i32
      %dma_start3A_469 = tpu.memref_slice %arg8[%dma_start3A_464, %dma_start3A_467, %dma_start3A_468] : memref<2x128x128xf32, #tpu.memory_space<vmem>> -> memref<1x128x128xf32, #tpu.memory_space<vmem>>
      %dma_start3A_470 = tpu.memref_squeeze %dma_start3A_469 : memref<1x128x128xf32, #tpu.memory_space<vmem>> -> memref<128x128xf32, #tpu.memory_space<vmem>>
      %dma_start3A_471 = arith.constant 0 : i32
      %dma_start3A_472 = tpu.memref_slice %arg7[%dma_start3A_465, %dma_start3A_466, %dma_start3A_471] : memref<2x8x128xi32, #tpu.memory_space<vmem>> -> memref<1x1x128xi32, #tpu.memory_space<vmem>>
      %dma_start3A_473 = tpu.memref_squeeze %dma_start3A_472 : memref<1x1x128xi32, #tpu.memory_space<vmem>> -> memref<128xi32, #tpu.memory_space<vmem>>
      %dma_start3A_474 = arith.constant 0 : i32
      %dma_start3A_475 = arith.constant 0 : i32
      %dma_start3A_476 = tpu.memref_slice %arg9[%dma_start3A_474, %dma_start3A_475] : memref<10112x128xf32, #tpu.memory_space<vmem_shared>> -> memref<10112x128xf32, #tpu.memory_space<vmem_shared>>
      tpu.enqueue_indirect_dma source(%dma_start3A_470 : memref<128x128xf32, #tpu.memory_space<vmem>>) target(%dma_start3A_476 : memref<10112x128xf32, #tpu.memory_space<vmem_shared>>) offsets(%dma_start3A_473 : memref<128xi32, #tpu.memory_space<vmem>>) semaphore(%arg12 : memref<!tpu.dma_semaphore, #tpu.memory_space<semaphore_mem>>) {add = true}
      %dma_wait3A_477 = arith.constant 0 : i32
      %dma_wait3A_478 = arith.constant 0 : i32
      %dma_wait3A_479 = arith.constant 0 : i32
      %dma_wait3A_480 = tpu.memref_slice %arg8[%dma_wait3A_477, %dma_wait3A_478, %dma_wait3A_479] : memref<2x128x128xf32, #tpu.memory_space<vmem>> -> memref<1x128x128xf32, #tpu.memory_space<vmem>>
      %dma_wait3A_481 = tpu.memref_squeeze %dma_wait3A_480 : memref<1x128x128xf32, #tpu.memory_space<vmem>> -> memref<128x128xf32, #tpu.memory_space<vmem>>
      %dma_wait3A_482 = arith.constant 0 : i32
      %dma_wait3A_483 = arith.constant 0 : i32
      %dma_wait3A_484 = tpu.memref_slice %arg2[%dma_wait3A_482, %dma_wait3A_483] : memref<10000x128xf32, #tpu.memory_space<hbm>> -> memref<128x128xf32, #tpu.memory_space<hbm>>
      %dma_wait3A_485 = arith.constant 0 : i32
      %dma_wait3A_486 = arith.constant 0 : i32
      %dma_wait3A_487 = tpu.memref_slice %arg8[%dma_wait3A_477, %dma_wait3A_485, %dma_wait3A_486] : memref<2x128x128xf32, #tpu.memory_space<vmem>> -> memref<1x128x128xf32, #tpu.memory_space<vmem>>
      %dma_wait3A_488 = tpu.memref_squeeze %dma_wait3A_487 : memref<1x128x128xf32, #tpu.memory_space<vmem>> -> memref<128x128xf32, #tpu.memory_space<vmem>>
      %dma_wait3A_489 = arith.constant 0 : i32
      %dma_wait3A_490 = arith.constant 0 : i32
      %dma_wait3A_491 = tpu.memref_slice %arg2[%dma_wait3A_489, %dma_wait3A_490] : memref<10000x128xf32, #tpu.memory_space<hbm>> -> memref<128x128xf32, #tpu.memory_space<hbm>>
      tpu.wait_dma2 semaphore(%arg12 : memref<!tpu.dma_semaphore, #tpu.memory_space<semaphore_mem>>) src(%dma_wait3A_491 : memref<128x128xf32, #tpu.memory_space<hbm>>) dst(%dma_wait3A_488 : memref<128x128xf32, #tpu.memory_space<vmem>>)
    }
    %scan3A_37 = arith.constant 10 : i32
    %barrier3A_38 = arith.constant 0 : index
    tpu.barrier barrier_id(%barrier3A_38)
    "tpu.region"() ({
      %run_scoped3A_39 = tpu.sem_alloc : memref<!tpu.dma_semaphore, #tpu.memory_space<semaphore_mem>>
      %dma_start3A = arith.constant 0 : i32
      %dma_start3A_40 = tpu.memref_slice %arg5[%arg0, %multiple_of3A, %dma_start3A] : memref<2x10112x128xf32, #tpu.memory_space<hbm>> -> memref<1x632x128xf32, #tpu.memory_space<hbm>>
      %dma_start3A_41 = tpu.memref_squeeze %dma_start3A_40 : memref<1x632x128xf32, #tpu.memory_space<hbm>> -> memref<632x128xf32, #tpu.memory_space<hbm>>
      %dma_start3A_42 = arith.constant 0 : i32
      %dma_start3A_43 = tpu.memref_slice %arg9[%multiple_of3A, %dma_start3A_42] : memref<10112x128xf32, #tpu.memory_space<vmem_shared>> -> memref<632x128xf32, #tpu.memory_space<vmem_shared>>
      tpu.enqueue_dma source(%dma_start3A_43 : memref<632x128xf32, #tpu.memory_space<vmem_shared>>) target(%dma_start3A_41 : memref<632x128xf32, #tpu.memory_space<hbm>>) target_semaphore(%run_scoped3A_39 : memref<!tpu.dma_semaphore, #tpu.memory_space<semaphore_mem>>)
      %dma_wait3A = arith.constant 0 : i32
      %dma_wait3A_44 = tpu.memref_slice %arg5[%arg0, %multiple_of3A, %dma_wait3A] : memref<2x10112x128xf32, #tpu.memory_space<hbm>> -> memref<1x632x128xf32, #tpu.memory_space<hbm>>
      %dma_wait3A_45 = tpu.memref_squeeze %dma_wait3A_44 : memref<1x632x128xf32, #tpu.memory_space<hbm>> -> memref<632x128xf32, #tpu.memory_space<hbm>>
      %dma_wait3A_46 = arith.constant 0 : i32
      %dma_wait3A_47 = tpu.memref_slice %arg9[%multiple_of3A, %dma_wait3A_46] : memref<10112x128xf32, #tpu.memory_space<vmem_shared>> -> memref<632x128xf32, #tpu.memory_space<vmem_shared>>
      tpu.wait_dma2 semaphore(%run_scoped3A_39 : memref<!tpu.dma_semaphore, #tpu.memory_space<semaphore_mem>>) src(%dma_wait3A_47 : memref<632x128xf32, #tpu.memory_space<vmem_shared>>) dst(%dma_wait3A_45 : memref<632x128xf32, #tpu.memory_space<hbm>>)
      tpu.yield
    }) : () -> ()
    return
  }
}

#map = affine_map<(d0, d1) -> (0, 0)>
#map1 = affine_map<(d0, d1) -> (0, 0, 0)>
module attributes {stable_mosaic.version = 14 : i64} {
  func.func @k(%arg0: i32, %arg1: i32, %arg2: memref<10000x128xf32, #tpu.memory_space<hbm>>, %arg3: memref<2560x128xi32, #tpu.memory_space<hbm>>, %arg4: memref<2560x128xi32, #tpu.memory_space<hbm>>, %arg5: memref<2x10112x128xf32, #tpu.memory_space<hbm>>, %arg6: memref<2x8x128xi32, #tpu.memory_space<vmem>>, %arg7: memref<2x8x128xi32, #tpu.memory_space<vmem>>, %arg8: memref<2x128x128xf32, #tpu.memory_space<vmem>>, %arg9: memref<10112x128xf32, #tpu.memory_space<vmem_shared>>, %arg10: memref<!tpu.dma_semaphore, #tpu.memory_space<semaphore_mem>>, %arg11: memref<!tpu.dma_semaphore, #tpu.memory_space<semaphore_mem>>, %arg12: memref<!tpu.dma_semaphore, #tpu.memory_space<semaphore_mem>>, %arg13: memref<!tpu.dma_semaphore, #tpu.memory_space<semaphore_mem>>) attributes {dimension_semantics = [#tpu.dimension_semantics<core_parallel>, #tpu.dimension_semantics<subcore_parallel>], iteration_bounds = array<i64: 2, 16>, scalar_prefetch = 0 : i64, scratch_operands = 8 : i64, tpu.core_type = #tpu.core_type<sc_vector_subcore>, window_params = [{transform_indices = #map}, {transform_indices = #map}, {transform_indices = #map}, {transform_indices = #map1}]} {
    %mul3A = arith.constant 2 : i32
    %mul3A_0 = arith.muli %arg1, %mul3A : i32
    %add3A = arith.addi %mul3A_0, %arg0 : i32
    %mul3A_1 = arith.constant 632 : i32
    %mul3A_2 = arith.muli %arg1, %mul3A_1 : i32
    %multiple_of3A = tpu.assume_multiple %mul3A_2, 8 : i32
    %mul3A_3 = arith.constant 80 : i32
    %mul3A_4 = arith.muli %add3A, %mul3A_3 : i32
    %multiple_of3A_5 = tpu.assume_multiple %mul3A_4, 8 : i32
    %run_scoped3A = arith.constant 0 : i32
    "tpu.region"() ({
      %run_scoped3A_39 = tpu.sem_alloc : memref<!tpu.dma_semaphore, #tpu.memory_space<semaphore_mem>>
      %dma_start3A = arith.constant 0 : i32
      %dma_start3A_40 = arith.constant 0 : i32
      %dma_start3A_41 = tpu.memref_slice %arg6[%run_scoped3A, %dma_start3A, %dma_start3A_40] : memref<2x8x128xi32, #tpu.memory_space<vmem>> -> memref<1x8x128xi32, #tpu.memory_space<vmem>>
      %dma_start3A_42 = tpu.memref_squeeze %dma_start3A_41 : memref<1x8x128xi32, #tpu.memory_space<vmem>> -> memref<8x128xi32, #tpu.memory_space<vmem>>
      %dma_start3A_43 = arith.constant 0 : i32
      %dma_start3A_44 = tpu.memref_slice %arg3[%multiple_of3A_5, %dma_start3A_43] : memref<2560x128xi32, #tpu.memory_space<hbm>> -> memref<8x128xi32, #tpu.memory_space<hbm>>
      %dma_start3A_45 = arith.constant 0 : i32
      %dma_start3A_46 = arith.constant 0 : i32
      %dma_start3A_47 = tpu.memref_slice %arg6[%run_scoped3A, %dma_start3A_45, %dma_start3A_46] : memref<2x8x128xi32, #tpu.memory_space<vmem>> -> memref<1x8x128xi32, #tpu.memory_space<vmem>>
      %dma_start3A_48 = tpu.memref_squeeze %dma_start3A_47 : memref<1x8x128xi32, #tpu.memory_space<vmem>> -> memref<8x128xi32, #tpu.memory_space<vmem>>
      %dma_start3A_49 = arith.constant 0 : i32
      %dma_start3A_50 = tpu.memref_slice %arg3[%multiple_of3A_5, %dma_start3A_49] : memref<2560x128xi32, #tpu.memory_space<hbm>> -> memref<8x128xi32, #tpu.memory_space<hbm>>
      tpu.enqueue_dma source(%dma_start3A_50 : memref<8x128xi32, #tpu.memory_space<hbm>>) target(%dma_start3A_48 : memref<8x128xi32, #tpu.memory_space<vmem>>) target_semaphore(%run_scoped3A_39 : memref<!tpu.dma_semaphore, #tpu.memory_space<semaphore_mem>>)
      %dma_wait3A = arith.constant 0 : i32
      %dma_wait3A_51 = arith.constant 0 : i32
      %dma_wait3A_52 = tpu.memref_slice %arg6[%run_scoped3A, %dma_wait3A, %dma_wait3A_51] : memref<2x8x128xi32, #tpu.memory_space<vmem>> -> memref<1x8x128xi32, #tpu.memory_space<vmem>>
      %dma_wait3A_53 = tpu.memref_squeeze %dma_wait3A_52 : memref<1x8x128xi32, #tpu.memory_space<vmem>> -> memref<8x128xi32, #tpu.memory_space<vmem>>
      %dma_wait3A_54 = arith.constant 0 : i32
      %dma_wait3A_55 = tpu.memref_slice %arg3[%multiple_of3A_5, %dma_wait3A_54] : memref<2560x128xi32, #tpu.memory_space<hbm>> -> memref<8x128xi32, #tpu.memory_space<hbm>>
      %dma_wait3A_56 = arith.constant 0 : i32
      %dma_wait3A_57 = arith.constant 0 : i32
      %dma_wait3A_58 = tpu.memref_slice %arg6[%run_scoped3A, %dma_wait3A_56, %dma_wait3A_57] : memref<2x8x128xi32, #tpu.memory_space<vmem>> -> memref<1x8x128xi32, #tpu.memory_space<vmem>>
      %dma_wait3A_59 = tpu.memref_squeeze %dma_wait3A_58 : memref<1x8x128xi32, #tpu.memory_space<vmem>> -> memref<8x128xi32, #tpu.memory_space<vmem>>
      %dma_wait3A_60 = arith.constant 0 : i32
      %dma_wait3A_61 = tpu.memref_slice %arg3[%multiple_of3A_5, %dma_wait3A_60] : memref<2560x128xi32, #tpu.memory_space<hbm>> -> memref<8x128xi32, #tpu.memory_space<hbm>>
      tpu.wait_dma2 semaphore(%run_scoped3A_39 : memref<!tpu.dma_semaphore, #tpu.memory_space<semaphore_mem>>) src(%dma_wait3A_61 : memref<8x128xi32, #tpu.memory_space<hbm>>) dst(%dma_wait3A_59 : memref<8x128xi32, #tpu.memory_space<vmem>>)
      tpu.yield
    }) : () -> ()
    %run_scoped3A_6 = arith.constant 0 : i32
    "tpu.region"() ({
      %run_scoped3A_39 = tpu.sem_alloc : memref<!tpu.dma_semaphore, #tpu.memory_space<semaphore_mem>>
      %dma_start3A = arith.constant 0 : i32
      %dma_start3A_40 = arith.constant 0 : i32
      %dma_start3A_41 = tpu.memref_slice %arg7[%run_scoped3A_6, %dma_start3A, %dma_start3A_40] : memref<2x8x128xi32, #tpu.memory_space<vmem>> -> memref<1x8x128xi32, #tpu.memory_space<vmem>>
      %dma_start3A_42 = tpu.memref_squeeze %dma_start3A_41 : memref<1x8x128xi32, #tpu.memory_space<vmem>> -> memref<8x128xi32, #tpu.memory_space<vmem>>
      %dma_start3A_43 = arith.constant 0 : i32
      %dma_start3A_44 = tpu.memref_slice %arg4[%multiple_of3A_5, %dma_start3A_43] : memref<2560x128xi32, #tpu.memory_space<hbm>> -> memref<8x128xi32, #tpu.memory_space<hbm>>
      %dma_start3A_45 = arith.constant 0 : i32
      %dma_start3A_46 = arith.constant 0 : i32
      %dma_start3A_47 = tpu.memref_slice %arg7[%run_scoped3A_6, %dma_start3A_45, %dma_start3A_46] : memref<2x8x128xi32, #tpu.memory_space<vmem>> -> memref<1x8x128xi32, #tpu.memory_space<vmem>>
      %dma_start3A_48 = tpu.memref_squeeze %dma_start3A_47 : memref<1x8x128xi32, #tpu.memory_space<vmem>> -> memref<8x128xi32, #tpu.memory_space<vmem>>
      %dma_start3A_49 = arith.constant 0 : i32
      %dma_start3A_50 = tpu.memref_slice %arg4[%multiple_of3A_5, %dma_start3A_49] : memref<2560x128xi32, #tpu.memory_space<hbm>> -> memref<8x128xi32, #tpu.memory_space<hbm>>
      tpu.enqueue_dma source(%dma_start3A_50 : memref<8x128xi32, #tpu.memory_space<hbm>>) target(%dma_start3A_48 : memref<8x128xi32, #tpu.memory_space<vmem>>) target_semaphore(%run_scoped3A_39 : memref<!tpu.dma_semaphore, #tpu.memory_space<semaphore_mem>>)
      %dma_wait3A = arith.constant 0 : i32
      %dma_wait3A_51 = arith.constant 0 : i32
      %dma_wait3A_52 = tpu.memref_slice %arg7[%run_scoped3A_6, %dma_wait3A, %dma_wait3A_51] : memref<2x8x128xi32, #tpu.memory_space<vmem>> -> memref<1x8x128xi32, #tpu.memory_space<vmem>>
      %dma_wait3A_53 = tpu.memref_squeeze %dma_wait3A_52 : memref<1x8x128xi32, #tpu.memory_space<vmem>> -> memref<8x128xi32, #tpu.memory_space<vmem>>
      %dma_wait3A_54 = arith.constant 0 : i32
      %dma_wait3A_55 = tpu.memref_slice %arg4[%multiple_of3A_5, %dma_wait3A_54] : memref<2560x128xi32, #tpu.memory_space<hbm>> -> memref<8x128xi32, #tpu.memory_space<hbm>>
      %dma_wait3A_56 = arith.constant 0 : i32
      %dma_wait3A_57 = arith.constant 0 : i32
      %dma_wait3A_58 = tpu.memref_slice %arg7[%run_scoped3A_6, %dma_wait3A_56, %dma_wait3A_57] : memref<2x8x128xi32, #tpu.memory_space<vmem>> -> memref<1x8x128xi32, #tpu.memory_space<vmem>>
      %dma_wait3A_59 = tpu.memref_squeeze %dma_wait3A_58 : memref<1x8x128xi32, #tpu.memory_space<vmem>> -> memref<8x128xi32, #tpu.memory_space<vmem>>
      %dma_wait3A_60 = arith.constant 0 : i32
      %dma_wait3A_61 = tpu.memref_slice %arg4[%multiple_of3A_5, %dma_wait3A_60] : memref<2560x128xi32, #tpu.memory_space<hbm>> -> memref<8x128xi32, #tpu.memory_space<hbm>>
      tpu.wait_dma2 semaphore(%run_scoped3A_39 : memref<!tpu.dma_semaphore, #tpu.memory_space<semaphore_mem>>) src(%dma_wait3A_61 : memref<8x128xi32, #tpu.memory_space<hbm>>) dst(%dma_wait3A_59 : memref<8x128xi32, #tpu.memory_space<vmem>>)
      tpu.yield
    }) : () -> ()
    %scan3A = arith.constant 0 : i32
    %scan3A_7 = arith.constant 0 : i32
    %scan3A_8 = arith.constant 128 : i32
    %scan3A_9 = arith.addi %scan3A_7, %scan3A_8 : i32
    %scan3A_10 = arith.constant 1 : i32
    scf.for %scan3A_39 = %scan3A_7 to %scan3A_9 step %scan3A_10  : i32 {
      %broadcast_in_dim3A = arith.constant 0.000000e+00 : f32
      %broadcast_in_dim3A_40 = vector.broadcast %broadcast_in_dim3A : f32 to vector<16xf32>
      %swap3A = arith.constant 0 : i32
      %swap3A_41 = arith.index_cast %swap3A : i32 to index
      %swap3A_42 = arith.index_cast %scan3A_39 : i32 to index
      %swap3A_43 = arith.constant 0 : index
      %swap3A_44 = tpu.vector_load %arg8[%swap3A_41, %swap3A_42, %swap3A_43] {strides = array<i32>} : memref<2x128x128xf32, #tpu.memory_space<vmem>>, vector<1x1x16xf32>,
      %swap3A_45 = vector.shape_cast %swap3A_44 : vector<1x1x16xf32> to vector<16xf32>
      %swap3A_46 = vector.shape_cast %broadcast_in_dim3A_40 : vector<16xf32> to vector<1x1x16xf32>
      tpu.vector_store %arg8[%swap3A_41, %swap3A_42, %swap3A_43], %swap3A_46 {strides = array<i32>} : memref<2x128x128xf32, #tpu.memory_space<vmem>>, vector<1x1x16xf32>,
      %broadcast_in_dim3A_47 = arith.constant 0.000000e+00 : f32
      %broadcast_in_dim3A_48 = vector.broadcast %broadcast_in_dim3A_47 : f32 to vector<16xf32>
      %swap3A_49 = arith.constant 0 : i32
      %swap3A_50 = arith.index_cast %swap3A_49 : i32 to index
      %swap3A_51 = arith.index_cast %scan3A_39 : i32 to index
      %swap3A_52 = arith.constant 16 : index
      %swap3A_53 = tpu.vector_load %arg8[%swap3A_50, %swap3A_51, %swap3A_52] {strides = array<i32>} : memref<2x128x128xf32, #tpu.memory_space<vmem>>, vector<1x1x16xf32>,
      %swap3A_54 = vector.shape_cast %swap3A_53 : vector<1x1x16xf32> to vector<16xf32>
      %swap3A_55 = vector.shape_cast %broadcast_in_dim3A_48 : vector<16xf32> to vector<1x1x16xf32>
      tpu.vector_store %arg8[%swap3A_50, %swap3A_51, %swap3A_52], %swap3A_55 {strides = array<i32>} : memref<2x128x128xf32, #tpu.memory_space<vmem>>, vector<1x1x16xf32>,
      %broadcast_in_dim3A_56 = arith.constant 0.000000e+00 : f32
      %broadcast_in_dim3A_57 = vector.broadcast %broadcast_in_dim3A_56 : f32 to vector<16xf32>
      %swap3A_58 = arith.constant 0 : i32
      %swap3A_59 = arith.index_cast %swap3A_58 : i32 to index
      %swap3A_60 = arith.index_cast %scan3A_39 : i32 to index
      %swap3A_61 = arith.constant 32 : index
      %swap3A_62 = tpu.vector_load %arg8[%swap3A_59, %swap3A_60, %swap3A_61] {strides = array<i32>} : memref<2x128x128xf32, #tpu.memory_space<vmem>>, vector<1x1x16xf32>,
      %swap3A_63 = vector.shape_cast %swap3A_62 : vector<1x1x16xf32> to vector<16xf32>
      %swap3A_64 = vector.shape_cast %broadcast_in_dim3A_57 : vector<16xf32> to vector<1x1x16xf32>
      tpu.vector_store %arg8[%swap3A_59, %swap3A_60, %swap3A_61], %swap3A_64 {strides = array<i32>} : memref<2x128x128xf32, #tpu.memory_space<vmem>>, vector<1x1x16xf32>,
      %broadcast_in_dim3A_65 = arith.constant 0.000000e+00 : f32
      %broadcast_in_dim3A_66 = vector.broadcast %broadcast_in_dim3A_65 : f32 to vector<16xf32>
      %swap3A_67 = arith.constant 0 : i32
      %swap3A_68 = arith.index_cast %swap3A_67 : i32 to index
      %swap3A_69 = arith.index_cast %scan3A_39 : i32 to index
      %swap3A_70 = arith.constant 48 : index
      %swap3A_71 = tpu.vector_load %arg8[%swap3A_68, %swap3A_69, %swap3A_70] {strides = array<i32>} : memref<2x128x128xf32, #tpu.memory_space<vmem>>, vector<1x1x16xf32>,
      %swap3A_72 = vector.shape_cast %swap3A_71 : vector<1x1x16xf32> to vector<16xf32>
      %swap3A_73 = vector.shape_cast %broadcast_in_dim3A_66 : vector<16xf32> to vector<1x1x16xf32>
      tpu.vector_store %arg8[%swap3A_68, %swap3A_69, %swap3A_70], %swap3A_73 {strides = array<i32>} : memref<2x128x128xf32, #tpu.memory_space<vmem>>, vector<1x1x16xf32>,
      %broadcast_in_dim3A_74 = arith.constant 0.000000e+00 : f32
      %broadcast_in_dim3A_75 = vector.broadcast %broadcast_in_dim3A_74 : f32 to vector<16xf32>
      %swap3A_76 = arith.constant 0 : i32
      %swap3A_77 = arith.index_cast %swap3A_76 : i32 to index
      %swap3A_78 = arith.index_cast %scan3A_39 : i32 to index
      %swap3A_79 = arith.constant 64 : index
      %swap3A_80 = tpu.vector_load %arg8[%swap3A_77, %swap3A_78, %swap3A_79] {strides = array<i32>} : memref<2x128x128xf32, #tpu.memory_space<vmem>>, vector<1x1x16xf32>,
      %swap3A_81 = vector.shape_cast %swap3A_80 : vector<1x1x16xf32> to vector<16xf32>
      %swap3A_82 = vector.shape_cast %broadcast_in_dim3A_75 : vector<16xf32> to vector<1x1x16xf32>
      tpu.vector_store %arg8[%swap3A_77, %swap3A_78, %swap3A_79], %swap3A_82 {strides = array<i32>} : memref<2x128x128xf32, #tpu.memory_space<vmem>>, vector<1x1x16xf32>,
      %broadcast_in_dim3A_83 = arith.constant 0.000000e+00 : f32
      %broadcast_in_dim3A_84 = vector.broadcast %broadcast_in_dim3A_83 : f32 to vector<16xf32>
      %swap3A_85 = arith.constant 0 : i32
      %swap3A_86 = arith.index_cast %swap3A_85 : i32 to index
      %swap3A_87 = arith.index_cast %scan3A_39 : i32 to index
      %swap3A_88 = arith.constant 80 : index
      %swap3A_89 = tpu.vector_load %arg8[%swap3A_86, %swap3A_87, %swap3A_88] {strides = array<i32>} : memref<2x128x128xf32, #tpu.memory_space<vmem>>, vector<1x1x16xf32>,
      %swap3A_90 = vector.shape_cast %swap3A_89 : vector<1x1x16xf32> to vector<16xf32>
      %swap3A_91 = vector.shape_cast %broadcast_in_dim3A_84 : vector<16xf32> to vector<1x1x16xf32>
      tpu.vector_store %arg8[%swap3A_86, %swap3A_87, %swap3A_88], %swap3A_91 {strides = array<i32>} : memref<2x128x128xf32, #tpu.memory_space<vmem>>, vector<1x1x16xf32>,
      %broadcast_in_dim3A_92 = arith.constant 0.000000e+00 : f32
      %broadcast_in_dim3A_93 = vector.broadcast %broadcast_in_dim3A_92 : f32 to vector<16xf32>
      %swap3A_94 = arith.constant 0 : i32
      %swap3A_95 = arith.index_cast %swap3A_94 : i32 to index
      %swap3A_96 = arith.index_cast %scan3A_39 : i32 to index
      %swap3A_97 = arith.constant 96 : index
      %swap3A_98 = tpu.vector_load %arg8[%swap3A_95, %swap3A_96, %swap3A_97] {strides = array<i32>} : memref<2x128x128xf32, #tpu.memory_space<vmem>>, vector<1x1x16xf32>,
      %swap3A_99 = vector.shape_cast %swap3A_98 : vector<1x1x16xf32> to vector<16xf32>
      %swap3A_100 = vector.shape_cast %broadcast_in_dim3A_93 : vector<16xf32> to vector<1x1x16xf32>
      tpu.vector_store %arg8[%swap3A_95, %swap3A_96, %swap3A_97], %swap3A_100 {strides = array<i32>} : memref<2x128x128xf32, #tpu.memory_space<vmem>>, vector<1x1x16xf32>,
      %broadcast_in_dim3A_101 = arith.constant 0.000000e+00 : f32
      %broadcast_in_dim3A_102 = vector.broadcast %broadcast_in_dim3A_101 : f32 to vector<16xf32>
      %swap3A_103 = arith.constant 0 : i32
      %swap3A_104 = arith.index_cast %swap3A_103 : i32 to index
      %swap3A_105 = arith.index_cast %scan3A_39 : i32 to index
      %swap3A_106 = arith.constant 112 : index
      %swap3A_107 = tpu.vector_load %arg8[%swap3A_104, %swap3A_105, %swap3A_106] {strides = array<i32>} : memref<2x128x128xf32, #tpu.memory_space<vmem>>, vector<1x1x16xf32>,
      %swap3A_108 = vector.shape_cast %swap3A_107 : vector<1x1x16xf32> to vector<16xf32>
      %swap3A_109 = vector.shape_cast %broadcast_in_dim3A_102 : vector<16xf32> to vector<1x1x16xf32>
      tpu.vector_store %arg8[%swap3A_104, %swap3A_105, %swap3A_106], %swap3A_109 {strides = array<i32>} : memref<2x128x128xf32, #tpu.memory_space<vmem>>, vector<1x1x16xf32>,
    }
    %scan3A_11 = arith.constant 128 : i32
    %add3A_12 = arith.constant 0 : i32
    %add3A_13 = arith.addi %multiple_of3A, %add3A_12 : i32
    %multiple_of3A_14 = tpu.assume_multiple %add3A_13, 8 : i32
    %run_scoped3A_15 = arith.constant 0 : i32
    "tpu.region"() ({
      %run_scoped3A_39 = tpu.sem_alloc : memref<!tpu.dma_semaphore, #tpu.memory_space<semaphore_mem>>
      %dma_start3A = arith.constant 0 : i32
      %dma_start3A_40 = arith.constant 0 : i32
      %dma_start3A_41 = tpu.memref_slice %arg8[%run_scoped3A_15, %dma_start3A, %dma_start3A_40] : memref<2x128x128xf32, #tpu.memory_space<vmem>> -> memref<1x128x128xf32, #tpu.memory_space<vmem>>
      %dma_start3A_42 = tpu.memref_squeeze %dma_start3A_41 : memref<1x128x128xf32, #tpu.memory_space<vmem>> -> memref<128x128xf32, #tpu.memory_space<vmem>>
      %dma_start3A_43 = arith.constant 0 : i32
      %dma_start3A_44 = tpu.memref_slice %arg9[%multiple_of3A_14, %dma_start3A_43] : memref<10112x128xf32, #tpu.memory_space<vmem_shared>> -> memref<128x128xf32, #tpu.memory_space<vmem_shared>>
      %dma_start3A_45 = arith.constant 0 : i32
      %dma_start3A_46 = tpu.memref_slice %arg9[%multiple_of3A_14, %dma_start3A_45] : memref<10112x128xf32, #tpu.memory_space<vmem_shared>> -> memref<128x128xf32, #tpu.memory_space<vmem_shared>>
      %dma_start3A_47 = arith.constant 0 : i32
      %dma_start3A_48 = arith.constant 0 : i32
      %dma_start3A_49 = tpu.memref_slice %arg8[%run_scoped3A_15, %dma_start3A_47, %dma_start3A_48] : memref<2x128x128xf32, #tpu.memory_space<vmem>> -> memref<1x128x128xf32, #tpu.memory_space<vmem>>
      %dma_start3A_50 = tpu.memref_squeeze %dma_start3A_49 : memref<1x128x128xf32, #tpu.memory_space<vmem>> -> memref<128x128xf32, #tpu.memory_space<vmem>>
      tpu.enqueue_dma source(%dma_start3A_50 : memref<128x128xf32, #tpu.memory_space<vmem>>) target(%dma_start3A_46 : memref<128x128xf32, #tpu.memory_space<vmem_shared>>) target_semaphore(%run_scoped3A_39 : memref<!tpu.dma_semaphore, #tpu.memory_space<semaphore_mem>>)
      %dma_wait3A = arith.constant 0 : i32
      %dma_wait3A_51 = arith.constant 0 : i32
      %dma_wait3A_52 = tpu.memref_slice %arg8[%run_scoped3A_15, %dma_wait3A, %dma_wait3A_51] : memref<2x128x128xf32, #tpu.memory_space<vmem>> -> memref<1x128x128xf32, #tpu.memory_space<vmem>>
      %dma_wait3A_53 = tpu.memref_squeeze %dma_wait3A_52 : memref<1x128x128xf32, #tpu.memory_space<vmem>> -> memref<128x128xf32, #tpu.memory_space<vmem>>
      %dma_wait3A_54 = arith.constant 0 : i32
      %dma_wait3A_55 = tpu.memref_slice %arg9[%multiple_of3A_14, %dma_wait3A_54] : memref<10112x128xf32, #tpu.memory_space<vmem_shared>> -> memref<128x128xf32, #tpu.memory_space<vmem_shared>>
      %dma_wait3A_56 = arith.constant 0 : i32
      %dma_wait3A_57 = tpu.memref_slice %arg9[%multiple_of3A_14, %dma_wait3A_56] : memref<10112x128xf32, #tpu.memory_space<vmem_shared>> -> memref<128x128xf32, #tpu.memory_space<vmem_shared>>
      %dma_wait3A_58 = arith.constant 0 : i32
      %dma_wait3A_59 = arith.constant 0 : i32
      %dma_wait3A_60 = tpu.memref_slice %arg8[%run_scoped3A_15, %dma_wait3A_58, %dma_wait3A_59] : memref<2x128x128xf32, #tpu.memory_space<vmem>> -> memref<1x128x128xf32, #tpu.memory_space<vmem>>
      %dma_wait3A_61 = tpu.memref_squeeze %dma_wait3A_60 : memref<1x128x128xf32, #tpu.memory_space<vmem>> -> memref<128x128xf32, #tpu.memory_space<vmem>>
      tpu.wait_dma2 semaphore(%run_scoped3A_39 : memref<!tpu.dma_semaphore, #tpu.memory_space<semaphore_mem>>) src(%dma_wait3A_61 : memref<128x128xf32, #tpu.memory_space<vmem>>) dst(%dma_wait3A_57 : memref<128x128xf32, #tpu.memory_space<vmem_shared>>)
      tpu.yield
    }) : () -> ()
    %add3A_16 = arith.constant 128 : i32
    %add3A_17 = arith.addi %multiple_of3A, %add3A_16 : i32
    %multiple_of3A_18 = tpu.assume_multiple %add3A_17, 8 : i32
    %run_scoped3A_19 = arith.constant 0 : i32
    "tpu.region"() ({
      %run_scoped3A_39 = tpu.sem_alloc : memref<!tpu.dma_semaphore, #tpu.memory_space<semaphore_mem>>
      %dma_start3A = arith.constant 0 : i32
      %dma_start3A_40 = arith.constant 0 : i32
      %dma_start3A_41 = tpu.memref_slice %arg8[%run_scoped3A_19, %dma_start3A, %dma_start3A_40] : memref<2x128x128xf32, #tpu.memory_space<vmem>> -> memref<1x128x128xf32, #tpu.memory_space<vmem>>
      %dma_start3A_42 = tpu.memref_squeeze %dma_start3A_41 : memref<1x128x128xf32, #tpu.memory_space<vmem>> -> memref<128x128xf32, #tpu.memory_space<vmem>>
      %dma_start3A_43 = arith.constant 0 : i32
      %dma_start3A_44 = tpu.memref_slice %arg9[%multiple_of3A_18, %dma_start3A_43] : memref<10112x128xf32, #tpu.memory_space<vmem_shared>> -> memref<128x128xf32, #tpu.memory_space<vmem_shared>>
      %dma_start3A_45 = arith.constant 0 : i32
      %dma_start3A_46 = tpu.memref_slice %arg9[%multiple_of3A_18, %dma_start3A_45] : memref<10112x128xf32, #tpu.memory_space<vmem_shared>> -> memref<128x128xf32, #tpu.memory_space<vmem_shared>>
      %dma_start3A_47 = arith.constant 0 : i32
      %dma_start3A_48 = arith.constant 0 : i32
      %dma_start3A_49 = tpu.memref_slice %arg8[%run_scoped3A_19, %dma_start3A_47, %dma_start3A_48] : memref<2x128x128xf32, #tpu.memory_space<vmem>> -> memref<1x128x128xf32, #tpu.memory_space<vmem>>
      %dma_start3A_50 = tpu.memref_squeeze %dma_start3A_49 : memref<1x128x128xf32, #tpu.memory_space<vmem>> -> memref<128x128xf32, #tpu.memory_space<vmem>>
      tpu.enqueue_dma source(%dma_start3A_50 : memref<128x128xf32, #tpu.memory_space<vmem>>) target(%dma_start3A_46 : memref<128x128xf32, #tpu.memory_space<vmem_shared>>) target_semaphore(%run_scoped3A_39 : memref<!tpu.dma_semaphore, #tpu.memory_space<semaphore_mem>>)
      %dma_wait3A = arith.constant 0 : i32
      %dma_wait3A_51 = arith.constant 0 : i32
      %dma_wait3A_52 = tpu.memref_slice %arg8[%run_scoped3A_19, %dma_wait3A, %dma_wait3A_51] : memref<2x128x128xf32, #tpu.memory_space<vmem>> -> memref<1x128x128xf32, #tpu.memory_space<vmem>>
      %dma_wait3A_53 = tpu.memref_squeeze %dma_wait3A_52 : memref<1x128x128xf32, #tpu.memory_space<vmem>> -> memref<128x128xf32, #tpu.memory_space<vmem>>
      %dma_wait3A_54 = arith.constant 0 : i32
      %dma_wait3A_55 = tpu.memref_slice %arg9[%multiple_of3A_18, %dma_wait3A_54] : memref<10112x128xf32, #tpu.memory_space<vmem_shared>> -> memref<128x128xf32, #tpu.memory_space<vmem_shared>>
      %dma_wait3A_56 = arith.constant 0 : i32
      %dma_wait3A_57 = tpu.memref_slice %arg9[%multiple_of3A_18, %dma_wait3A_56] : memref<10112x128xf32, #tpu.memory_space<vmem_shared>> -> memref<128x128xf32, #tpu.memory_space<vmem_shared>>
      %dma_wait3A_58 = arith.constant 0 : i32
      %dma_wait3A_59 = arith.constant 0 : i32
      %dma_wait3A_60 = tpu.memref_slice %arg8[%run_scoped3A_19, %dma_wait3A_58, %dma_wait3A_59] : memref<2x128x128xf32, #tpu.memory_space<vmem>> -> memref<1x128x128xf32, #tpu.memory_space<vmem>>
      %dma_wait3A_61 = tpu.memref_squeeze %dma_wait3A_60 : memref<1x128x128xf32, #tpu.memory_space<vmem>> -> memref<128x128xf32, #tpu.memory_space<vmem>>
      tpu.wait_dma2 semaphore(%run_scoped3A_39 : memref<!tpu.dma_semaphore, #tpu.memory_space<semaphore_mem>>) src(%dma_wait3A_61 : memref<128x128xf32, #tpu.memory_space<vmem>>) dst(%dma_wait3A_57 : memref<128x128xf32, #tpu.memory_space<vmem_shared>>)
      tpu.yield
    }) : () -> ()
    %add3A_20 = arith.constant 256 : i32
    %add3A_21 = arith.addi %multiple_of3A, %add3A_20 : i32
    %multiple_of3A_22 = tpu.assume_multiple %add3A_21, 8 : i32
    %run_scoped3A_23 = arith.constant 0 : i32
    "tpu.region"() ({
      %run_scoped3A_39 = tpu.sem_alloc : memref<!tpu.dma_semaphore, #tpu.memory_space<semaphore_mem>>
      %dma_start3A = arith.constant 0 : i32
      %dma_start3A_40 = arith.constant 0 : i32
      %dma_start3A_41 = tpu.memref_slice %arg8[%run_scoped3A_23, %dma_start3A, %dma_start3A_40] : memref<2x128x128xf32, #tpu.memory_space<vmem>> -> memref<1x128x128xf32, #tpu.memory_space<vmem>>
      %dma_start3A_42 = tpu.memref_squeeze %dma_start3A_41 : memref<1x128x128xf32, #tpu.memory_space<vmem>> -> memref<128x128xf32, #tpu.memory_space<vmem>>
      %dma_start3A_43 = arith.constant 0 : i32
      %dma_start3A_44 = tpu.memref_slice %arg9[%multiple_of3A_22, %dma_start3A_43] : memref<10112x128xf32, #tpu.memory_space<vmem_shared>> -> memref<128x128xf32, #tpu.memory_space<vmem_shared>>
      %dma_start3A_45 = arith.constant 0 : i32
      %dma_start3A_46 = tpu.memref_slice %arg9[%multiple_of3A_22, %dma_start3A_45] : memref<10112x128xf32, #tpu.memory_space<vmem_shared>> -> memref<128x128xf32, #tpu.memory_space<vmem_shared>>
      %dma_start3A_47 = arith.constant 0 : i32
      %dma_start3A_48 = arith.constant 0 : i32
      %dma_start3A_49 = tpu.memref_slice %arg8[%run_scoped3A_23, %dma_start3A_47, %dma_start3A_48] : memref<2x128x128xf32, #tpu.memory_space<vmem>> -> memref<1x128x128xf32, #tpu.memory_space<vmem>>
      %dma_start3A_50 = tpu.memref_squeeze %dma_start3A_49 : memref<1x128x128xf32, #tpu.memory_space<vmem>> -> memref<128x128xf32, #tpu.memory_space<vmem>>
      tpu.enqueue_dma source(%dma_start3A_50 : memref<128x128xf32, #tpu.memory_space<vmem>>) target(%dma_start3A_46 : memref<128x128xf32, #tpu.memory_space<vmem_shared>>) target_semaphore(%run_scoped3A_39 : memref<!tpu.dma_semaphore, #tpu.memory_space<semaphore_mem>>)
      %dma_wait3A = arith.constant 0 : i32
      %dma_wait3A_51 = arith.constant 0 : i32
      %dma_wait3A_52 = tpu.memref_slice %arg8[%run_scoped3A_23, %dma_wait3A, %dma_wait3A_51] : memref<2x128x128xf32, #tpu.memory_space<vmem>> -> memref<1x128x128xf32, #tpu.memory_space<vmem>>
      %dma_wait3A_53 = tpu.memref_squeeze %dma_wait3A_52 : memref<1x128x128xf32, #tpu.memory_space<vmem>> -> memref<128x128xf32, #tpu.memory_space<vmem>>
      %dma_wait3A_54 = arith.constant 0 : i32
      %dma_wait3A_55 = tpu.memref_slice %arg9[%multiple_of3A_22, %dma_wait3A_54] : memref<10112x128xf32, #tpu.memory_space<vmem_shared>> -> memref<128x128xf32, #tpu.memory_space<vmem_shared>>
      %dma_wait3A_56 = arith.constant 0 : i32
      %dma_wait3A_57 = tpu.memref_slice %arg9[%multiple_of3A_22, %dma_wait3A_56] : memref<10112x128xf32, #tpu.memory_space<vmem_shared>> -> memref<128x128xf32, #tpu.memory_space<vmem_shared>>
      %dma_wait3A_58 = arith.constant 0 : i32
      %dma_wait3A_59 = arith.constant 0 : i32
      %dma_wait3A_60 = tpu.memref_slice %arg8[%run_scoped3A_23, %dma_wait3A_58, %dma_wait3A_59] : memref<2x128x128xf32, #tpu.memory_space<vmem>> -> memref<1x128x128xf32, #tpu.memory_space<vmem>>
      %dma_wait3A_61 = tpu.memref_squeeze %dma_wait3A_60 : memref<1x128x128xf32, #tpu.memory_space<vmem>> -> memref<128x128xf32, #tpu.memory_space<vmem>>
      tpu.wait_dma2 semaphore(%run_scoped3A_39 : memref<!tpu.dma_semaphore, #tpu.memory_space<semaphore_mem>>) src(%dma_wait3A_61 : memref<128x128xf32, #tpu.memory_space<vmem>>) dst(%dma_wait3A_57 : memref<128x128xf32, #tpu.memory_space<vmem_shared>>)
      tpu.yield
    }) : () -> ()
    %add3A_24 = arith.constant 384 : i32
    %add3A_25 = arith.addi %multiple_of3A, %add3A_24 : i32
    %multiple_of3A_26 = tpu.assume_multiple %add3A_25, 8 : i32
    %run_scoped3A_27 = arith.constant 0 : i32
    "tpu.region"() ({
      %run_scoped3A_39 = tpu.sem_alloc : memref<!tpu.dma_semaphore, #tpu.memory_space<semaphore_mem>>
      %dma_start3A = arith.constant 0 : i32
      %dma_start3A_40 = arith.constant 0 : i32
      %dma_start3A_41 = tpu.memref_slice %arg8[%run_scoped3A_27, %dma_start3A, %dma_start3A_40] : memref<2x128x128xf32, #tpu.memory_space<vmem>> -> memref<1x128x128xf32, #tpu.memory_space<vmem>>
      %dma_start3A_42 = tpu.memref_squeeze %dma_start3A_41 : memref<1x128x128xf32, #tpu.memory_space<vmem>> -> memref<128x128xf32, #tpu.memory_space<vmem>>
      %dma_start3A_43 = arith.constant 0 : i32
      %dma_start3A_44 = tpu.memref_slice %arg9[%multiple_of3A_26, %dma_start3A_43] : memref<10112x128xf32, #tpu.memory_space<vmem_shared>> -> memref<128x128xf32, #tpu.memory_space<vmem_shared>>
      %dma_start3A_45 = arith.constant 0 : i32
      %dma_start3A_46 = tpu.memref_slice %arg9[%multiple_of3A_26, %dma_start3A_45] : memref<10112x128xf32, #tpu.memory_space<vmem_shared>> -> memref<128x128xf32, #tpu.memory_space<vmem_shared>>
      %dma_start3A_47 = arith.constant 0 : i32
      %dma_start3A_48 = arith.constant 0 : i32
      %dma_start3A_49 = tpu.memref_slice %arg8[%run_scoped3A_27, %dma_start3A_47, %dma_start3A_48] : memref<2x128x128xf32, #tpu.memory_space<vmem>> -> memref<1x128x128xf32, #tpu.memory_space<vmem>>
      %dma_start3A_50 = tpu.memref_squeeze %dma_start3A_49 : memref<1x128x128xf32, #tpu.memory_space<vmem>> -> memref<128x128xf32, #tpu.memory_space<vmem>>
      tpu.enqueue_dma source(%dma_start3A_50 : memref<128x128xf32, #tpu.memory_space<vmem>>) target(%dma_start3A_46 : memref<128x128xf32, #tpu.memory_space<vmem_shared>>) target_semaphore(%run_scoped3A_39 : memref<!tpu.dma_semaphore, #tpu.memory_space<semaphore_mem>>)
      %dma_wait3A = arith.constant 0 : i32
      %dma_wait3A_51 = arith.constant 0 : i32
      %dma_wait3A_52 = tpu.memref_slice %arg8[%run_scoped3A_27, %dma_wait3A, %dma_wait3A_51] : memref<2x128x128xf32, #tpu.memory_space<vmem>> -> memref<1x128x128xf32, #tpu.memory_space<vmem>>
      %dma_wait3A_53 = tpu.memref_squeeze %dma_wait3A_52 : memref<1x128x128xf32, #tpu.memory_space<vmem>> -> memref<128x128xf32, #tpu.memory_space<vmem>>
      %dma_wait3A_54 = arith.constant 0 : i32
      %dma_wait3A_55 = tpu.memref_slice %arg9[%multiple_of3A_26, %dma_wait3A_54] : memref<10112x128xf32, #tpu.memory_space<vmem_shared>> -> memref<128x128xf32, #tpu.memory_space<vmem_shared>>
      %dma_wait3A_56 = arith.constant 0 : i32
      %dma_wait3A_57 = tpu.memref_slice %arg9[%multiple_of3A_26, %dma_wait3A_56] : memref<10112x128xf32, #tpu.memory_space<vmem_shared>> -> memref<128x128xf32, #tpu.memory_space<vmem_shared>>
      %dma_wait3A_58 = arith.constant 0 : i32
      %dma_wait3A_59 = arith.constant 0 : i32
      %dma_wait3A_60 = tpu.memref_slice %arg8[%run_scoped3A_27, %dma_wait3A_58, %dma_wait3A_59] : memref<2x128x128xf32, #tpu.memory_space<vmem>> -> memref<1x128x128xf32, #tpu.memory_space<vmem>>
      %dma_wait3A_61 = tpu.memref_squeeze %dma_wait3A_60 : memref<1x128x128xf32, #tpu.memory_space<vmem>> -> memref<128x128xf32, #tpu.memory_space<vmem>>
      tpu.wait_dma2 semaphore(%run_scoped3A_39 : memref<!tpu.dma_semaphore, #tpu.memory_space<semaphore_mem>>) src(%dma_wait3A_61 : memref<128x128xf32, #tpu.memory_space<vmem>>) dst(%dma_wait3A_57 : memref<128x128xf32, #tpu.memory_space<vmem_shared>>)
      tpu.yield
    }) : () -> ()
    %add3A_28 = arith.constant 512 : i32
    %add3A_29 = arith.addi %multiple_of3A, %add3A_28 : i32
    %multiple_of3A_30 = tpu.assume_multiple %add3A_29, 8 : i32
    %run_scoped3A_31 = arith.constant 0 : i32
    "tpu.region"() ({
      %run_scoped3A_39 = tpu.sem_alloc : memref<!tpu.dma_semaphore, #tpu.memory_space<semaphore_mem>>
      %dma_start3A = arith.constant 0 : i32
      %dma_start3A_40 = arith.constant 0 : i32
      %dma_start3A_41 = tpu.memref_slice %arg8[%run_scoped3A_31, %dma_start3A, %dma_start3A_40] : memref<2x128x128xf32, #tpu.memory_space<vmem>> -> memref<1x120x128xf32, #tpu.memory_space<vmem>>
      %dma_start3A_42 = tpu.memref_squeeze %dma_start3A_41 : memref<1x120x128xf32, #tpu.memory_space<vmem>> -> memref<120x128xf32, #tpu.memory_space<vmem>>
      %dma_start3A_43 = arith.constant 0 : i32
      %dma_start3A_44 = tpu.memref_slice %arg9[%multiple_of3A_30, %dma_start3A_43] : memref<10112x128xf32, #tpu.memory_space<vmem_shared>> -> memref<120x128xf32, #tpu.memory_space<vmem_shared>>
      %dma_start3A_45 = arith.constant 0 : i32
      %dma_start3A_46 = tpu.memref_slice %arg9[%multiple_of3A_30, %dma_start3A_45] : memref<10112x128xf32, #tpu.memory_space<vmem_shared>> -> memref<120x128xf32, #tpu.memory_space<vmem_shared>>
      %dma_start3A_47 = arith.constant 0 : i32
      %dma_start3A_48 = arith.constant 0 : i32
      %dma_start3A_49 = tpu.memref_slice %arg8[%run_scoped3A_31, %dma_start3A_47, %dma_start3A_48] : memref<2x128x128xf32, #tpu.memory_space<vmem>> -> memref<1x120x128xf32, #tpu.memory_space<vmem>>
      %dma_start3A_50 = tpu.memref_squeeze %dma_start3A_49 : memref<1x120x128xf32, #tpu.memory_space<vmem>> -> memref<120x128xf32, #tpu.memory_space<vmem>>
      tpu.enqueue_dma source(%dma_start3A_50 : memref<120x128xf32, #tpu.memory_space<vmem>>) target(%dma_start3A_46 : memref<120x128xf32, #tpu.memory_space<vmem_shared>>) target_semaphore(%run_scoped3A_39 : memref<!tpu.dma_semaphore, #tpu.memory_space<semaphore_mem>>)
      %dma_wait3A = arith.constant 0 : i32
      %dma_wait3A_51 = arith.constant 0 : i32
      %dma_wait3A_52 = tpu.memref_slice %arg8[%run_scoped3A_31, %dma_wait3A, %dma_wait3A_51] : memref<2x128x128xf32, #tpu.memory_space<vmem>> -> memref<1x120x128xf32, #tpu.memory_space<vmem>>
      %dma_wait3A_53 = tpu.memref_squeeze %dma_wait3A_52 : memref<1x120x128xf32, #tpu.memory_space<vmem>> -> memref<120x128xf32, #tpu.memory_space<vmem>>
      %dma_wait3A_54 = arith.constant 0 : i32
      %dma_wait3A_55 = tpu.memref_slice %arg9[%multiple_of3A_30, %dma_wait3A_54] : memref<10112x128xf32, #tpu.memory_space<vmem_shared>> -> memref<120x128xf32, #tpu.memory_space<vmem_shared>>
      %dma_wait3A_56 = arith.constant 0 : i32
      %dma_wait3A_57 = tpu.memref_slice %arg9[%multiple_of3A_30, %dma_wait3A_56] : memref<10112x128xf32, #tpu.memory_space<vmem_shared>> -> memref<120x128xf32, #tpu.memory_space<vmem_shared>>
      %dma_wait3A_58 = arith.constant 0 : i32
      %dma_wait3A_59 = arith.constant 0 : i32
      %dma_wait3A_60 = tpu.memref_slice %arg8[%run_scoped3A_31, %dma_wait3A_58, %dma_wait3A_59] : memref<2x128x128xf32, #tpu.memory_space<vmem>> -> memref<1x120x128xf32, #tpu.memory_space<vmem>>
      %dma_wait3A_61 = tpu.memref_squeeze %dma_wait3A_60 : memref<1x120x128xf32, #tpu.memory_space<vmem>> -> memref<120x128xf32, #tpu.memory_space<vmem>>
      tpu.wait_dma2 semaphore(%run_scoped3A_39 : memref<!tpu.dma_semaphore, #tpu.memory_space<semaphore_mem>>) src(%dma_wait3A_61 : memref<120x128xf32, #tpu.memory_space<vmem>>) dst(%dma_wait3A_57 : memref<120x128xf32, #tpu.memory_space<vmem_shared>>)
      tpu.yield
    }) : () -> ()
    %barrier3A = arith.constant 0 : index
    tpu.barrier barrier_id(%barrier3A)
    %scan3A_32 = arith.constant 0 : i32
    %scan3A_33 = arith.constant 0 : i32
    %scan3A_34 = arith.constant 10 : i32
    %scan3A_35 = arith.addi %scan3A_33, %scan3A_34 : i32
    %scan3A_36 = arith.constant 1 : i32
    scf.for %scan3A_39 = %scan3A_33 to %scan3A_35 step %scan3A_36  : i32 {
      %mul3A_40 = arith.constant 8 : i32
      %mul3A_41 = arith.muli %scan3A_39, %mul3A_40 : i32
      %add3A_42 = arith.addi %mul3A_4, %mul3A_41 : i32
      %multiple_of3A_43 = tpu.assume_multiple %add3A_42, 8 : i32
      %run_scoped3A_44 = arith.constant 0 : i32
      "tpu.region"() ({
        %run_scoped3A_492 = tpu.sem_alloc : memref<!tpu.dma_semaphore, #tpu.memory_space<semaphore_mem>>
        %dma_start3A_493 = arith.constant 0 : i32
        %dma_start3A_494 = arith.constant 0 : i32
        %dma_start3A_495 = tpu.memref_slice %arg6[%run_scoped3A_44, %dma_start3A_493, %dma_start3A_494] : memref<2x8x128xi32, #tpu.memory_space<vmem>> -> memref<1x8x128xi32, #tpu.memory_space<vmem>>
        %dma_start3A_496 = tpu.memref_squeeze %dma_start3A_495 : memref<1x8x128xi32, #tpu.memory_space<vmem>> -> memref<8x128xi32, #tpu.memory_space<vmem>>
        %dma_start3A_497 = arith.constant 0 : i32
        %dma_start3A_498 = tpu.memref_slice %arg3[%multiple_of3A_43, %dma_start3A_497] : memref<2560x128xi32, #tpu.memory_space<hbm>> -> memref<8x128xi32, #tpu.memory_space<hbm>>
        %dma_start3A_499 = arith.constant 0 : i32
        %dma_start3A_500 = arith.constant 0 : i32
        %dma_start3A_501 = tpu.memref_slice %arg6[%run_scoped3A_44, %dma_start3A_499, %dma_start3A_500] : memref<2x8x128xi32, #tpu.memory_space<vmem>> -> memref<1x8x128xi32, #tpu.memory_space<vmem>>
        %dma_start3A_502 = tpu.memref_squeeze %dma_start3A_501 : memref<1x8x128xi32, #tpu.memory_space<vmem>> -> memref<8x128xi32, #tpu.memory_space<vmem>>
        %dma_start3A_503 = arith.constant 0 : i32
        %dma_start3A_504 = tpu.memref_slice %arg3[%multiple_of3A_43, %dma_start3A_503] : memref<2560x128xi32, #tpu.memory_space<hbm>> -> memref<8x128xi32, #tpu.memory_space<hbm>>
        tpu.enqueue_dma source(%dma_start3A_504 : memref<8x128xi32, #tpu.memory_space<hbm>>) target(%dma_start3A_502 : memref<8x128xi32, #tpu.memory_space<vmem>>) target_semaphore(%run_scoped3A_492 : memref<!tpu.dma_semaphore, #tpu.memory_space<semaphore_mem>>)
        %dma_wait3A_505 = arith.constant 0 : i32
        %dma_wait3A_506 = arith.constant 0 : i32
        %dma_wait3A_507 = tpu.memref_slice %arg6[%run_scoped3A_44, %dma_wait3A_505, %dma_wait3A_506] : memref<2x8x128xi32, #tpu.memory_space<vmem>> -> memref<1x8x128xi32, #tpu.memory_space<vmem>>
        %dma_wait3A_508 = tpu.memref_squeeze %dma_wait3A_507 : memref<1x8x128xi32, #tpu.memory_space<vmem>> -> memref<8x128xi32, #tpu.memory_space<vmem>>
        %dma_wait3A_509 = arith.constant 0 : i32
        %dma_wait3A_510 = tpu.memref_slice %arg3[%multiple_of3A_43, %dma_wait3A_509] : memref<2560x128xi32, #tpu.memory_space<hbm>> -> memref<8x128xi32, #tpu.memory_space<hbm>>
        %dma_wait3A_511 = arith.constant 0 : i32
        %dma_wait3A_512 = arith.constant 0 : i32
        %dma_wait3A_513 = tpu.memref_slice %arg6[%run_scoped3A_44, %dma_wait3A_511, %dma_wait3A_512] : memref<2x8x128xi32, #tpu.memory_space<vmem>> -> memref<1x8x128xi32, #tpu.memory_space<vmem>>
        %dma_wait3A_514 = tpu.memref_squeeze %dma_wait3A_513 : memref<1x8x128xi32, #tpu.memory_space<vmem>> -> memref<8x128xi32, #tpu.memory_space<vmem>>
        %dma_wait3A_515 = arith.constant 0 : i32
        %dma_wait3A_516 = tpu.memref_slice %arg3[%multiple_of3A_43, %dma_wait3A_515] : memref<2560x128xi32, #tpu.memory_space<hbm>> -> memref<8x128xi32, #tpu.memory_space<hbm>>
        tpu.wait_dma2 semaphore(%run_scoped3A_492 : memref<!tpu.dma_semaphore, #tpu.memory_space<semaphore_mem>>) src(%dma_wait3A_516 : memref<8x128xi32, #tpu.memory_space<hbm>>) dst(%dma_wait3A_514 : memref<8x128xi32, #tpu.memory_space<vmem>>)
        tpu.yield
      }) : () -> ()
      %run_scoped3A_45 = arith.constant 0 : i32
      "tpu.region"() ({
        %run_scoped3A_492 = tpu.sem_alloc : memref<!tpu.dma_semaphore, #tpu.memory_space<semaphore_mem>>
        %dma_start3A_493 = arith.constant 0 : i32
        %dma_start3A_494 = arith.constant 0 : i32
        %dma_start3A_495 = tpu.memref_slice %arg7[%run_scoped3A_45, %dma_start3A_493, %dma_start3A_494] : memref<2x8x128xi32, #tpu.memory_space<vmem>> -> memref<1x8x128xi32, #tpu.memory_space<vmem>>
        %dma_start3A_496 = tpu.memref_squeeze %dma_start3A_495 : memref<1x8x128xi32, #tpu.memory_space<vmem>> -> memref<8x128xi32, #tpu.memory_space<vmem>>
        %dma_start3A_497 = arith.constant 0 : i32
        %dma_start3A_498 = tpu.memref_slice %arg4[%multiple_of3A_43, %dma_start3A_497] : memref<2560x128xi32, #tpu.memory_space<hbm>> -> memref<8x128xi32, #tpu.memory_space<hbm>>
        %dma_start3A_499 = arith.constant 0 : i32
        %dma_start3A_500 = arith.constant 0 : i32
        %dma_start3A_501 = tpu.memref_slice %arg7[%run_scoped3A_45, %dma_start3A_499, %dma_start3A_500] : memref<2x8x128xi32, #tpu.memory_space<vmem>> -> memref<1x8x128xi32, #tpu.memory_space<vmem>>
        %dma_start3A_502 = tpu.memref_squeeze %dma_start3A_501 : memref<1x8x128xi32, #tpu.memory_space<vmem>> -> memref<8x128xi32, #tpu.memory_space<vmem>>
        %dma_start3A_503 = arith.constant 0 : i32
        %dma_start3A_504 = tpu.memref_slice %arg4[%multiple_of3A_43, %dma_start3A_503] : memref<2560x128xi32, #tpu.memory_space<hbm>> -> memref<8x128xi32, #tpu.memory_space<hbm>>
        tpu.enqueue_dma source(%dma_start3A_504 : memref<8x128xi32, #tpu.memory_space<hbm>>) target(%dma_start3A_502 : memref<8x128xi32, #tpu.memory_space<vmem>>) target_semaphore(%run_scoped3A_492 : memref<!tpu.dma_semaphore, #tpu.memory_space<semaphore_mem>>)
        %dma_wait3A_505 = arith.constant 0 : i32
        %dma_wait3A_506 = arith.constant 0 : i32
        %dma_wait3A_507 = tpu.memref_slice %arg7[%run_scoped3A_45, %dma_wait3A_505, %dma_wait3A_506] : memref<2x8x128xi32, #tpu.memory_space<vmem>> -> memref<1x8x128xi32, #tpu.memory_space<vmem>>
        %dma_wait3A_508 = tpu.memref_squeeze %dma_wait3A_507 : memref<1x8x128xi32, #tpu.memory_space<vmem>> -> memref<8x128xi32, #tpu.memory_space<vmem>>
        %dma_wait3A_509 = arith.constant 0 : i32
        %dma_wait3A_510 = tpu.memref_slice %arg4[%multiple_of3A_43, %dma_wait3A_509] : memref<2560x128xi32, #tpu.memory_space<hbm>> -> memref<8x128xi32, #tpu.memory_space<hbm>>
        %dma_wait3A_511 = arith.constant 0 : i32
        %dma_wait3A_512 = arith.constant 0 : i32
        %dma_wait3A_513 = tpu.memref_slice %arg7[%run_scoped3A_45, %dma_wait3A_511, %dma_wait3A_512] : memref<2x8x128xi32, #tpu.memory_space<vmem>> -> memref<1x8x128xi32, #tpu.memory_space<vmem>>
        %dma_wait3A_514 = tpu.memref_squeeze %dma_wait3A_513 : memref<1x8x128xi32, #tpu.memory_space<vmem>> -> memref<8x128xi32, #tpu.memory_space<vmem>>
        %dma_wait3A_515 = arith.constant 0 : i32
        %dma_wait3A_516 = tpu.memref_slice %arg4[%multiple_of3A_43, %dma_wait3A_515] : memref<2560x128xi32, #tpu.memory_space<hbm>> -> memref<8x128xi32, #tpu.memory_space<hbm>>
        tpu.wait_dma2 semaphore(%run_scoped3A_492 : memref<!tpu.dma_semaphore, #tpu.memory_space<semaphore_mem>>) src(%dma_wait3A_516 : memref<8x128xi32, #tpu.memory_space<hbm>>) dst(%dma_wait3A_514 : memref<8x128xi32, #tpu.memory_space<vmem>>)
        tpu.yield
      }) : () -> ()
      %dma_start3A = arith.constant 0 : i32
      %dma_start3A_46 = arith.constant 0 : i32
      %dma_start3A_47 = arith.constant 0 : i32
      %dma_start3A_48 = arith.constant 0 : i32
      %dma_start3A_49 = arith.constant 0 : i32
      %dma_start3A_50 = tpu.memref_slice %arg8[%dma_start3A_47, %dma_start3A_48, %dma_start3A_49] : memref<2x128x128xf32, #tpu.memory_space<vmem>> -> memref<1x128x128xf32, #tpu.memory_space<vmem>>
      %dma_start3A_51 = tpu.memref_squeeze %dma_start3A_50 : memref<1x128x128xf32, #tpu.memory_space<vmem>> -> memref<128x128xf32, #tpu.memory_space<vmem>>
      %dma_start3A_52 = arith.constant 0 : i32
      %dma_start3A_53 = tpu.memref_slice %arg6[%dma_start3A, %dma_start3A_46, %dma_start3A_52] : memref<2x8x128xi32, #tpu.memory_space<vmem>> -> memref<1x1x128xi32, #tpu.memory_space<vmem>>
      %dma_start3A_54 = tpu.memref_squeeze %dma_start3A_53 : memref<1x1x128xi32, #tpu.memory_space<vmem>> -> memref<128xi32, #tpu.memory_space<vmem>>
      %dma_start3A_55 = arith.constant 0 : i32
      %dma_start3A_56 = arith.constant 0 : i32
      %dma_start3A_57 = tpu.memref_slice %arg2[%dma_start3A_55, %dma_start3A_56] : memref<10000x128xf32, #tpu.memory_space<hbm>> -> memref<10000x128xf32, #tpu.memory_space<hbm>>
      tpu.enqueue_indirect_dma source(%dma_start3A_57 : memref<10000x128xf32, #tpu.memory_space<hbm>>) target(%dma_start3A_51 : memref<128x128xf32, #tpu.memory_space<vmem>>) offsets(%dma_start3A_54 : memref<128xi32, #tpu.memory_space<vmem>>) semaphore(%arg10 : memref<!tpu.dma_semaphore, #tpu.memory_space<semaphore_mem>>)
      %dma_wait3A = arith.constant 0 : i32
      %dma_wait3A_58 = arith.constant 0 : i32
      %dma_wait3A_59 = arith.constant 0 : i32
      %dma_wait3A_60 = tpu.memref_slice %arg8[%dma_wait3A, %dma_wait3A_58, %dma_wait3A_59] : memref<2x128x128xf32, #tpu.memory_space<vmem>> -> memref<1x128x128xf32, #tpu.memory_space<vmem>>
      %dma_wait3A_61 = tpu.memref_squeeze %dma_wait3A_60 : memref<1x128x128xf32, #tpu.memory_space<vmem>> -> memref<128x128xf32, #tpu.memory_space<vmem>>
      %dma_wait3A_62 = arith.constant 0 : i32
      %dma_wait3A_63 = arith.constant 0 : i32
      %dma_wait3A_64 = tpu.memref_slice %arg2[%dma_wait3A_62, %dma_wait3A_63] : memref<10000x128xf32, #tpu.memory_space<hbm>> -> memref<128x128xf32, #tpu.memory_space<hbm>>
      %dma_wait3A_65 = arith.constant 0 : i32
      %dma_wait3A_66 = arith.constant 0 : i32
      %dma_wait3A_67 = tpu.memref_slice %arg8[%dma_wait3A, %dma_wait3A_65, %dma_wait3A_66] : memref<2x128x128xf32, #tpu.memory_space<vmem>> -> memref<1x128x128xf32, #tpu.memory_space<vmem>>
      %dma_wait3A_68 = tpu.memref_squeeze %dma_wait3A_67 : memref<1x128x128xf32, #tpu.memory_space<vmem>> -> memref<128x128xf32, #tpu.memory_space<vmem>>
      %dma_wait3A_69 = arith.constant 0 : i32
      %dma_wait3A_70 = arith.constant 0 : i32
      %dma_wait3A_71 = tpu.memref_slice %arg2[%dma_wait3A_69, %dma_wait3A_70] : memref<10000x128xf32, #tpu.memory_space<hbm>> -> memref<128x128xf32, #tpu.memory_space<hbm>>
      tpu.wait_dma2 semaphore(%arg10 : memref<!tpu.dma_semaphore, #tpu.memory_space<semaphore_mem>>) src(%dma_wait3A_71 : memref<128x128xf32, #tpu.memory_space<hbm>>) dst(%dma_wait3A_68 : memref<128x128xf32, #tpu.memory_space<vmem>>)
      %dma_start3A_72 = arith.constant 0 : i32
      %dma_start3A_73 = arith.constant 0 : i32
      %dma_start3A_74 = arith.constant 0 : i32
      %dma_start3A_75 = arith.constant 0 : i32
      %dma_start3A_76 = arith.constant 0 : i32
      %dma_start3A_77 = tpu.memref_slice %arg8[%dma_start3A_72, %dma_start3A_75, %dma_start3A_76] : memref<2x128x128xf32, #tpu.memory_space<vmem>> -> memref<1x128x128xf32, #tpu.memory_space<vmem>>
      %dma_start3A_78 = tpu.memref_squeeze %dma_start3A_77 : memref<1x128x128xf32, #tpu.memory_space<vmem>> -> memref<128x128xf32, #tpu.memory_space<vmem>>
      %dma_start3A_79 = arith.constant 0 : i32
      %dma_start3A_80 = tpu.memref_slice %arg7[%dma_start3A_73, %dma_start3A_74, %dma_start3A_79] : memref<2x8x128xi32, #tpu.memory_space<vmem>> -> memref<1x1x128xi32, #tpu.memory_space<vmem>>
      %dma_start3A_81 = tpu.memref_squeeze %dma_start3A_80 : memref<1x1x128xi32, #tpu.memory_space<vmem>> -> memref<128xi32, #tpu.memory_space<vmem>>
      %dma_start3A_82 = arith.constant 0 : i32
      %dma_start3A_83 = arith.constant 0 : i32
      %dma_start3A_84 = tpu.memref_slice %arg9[%dma_start3A_82, %dma_start3A_83] : memref<10112x128xf32, #tpu.memory_space<vmem_shared>> -> memref<10112x128xf32, #tpu.memory_space<vmem_shared>>
      tpu.enqueue_indirect_dma source(%dma_start3A_78 : memref<128x128xf32, #tpu.memory_space<vmem>>) target(%dma_start3A_84 : memref<10112x128xf32, #tpu.memory_space<vmem_shared>>) offsets(%dma_start3A_81 : memref<128xi32, #tpu.memory_space<vmem>>) semaphore(%arg12 : memref<!tpu.dma_semaphore, #tpu.memory_space<semaphore_mem>>) {add = true}
      %dma_wait3A_85 = arith.constant 0 : i32
      %dma_wait3A_86 = arith.constant 0 : i32
      %dma_wait3A_87 = arith.constant 0 : i32
      %dma_wait3A_88 = tpu.memref_slice %arg8[%dma_wait3A_85, %dma_wait3A_86, %dma_wait3A_87] : memref<2x128x128xf32, #tpu.memory_space<vmem>> -> memref<1x128x128xf32, #tpu.memory_space<vmem>>
      %dma_wait3A_89 = tpu.memref_squeeze %dma_wait3A_88 : memref<1x128x128xf32, #tpu.memory_space<vmem>> -> memref<128x128xf32, #tpu.memory_space<vmem>>
      %dma_wait3A_90 = arith.constant 0 : i32
      %dma_wait3A_91 = arith.constant 0 : i32
      %dma_wait3A_92 = tpu.memref_slice %arg2[%dma_wait3A_90, %dma_wait3A_91] : memref<10000x128xf32, #tpu.memory_space<hbm>> -> memref<128x128xf32, #tpu.memory_space<hbm>>
      %dma_wait3A_93 = arith.constant 0 : i32
      %dma_wait3A_94 = arith.constant 0 : i32
      %dma_wait3A_95 = tpu.memref_slice %arg8[%dma_wait3A_85, %dma_wait3A_93, %dma_wait3A_94] : memref<2x128x128xf32, #tpu.memory_space<vmem>> -> memref<1x128x128xf32, #tpu.memory_space<vmem>>
      %dma_wait3A_96 = tpu.memref_squeeze %dma_wait3A_95 : memref<1x128x128xf32, #tpu.memory_space<vmem>> -> memref<128x128xf32, #tpu.memory_space<vmem>>
      %dma_wait3A_97 = arith.constant 0 : i32
      %dma_wait3A_98 = arith.constant 0 : i32
      %dma_wait3A_99 = tpu.memref_slice %arg2[%dma_wait3A_97, %dma_wait3A_98] : memref<10000x128xf32, #tpu.memory_space<hbm>> -> memref<128x128xf32, #tpu.memory_space<hbm>>
      tpu.wait_dma2 semaphore(%arg12 : memref<!tpu.dma_semaphore, #tpu.memory_space<semaphore_mem>>) src(%dma_wait3A_99 : memref<128x128xf32, #tpu.memory_space<hbm>>) dst(%dma_wait3A_96 : memref<128x128xf32, #tpu.memory_space<vmem>>)
      %dma_start3A_100 = arith.constant 0 : i32
      %dma_start3A_101 = arith.constant 1 : i32
      %dma_start3A_102 = arith.constant 0 : i32
      %dma_start3A_103 = arith.constant 0 : i32
      %dma_start3A_104 = arith.constant 0 : i32
      %dma_start3A_105 = tpu.memref_slice %arg8[%dma_start3A_102, %dma_start3A_103, %dma_start3A_104] : memref<2x128x128xf32, #tpu.memory_space<vmem>> -> memref<1x128x128xf32, #tpu.memory_space<vmem>>
      %dma_start3A_106 = tpu.memref_squeeze %dma_start3A_105 : memref<1x128x128xf32, #tpu.memory_space<vmem>> -> memref<128x128xf32, #tpu.memory_space<vmem>>
      %dma_start3A_107 = arith.constant 0 : i32
      %dma_start3A_108 = tpu.memref_slice %arg6[%dma_start3A_100, %dma_start3A_101, %dma_start3A_107] : memref<2x8x128xi32, #tpu.memory_space<vmem>> -> memref<1x1x128xi32, #tpu.memory_space<vmem>>
      %dma_start3A_109 = tpu.memref_squeeze %dma_start3A_108 : memref<1x1x128xi32, #tpu.memory_space<vmem>> -> memref<128xi32, #tpu.memory_space<vmem>>
      %dma_start3A_110 = arith.constant 0 : i32
      %dma_start3A_111 = arith.constant 0 : i32
      %dma_start3A_112 = tpu.memref_slice %arg2[%dma_start3A_110, %dma_start3A_111] : memref<10000x128xf32, #tpu.memory_space<hbm>> -> memref<10000x128xf32, #tpu.memory_space<hbm>>
      tpu.enqueue_indirect_dma source(%dma_start3A_112 : memref<10000x128xf32, #tpu.memory_space<hbm>>) target(%dma_start3A_106 : memref<128x128xf32, #tpu.memory_space<vmem>>) offsets(%dma_start3A_109 : memref<128xi32, #tpu.memory_space<vmem>>) semaphore(%arg10 : memref<!tpu.dma_semaphore, #tpu.memory_space<semaphore_mem>>)
      %dma_wait3A_113 = arith.constant 0 : i32
      %dma_wait3A_114 = arith.constant 0 : i32
      %dma_wait3A_115 = arith.constant 0 : i32
      %dma_wait3A_116 = tpu.memref_slice %arg8[%dma_wait3A_113, %dma_wait3A_114, %dma_wait3A_115] : memref<2x128x128xf32, #tpu.memory_space<vmem>> -> memref<1x128x128xf32, #tpu.memory_space<vmem>>
      %dma_wait3A_117 = tpu.memref_squeeze %dma_wait3A_116 : memref<1x128x128xf32, #tpu.memory_space<vmem>> -> memref<128x128xf32, #tpu.memory_space<vmem>>
      %dma_wait3A_118 = arith.constant 0 : i32
      %dma_wait3A_119 = arith.constant 0 : i32
      %dma_wait3A_120 = tpu.memref_slice %arg2[%dma_wait3A_118, %dma_wait3A_119] : memref<10000x128xf32, #tpu.memory_space<hbm>> -> memref<128x128xf32, #tpu.memory_space<hbm>>
      %dma_wait3A_121 = arith.constant 0 : i32
      %dma_wait3A_122 = arith.constant 0 : i32
      %dma_wait3A_123 = tpu.memref_slice %arg8[%dma_wait3A_113, %dma_wait3A_121, %dma_wait3A_122] : memref<2x128x128xf32, #tpu.memory_space<vmem>> -> memref<1x128x128xf32, #tpu.memory_space<vmem>>
      %dma_wait3A_124 = tpu.memref_squeeze %dma_wait3A_123 : memref<1x128x128xf32, #tpu.memory_space<vmem>> -> memref<128x128xf32, #tpu.memory_space<vmem>>
      %dma_wait3A_125 = arith.constant 0 : i32
      %dma_wait3A_126 = arith.constant 0 : i32
      %dma_wait3A_127 = tpu.memref_slice %arg2[%dma_wait3A_125, %dma_wait3A_126] : memref<10000x128xf32, #tpu.memory_space<hbm>> -> memref<128x128xf32, #tpu.memory_space<hbm>>
      tpu.wait_dma2 semaphore(%arg10 : memref<!tpu.dma_semaphore, #tpu.memory_space<semaphore_mem>>) src(%dma_wait3A_127 : memref<128x128xf32, #tpu.memory_space<hbm>>) dst(%dma_wait3A_124 : memref<128x128xf32, #tpu.memory_space<vmem>>)
      %dma_start3A_128 = arith.constant 0 : i32
      %dma_start3A_129 = arith.constant 0 : i32
      %dma_start3A_130 = arith.constant 1 : i32
      %dma_start3A_131 = arith.constant 0 : i32
      %dma_start3A_132 = arith.constant 0 : i32
      %dma_start3A_133 = tpu.memref_slice %arg8[%dma_start3A_128, %dma_start3A_131, %dma_start3A_132] : memref<2x128x128xf32, #tpu.memory_space<vmem>> -> memref<1x128x128xf32, #tpu.memory_space<vmem>>
      %dma_start3A_134 = tpu.memref_squeeze %dma_start3A_133 : memref<1x128x128xf32, #tpu.memory_space<vmem>> -> memref<128x128xf32, #tpu.memory_space<vmem>>
      %dma_start3A_135 = arith.constant 0 : i32
      %dma_start3A_136 = tpu.memref_slice %arg7[%dma_start3A_129, %dma_start3A_130, %dma_start3A_135] : memref<2x8x128xi32, #tpu.memory_space<vmem>> -> memref<1x1x128xi32, #tpu.memory_space<vmem>>
      %dma_start3A_137 = tpu.memref_squeeze %dma_start3A_136 : memref<1x1x128xi32, #tpu.memory_space<vmem>> -> memref<128xi32, #tpu.memory_space<vmem>>
      %dma_start3A_138 = arith.constant 0 : i32
      %dma_start3A_139 = arith.constant 0 : i32
      %dma_start3A_140 = tpu.memref_slice %arg9[%dma_start3A_138, %dma_start3A_139] : memref<10112x128xf32, #tpu.memory_space<vmem_shared>> -> memref<10112x128xf32, #tpu.memory_space<vmem_shared>>
      tpu.enqueue_indirect_dma source(%dma_start3A_134 : memref<128x128xf32, #tpu.memory_space<vmem>>) target(%dma_start3A_140 : memref<10112x128xf32, #tpu.memory_space<vmem_shared>>) offsets(%dma_start3A_137 : memref<128xi32, #tpu.memory_space<vmem>>) semaphore(%arg12 : memref<!tpu.dma_semaphore, #tpu.memory_space<semaphore_mem>>) {add = true}
      %dma_wait3A_141 = arith.constant 0 : i32
      %dma_wait3A_142 = arith.constant 0 : i32
      %dma_wait3A_143 = arith.constant 0 : i32
      %dma_wait3A_144 = tpu.memref_slice %arg8[%dma_wait3A_141, %dma_wait3A_142, %dma_wait3A_143] : memref<2x128x128xf32, #tpu.memory_space<vmem>> -> memref<1x128x128xf32, #tpu.memory_space<vmem>>
      %dma_wait3A_145 = tpu.memref_squeeze %dma_wait3A_144 : memref<1x128x128xf32, #tpu.memory_space<vmem>> -> memref<128x128xf32, #tpu.memory_space<vmem>>
      %dma_wait3A_146 = arith.constant 0 : i32
      %dma_wait3A_147 = arith.constant 0 : i32
      %dma_wait3A_148 = tpu.memref_slice %arg2[%dma_wait3A_146, %dma_wait3A_147] : memref<10000x128xf32, #tpu.memory_space<hbm>> -> memref<128x128xf32, #tpu.memory_space<hbm>>
      %dma_wait3A_149 = arith.constant 0 : i32
      %dma_wait3A_150 = arith.constant 0 : i32
      %dma_wait3A_151 = tpu.memref_slice %arg8[%dma_wait3A_141, %dma_wait3A_149, %dma_wait3A_150] : memref<2x128x128xf32, #tpu.memory_space<vmem>> -> memref<1x128x128xf32, #tpu.memory_space<vmem>>
      %dma_wait3A_152 = tpu.memref_squeeze %dma_wait3A_151 : memref<1x128x128xf32, #tpu.memory_space<vmem>> -> memref<128x128xf32, #tpu.memory_space<vmem>>
      %dma_wait3A_153 = arith.constant 0 : i32
      %dma_wait3A_154 = arith.constant 0 : i32
      %dma_wait3A_155 = tpu.memref_slice %arg2[%dma_wait3A_153, %dma_wait3A_154] : memref<10000x128xf32, #tpu.memory_space<hbm>> -> memref<128x128xf32, #tpu.memory_space<hbm>>
      tpu.wait_dma2 semaphore(%arg12 : memref<!tpu.dma_semaphore, #tpu.memory_space<semaphore_mem>>) src(%dma_wait3A_155 : memref<128x128xf32, #tpu.memory_space<hbm>>) dst(%dma_wait3A_152 : memref<128x128xf32, #tpu.memory_space<vmem>>)
      %dma_start3A_156 = arith.constant 0 : i32
      %dma_start3A_157 = arith.constant 2 : i32
      %dma_start3A_158 = arith.constant 0 : i32
      %dma_start3A_159 = arith.constant 0 : i32
      %dma_start3A_160 = arith.constant 0 : i32
      %dma_start3A_161 = tpu.memref_slice %arg8[%dma_start3A_158, %dma_start3A_159, %dma_start3A_160] : memref<2x128x128xf32, #tpu.memory_space<vmem>> -> memref<1x128x128xf32, #tpu.memory_space<vmem>>
      %dma_start3A_162 = tpu.memref_squeeze %dma_start3A_161 : memref<1x128x128xf32, #tpu.memory_space<vmem>> -> memref<128x128xf32, #tpu.memory_space<vmem>>
      %dma_start3A_163 = arith.constant 0 : i32
      %dma_start3A_164 = tpu.memref_slice %arg6[%dma_start3A_156, %dma_start3A_157, %dma_start3A_163] : memref<2x8x128xi32, #tpu.memory_space<vmem>> -> memref<1x1x128xi32, #tpu.memory_space<vmem>>
      %dma_start3A_165 = tpu.memref_squeeze %dma_start3A_164 : memref<1x1x128xi32, #tpu.memory_space<vmem>> -> memref<128xi32, #tpu.memory_space<vmem>>
      %dma_start3A_166 = arith.constant 0 : i32
      %dma_start3A_167 = arith.constant 0 : i32
      %dma_start3A_168 = tpu.memref_slice %arg2[%dma_start3A_166, %dma_start3A_167] : memref<10000x128xf32, #tpu.memory_space<hbm>> -> memref<10000x128xf32, #tpu.memory_space<hbm>>
      tpu.enqueue_indirect_dma source(%dma_start3A_168 : memref<10000x128xf32, #tpu.memory_space<hbm>>) target(%dma_start3A_162 : memref<128x128xf32, #tpu.memory_space<vmem>>) offsets(%dma_start3A_165 : memref<128xi32, #tpu.memory_space<vmem>>) semaphore(%arg10 : memref<!tpu.dma_semaphore, #tpu.memory_space<semaphore_mem>>)
      %dma_wait3A_169 = arith.constant 0 : i32
      %dma_wait3A_170 = arith.constant 0 : i32
      %dma_wait3A_171 = arith.constant 0 : i32
      %dma_wait3A_172 = tpu.memref_slice %arg8[%dma_wait3A_169, %dma_wait3A_170, %dma_wait3A_171] : memref<2x128x128xf32, #tpu.memory_space<vmem>> -> memref<1x128x128xf32, #tpu.memory_space<vmem>>
      %dma_wait3A_173 = tpu.memref_squeeze %dma_wait3A_172 : memref<1x128x128xf32, #tpu.memory_space<vmem>> -> memref<128x128xf32, #tpu.memory_space<vmem>>
      %dma_wait3A_174 = arith.constant 0 : i32
      %dma_wait3A_175 = arith.constant 0 : i32
      %dma_wait3A_176 = tpu.memref_slice %arg2[%dma_wait3A_174, %dma_wait3A_175] : memref<10000x128xf32, #tpu.memory_space<hbm>> -> memref<128x128xf32, #tpu.memory_space<hbm>>
      %dma_wait3A_177 = arith.constant 0 : i32
      %dma_wait3A_178 = arith.constant 0 : i32
      %dma_wait3A_179 = tpu.memref_slice %arg8[%dma_wait3A_169, %dma_wait3A_177, %dma_wait3A_178] : memref<2x128x128xf32, #tpu.memory_space<vmem>> -> memref<1x128x128xf32, #tpu.memory_space<vmem>>
      %dma_wait3A_180 = tpu.memref_squeeze %dma_wait3A_179 : memref<1x128x128xf32, #tpu.memory_space<vmem>> -> memref<128x128xf32, #tpu.memory_space<vmem>>
      %dma_wait3A_181 = arith.constant 0 : i32
      %dma_wait3A_182 = arith.constant 0 : i32
      %dma_wait3A_183 = tpu.memref_slice %arg2[%dma_wait3A_181, %dma_wait3A_182] : memref<10000x128xf32, #tpu.memory_space<hbm>> -> memref<128x128xf32, #tpu.memory_space<hbm>>
      tpu.wait_dma2 semaphore(%arg10 : memref<!tpu.dma_semaphore, #tpu.memory_space<semaphore_mem>>) src(%dma_wait3A_183 : memref<128x128xf32, #tpu.memory_space<hbm>>) dst(%dma_wait3A_180 : memref<128x128xf32, #tpu.memory_space<vmem>>)
      %dma_start3A_184 = arith.constant 0 : i32
      %dma_start3A_185 = arith.constant 0 : i32
      %dma_start3A_186 = arith.constant 2 : i32
      %dma_start3A_187 = arith.constant 0 : i32
      %dma_start3A_188 = arith.constant 0 : i32
      %dma_start3A_189 = tpu.memref_slice %arg8[%dma_start3A_184, %dma_start3A_187, %dma_start3A_188] : memref<2x128x128xf32, #tpu.memory_space<vmem>> -> memref<1x128x128xf32, #tpu.memory_space<vmem>>
      %dma_start3A_190 = tpu.memref_squeeze %dma_start3A_189 : memref<1x128x128xf32, #tpu.memory_space<vmem>> -> memref<128x128xf32, #tpu.memory_space<vmem>>
      %dma_start3A_191 = arith.constant 0 : i32
      %dma_start3A_192 = tpu.memref_slice %arg7[%dma_start3A_185, %dma_start3A_186, %dma_start3A_191] : memref<2x8x128xi32, #tpu.memory_space<vmem>> -> memref<1x1x128xi32, #tpu.memory_space<vmem>>
      %dma_start3A_193 = tpu.memref_squeeze %dma_start3A_192 : memref<1x1x128xi32, #tpu.memory_space<vmem>> -> memref<128xi32, #tpu.memory_space<vmem>>
      %dma_start3A_194 = arith.constant 0 : i32
      %dma_start3A_195 = arith.constant 0 : i32
      %dma_start3A_196 = tpu.memref_slice %arg9[%dma_start3A_194, %dma_start3A_195] : memref<10112x128xf32, #tpu.memory_space<vmem_shared>> -> memref<10112x128xf32, #tpu.memory_space<vmem_shared>>
      tpu.enqueue_indirect_dma source(%dma_start3A_190 : memref<128x128xf32, #tpu.memory_space<vmem>>) target(%dma_start3A_196 : memref<10112x128xf32, #tpu.memory_space<vmem_shared>>) offsets(%dma_start3A_193 : memref<128xi32, #tpu.memory_space<vmem>>) semaphore(%arg12 : memref<!tpu.dma_semaphore, #tpu.memory_space<semaphore_mem>>) {add = true}
      %dma_wait3A_197 = arith.constant 0 : i32
      %dma_wait3A_198 = arith.constant 0 : i32
      %dma_wait3A_199 = arith.constant 0 : i32
      %dma_wait3A_200 = tpu.memref_slice %arg8[%dma_wait3A_197, %dma_wait3A_198, %dma_wait3A_199] : memref<2x128x128xf32, #tpu.memory_space<vmem>> -> memref<1x128x128xf32, #tpu.memory_space<vmem>>
      %dma_wait3A_201 = tpu.memref_squeeze %dma_wait3A_200 : memref<1x128x128xf32, #tpu.memory_space<vmem>> -> memref<128x128xf32, #tpu.memory_space<vmem>>
      %dma_wait3A_202 = arith.constant 0 : i32
      %dma_wait3A_203 = arith.constant 0 : i32
      %dma_wait3A_204 = tpu.memref_slice %arg2[%dma_wait3A_202, %dma_wait3A_203] : memref<10000x128xf32, #tpu.memory_space<hbm>> -> memref<128x128xf32, #tpu.memory_space<hbm>>
      %dma_wait3A_205 = arith.constant 0 : i32
      %dma_wait3A_206 = arith.constant 0 : i32
      %dma_wait3A_207 = tpu.memref_slice %arg8[%dma_wait3A_197, %dma_wait3A_205, %dma_wait3A_206] : memref<2x128x128xf32, #tpu.memory_space<vmem>> -> memref<1x128x128xf32, #tpu.memory_space<vmem>>
      %dma_wait3A_208 = tpu.memref_squeeze %dma_wait3A_207 : memref<1x128x128xf32, #tpu.memory_space<vmem>> -> memref<128x128xf32, #tpu.memory_space<vmem>>
      %dma_wait3A_209 = arith.constant 0 : i32
      %dma_wait3A_210 = arith.constant 0 : i32
      %dma_wait3A_211 = tpu.memref_slice %arg2[%dma_wait3A_209, %dma_wait3A_210] : memref<10000x128xf32, #tpu.memory_space<hbm>> -> memref<128x128xf32, #tpu.memory_space<hbm>>
      tpu.wait_dma2 semaphore(%arg12 : memref<!tpu.dma_semaphore, #tpu.memory_space<semaphore_mem>>) src(%dma_wait3A_211 : memref<128x128xf32, #tpu.memory_space<hbm>>) dst(%dma_wait3A_208 : memref<128x128xf32, #tpu.memory_space<vmem>>)
      %dma_start3A_212 = arith.constant 0 : i32
      %dma_start3A_213 = arith.constant 3 : i32
      %dma_start3A_214 = arith.constant 0 : i32
      %dma_start3A_215 = arith.constant 0 : i32
      %dma_start3A_216 = arith.constant 0 : i32
      %dma_start3A_217 = tpu.memref_slice %arg8[%dma_start3A_214, %dma_start3A_215, %dma_start3A_216] : memref<2x128x128xf32, #tpu.memory_space<vmem>> -> memref<1x128x128xf32, #tpu.memory_space<vmem>>
      %dma_start3A_218 = tpu.memref_squeeze %dma_start3A_217 : memref<1x128x128xf32, #tpu.memory_space<vmem>> -> memref<128x128xf32, #tpu.memory_space<vmem>>
      %dma_start3A_219 = arith.constant 0 : i32
      %dma_start3A_220 = tpu.memref_slice %arg6[%dma_start3A_212, %dma_start3A_213, %dma_start3A_219] : memref<2x8x128xi32, #tpu.memory_space<vmem>> -> memref<1x1x128xi32, #tpu.memory_space<vmem>>
      %dma_start3A_221 = tpu.memref_squeeze %dma_start3A_220 : memref<1x1x128xi32, #tpu.memory_space<vmem>> -> memref<128xi32, #tpu.memory_space<vmem>>
      %dma_start3A_222 = arith.constant 0 : i32
      %dma_start3A_223 = arith.constant 0 : i32
      %dma_start3A_224 = tpu.memref_slice %arg2[%dma_start3A_222, %dma_start3A_223] : memref<10000x128xf32, #tpu.memory_space<hbm>> -> memref<10000x128xf32, #tpu.memory_space<hbm>>
      tpu.enqueue_indirect_dma source(%dma_start3A_224 : memref<10000x128xf32, #tpu.memory_space<hbm>>) target(%dma_start3A_218 : memref<128x128xf32, #tpu.memory_space<vmem>>) offsets(%dma_start3A_221 : memref<128xi32, #tpu.memory_space<vmem>>) semaphore(%arg10 : memref<!tpu.dma_semaphore, #tpu.memory_space<semaphore_mem>>)
      %dma_wait3A_225 = arith.constant 0 : i32
      %dma_wait3A_226 = arith.constant 0 : i32
      %dma_wait3A_227 = arith.constant 0 : i32
      %dma_wait3A_228 = tpu.memref_slice %arg8[%dma_wait3A_225, %dma_wait3A_226, %dma_wait3A_227] : memref<2x128x128xf32, #tpu.memory_space<vmem>> -> memref<1x128x128xf32, #tpu.memory_space<vmem>>
      %dma_wait3A_229 = tpu.memref_squeeze %dma_wait3A_228 : memref<1x128x128xf32, #tpu.memory_space<vmem>> -> memref<128x128xf32, #tpu.memory_space<vmem>>
      %dma_wait3A_230 = arith.constant 0 : i32
      %dma_wait3A_231 = arith.constant 0 : i32
      %dma_wait3A_232 = tpu.memref_slice %arg2[%dma_wait3A_230, %dma_wait3A_231] : memref<10000x128xf32, #tpu.memory_space<hbm>> -> memref<128x128xf32, #tpu.memory_space<hbm>>
      %dma_wait3A_233 = arith.constant 0 : i32
      %dma_wait3A_234 = arith.constant 0 : i32
      %dma_wait3A_235 = tpu.memref_slice %arg8[%dma_wait3A_225, %dma_wait3A_233, %dma_wait3A_234] : memref<2x128x128xf32, #tpu.memory_space<vmem>> -> memref<1x128x128xf32, #tpu.memory_space<vmem>>
      %dma_wait3A_236 = tpu.memref_squeeze %dma_wait3A_235 : memref<1x128x128xf32, #tpu.memory_space<vmem>> -> memref<128x128xf32, #tpu.memory_space<vmem>>
      %dma_wait3A_237 = arith.constant 0 : i32
      %dma_wait3A_238 = arith.constant 0 : i32
      %dma_wait3A_239 = tpu.memref_slice %arg2[%dma_wait3A_237, %dma_wait3A_238] : memref<10000x128xf32, #tpu.memory_space<hbm>> -> memref<128x128xf32, #tpu.memory_space<hbm>>
      tpu.wait_dma2 semaphore(%arg10 : memref<!tpu.dma_semaphore, #tpu.memory_space<semaphore_mem>>) src(%dma_wait3A_239 : memref<128x128xf32, #tpu.memory_space<hbm>>) dst(%dma_wait3A_236 : memref<128x128xf32, #tpu.memory_space<vmem>>)
      %dma_start3A_240 = arith.constant 0 : i32
      %dma_start3A_241 = arith.constant 0 : i32
      %dma_start3A_242 = arith.constant 3 : i32
      %dma_start3A_243 = arith.constant 0 : i32
      %dma_start3A_244 = arith.constant 0 : i32
      %dma_start3A_245 = tpu.memref_slice %arg8[%dma_start3A_240, %dma_start3A_243, %dma_start3A_244] : memref<2x128x128xf32, #tpu.memory_space<vmem>> -> memref<1x128x128xf32, #tpu.memory_space<vmem>>
      %dma_start3A_246 = tpu.memref_squeeze %dma_start3A_245 : memref<1x128x128xf32, #tpu.memory_space<vmem>> -> memref<128x128xf32, #tpu.memory_space<vmem>>
      %dma_start3A_247 = arith.constant 0 : i32
      %dma_start3A_248 = tpu.memref_slice %arg7[%dma_start3A_241, %dma_start3A_242, %dma_start3A_247] : memref<2x8x128xi32, #tpu.memory_space<vmem>> -> memref<1x1x128xi32, #tpu.memory_space<vmem>>
      %dma_start3A_249 = tpu.memref_squeeze %dma_start3A_248 : memref<1x1x128xi32, #tpu.memory_space<vmem>> -> memref<128xi32, #tpu.memory_space<vmem>>
      %dma_start3A_250 = arith.constant 0 : i32
      %dma_start3A_251 = arith.constant 0 : i32
      %dma_start3A_252 = tpu.memref_slice %arg9[%dma_start3A_250, %dma_start3A_251] : memref<10112x128xf32, #tpu.memory_space<vmem_shared>> -> memref<10112x128xf32, #tpu.memory_space<vmem_shared>>
      tpu.enqueue_indirect_dma source(%dma_start3A_246 : memref<128x128xf32, #tpu.memory_space<vmem>>) target(%dma_start3A_252 : memref<10112x128xf32, #tpu.memory_space<vmem_shared>>) offsets(%dma_start3A_249 : memref<128xi32, #tpu.memory_space<vmem>>) semaphore(%arg12 : memref<!tpu.dma_semaphore, #tpu.memory_space<semaphore_mem>>) {add = true}
      %dma_wait3A_253 = arith.constant 0 : i32
      %dma_wait3A_254 = arith.constant 0 : i32
      %dma_wait3A_255 = arith.constant 0 : i32
      %dma_wait3A_256 = tpu.memref_slice %arg8[%dma_wait3A_253, %dma_wait3A_254, %dma_wait3A_255] : memref<2x128x128xf32, #tpu.memory_space<vmem>> -> memref<1x128x128xf32, #tpu.memory_space<vmem>>
      %dma_wait3A_257 = tpu.memref_squeeze %dma_wait3A_256 : memref<1x128x128xf32, #tpu.memory_space<vmem>> -> memref<128x128xf32, #tpu.memory_space<vmem>>
      %dma_wait3A_258 = arith.constant 0 : i32
      %dma_wait3A_259 = arith.constant 0 : i32
      %dma_wait3A_260 = tpu.memref_slice %arg2[%dma_wait3A_258, %dma_wait3A_259] : memref<10000x128xf32, #tpu.memory_space<hbm>> -> memref<128x128xf32, #tpu.memory_space<hbm>>
      %dma_wait3A_261 = arith.constant 0 : i32
      %dma_wait3A_262 = arith.constant 0 : i32
      %dma_wait3A_263 = tpu.memref_slice %arg8[%dma_wait3A_253, %dma_wait3A_261, %dma_wait3A_262] : memref<2x128x128xf32, #tpu.memory_space<vmem>> -> memref<1x128x128xf32, #tpu.memory_space<vmem>>
      %dma_wait3A_264 = tpu.memref_squeeze %dma_wait3A_263 : memref<1x128x128xf32, #tpu.memory_space<vmem>> -> memref<128x128xf32, #tpu.memory_space<vmem>>
      %dma_wait3A_265 = arith.constant 0 : i32
      %dma_wait3A_266 = arith.constant 0 : i32
      %dma_wait3A_267 = tpu.memref_slice %arg2[%dma_wait3A_265, %dma_wait3A_266] : memref<10000x128xf32, #tpu.memory_space<hbm>> -> memref<128x128xf32, #tpu.memory_space<hbm>>
      tpu.wait_dma2 semaphore(%arg12 : memref<!tpu.dma_semaphore, #tpu.memory_space<semaphore_mem>>) src(%dma_wait3A_267 : memref<128x128xf32, #tpu.memory_space<hbm>>) dst(%dma_wait3A_264 : memref<128x128xf32, #tpu.memory_space<vmem>>)
      %dma_start3A_268 = arith.constant 0 : i32
      %dma_start3A_269 = arith.constant 4 : i32
      %dma_start3A_270 = arith.constant 0 : i32
      %dma_start3A_271 = arith.constant 0 : i32
      %dma_start3A_272 = arith.constant 0 : i32
      %dma_start3A_273 = tpu.memref_slice %arg8[%dma_start3A_270, %dma_start3A_271, %dma_start3A_272] : memref<2x128x128xf32, #tpu.memory_space<vmem>> -> memref<1x128x128xf32, #tpu.memory_space<vmem>>
      %dma_start3A_274 = tpu.memref_squeeze %dma_start3A_273 : memref<1x128x128xf32, #tpu.memory_space<vmem>> -> memref<128x128xf32, #tpu.memory_space<vmem>>
      %dma_start3A_275 = arith.constant 0 : i32
      %dma_start3A_276 = tpu.memref_slice %arg6[%dma_start3A_268, %dma_start3A_269, %dma_start3A_275] : memref<2x8x128xi32, #tpu.memory_space<vmem>> -> memref<1x1x128xi32, #tpu.memory_space<vmem>>
      %dma_start3A_277 = tpu.memref_squeeze %dma_start3A_276 : memref<1x1x128xi32, #tpu.memory_space<vmem>> -> memref<128xi32, #tpu.memory_space<vmem>>
      %dma_start3A_278 = arith.constant 0 : i32
      %dma_start3A_279 = arith.constant 0 : i32
      %dma_start3A_280 = tpu.memref_slice %arg2[%dma_start3A_278, %dma_start3A_279] : memref<10000x128xf32, #tpu.memory_space<hbm>> -> memref<10000x128xf32, #tpu.memory_space<hbm>>
      tpu.enqueue_indirect_dma source(%dma_start3A_280 : memref<10000x128xf32, #tpu.memory_space<hbm>>) target(%dma_start3A_274 : memref<128x128xf32, #tpu.memory_space<vmem>>) offsets(%dma_start3A_277 : memref<128xi32, #tpu.memory_space<vmem>>) semaphore(%arg10 : memref<!tpu.dma_semaphore, #tpu.memory_space<semaphore_mem>>)
      %dma_wait3A_281 = arith.constant 0 : i32
      %dma_wait3A_282 = arith.constant 0 : i32
      %dma_wait3A_283 = arith.constant 0 : i32
      %dma_wait3A_284 = tpu.memref_slice %arg8[%dma_wait3A_281, %dma_wait3A_282, %dma_wait3A_283] : memref<2x128x128xf32, #tpu.memory_space<vmem>> -> memref<1x128x128xf32, #tpu.memory_space<vmem>>
      %dma_wait3A_285 = tpu.memref_squeeze %dma_wait3A_284 : memref<1x128x128xf32, #tpu.memory_space<vmem>> -> memref<128x128xf32, #tpu.memory_space<vmem>>
      %dma_wait3A_286 = arith.constant 0 : i32
      %dma_wait3A_287 = arith.constant 0 : i32
      %dma_wait3A_288 = tpu.memref_slice %arg2[%dma_wait3A_286, %dma_wait3A_287] : memref<10000x128xf32, #tpu.memory_space<hbm>> -> memref<128x128xf32, #tpu.memory_space<hbm>>
      %dma_wait3A_289 = arith.constant 0 : i32
      %dma_wait3A_290 = arith.constant 0 : i32
      %dma_wait3A_291 = tpu.memref_slice %arg8[%dma_wait3A_281, %dma_wait3A_289, %dma_wait3A_290] : memref<2x128x128xf32, #tpu.memory_space<vmem>> -> memref<1x128x128xf32, #tpu.memory_space<vmem>>
      %dma_wait3A_292 = tpu.memref_squeeze %dma_wait3A_291 : memref<1x128x128xf32, #tpu.memory_space<vmem>> -> memref<128x128xf32, #tpu.memory_space<vmem>>
      %dma_wait3A_293 = arith.constant 0 : i32
      %dma_wait3A_294 = arith.constant 0 : i32
      %dma_wait3A_295 = tpu.memref_slice %arg2[%dma_wait3A_293, %dma_wait3A_294] : memref<10000x128xf32, #tpu.memory_space<hbm>> -> memref<128x128xf32, #tpu.memory_space<hbm>>
      tpu.wait_dma2 semaphore(%arg10 : memref<!tpu.dma_semaphore, #tpu.memory_space<semaphore_mem>>) src(%dma_wait3A_295 : memref<128x128xf32, #tpu.memory_space<hbm>>) dst(%dma_wait3A_292 : memref<128x128xf32, #tpu.memory_space<vmem>>)
      %dma_start3A_296 = arith.constant 0 : i32
      %dma_start3A_297 = arith.constant 0 : i32
      %dma_start3A_298 = arith.constant 4 : i32
      %dma_start3A_299 = arith.constant 0 : i32
      %dma_start3A_300 = arith.constant 0 : i32
      %dma_start3A_301 = tpu.memref_slice %arg8[%dma_start3A_296, %dma_start3A_299, %dma_start3A_300] : memref<2x128x128xf32, #tpu.memory_space<vmem>> -> memref<1x128x128xf32, #tpu.memory_space<vmem>>
      %dma_start3A_302 = tpu.memref_squeeze %dma_start3A_301 : memref<1x128x128xf32, #tpu.memory_space<vmem>> -> memref<128x128xf32, #tpu.memory_space<vmem>>
      %dma_start3A_303 = arith.constant 0 : i32
      %dma_start3A_304 = tpu.memref_slice %arg7[%dma_start3A_297, %dma_start3A_298, %dma_start3A_303] : memref<2x8x128xi32, #tpu.memory_space<vmem>> -> memref<1x1x128xi32, #tpu.memory_space<vmem>>
      %dma_start3A_305 = tpu.memref_squeeze %dma_start3A_304 : memref<1x1x128xi32, #tpu.memory_space<vmem>> -> memref<128xi32, #tpu.memory_space<vmem>>
      %dma_start3A_306 = arith.constant 0 : i32
      %dma_start3A_307 = arith.constant 0 : i32
      %dma_start3A_308 = tpu.memref_slice %arg9[%dma_start3A_306, %dma_start3A_307] : memref<10112x128xf32, #tpu.memory_space<vmem_shared>> -> memref<10112x128xf32, #tpu.memory_space<vmem_shared>>
      tpu.enqueue_indirect_dma source(%dma_start3A_302 : memref<128x128xf32, #tpu.memory_space<vmem>>) target(%dma_start3A_308 : memref<10112x128xf32, #tpu.memory_space<vmem_shared>>) offsets(%dma_start3A_305 : memref<128xi32, #tpu.memory_space<vmem>>) semaphore(%arg12 : memref<!tpu.dma_semaphore, #tpu.memory_space<semaphore_mem>>) {add = true}
      %dma_wait3A_309 = arith.constant 0 : i32
      %dma_wait3A_310 = arith.constant 0 : i32
      %dma_wait3A_311 = arith.constant 0 : i32
      %dma_wait3A_312 = tpu.memref_slice %arg8[%dma_wait3A_309, %dma_wait3A_310, %dma_wait3A_311] : memref<2x128x128xf32, #tpu.memory_space<vmem>> -> memref<1x128x128xf32, #tpu.memory_space<vmem>>
      %dma_wait3A_313 = tpu.memref_squeeze %dma_wait3A_312 : memref<1x128x128xf32, #tpu.memory_space<vmem>> -> memref<128x128xf32, #tpu.memory_space<vmem>>
      %dma_wait3A_314 = arith.constant 0 : i32
      %dma_wait3A_315 = arith.constant 0 : i32
      %dma_wait3A_316 = tpu.memref_slice %arg2[%dma_wait3A_314, %dma_wait3A_315] : memref<10000x128xf32, #tpu.memory_space<hbm>> -> memref<128x128xf32, #tpu.memory_space<hbm>>
      %dma_wait3A_317 = arith.constant 0 : i32
      %dma_wait3A_318 = arith.constant 0 : i32
      %dma_wait3A_319 = tpu.memref_slice %arg8[%dma_wait3A_309, %dma_wait3A_317, %dma_wait3A_318] : memref<2x128x128xf32, #tpu.memory_space<vmem>> -> memref<1x128x128xf32, #tpu.memory_space<vmem>>
      %dma_wait3A_320 = tpu.memref_squeeze %dma_wait3A_319 : memref<1x128x128xf32, #tpu.memory_space<vmem>> -> memref<128x128xf32, #tpu.memory_space<vmem>>
      %dma_wait3A_321 = arith.constant 0 : i32
      %dma_wait3A_322 = arith.constant 0 : i32
      %dma_wait3A_323 = tpu.memref_slice %arg2[%dma_wait3A_321, %dma_wait3A_322] : memref<10000x128xf32, #tpu.memory_space<hbm>> -> memref<128x128xf32, #tpu.memory_space<hbm>>
      tpu.wait_dma2 semaphore(%arg12 : memref<!tpu.dma_semaphore, #tpu.memory_space<semaphore_mem>>) src(%dma_wait3A_323 : memref<128x128xf32, #tpu.memory_space<hbm>>) dst(%dma_wait3A_320 : memref<128x128xf32, #tpu.memory_space<vmem>>)
      %dma_start3A_324 = arith.constant 0 : i32
      %dma_start3A_325 = arith.constant 5 : i32
      %dma_start3A_326 = arith.constant 0 : i32
      %dma_start3A_327 = arith.constant 0 : i32
      %dma_start3A_328 = arith.constant 0 : i32
      %dma_start3A_329 = tpu.memref_slice %arg8[%dma_start3A_326, %dma_start3A_327, %dma_start3A_328] : memref<2x128x128xf32, #tpu.memory_space<vmem>> -> memref<1x128x128xf32, #tpu.memory_space<vmem>>
      %dma_start3A_330 = tpu.memref_squeeze %dma_start3A_329 : memref<1x128x128xf32, #tpu.memory_space<vmem>> -> memref<128x128xf32, #tpu.memory_space<vmem>>
      %dma_start3A_331 = arith.constant 0 : i32
      %dma_start3A_332 = tpu.memref_slice %arg6[%dma_start3A_324, %dma_start3A_325, %dma_start3A_331] : memref<2x8x128xi32, #tpu.memory_space<vmem>> -> memref<1x1x128xi32, #tpu.memory_space<vmem>>
      %dma_start3A_333 = tpu.memref_squeeze %dma_start3A_332 : memref<1x1x128xi32, #tpu.memory_space<vmem>> -> memref<128xi32, #tpu.memory_space<vmem>>
      %dma_start3A_334 = arith.constant 0 : i32
      %dma_start3A_335 = arith.constant 0 : i32
      %dma_start3A_336 = tpu.memref_slice %arg2[%dma_start3A_334, %dma_start3A_335] : memref<10000x128xf32, #tpu.memory_space<hbm>> -> memref<10000x128xf32, #tpu.memory_space<hbm>>
      tpu.enqueue_indirect_dma source(%dma_start3A_336 : memref<10000x128xf32, #tpu.memory_space<hbm>>) target(%dma_start3A_330 : memref<128x128xf32, #tpu.memory_space<vmem>>) offsets(%dma_start3A_333 : memref<128xi32, #tpu.memory_space<vmem>>) semaphore(%arg10 : memref<!tpu.dma_semaphore, #tpu.memory_space<semaphore_mem>>)
      %dma_wait3A_337 = arith.constant 0 : i32
      %dma_wait3A_338 = arith.constant 0 : i32
      %dma_wait3A_339 = arith.constant 0 : i32
      %dma_wait3A_340 = tpu.memref_slice %arg8[%dma_wait3A_337, %dma_wait3A_338, %dma_wait3A_339] : memref<2x128x128xf32, #tpu.memory_space<vmem>> -> memref<1x128x128xf32, #tpu.memory_space<vmem>>
      %dma_wait3A_341 = tpu.memref_squeeze %dma_wait3A_340 : memref<1x128x128xf32, #tpu.memory_space<vmem>> -> memref<128x128xf32, #tpu.memory_space<vmem>>
      %dma_wait3A_342 = arith.constant 0 : i32
      %dma_wait3A_343 = arith.constant 0 : i32
      %dma_wait3A_344 = tpu.memref_slice %arg2[%dma_wait3A_342, %dma_wait3A_343] : memref<10000x128xf32, #tpu.memory_space<hbm>> -> memref<128x128xf32, #tpu.memory_space<hbm>>
      %dma_wait3A_345 = arith.constant 0 : i32
      %dma_wait3A_346 = arith.constant 0 : i32
      %dma_wait3A_347 = tpu.memref_slice %arg8[%dma_wait3A_337, %dma_wait3A_345, %dma_wait3A_346] : memref<2x128x128xf32, #tpu.memory_space<vmem>> -> memref<1x128x128xf32, #tpu.memory_space<vmem>>
      %dma_wait3A_348 = tpu.memref_squeeze %dma_wait3A_347 : memref<1x128x128xf32, #tpu.memory_space<vmem>> -> memref<128x128xf32, #tpu.memory_space<vmem>>
      %dma_wait3A_349 = arith.constant 0 : i32
      %dma_wait3A_350 = arith.constant 0 : i32
      %dma_wait3A_351 = tpu.memref_slice %arg2[%dma_wait3A_349, %dma_wait3A_350] : memref<10000x128xf32, #tpu.memory_space<hbm>> -> memref<128x128xf32, #tpu.memory_space<hbm>>
      tpu.wait_dma2 semaphore(%arg10 : memref<!tpu.dma_semaphore, #tpu.memory_space<semaphore_mem>>) src(%dma_wait3A_351 : memref<128x128xf32, #tpu.memory_space<hbm>>) dst(%dma_wait3A_348 : memref<128x128xf32, #tpu.memory_space<vmem>>)
      %dma_start3A_352 = arith.constant 0 : i32
      %dma_start3A_353 = arith.constant 0 : i32
      %dma_start3A_354 = arith.constant 5 : i32
      %dma_start3A_355 = arith.constant 0 : i32
      %dma_start3A_356 = arith.constant 0 : i32
      %dma_start3A_357 = tpu.memref_slice %arg8[%dma_start3A_352, %dma_start3A_355, %dma_start3A_356] : memref<2x128x128xf32, #tpu.memory_space<vmem>> -> memref<1x128x128xf32, #tpu.memory_space<vmem>>
      %dma_start3A_358 = tpu.memref_squeeze %dma_start3A_357 : memref<1x128x128xf32, #tpu.memory_space<vmem>> -> memref<128x128xf32, #tpu.memory_space<vmem>>
      %dma_start3A_359 = arith.constant 0 : i32
      %dma_start3A_360 = tpu.memref_slice %arg7[%dma_start3A_353, %dma_start3A_354, %dma_start3A_359] : memref<2x8x128xi32, #tpu.memory_space<vmem>> -> memref<1x1x128xi32, #tpu.memory_space<vmem>>
      %dma_start3A_361 = tpu.memref_squeeze %dma_start3A_360 : memref<1x1x128xi32, #tpu.memory_space<vmem>> -> memref<128xi32, #tpu.memory_space<vmem>>
      %dma_start3A_362 = arith.constant 0 : i32
      %dma_start3A_363 = arith.constant 0 : i32
      %dma_start3A_364 = tpu.memref_slice %arg9[%dma_start3A_362, %dma_start3A_363] : memref<10112x128xf32, #tpu.memory_space<vmem_shared>> -> memref<10112x128xf32, #tpu.memory_space<vmem_shared>>
      tpu.enqueue_indirect_dma source(%dma_start3A_358 : memref<128x128xf32, #tpu.memory_space<vmem>>) target(%dma_start3A_364 : memref<10112x128xf32, #tpu.memory_space<vmem_shared>>) offsets(%dma_start3A_361 : memref<128xi32, #tpu.memory_space<vmem>>) semaphore(%arg12 : memref<!tpu.dma_semaphore, #tpu.memory_space<semaphore_mem>>) {add = true}
      %dma_wait3A_365 = arith.constant 0 : i32
      %dma_wait3A_366 = arith.constant 0 : i32
      %dma_wait3A_367 = arith.constant 0 : i32
      %dma_wait3A_368 = tpu.memref_slice %arg8[%dma_wait3A_365, %dma_wait3A_366, %dma_wait3A_367] : memref<2x128x128xf32, #tpu.memory_space<vmem>> -> memref<1x128x128xf32, #tpu.memory_space<vmem>>
      %dma_wait3A_369 = tpu.memref_squeeze %dma_wait3A_368 : memref<1x128x128xf32, #tpu.memory_space<vmem>> -> memref<128x128xf32, #tpu.memory_space<vmem>>
      %dma_wait3A_370 = arith.constant 0 : i32
      %dma_wait3A_371 = arith.constant 0 : i32
      %dma_wait3A_372 = tpu.memref_slice %arg2[%dma_wait3A_370, %dma_wait3A_371] : memref<10000x128xf32, #tpu.memory_space<hbm>> -> memref<128x128xf32, #tpu.memory_space<hbm>>
      %dma_wait3A_373 = arith.constant 0 : i32
      %dma_wait3A_374 = arith.constant 0 : i32
      %dma_wait3A_375 = tpu.memref_slice %arg8[%dma_wait3A_365, %dma_wait3A_373, %dma_wait3A_374] : memref<2x128x128xf32, #tpu.memory_space<vmem>> -> memref<1x128x128xf32, #tpu.memory_space<vmem>>
      %dma_wait3A_376 = tpu.memref_squeeze %dma_wait3A_375 : memref<1x128x128xf32, #tpu.memory_space<vmem>> -> memref<128x128xf32, #tpu.memory_space<vmem>>
      %dma_wait3A_377 = arith.constant 0 : i32
      %dma_wait3A_378 = arith.constant 0 : i32
      %dma_wait3A_379 = tpu.memref_slice %arg2[%dma_wait3A_377, %dma_wait3A_378] : memref<10000x128xf32, #tpu.memory_space<hbm>> -> memref<128x128xf32, #tpu.memory_space<hbm>>
      tpu.wait_dma2 semaphore(%arg12 : memref<!tpu.dma_semaphore, #tpu.memory_space<semaphore_mem>>) src(%dma_wait3A_379 : memref<128x128xf32, #tpu.memory_space<hbm>>) dst(%dma_wait3A_376 : memref<128x128xf32, #tpu.memory_space<vmem>>)
      %dma_start3A_380 = arith.constant 0 : i32
      %dma_start3A_381 = arith.constant 6 : i32
      %dma_start3A_382 = arith.constant 0 : i32
      %dma_start3A_383 = arith.constant 0 : i32
      %dma_start3A_384 = arith.constant 0 : i32
      %dma_start3A_385 = tpu.memref_slice %arg8[%dma_start3A_382, %dma_start3A_383, %dma_start3A_384] : memref<2x128x128xf32, #tpu.memory_space<vmem>> -> memref<1x128x128xf32, #tpu.memory_space<vmem>>
      %dma_start3A_386 = tpu.memref_squeeze %dma_start3A_385 : memref<1x128x128xf32, #tpu.memory_space<vmem>> -> memref<128x128xf32, #tpu.memory_space<vmem>>
      %dma_start3A_387 = arith.constant 0 : i32
      %dma_start3A_388 = tpu.memref_slice %arg6[%dma_start3A_380, %dma_start3A_381, %dma_start3A_387] : memref<2x8x128xi32, #tpu.memory_space<vmem>> -> memref<1x1x128xi32, #tpu.memory_space<vmem>>
      %dma_start3A_389 = tpu.memref_squeeze %dma_start3A_388 : memref<1x1x128xi32, #tpu.memory_space<vmem>> -> memref<128xi32, #tpu.memory_space<vmem>>
      %dma_start3A_390 = arith.constant 0 : i32
      %dma_start3A_391 = arith.constant 0 : i32
      %dma_start3A_392 = tpu.memref_slice %arg2[%dma_start3A_390, %dma_start3A_391] : memref<10000x128xf32, #tpu.memory_space<hbm>> -> memref<10000x128xf32, #tpu.memory_space<hbm>>
      tpu.enqueue_indirect_dma source(%dma_start3A_392 : memref<10000x128xf32, #tpu.memory_space<hbm>>) target(%dma_start3A_386 : memref<128x128xf32, #tpu.memory_space<vmem>>) offsets(%dma_start3A_389 : memref<128xi32, #tpu.memory_space<vmem>>) semaphore(%arg10 : memref<!tpu.dma_semaphore, #tpu.memory_space<semaphore_mem>>)
      %dma_wait3A_393 = arith.constant 0 : i32
      %dma_wait3A_394 = arith.constant 0 : i32
      %dma_wait3A_395 = arith.constant 0 : i32
      %dma_wait3A_396 = tpu.memref_slice %arg8[%dma_wait3A_393, %dma_wait3A_394, %dma_wait3A_395] : memref<2x128x128xf32, #tpu.memory_space<vmem>> -> memref<1x128x128xf32, #tpu.memory_space<vmem>>
      %dma_wait3A_397 = tpu.memref_squeeze %dma_wait3A_396 : memref<1x128x128xf32, #tpu.memory_space<vmem>> -> memref<128x128xf32, #tpu.memory_space<vmem>>
      %dma_wait3A_398 = arith.constant 0 : i32
      %dma_wait3A_399 = arith.constant 0 : i32
      %dma_wait3A_400 = tpu.memref_slice %arg2[%dma_wait3A_398, %dma_wait3A_399] : memref<10000x128xf32, #tpu.memory_space<hbm>> -> memref<128x128xf32, #tpu.memory_space<hbm>>
      %dma_wait3A_401 = arith.constant 0 : i32
      %dma_wait3A_402 = arith.constant 0 : i32
      %dma_wait3A_403 = tpu.memref_slice %arg8[%dma_wait3A_393, %dma_wait3A_401, %dma_wait3A_402] : memref<2x128x128xf32, #tpu.memory_space<vmem>> -> memref<1x128x128xf32, #tpu.memory_space<vmem>>
      %dma_wait3A_404 = tpu.memref_squeeze %dma_wait3A_403 : memref<1x128x128xf32, #tpu.memory_space<vmem>> -> memref<128x128xf32, #tpu.memory_space<vmem>>
      %dma_wait3A_405 = arith.constant 0 : i32
      %dma_wait3A_406 = arith.constant 0 : i32
      %dma_wait3A_407 = tpu.memref_slice %arg2[%dma_wait3A_405, %dma_wait3A_406] : memref<10000x128xf32, #tpu.memory_space<hbm>> -> memref<128x128xf32, #tpu.memory_space<hbm>>
      tpu.wait_dma2 semaphore(%arg10 : memref<!tpu.dma_semaphore, #tpu.memory_space<semaphore_mem>>) src(%dma_wait3A_407 : memref<128x128xf32, #tpu.memory_space<hbm>>) dst(%dma_wait3A_404 : memref<128x128xf32, #tpu.memory_space<vmem>>)
      %dma_start3A_408 = arith.constant 0 : i32
      %dma_start3A_409 = arith.constant 0 : i32
      %dma_start3A_410 = arith.constant 6 : i32
      %dma_start3A_411 = arith.constant 0 : i32
      %dma_start3A_412 = arith.constant 0 : i32
      %dma_start3A_413 = tpu.memref_slice %arg8[%dma_start3A_408, %dma_start3A_411, %dma_start3A_412] : memref<2x128x128xf32, #tpu.memory_space<vmem>> -> memref<1x128x128xf32, #tpu.memory_space<vmem>>
      %dma_start3A_414 = tpu.memref_squeeze %dma_start3A_413 : memref<1x128x128xf32, #tpu.memory_space<vmem>> -> memref<128x128xf32, #tpu.memory_space<vmem>>
      %dma_start3A_415 = arith.constant 0 : i32
      %dma_start3A_416 = tpu.memref_slice %arg7[%dma_start3A_409, %dma_start3A_410, %dma_start3A_415] : memref<2x8x128xi32, #tpu.memory_space<vmem>> -> memref<1x1x128xi32, #tpu.memory_space<vmem>>
      %dma_start3A_417 = tpu.memref_squeeze %dma_start3A_416 : memref<1x1x128xi32, #tpu.memory_space<vmem>> -> memref<128xi32, #tpu.memory_space<vmem>>
      %dma_start3A_418 = arith.constant 0 : i32
      %dma_start3A_419 = arith.constant 0 : i32
      %dma_start3A_420 = tpu.memref_slice %arg9[%dma_start3A_418, %dma_start3A_419] : memref<10112x128xf32, #tpu.memory_space<vmem_shared>> -> memref<10112x128xf32, #tpu.memory_space<vmem_shared>>
      tpu.enqueue_indirect_dma source(%dma_start3A_414 : memref<128x128xf32, #tpu.memory_space<vmem>>) target(%dma_start3A_420 : memref<10112x128xf32, #tpu.memory_space<vmem_shared>>) offsets(%dma_start3A_417 : memref<128xi32, #tpu.memory_space<vmem>>) semaphore(%arg12 : memref<!tpu.dma_semaphore, #tpu.memory_space<semaphore_mem>>) {add = true}
      %dma_wait3A_421 = arith.constant 0 : i32
      %dma_wait3A_422 = arith.constant 0 : i32
      %dma_wait3A_423 = arith.constant 0 : i32
      %dma_wait3A_424 = tpu.memref_slice %arg8[%dma_wait3A_421, %dma_wait3A_422, %dma_wait3A_423] : memref<2x128x128xf32, #tpu.memory_space<vmem>> -> memref<1x128x128xf32, #tpu.memory_space<vmem>>
      %dma_wait3A_425 = tpu.memref_squeeze %dma_wait3A_424 : memref<1x128x128xf32, #tpu.memory_space<vmem>> -> memref<128x128xf32, #tpu.memory_space<vmem>>
      %dma_wait3A_426 = arith.constant 0 : i32
      %dma_wait3A_427 = arith.constant 0 : i32
      %dma_wait3A_428 = tpu.memref_slice %arg2[%dma_wait3A_426, %dma_wait3A_427] : memref<10000x128xf32, #tpu.memory_space<hbm>> -> memref<128x128xf32, #tpu.memory_space<hbm>>
      %dma_wait3A_429 = arith.constant 0 : i32
      %dma_wait3A_430 = arith.constant 0 : i32
      %dma_wait3A_431 = tpu.memref_slice %arg8[%dma_wait3A_421, %dma_wait3A_429, %dma_wait3A_430] : memref<2x128x128xf32, #tpu.memory_space<vmem>> -> memref<1x128x128xf32, #tpu.memory_space<vmem>>
      %dma_wait3A_432 = tpu.memref_squeeze %dma_wait3A_431 : memref<1x128x128xf32, #tpu.memory_space<vmem>> -> memref<128x128xf32, #tpu.memory_space<vmem>>
      %dma_wait3A_433 = arith.constant 0 : i32
      %dma_wait3A_434 = arith.constant 0 : i32
      %dma_wait3A_435 = tpu.memref_slice %arg2[%dma_wait3A_433, %dma_wait3A_434] : memref<10000x128xf32, #tpu.memory_space<hbm>> -> memref<128x128xf32, #tpu.memory_space<hbm>>
      tpu.wait_dma2 semaphore(%arg12 : memref<!tpu.dma_semaphore, #tpu.memory_space<semaphore_mem>>) src(%dma_wait3A_435 : memref<128x128xf32, #tpu.memory_space<hbm>>) dst(%dma_wait3A_432 : memref<128x128xf32, #tpu.memory_space<vmem>>)
      %dma_start3A_436 = arith.constant 0 : i32
      %dma_start3A_437 = arith.constant 7 : i32
      %dma_start3A_438 = arith.constant 0 : i32
      %dma_start3A_439 = arith.constant 0 : i32
      %dma_start3A_440 = arith.constant 0 : i32
      %dma_start3A_441 = tpu.memref_slice %arg8[%dma_start3A_438, %dma_start3A_439, %dma_start3A_440] : memref<2x128x128xf32, #tpu.memory_space<vmem>> -> memref<1x128x128xf32, #tpu.memory_space<vmem>>
      %dma_start3A_442 = tpu.memref_squeeze %dma_start3A_441 : memref<1x128x128xf32, #tpu.memory_space<vmem>> -> memref<128x128xf32, #tpu.memory_space<vmem>>
      %dma_start3A_443 = arith.constant 0 : i32
      %dma_start3A_444 = tpu.memref_slice %arg6[%dma_start3A_436, %dma_start3A_437, %dma_start3A_443] : memref<2x8x128xi32, #tpu.memory_space<vmem>> -> memref<1x1x128xi32, #tpu.memory_space<vmem>>
      %dma_start3A_445 = tpu.memref_squeeze %dma_start3A_444 : memref<1x1x128xi32, #tpu.memory_space<vmem>> -> memref<128xi32, #tpu.memory_space<vmem>>
      %dma_start3A_446 = arith.constant 0 : i32
      %dma_start3A_447 = arith.constant 0 : i32
      %dma_start3A_448 = tpu.memref_slice %arg2[%dma_start3A_446, %dma_start3A_447] : memref<10000x128xf32, #tpu.memory_space<hbm>> -> memref<10000x128xf32, #tpu.memory_space<hbm>>
      tpu.enqueue_indirect_dma source(%dma_start3A_448 : memref<10000x128xf32, #tpu.memory_space<hbm>>) target(%dma_start3A_442 : memref<128x128xf32, #tpu.memory_space<vmem>>) offsets(%dma_start3A_445 : memref<128xi32, #tpu.memory_space<vmem>>) semaphore(%arg10 : memref<!tpu.dma_semaphore, #tpu.memory_space<semaphore_mem>>)
      %dma_wait3A_449 = arith.constant 0 : i32
      %dma_wait3A_450 = arith.constant 0 : i32
      %dma_wait3A_451 = arith.constant 0 : i32
      %dma_wait3A_452 = tpu.memref_slice %arg8[%dma_wait3A_449, %dma_wait3A_450, %dma_wait3A_451] : memref<2x128x128xf32, #tpu.memory_space<vmem>> -> memref<1x128x128xf32, #tpu.memory_space<vmem>>
      %dma_wait3A_453 = tpu.memref_squeeze %dma_wait3A_452 : memref<1x128x128xf32, #tpu.memory_space<vmem>> -> memref<128x128xf32, #tpu.memory_space<vmem>>
      %dma_wait3A_454 = arith.constant 0 : i32
      %dma_wait3A_455 = arith.constant 0 : i32
      %dma_wait3A_456 = tpu.memref_slice %arg2[%dma_wait3A_454, %dma_wait3A_455] : memref<10000x128xf32, #tpu.memory_space<hbm>> -> memref<128x128xf32, #tpu.memory_space<hbm>>
      %dma_wait3A_457 = arith.constant 0 : i32
      %dma_wait3A_458 = arith.constant 0 : i32
      %dma_wait3A_459 = tpu.memref_slice %arg8[%dma_wait3A_449, %dma_wait3A_457, %dma_wait3A_458] : memref<2x128x128xf32, #tpu.memory_space<vmem>> -> memref<1x128x128xf32, #tpu.memory_space<vmem>>
      %dma_wait3A_460 = tpu.memref_squeeze %dma_wait3A_459 : memref<1x128x128xf32, #tpu.memory_space<vmem>> -> memref<128x128xf32, #tpu.memory_space<vmem>>
      %dma_wait3A_461 = arith.constant 0 : i32
      %dma_wait3A_462 = arith.constant 0 : i32
      %dma_wait3A_463 = tpu.memref_slice %arg2[%dma_wait3A_461, %dma_wait3A_462] : memref<10000x128xf32, #tpu.memory_space<hbm>> -> memref<128x128xf32, #tpu.memory_space<hbm>>
      tpu.wait_dma2 semaphore(%arg10 : memref<!tpu.dma_semaphore, #tpu.memory_space<semaphore_mem>>) src(%dma_wait3A_463 : memref<128x128xf32, #tpu.memory_space<hbm>>) dst(%dma_wait3A_460 : memref<128x128xf32, #tpu.memory_space<vmem>>)
      %dma_start3A_464 = arith.constant 0 : i32
      %dma_start3A_465 = arith.constant 0 : i32
      %dma_start3A_466 = arith.constant 7 : i32
      %dma_start3A_467 = arith.constant 0 : i32
      %dma_start3A_468 = arith.constant 0 : i32
      %dma_start3A_469 = tpu.memref_slice %arg8[%dma_start3A_464, %dma_start3A_467, %dma_start3A_468] : memref<2x128x128xf32, #tpu.memory_space<vmem>> -> memref<1x128x128xf32, #tpu.memory_space<vmem>>
      %dma_start3A_470 = tpu.memref_squeeze %dma_start3A_469 : memref<1x128x128xf32, #tpu.memory_space<vmem>> -> memref<128x128xf32, #tpu.memory_space<vmem>>
      %dma_start3A_471 = arith.constant 0 : i32
      %dma_start3A_472 = tpu.memref_slice %arg7[%dma_start3A_465, %dma_start3A_466, %dma_start3A_471] : memref<2x8x128xi32, #tpu.memory_space<vmem>> -> memref<1x1x128xi32, #tpu.memory_space<vmem>>
      %dma_start3A_473 = tpu.memref_squeeze %dma_start3A_472 : memref<1x1x128xi32, #tpu.memory_space<vmem>> -> memref<128xi32, #tpu.memory_space<vmem>>
      %dma_start3A_474 = arith.constant 0 : i32
      %dma_start3A_475 = arith.constant 0 : i32
      %dma_start3A_476 = tpu.memref_slice %arg9[%dma_start3A_474, %dma_start3A_475] : memref<10112x128xf32, #tpu.memory_space<vmem_shared>> -> memref<10112x128xf32, #tpu.memory_space<vmem_shared>>
      tpu.enqueue_indirect_dma source(%dma_start3A_470 : memref<128x128xf32, #tpu.memory_space<vmem>>) target(%dma_start3A_476 : memref<10112x128xf32, #tpu.memory_space<vmem_shared>>) offsets(%dma_start3A_473 : memref<128xi32, #tpu.memory_space<vmem>>) semaphore(%arg12 : memref<!tpu.dma_semaphore, #tpu.memory_space<semaphore_mem>>) {add = true}
      %dma_wait3A_477 = arith.constant 0 : i32
      %dma_wait3A_478 = arith.constant 0 : i32
      %dma_wait3A_479 = arith.constant 0 : i32
      %dma_wait3A_480 = tpu.memref_slice %arg8[%dma_wait3A_477, %dma_wait3A_478, %dma_wait3A_479] : memref<2x128x128xf32, #tpu.memory_space<vmem>> -> memref<1x128x128xf32, #tpu.memory_space<vmem>>
      %dma_wait3A_481 = tpu.memref_squeeze %dma_wait3A_480 : memref<1x128x128xf32, #tpu.memory_space<vmem>> -> memref<128x128xf32, #tpu.memory_space<vmem>>
      %dma_wait3A_482 = arith.constant 0 : i32
      %dma_wait3A_483 = arith.constant 0 : i32
      %dma_wait3A_484 = tpu.memref_slice %arg2[%dma_wait3A_482, %dma_wait3A_483] : memref<10000x128xf32, #tpu.memory_space<hbm>> -> memref<128x128xf32, #tpu.memory_space<hbm>>
      %dma_wait3A_485 = arith.constant 0 : i32
      %dma_wait3A_486 = arith.constant 0 : i32
      %dma_wait3A_487 = tpu.memref_slice %arg8[%dma_wait3A_477, %dma_wait3A_485, %dma_wait3A_486] : memref<2x128x128xf32, #tpu.memory_space<vmem>> -> memref<1x128x128xf32, #tpu.memory_space<vmem>>
      %dma_wait3A_488 = tpu.memref_squeeze %dma_wait3A_487 : memref<1x128x128xf32, #tpu.memory_space<vmem>> -> memref<128x128xf32, #tpu.memory_space<vmem>>
      %dma_wait3A_489 = arith.constant 0 : i32
      %dma_wait3A_490 = arith.constant 0 : i32
      %dma_wait3A_491 = tpu.memref_slice %arg2[%dma_wait3A_489, %dma_wait3A_490] : memref<10000x128xf32, #tpu.memory_space<hbm>> -> memref<128x128xf32, #tpu.memory_space<hbm>>
      tpu.wait_dma2 semaphore(%arg12 : memref<!tpu.dma_semaphore, #tpu.memory_space<semaphore_mem>>) src(%dma_wait3A_491 : memref<128x128xf32, #tpu.memory_space<hbm>>) dst(%dma_wait3A_488 : memref<128x128xf32, #tpu.memory_space<vmem>>)
    }
    %scan3A_37 = arith.constant 10 : i32
    %barrier3A_38 = arith.constant 0 : index
    tpu.barrier barrier_id(%barrier3A_38)
    "tpu.region"() ({
      %run_scoped3A_39 = tpu.sem_alloc : memref<!tpu.dma_semaphore, #tpu.memory_space<semaphore_mem>>
      %dma_start3A = arith.constant 0 : i32
      %dma_start3A_40 = tpu.memref_slice %arg5[%arg0, %multiple_of3A, %dma_start3A] : memref<2x10112x128xf32, #tpu.memory_space<hbm>> -> memref<1x632x128xf32, #tpu.memory_space<hbm>>
      %dma_start3A_41 = tpu.memref_squeeze %dma_start3A_40 : memref<1x632x128xf32, #tpu.memory_space<hbm>> -> memref<632x128xf32, #tpu.memory_space<hbm>>
      %dma_start3A_42 = arith.constant 0 : i32
      %dma_start3A_43 = tpu.memref_slice %arg9[%multiple_of3A, %dma_start3A_42] : memref<10112x128xf32, #tpu.memory_space<vmem_shared>> -> memref<632x128xf32, #tpu.memory_space<vmem_shared>>
      tpu.enqueue_dma source(%dma_start3A_43 : memref<632x128xf32, #tpu.memory_space<vmem_shared>>) target(%dma_start3A_41 : memref<632x128xf32, #tpu.memory_space<hbm>>) target_semaphore(%run_scoped3A_39 : memref<!tpu.dma_semaphore, #tpu.memory_space<semaphore_mem>>)
      %dma_wait3A = arith.constant 0 : i32
      %dma_wait3A_44 = tpu.memref_slice %arg5[%arg0, %multiple_of3A, %dma_wait3A] : memref<2x10112x128xf32, #tpu.memory_space<hbm>> -> memref<1x632x128xf32, #tpu.memory_space<hbm>>
      %dma_wait3A_45 = tpu.memref_squeeze %dma_wait3A_44 : memref<1x632x128xf32, #tpu.memory_space<hbm>> -> memref<632x128xf32, #tpu.memory_space<hbm>>
      %dma_wait3A_46 = arith.constant 0 : i32
      %dma_wait3A_47 = tpu.memref_slice %arg9[%multiple_of3A, %dma_wait3A_46] : memref<10112x128xf32, #tpu.memory_space<vmem_shared>> -> memref<632x128xf32, #tpu.memory_space<vmem_shared>>
      tpu.wait_dma2 semaphore(%run_scoped3A_39 : memref<!tpu.dma_semaphore, #tpu.memory_space<semaphore_mem>>) src(%dma_wait3A_47 : memref<632x128xf32, #tpu.memory_space<vmem_shared>>) dst(%dma_wait3A_45 : memref<632x128xf32, #tpu.memory_space<hbm>>)
      tpu.yield
    }) : () -> ()
    return
  }
}

#map = affine_map<(d0, d1) -> (0, 0)>
#map1 = affine_map<(d0, d1) -> (0, 0, 0)>
module attributes {stable_mosaic.version = 14 : i64} {
  func.func @k(%arg0: i32, %arg1: i32, %arg2: memref<10000x128xf32, #tpu.memory_space<hbm>>, %arg3: memref<2560x128xi32, #tpu.memory_space<hbm>>, %arg4: memref<2560x128xi32, #tpu.memory_space<hbm>>, %arg5: memref<2x10112x128xf32, #tpu.memory_space<hbm>>, %arg6: memref<2x8x128xi32, #tpu.memory_space<vmem>>, %arg7: memref<2x8x128xi32, #tpu.memory_space<vmem>>, %arg8: memref<2x128x128xf32, #tpu.memory_space<vmem>>, %arg9: memref<10112x128xf32, #tpu.memory_space<vmem_shared>>, %arg10: memref<!tpu.dma_semaphore, #tpu.memory_space<semaphore_mem>>, %arg11: memref<!tpu.dma_semaphore, #tpu.memory_space<semaphore_mem>>, %arg12: memref<!tpu.dma_semaphore, #tpu.memory_space<semaphore_mem>>, %arg13: memref<!tpu.dma_semaphore, #tpu.memory_space<semaphore_mem>>) attributes {dimension_semantics = [#tpu.dimension_semantics<core_parallel>, #tpu.dimension_semantics<subcore_parallel>], iteration_bounds = array<i64: 2, 16>, scalar_prefetch = 0 : i64, scratch_operands = 8 : i64, tpu.core_type = #tpu.core_type<sc_vector_subcore>, window_params = [{transform_indices = #map}, {transform_indices = #map}, {transform_indices = #map}, {transform_indices = #map1}]} {
    %mul3A = arith.constant 2 : i32
    %mul3A_0 = arith.muli %arg1, %mul3A : i32
    %add3A = arith.addi %mul3A_0, %arg0 : i32
    %mul3A_1 = arith.constant 632 : i32
    %mul3A_2 = arith.muli %arg1, %mul3A_1 : i32
    %multiple_of3A = tpu.assume_multiple %mul3A_2, 8 : i32
    %mul3A_3 = arith.constant 80 : i32
    %mul3A_4 = arith.muli %add3A, %mul3A_3 : i32
    %multiple_of3A_5 = tpu.assume_multiple %mul3A_4, 8 : i32
    %run_scoped3A = arith.constant 0 : i32
    "tpu.region"() ({
      %run_scoped3A_39 = tpu.sem_alloc : memref<!tpu.dma_semaphore, #tpu.memory_space<semaphore_mem>>
      %dma_start3A = arith.constant 0 : i32
      %dma_start3A_40 = arith.constant 0 : i32
      %dma_start3A_41 = tpu.memref_slice %arg6[%run_scoped3A, %dma_start3A, %dma_start3A_40] : memref<2x8x128xi32, #tpu.memory_space<vmem>> -> memref<1x8x128xi32, #tpu.memory_space<vmem>>
      %dma_start3A_42 = tpu.memref_squeeze %dma_start3A_41 : memref<1x8x128xi32, #tpu.memory_space<vmem>> -> memref<8x128xi32, #tpu.memory_space<vmem>>
      %dma_start3A_43 = arith.constant 0 : i32
      %dma_start3A_44 = tpu.memref_slice %arg3[%multiple_of3A_5, %dma_start3A_43] : memref<2560x128xi32, #tpu.memory_space<hbm>> -> memref<8x128xi32, #tpu.memory_space<hbm>>
      %dma_start3A_45 = arith.constant 0 : i32
      %dma_start3A_46 = arith.constant 0 : i32
      %dma_start3A_47 = tpu.memref_slice %arg6[%run_scoped3A, %dma_start3A_45, %dma_start3A_46] : memref<2x8x128xi32, #tpu.memory_space<vmem>> -> memref<1x8x128xi32, #tpu.memory_space<vmem>>
      %dma_start3A_48 = tpu.memref_squeeze %dma_start3A_47 : memref<1x8x128xi32, #tpu.memory_space<vmem>> -> memref<8x128xi32, #tpu.memory_space<vmem>>
      %dma_start3A_49 = arith.constant 0 : i32
      %dma_start3A_50 = tpu.memref_slice %arg3[%multiple_of3A_5, %dma_start3A_49] : memref<2560x128xi32, #tpu.memory_space<hbm>> -> memref<8x128xi32, #tpu.memory_space<hbm>>
      tpu.enqueue_dma source(%dma_start3A_50 : memref<8x128xi32, #tpu.memory_space<hbm>>) target(%dma_start3A_48 : memref<8x128xi32, #tpu.memory_space<vmem>>) target_semaphore(%run_scoped3A_39 : memref<!tpu.dma_semaphore, #tpu.memory_space<semaphore_mem>>)
      %dma_wait3A = arith.constant 0 : i32
      %dma_wait3A_51 = arith.constant 0 : i32
      %dma_wait3A_52 = tpu.memref_slice %arg6[%run_scoped3A, %dma_wait3A, %dma_wait3A_51] : memref<2x8x128xi32, #tpu.memory_space<vmem>> -> memref<1x8x128xi32, #tpu.memory_space<vmem>>
      %dma_wait3A_53 = tpu.memref_squeeze %dma_wait3A_52 : memref<1x8x128xi32, #tpu.memory_space<vmem>> -> memref<8x128xi32, #tpu.memory_space<vmem>>
      %dma_wait3A_54 = arith.constant 0 : i32
      %dma_wait3A_55 = tpu.memref_slice %arg3[%multiple_of3A_5, %dma_wait3A_54] : memref<2560x128xi32, #tpu.memory_space<hbm>> -> memref<8x128xi32, #tpu.memory_space<hbm>>
      %dma_wait3A_56 = arith.constant 0 : i32
      %dma_wait3A_57 = arith.constant 0 : i32
      %dma_wait3A_58 = tpu.memref_slice %arg6[%run_scoped3A, %dma_wait3A_56, %dma_wait3A_57] : memref<2x8x128xi32, #tpu.memory_space<vmem>> -> memref<1x8x128xi32, #tpu.memory_space<vmem>>
      %dma_wait3A_59 = tpu.memref_squeeze %dma_wait3A_58 : memref<1x8x128xi32, #tpu.memory_space<vmem>> -> memref<8x128xi32, #tpu.memory_space<vmem>>
      %dma_wait3A_60 = arith.constant 0 : i32
      %dma_wait3A_61 = tpu.memref_slice %arg3[%multiple_of3A_5, %dma_wait3A_60] : memref<2560x128xi32, #tpu.memory_space<hbm>> -> memref<8x128xi32, #tpu.memory_space<hbm>>
      tpu.wait_dma2 semaphore(%run_scoped3A_39 : memref<!tpu.dma_semaphore, #tpu.memory_space<semaphore_mem>>) src(%dma_wait3A_61 : memref<8x128xi32, #tpu.memory_space<hbm>>) dst(%dma_wait3A_59 : memref<8x128xi32, #tpu.memory_space<vmem>>)
      tpu.yield
    }) : () -> ()
    %run_scoped3A_6 = arith.constant 0 : i32
    "tpu.region"() ({
      %run_scoped3A_39 = tpu.sem_alloc : memref<!tpu.dma_semaphore, #tpu.memory_space<semaphore_mem>>
      %dma_start3A = arith.constant 0 : i32
      %dma_start3A_40 = arith.constant 0 : i32
      %dma_start3A_41 = tpu.memref_slice %arg7[%run_scoped3A_6, %dma_start3A, %dma_start3A_40] : memref<2x8x128xi32, #tpu.memory_space<vmem>> -> memref<1x8x128xi32, #tpu.memory_space<vmem>>
      %dma_start3A_42 = tpu.memref_squeeze %dma_start3A_41 : memref<1x8x128xi32, #tpu.memory_space<vmem>> -> memref<8x128xi32, #tpu.memory_space<vmem>>
      %dma_start3A_43 = arith.constant 0 : i32
      %dma_start3A_44 = tpu.memref_slice %arg4[%multiple_of3A_5, %dma_start3A_43] : memref<2560x128xi32, #tpu.memory_space<hbm>> -> memref<8x128xi32, #tpu.memory_space<hbm>>
      %dma_start3A_45 = arith.constant 0 : i32
      %dma_start3A_46 = arith.constant 0 : i32
      %dma_start3A_47 = tpu.memref_slice %arg7[%run_scoped3A_6, %dma_start3A_45, %dma_start3A_46] : memref<2x8x128xi32, #tpu.memory_space<vmem>> -> memref<1x8x128xi32, #tpu.memory_space<vmem>>
      %dma_start3A_48 = tpu.memref_squeeze %dma_start3A_47 : memref<1x8x128xi32, #tpu.memory_space<vmem>> -> memref<8x128xi32, #tpu.memory_space<vmem>>
      %dma_start3A_49 = arith.constant 0 : i32
      %dma_start3A_50 = tpu.memref_slice %arg4[%multiple_of3A_5, %dma_start3A_49] : memref<2560x128xi32, #tpu.memory_space<hbm>> -> memref<8x128xi32, #tpu.memory_space<hbm>>
      tpu.enqueue_dma source(%dma_start3A_50 : memref<8x128xi32, #tpu.memory_space<hbm>>) target(%dma_start3A_48 : memref<8x128xi32, #tpu.memory_space<vmem>>) target_semaphore(%run_scoped3A_39 : memref<!tpu.dma_semaphore, #tpu.memory_space<semaphore_mem>>)
      %dma_wait3A = arith.constant 0 : i32
      %dma_wait3A_51 = arith.constant 0 : i32
      %dma_wait3A_52 = tpu.memref_slice %arg7[%run_scoped3A_6, %dma_wait3A, %dma_wait3A_51] : memref<2x8x128xi32, #tpu.memory_space<vmem>> -> memref<1x8x128xi32, #tpu.memory_space<vmem>>
      %dma_wait3A_53 = tpu.memref_squeeze %dma_wait3A_52 : memref<1x8x128xi32, #tpu.memory_space<vmem>> -> memref<8x128xi32, #tpu.memory_space<vmem>>
      %dma_wait3A_54 = arith.constant 0 : i32
      %dma_wait3A_55 = tpu.memref_slice %arg4[%multiple_of3A_5, %dma_wait3A_54] : memref<2560x128xi32, #tpu.memory_space<hbm>> -> memref<8x128xi32, #tpu.memory_space<hbm>>
      %dma_wait3A_56 = arith.constant 0 : i32
      %dma_wait3A_57 = arith.constant 0 : i32
      %dma_wait3A_58 = tpu.memref_slice %arg7[%run_scoped3A_6, %dma_wait3A_56, %dma_wait3A_57] : memref<2x8x128xi32, #tpu.memory_space<vmem>> -> memref<1x8x128xi32, #tpu.memory_space<vmem>>
      %dma_wait3A_59 = tpu.memref_squeeze %dma_wait3A_58 : memref<1x8x128xi32, #tpu.memory_space<vmem>> -> memref<8x128xi32, #tpu.memory_space<vmem>>
      %dma_wait3A_60 = arith.constant 0 : i32
      %dma_wait3A_61 = tpu.memref_slice %arg4[%multiple_of3A_5, %dma_wait3A_60] : memref<2560x128xi32, #tpu.memory_space<hbm>> -> memref<8x128xi32, #tpu.memory_space<hbm>>
      tpu.wait_dma2 semaphore(%run_scoped3A_39 : memref<!tpu.dma_semaphore, #tpu.memory_space<semaphore_mem>>) src(%dma_wait3A_61 : memref<8x128xi32, #tpu.memory_space<hbm>>) dst(%dma_wait3A_59 : memref<8x128xi32, #tpu.memory_space<vmem>>)
      tpu.yield
    }) : () -> ()
    %scan3A = arith.constant 0 : i32
    %scan3A_7 = arith.constant 0 : i32
    %scan3A_8 = arith.constant 128 : i32
    %scan3A_9 = arith.addi %scan3A_7, %scan3A_8 : i32
    %scan3A_10 = arith.constant 1 : i32
    scf.for %scan3A_39 = %scan3A_7 to %scan3A_9 step %scan3A_10  : i32 {
      %broadcast_in_dim3A = arith.constant 0.000000e+00 : f32
      %broadcast_in_dim3A_40 = vector.broadcast %broadcast_in_dim3A : f32 to vector<16xf32>
      %swap3A = arith.constant 0 : i32
      %swap3A_41 = arith.index_cast %swap3A : i32 to index
      %swap3A_42 = arith.index_cast %scan3A_39 : i32 to index
      %swap3A_43 = arith.constant 0 : index
      %swap3A_44 = tpu.vector_load %arg8[%swap3A_41, %swap3A_42, %swap3A_43] {strides = array<i32>} : memref<2x128x128xf32, #tpu.memory_space<vmem>>, vector<1x1x16xf32>,
      %swap3A_45 = vector.shape_cast %swap3A_44 : vector<1x1x16xf32> to vector<16xf32>
      %swap3A_46 = vector.shape_cast %broadcast_in_dim3A_40 : vector<16xf32> to vector<1x1x16xf32>
      tpu.vector_store %arg8[%swap3A_41, %swap3A_42, %swap3A_43], %swap3A_46 {strides = array<i32>} : memref<2x128x128xf32, #tpu.memory_space<vmem>>, vector<1x1x16xf32>,
      %broadcast_in_dim3A_47 = arith.constant 0.000000e+00 : f32
      %broadcast_in_dim3A_48 = vector.broadcast %broadcast_in_dim3A_47 : f32 to vector<16xf32>
      %swap3A_49 = arith.constant 0 : i32
      %swap3A_50 = arith.index_cast %swap3A_49 : i32 to index
      %swap3A_51 = arith.index_cast %scan3A_39 : i32 to index
      %swap3A_52 = arith.constant 16 : index
      %swap3A_53 = tpu.vector_load %arg8[%swap3A_50, %swap3A_51, %swap3A_52] {strides = array<i32>} : memref<2x128x128xf32, #tpu.memory_space<vmem>>, vector<1x1x16xf32>,
      %swap3A_54 = vector.shape_cast %swap3A_53 : vector<1x1x16xf32> to vector<16xf32>
      %swap3A_55 = vector.shape_cast %broadcast_in_dim3A_48 : vector<16xf32> to vector<1x1x16xf32>
      tpu.vector_store %arg8[%swap3A_50, %swap3A_51, %swap3A_52], %swap3A_55 {strides = array<i32>} : memref<2x128x128xf32, #tpu.memory_space<vmem>>, vector<1x1x16xf32>,
      %broadcast_in_dim3A_56 = arith.constant 0.000000e+00 : f32
      %broadcast_in_dim3A_57 = vector.broadcast %broadcast_in_dim3A_56 : f32 to vector<16xf32>
      %swap3A_58 = arith.constant 0 : i32
      %swap3A_59 = arith.index_cast %swap3A_58 : i32 to index
      %swap3A_60 = arith.index_cast %scan3A_39 : i32 to index
      %swap3A_61 = arith.constant 32 : index
      %swap3A_62 = tpu.vector_load %arg8[%swap3A_59, %swap3A_60, %swap3A_61] {strides = array<i32>} : memref<2x128x128xf32, #tpu.memory_space<vmem>>, vector<1x1x16xf32>,
      %swap3A_63 = vector.shape_cast %swap3A_62 : vector<1x1x16xf32> to vector<16xf32>
      %swap3A_64 = vector.shape_cast %broadcast_in_dim3A_57 : vector<16xf32> to vector<1x1x16xf32>
      tpu.vector_store %arg8[%swap3A_59, %swap3A_60, %swap3A_61], %swap3A_64 {strides = array<i32>} : memref<2x128x128xf32, #tpu.memory_space<vmem>>, vector<1x1x16xf32>,
      %broadcast_in_dim3A_65 = arith.constant 0.000000e+00 : f32
      %broadcast_in_dim3A_66 = vector.broadcast %broadcast_in_dim3A_65 : f32 to vector<16xf32>
      %swap3A_67 = arith.constant 0 : i32
      %swap3A_68 = arith.index_cast %swap3A_67 : i32 to index
      %swap3A_69 = arith.index_cast %scan3A_39 : i32 to index
      %swap3A_70 = arith.constant 48 : index
      %swap3A_71 = tpu.vector_load %arg8[%swap3A_68, %swap3A_69, %swap3A_70] {strides = array<i32>} : memref<2x128x128xf32, #tpu.memory_space<vmem>>, vector<1x1x16xf32>,
      %swap3A_72 = vector.shape_cast %swap3A_71 : vector<1x1x16xf32> to vector<16xf32>
      %swap3A_73 = vector.shape_cast %broadcast_in_dim3A_66 : vector<16xf32> to vector<1x1x16xf32>
      tpu.vector_store %arg8[%swap3A_68, %swap3A_69, %swap3A_70], %swap3A_73 {strides = array<i32>} : memref<2x128x128xf32, #tpu.memory_space<vmem>>, vector<1x1x16xf32>,
      %broadcast_in_dim3A_74 = arith.constant 0.000000e+00 : f32
      %broadcast_in_dim3A_75 = vector.broadcast %broadcast_in_dim3A_74 : f32 to vector<16xf32>
      %swap3A_76 = arith.constant 0 : i32
      %swap3A_77 = arith.index_cast %swap3A_76 : i32 to index
      %swap3A_78 = arith.index_cast %scan3A_39 : i32 to index
      %swap3A_79 = arith.constant 64 : index
      %swap3A_80 = tpu.vector_load %arg8[%swap3A_77, %swap3A_78, %swap3A_79] {strides = array<i32>} : memref<2x128x128xf32, #tpu.memory_space<vmem>>, vector<1x1x16xf32>,
      %swap3A_81 = vector.shape_cast %swap3A_80 : vector<1x1x16xf32> to vector<16xf32>
      %swap3A_82 = vector.shape_cast %broadcast_in_dim3A_75 : vector<16xf32> to vector<1x1x16xf32>
      tpu.vector_store %arg8[%swap3A_77, %swap3A_78, %swap3A_79], %swap3A_82 {strides = array<i32>} : memref<2x128x128xf32, #tpu.memory_space<vmem>>, vector<1x1x16xf32>,
      %broadcast_in_dim3A_83 = arith.constant 0.000000e+00 : f32
      %broadcast_in_dim3A_84 = vector.broadcast %broadcast_in_dim3A_83 : f32 to vector<16xf32>
      %swap3A_85 = arith.constant 0 : i32
      %swap3A_86 = arith.index_cast %swap3A_85 : i32 to index
      %swap3A_87 = arith.index_cast %scan3A_39 : i32 to index
      %swap3A_88 = arith.constant 80 : index
      %swap3A_89 = tpu.vector_load %arg8[%swap3A_86, %swap3A_87, %swap3A_88] {strides = array<i32>} : memref<2x128x128xf32, #tpu.memory_space<vmem>>, vector<1x1x16xf32>,
      %swap3A_90 = vector.shape_cast %swap3A_89 : vector<1x1x16xf32> to vector<16xf32>
      %swap3A_91 = vector.shape_cast %broadcast_in_dim3A_84 : vector<16xf32> to vector<1x1x16xf32>
      tpu.vector_store %arg8[%swap3A_86, %swap3A_87, %swap3A_88], %swap3A_91 {strides = array<i32>} : memref<2x128x128xf32, #tpu.memory_space<vmem>>, vector<1x1x16xf32>,
      %broadcast_in_dim3A_92 = arith.constant 0.000000e+00 : f32
      %broadcast_in_dim3A_93 = vector.broadcast %broadcast_in_dim3A_92 : f32 to vector<16xf32>
      %swap3A_94 = arith.constant 0 : i32
      %swap3A_95 = arith.index_cast %swap3A_94 : i32 to index
      %swap3A_96 = arith.index_cast %scan3A_39 : i32 to index
      %swap3A_97 = arith.constant 96 : index
      %swap3A_98 = tpu.vector_load %arg8[%swap3A_95, %swap3A_96, %swap3A_97] {strides = array<i32>} : memref<2x128x128xf32, #tpu.memory_space<vmem>>, vector<1x1x16xf32>,
      %swap3A_99 = vector.shape_cast %swap3A_98 : vector<1x1x16xf32> to vector<16xf32>
      %swap3A_100 = vector.shape_cast %broadcast_in_dim3A_93 : vector<16xf32> to vector<1x1x16xf32>
      tpu.vector_store %arg8[%swap3A_95, %swap3A_96, %swap3A_97], %swap3A_100 {strides = array<i32>} : memref<2x128x128xf32, #tpu.memory_space<vmem>>, vector<1x1x16xf32>,
      %broadcast_in_dim3A_101 = arith.constant 0.000000e+00 : f32
      %broadcast_in_dim3A_102 = vector.broadcast %broadcast_in_dim3A_101 : f32 to vector<16xf32>
      %swap3A_103 = arith.constant 0 : i32
      %swap3A_104 = arith.index_cast %swap3A_103 : i32 to index
      %swap3A_105 = arith.index_cast %scan3A_39 : i32 to index
      %swap3A_106 = arith.constant 112 : index
      %swap3A_107 = tpu.vector_load %arg8[%swap3A_104, %swap3A_105, %swap3A_106] {strides = array<i32>} : memref<2x128x128xf32, #tpu.memory_space<vmem>>, vector<1x1x16xf32>,
      %swap3A_108 = vector.shape_cast %swap3A_107 : vector<1x1x16xf32> to vector<16xf32>
      %swap3A_109 = vector.shape_cast %broadcast_in_dim3A_102 : vector<16xf32> to vector<1x1x16xf32>
      tpu.vector_store %arg8[%swap3A_104, %swap3A_105, %swap3A_106], %swap3A_109 {strides = array<i32>} : memref<2x128x128xf32, #tpu.memory_space<vmem>>, vector<1x1x16xf32>,
    }
    %scan3A_11 = arith.constant 128 : i32
    %add3A_12 = arith.constant 0 : i32
    %add3A_13 = arith.addi %multiple_of3A, %add3A_12 : i32
    %multiple_of3A_14 = tpu.assume_multiple %add3A_13, 8 : i32
    %run_scoped3A_15 = arith.constant 0 : i32
    "tpu.region"() ({
      %run_scoped3A_39 = tpu.sem_alloc : memref<!tpu.dma_semaphore, #tpu.memory_space<semaphore_mem>>
      %dma_start3A = arith.constant 0 : i32
      %dma_start3A_40 = arith.constant 0 : i32
      %dma_start3A_41 = tpu.memref_slice %arg8[%run_scoped3A_15, %dma_start3A, %dma_start3A_40] : memref<2x128x128xf32, #tpu.memory_space<vmem>> -> memref<1x128x128xf32, #tpu.memory_space<vmem>>
      %dma_start3A_42 = tpu.memref_squeeze %dma_start3A_41 : memref<1x128x128xf32, #tpu.memory_space<vmem>> -> memref<128x128xf32, #tpu.memory_space<vmem>>
      %dma_start3A_43 = arith.constant 0 : i32
      %dma_start3A_44 = tpu.memref_slice %arg9[%multiple_of3A_14, %dma_start3A_43] : memref<10112x128xf32, #tpu.memory_space<vmem_shared>> -> memref<128x128xf32, #tpu.memory_space<vmem_shared>>
      %dma_start3A_45 = arith.constant 0 : i32
      %dma_start3A_46 = tpu.memref_slice %arg9[%multiple_of3A_14, %dma_start3A_45] : memref<10112x128xf32, #tpu.memory_space<vmem_shared>> -> memref<128x128xf32, #tpu.memory_space<vmem_shared>>
      %dma_start3A_47 = arith.constant 0 : i32
      %dma_start3A_48 = arith.constant 0 : i32
      %dma_start3A_49 = tpu.memref_slice %arg8[%run_scoped3A_15, %dma_start3A_47, %dma_start3A_48] : memref<2x128x128xf32, #tpu.memory_space<vmem>> -> memref<1x128x128xf32, #tpu.memory_space<vmem>>
      %dma_start3A_50 = tpu.memref_squeeze %dma_start3A_49 : memref<1x128x128xf32, #tpu.memory_space<vmem>> -> memref<128x128xf32, #tpu.memory_space<vmem>>
      tpu.enqueue_dma source(%dma_start3A_50 : memref<128x128xf32, #tpu.memory_space<vmem>>) target(%dma_start3A_46 : memref<128x128xf32, #tpu.memory_space<vmem_shared>>) target_semaphore(%run_scoped3A_39 : memref<!tpu.dma_semaphore, #tpu.memory_space<semaphore_mem>>)
      %dma_wait3A = arith.constant 0 : i32
      %dma_wait3A_51 = arith.constant 0 : i32
      %dma_wait3A_52 = tpu.memref_slice %arg8[%run_scoped3A_15, %dma_wait3A, %dma_wait3A_51] : memref<2x128x128xf32, #tpu.memory_space<vmem>> -> memref<1x128x128xf32, #tpu.memory_space<vmem>>
      %dma_wait3A_53 = tpu.memref_squeeze %dma_wait3A_52 : memref<1x128x128xf32, #tpu.memory_space<vmem>> -> memref<128x128xf32, #tpu.memory_space<vmem>>
      %dma_wait3A_54 = arith.constant 0 : i32
      %dma_wait3A_55 = tpu.memref_slice %arg9[%multiple_of3A_14, %dma_wait3A_54] : memref<10112x128xf32, #tpu.memory_space<vmem_shared>> -> memref<128x128xf32, #tpu.memory_space<vmem_shared>>
      %dma_wait3A_56 = arith.constant 0 : i32
      %dma_wait3A_57 = tpu.memref_slice %arg9[%multiple_of3A_14, %dma_wait3A_56] : memref<10112x128xf32, #tpu.memory_space<vmem_shared>> -> memref<128x128xf32, #tpu.memory_space<vmem_shared>>
      %dma_wait3A_58 = arith.constant 0 : i32
      %dma_wait3A_59 = arith.constant 0 : i32
      %dma_wait3A_60 = tpu.memref_slice %arg8[%run_scoped3A_15, %dma_wait3A_58, %dma_wait3A_59] : memref<2x128x128xf32, #tpu.memory_space<vmem>> -> memref<1x128x128xf32, #tpu.memory_space<vmem>>
      %dma_wait3A_61 = tpu.memref_squeeze %dma_wait3A_60 : memref<1x128x128xf32, #tpu.memory_space<vmem>> -> memref<128x128xf32, #tpu.memory_space<vmem>>
      tpu.wait_dma2 semaphore(%run_scoped3A_39 : memref<!tpu.dma_semaphore, #tpu.memory_space<semaphore_mem>>) src(%dma_wait3A_61 : memref<128x128xf32, #tpu.memory_space<vmem>>) dst(%dma_wait3A_57 : memref<128x128xf32, #tpu.memory_space<vmem_shared>>)
      tpu.yield
    }) : () -> ()
    %add3A_16 = arith.constant 128 : i32
    %add3A_17 = arith.addi %multiple_of3A, %add3A_16 : i32
    %multiple_of3A_18 = tpu.assume_multiple %add3A_17, 8 : i32
    %run_scoped3A_19 = arith.constant 0 : i32
    "tpu.region"() ({
      %run_scoped3A_39 = tpu.sem_alloc : memref<!tpu.dma_semaphore, #tpu.memory_space<semaphore_mem>>
      %dma_start3A = arith.constant 0 : i32
      %dma_start3A_40 = arith.constant 0 : i32
      %dma_start3A_41 = tpu.memref_slice %arg8[%run_scoped3A_19, %dma_start3A, %dma_start3A_40] : memref<2x128x128xf32, #tpu.memory_space<vmem>> -> memref<1x128x128xf32, #tpu.memory_space<vmem>>
      %dma_start3A_42 = tpu.memref_squeeze %dma_start3A_41 : memref<1x128x128xf32, #tpu.memory_space<vmem>> -> memref<128x128xf32, #tpu.memory_space<vmem>>
      %dma_start3A_43 = arith.constant 0 : i32
      %dma_start3A_44 = tpu.memref_slice %arg9[%multiple_of3A_18, %dma_start3A_43] : memref<10112x128xf32, #tpu.memory_space<vmem_shared>> -> memref<128x128xf32, #tpu.memory_space<vmem_shared>>
      %dma_start3A_45 = arith.constant 0 : i32
      %dma_start3A_46 = tpu.memref_slice %arg9[%multiple_of3A_18, %dma_start3A_45] : memref<10112x128xf32, #tpu.memory_space<vmem_shared>> -> memref<128x128xf32, #tpu.memory_space<vmem_shared>>
      %dma_start3A_47 = arith.constant 0 : i32
      %dma_start3A_48 = arith.constant 0 : i32
      %dma_start3A_49 = tpu.memref_slice %arg8[%run_scoped3A_19, %dma_start3A_47, %dma_start3A_48] : memref<2x128x128xf32, #tpu.memory_space<vmem>> -> memref<1x128x128xf32, #tpu.memory_space<vmem>>
      %dma_start3A_50 = tpu.memref_squeeze %dma_start3A_49 : memref<1x128x128xf32, #tpu.memory_space<vmem>> -> memref<128x128xf32, #tpu.memory_space<vmem>>
      tpu.enqueue_dma source(%dma_start3A_50 : memref<128x128xf32, #tpu.memory_space<vmem>>) target(%dma_start3A_46 : memref<128x128xf32, #tpu.memory_space<vmem_shared>>) target_semaphore(%run_scoped3A_39 : memref<!tpu.dma_semaphore, #tpu.memory_space<semaphore_mem>>)
      %dma_wait3A = arith.constant 0 : i32
      %dma_wait3A_51 = arith.constant 0 : i32
      %dma_wait3A_52 = tpu.memref_slice %arg8[%run_scoped3A_19, %dma_wait3A, %dma_wait3A_51] : memref<2x128x128xf32, #tpu.memory_space<vmem>> -> memref<1x128x128xf32, #tpu.memory_space<vmem>>
      %dma_wait3A_53 = tpu.memref_squeeze %dma_wait3A_52 : memref<1x128x128xf32, #tpu.memory_space<vmem>> -> memref<128x128xf32, #tpu.memory_space<vmem>>
      %dma_wait3A_54 = arith.constant 0 : i32
      %dma_wait3A_55 = tpu.memref_slice %arg9[%multiple_of3A_18, %dma_wait3A_54] : memref<10112x128xf32, #tpu.memory_space<vmem_shared>> -> memref<128x128xf32, #tpu.memory_space<vmem_shared>>
      %dma_wait3A_56 = arith.constant 0 : i32
      %dma_wait3A_57 = tpu.memref_slice %arg9[%multiple_of3A_18, %dma_wait3A_56] : memref<10112x128xf32, #tpu.memory_space<vmem_shared>> -> memref<128x128xf32, #tpu.memory_space<vmem_shared>>
      %dma_wait3A_58 = arith.constant 0 : i32
      %dma_wait3A_59 = arith.constant 0 : i32
      %dma_wait3A_60 = tpu.memref_slice %arg8[%run_scoped3A_19, %dma_wait3A_58, %dma_wait3A_59] : memref<2x128x128xf32, #tpu.memory_space<vmem>> -> memref<1x128x128xf32, #tpu.memory_space<vmem>>
      %dma_wait3A_61 = tpu.memref_squeeze %dma_wait3A_60 : memref<1x128x128xf32, #tpu.memory_space<vmem>> -> memref<128x128xf32, #tpu.memory_space<vmem>>
      tpu.wait_dma2 semaphore(%run_scoped3A_39 : memref<!tpu.dma_semaphore, #tpu.memory_space<semaphore_mem>>) src(%dma_wait3A_61 : memref<128x128xf32, #tpu.memory_space<vmem>>) dst(%dma_wait3A_57 : memref<128x128xf32, #tpu.memory_space<vmem_shared>>)
      tpu.yield
    }) : () -> ()
    %add3A_20 = arith.constant 256 : i32
    %add3A_21 = arith.addi %multiple_of3A, %add3A_20 : i32
    %multiple_of3A_22 = tpu.assume_multiple %add3A_21, 8 : i32
    %run_scoped3A_23 = arith.constant 0 : i32
    "tpu.region"() ({
      %run_scoped3A_39 = tpu.sem_alloc : memref<!tpu.dma_semaphore, #tpu.memory_space<semaphore_mem>>
      %dma_start3A = arith.constant 0 : i32
      %dma_start3A_40 = arith.constant 0 : i32
      %dma_start3A_41 = tpu.memref_slice %arg8[%run_scoped3A_23, %dma_start3A, %dma_start3A_40] : memref<2x128x128xf32, #tpu.memory_space<vmem>> -> memref<1x128x128xf32, #tpu.memory_space<vmem>>
      %dma_start3A_42 = tpu.memref_squeeze %dma_start3A_41 : memref<1x128x128xf32, #tpu.memory_space<vmem>> -> memref<128x128xf32, #tpu.memory_space<vmem>>
      %dma_start3A_43 = arith.constant 0 : i32
      %dma_start3A_44 = tpu.memref_slice %arg9[%multiple_of3A_22, %dma_start3A_43] : memref<10112x128xf32, #tpu.memory_space<vmem_shared>> -> memref<128x128xf32, #tpu.memory_space<vmem_shared>>
      %dma_start3A_45 = arith.constant 0 : i32
      %dma_start3A_46 = tpu.memref_slice %arg9[%multiple_of3A_22, %dma_start3A_45] : memref<10112x128xf32, #tpu.memory_space<vmem_shared>> -> memref<128x128xf32, #tpu.memory_space<vmem_shared>>
      %dma_start3A_47 = arith.constant 0 : i32
      %dma_start3A_48 = arith.constant 0 : i32
      %dma_start3A_49 = tpu.memref_slice %arg8[%run_scoped3A_23, %dma_start3A_47, %dma_start3A_48] : memref<2x128x128xf32, #tpu.memory_space<vmem>> -> memref<1x128x128xf32, #tpu.memory_space<vmem>>
      %dma_start3A_50 = tpu.memref_squeeze %dma_start3A_49 : memref<1x128x128xf32, #tpu.memory_space<vmem>> -> memref<128x128xf32, #tpu.memory_space<vmem>>
      tpu.enqueue_dma source(%dma_start3A_50 : memref<128x128xf32, #tpu.memory_space<vmem>>) target(%dma_start3A_46 : memref<128x128xf32, #tpu.memory_space<vmem_shared>>) target_semaphore(%run_scoped3A_39 : memref<!tpu.dma_semaphore, #tpu.memory_space<semaphore_mem>>)
      %dma_wait3A = arith.constant 0 : i32
      %dma_wait3A_51 = arith.constant 0 : i32
      %dma_wait3A_52 = tpu.memref_slice %arg8[%run_scoped3A_23, %dma_wait3A, %dma_wait3A_51] : memref<2x128x128xf32, #tpu.memory_space<vmem>> -> memref<1x128x128xf32, #tpu.memory_space<vmem>>
      %dma_wait3A_53 = tpu.memref_squeeze %dma_wait3A_52 : memref<1x128x128xf32, #tpu.memory_space<vmem>> -> memref<128x128xf32, #tpu.memory_space<vmem>>
      %dma_wait3A_54 = arith.constant 0 : i32
      %dma_wait3A_55 = tpu.memref_slice %arg9[%multiple_of3A_22, %dma_wait3A_54] : memref<10112x128xf32, #tpu.memory_space<vmem_shared>> -> memref<128x128xf32, #tpu.memory_space<vmem_shared>>
      %dma_wait3A_56 = arith.constant 0 : i32
      %dma_wait3A_57 = tpu.memref_slice %arg9[%multiple_of3A_22, %dma_wait3A_56] : memref<10112x128xf32, #tpu.memory_space<vmem_shared>> -> memref<128x128xf32, #tpu.memory_space<vmem_shared>>
      %dma_wait3A_58 = arith.constant 0 : i32
      %dma_wait3A_59 = arith.constant 0 : i32
      %dma_wait3A_60 = tpu.memref_slice %arg8[%run_scoped3A_23, %dma_wait3A_58, %dma_wait3A_59] : memref<2x128x128xf32, #tpu.memory_space<vmem>> -> memref<1x128x128xf32, #tpu.memory_space<vmem>>
      %dma_wait3A_61 = tpu.memref_squeeze %dma_wait3A_60 : memref<1x128x128xf32, #tpu.memory_space<vmem>> -> memref<128x128xf32, #tpu.memory_space<vmem>>
      tpu.wait_dma2 semaphore(%run_scoped3A_39 : memref<!tpu.dma_semaphore, #tpu.memory_space<semaphore_mem>>) src(%dma_wait3A_61 : memref<128x128xf32, #tpu.memory_space<vmem>>) dst(%dma_wait3A_57 : memref<128x128xf32, #tpu.memory_space<vmem_shared>>)
      tpu.yield
    }) : () -> ()
    %add3A_24 = arith.constant 384 : i32
    %add3A_25 = arith.addi %multiple_of3A, %add3A_24 : i32
    %multiple_of3A_26 = tpu.assume_multiple %add3A_25, 8 : i32
    %run_scoped3A_27 = arith.constant 0 : i32
    "tpu.region"() ({
      %run_scoped3A_39 = tpu.sem_alloc : memref<!tpu.dma_semaphore, #tpu.memory_space<semaphore_mem>>
      %dma_start3A = arith.constant 0 : i32
      %dma_start3A_40 = arith.constant 0 : i32
      %dma_start3A_41 = tpu.memref_slice %arg8[%run_scoped3A_27, %dma_start3A, %dma_start3A_40] : memref<2x128x128xf32, #tpu.memory_space<vmem>> -> memref<1x128x128xf32, #tpu.memory_space<vmem>>
      %dma_start3A_42 = tpu.memref_squeeze %dma_start3A_41 : memref<1x128x128xf32, #tpu.memory_space<vmem>> -> memref<128x128xf32, #tpu.memory_space<vmem>>
      %dma_start3A_43 = arith.constant 0 : i32
      %dma_start3A_44 = tpu.memref_slice %arg9[%multiple_of3A_26, %dma_start3A_43] : memref<10112x128xf32, #tpu.memory_space<vmem_shared>> -> memref<128x128xf32, #tpu.memory_space<vmem_shared>>
      %dma_start3A_45 = arith.constant 0 : i32
      %dma_start3A_46 = tpu.memref_slice %arg9[%multiple_of3A_26, %dma_start3A_45] : memref<10112x128xf32, #tpu.memory_space<vmem_shared>> -> memref<128x128xf32, #tpu.memory_space<vmem_shared>>
      %dma_start3A_47 = arith.constant 0 : i32
      %dma_start3A_48 = arith.constant 0 : i32
      %dma_start3A_49 = tpu.memref_slice %arg8[%run_scoped3A_27, %dma_start3A_47, %dma_start3A_48] : memref<2x128x128xf32, #tpu.memory_space<vmem>> -> memref<1x128x128xf32, #tpu.memory_space<vmem>>
      %dma_start3A_50 = tpu.memref_squeeze %dma_start3A_49 : memref<1x128x128xf32, #tpu.memory_space<vmem>> -> memref<128x128xf32, #tpu.memory_space<vmem>>
      tpu.enqueue_dma source(%dma_start3A_50 : memref<128x128xf32, #tpu.memory_space<vmem>>) target(%dma_start3A_46 : memref<128x128xf32, #tpu.memory_space<vmem_shared>>) target_semaphore(%run_scoped3A_39 : memref<!tpu.dma_semaphore, #tpu.memory_space<semaphore_mem>>)
      %dma_wait3A = arith.constant 0 : i32
      %dma_wait3A_51 = arith.constant 0 : i32
      %dma_wait3A_52 = tpu.memref_slice %arg8[%run_scoped3A_27, %dma_wait3A, %dma_wait3A_51] : memref<2x128x128xf32, #tpu.memory_space<vmem>> -> memref<1x128x128xf32, #tpu.memory_space<vmem>>
      %dma_wait3A_53 = tpu.memref_squeeze %dma_wait3A_52 : memref<1x128x128xf32, #tpu.memory_space<vmem>> -> memref<128x128xf32, #tpu.memory_space<vmem>>
      %dma_wait3A_54 = arith.constant 0 : i32
      %dma_wait3A_55 = tpu.memref_slice %arg9[%multiple_of3A_26, %dma_wait3A_54] : memref<10112x128xf32, #tpu.memory_space<vmem_shared>> -> memref<128x128xf32, #tpu.memory_space<vmem_shared>>
      %dma_wait3A_56 = arith.constant 0 : i32
      %dma_wait3A_57 = tpu.memref_slice %arg9[%multiple_of3A_26, %dma_wait3A_56] : memref<10112x128xf32, #tpu.memory_space<vmem_shared>> -> memref<128x128xf32, #tpu.memory_space<vmem_shared>>
      %dma_wait3A_58 = arith.constant 0 : i32
      %dma_wait3A_59 = arith.constant 0 : i32
      %dma_wait3A_60 = tpu.memref_slice %arg8[%run_scoped3A_27, %dma_wait3A_58, %dma_wait3A_59] : memref<2x128x128xf32, #tpu.memory_space<vmem>> -> memref<1x128x128xf32, #tpu.memory_space<vmem>>
      %dma_wait3A_61 = tpu.memref_squeeze %dma_wait3A_60 : memref<1x128x128xf32, #tpu.memory_space<vmem>> -> memref<128x128xf32, #tpu.memory_space<vmem>>
      tpu.wait_dma2 semaphore(%run_scoped3A_39 : memref<!tpu.dma_semaphore, #tpu.memory_space<semaphore_mem>>) src(%dma_wait3A_61 : memref<128x128xf32, #tpu.memory_space<vmem>>) dst(%dma_wait3A_57 : memref<128x128xf32, #tpu.memory_space<vmem_shared>>)
      tpu.yield
    }) : () -> ()
    %add3A_28 = arith.constant 512 : i32
    %add3A_29 = arith.addi %multiple_of3A, %add3A_28 : i32
    %multiple_of3A_30 = tpu.assume_multiple %add3A_29, 8 : i32
    %run_scoped3A_31 = arith.constant 0 : i32
    "tpu.region"() ({
      %run_scoped3A_39 = tpu.sem_alloc : memref<!tpu.dma_semaphore, #tpu.memory_space<semaphore_mem>>
      %dma_start3A = arith.constant 0 : i32
      %dma_start3A_40 = arith.constant 0 : i32
      %dma_start3A_41 = tpu.memref_slice %arg8[%run_scoped3A_31, %dma_start3A, %dma_start3A_40] : memref<2x128x128xf32, #tpu.memory_space<vmem>> -> memref<1x120x128xf32, #tpu.memory_space<vmem>>
      %dma_start3A_42 = tpu.memref_squeeze %dma_start3A_41 : memref<1x120x128xf32, #tpu.memory_space<vmem>> -> memref<120x128xf32, #tpu.memory_space<vmem>>
      %dma_start3A_43 = arith.constant 0 : i32
      %dma_start3A_44 = tpu.memref_slice %arg9[%multiple_of3A_30, %dma_start3A_43] : memref<10112x128xf32, #tpu.memory_space<vmem_shared>> -> memref<120x128xf32, #tpu.memory_space<vmem_shared>>
      %dma_start3A_45 = arith.constant 0 : i32
      %dma_start3A_46 = tpu.memref_slice %arg9[%multiple_of3A_30, %dma_start3A_45] : memref<10112x128xf32, #tpu.memory_space<vmem_shared>> -> memref<120x128xf32, #tpu.memory_space<vmem_shared>>
      %dma_start3A_47 = arith.constant 0 : i32
      %dma_start3A_48 = arith.constant 0 : i32
      %dma_start3A_49 = tpu.memref_slice %arg8[%run_scoped3A_31, %dma_start3A_47, %dma_start3A_48] : memref<2x128x128xf32, #tpu.memory_space<vmem>> -> memref<1x120x128xf32, #tpu.memory_space<vmem>>
      %dma_start3A_50 = tpu.memref_squeeze %dma_start3A_49 : memref<1x120x128xf32, #tpu.memory_space<vmem>> -> memref<120x128xf32, #tpu.memory_space<vmem>>
      tpu.enqueue_dma source(%dma_start3A_50 : memref<120x128xf32, #tpu.memory_space<vmem>>) target(%dma_start3A_46 : memref<120x128xf32, #tpu.memory_space<vmem_shared>>) target_semaphore(%run_scoped3A_39 : memref<!tpu.dma_semaphore, #tpu.memory_space<semaphore_mem>>)
      %dma_wait3A = arith.constant 0 : i32
      %dma_wait3A_51 = arith.constant 0 : i32
      %dma_wait3A_52 = tpu.memref_slice %arg8[%run_scoped3A_31, %dma_wait3A, %dma_wait3A_51] : memref<2x128x128xf32, #tpu.memory_space<vmem>> -> memref<1x120x128xf32, #tpu.memory_space<vmem>>
      %dma_wait3A_53 = tpu.memref_squeeze %dma_wait3A_52 : memref<1x120x128xf32, #tpu.memory_space<vmem>> -> memref<120x128xf32, #tpu.memory_space<vmem>>
      %dma_wait3A_54 = arith.constant 0 : i32
      %dma_wait3A_55 = tpu.memref_slice %arg9[%multiple_of3A_30, %dma_wait3A_54] : memref<10112x128xf32, #tpu.memory_space<vmem_shared>> -> memref<120x128xf32, #tpu.memory_space<vmem_shared>>
      %dma_wait3A_56 = arith.constant 0 : i32
      %dma_wait3A_57 = tpu.memref_slice %arg9[%multiple_of3A_30, %dma_wait3A_56] : memref<10112x128xf32, #tpu.memory_space<vmem_shared>> -> memref<120x128xf32, #tpu.memory_space<vmem_shared>>
      %dma_wait3A_58 = arith.constant 0 : i32
      %dma_wait3A_59 = arith.constant 0 : i32
      %dma_wait3A_60 = tpu.memref_slice %arg8[%run_scoped3A_31, %dma_wait3A_58, %dma_wait3A_59] : memref<2x128x128xf32, #tpu.memory_space<vmem>> -> memref<1x120x128xf32, #tpu.memory_space<vmem>>
      %dma_wait3A_61 = tpu.memref_squeeze %dma_wait3A_60 : memref<1x120x128xf32, #tpu.memory_space<vmem>> -> memref<120x128xf32, #tpu.memory_space<vmem>>
      tpu.wait_dma2 semaphore(%run_scoped3A_39 : memref<!tpu.dma_semaphore, #tpu.memory_space<semaphore_mem>>) src(%dma_wait3A_61 : memref<120x128xf32, #tpu.memory_space<vmem>>) dst(%dma_wait3A_57 : memref<120x128xf32, #tpu.memory_space<vmem_shared>>)
      tpu.yield
    }) : () -> ()
    %barrier3A = arith.constant 0 : index
    tpu.barrier barrier_id(%barrier3A)
    %scan3A_32 = arith.constant 0 : i32
    %scan3A_33 = arith.constant 0 : i32
    %scan3A_34 = arith.constant 10 : i32
    %scan3A_35 = arith.addi %scan3A_33, %scan3A_34 : i32
    %scan3A_36 = arith.constant 1 : i32
    scf.for %scan3A_39 = %scan3A_33 to %scan3A_35 step %scan3A_36  : i32 {
      %mul3A_40 = arith.constant 8 : i32
      %mul3A_41 = arith.muli %scan3A_39, %mul3A_40 : i32
      %add3A_42 = arith.addi %mul3A_4, %mul3A_41 : i32
      %multiple_of3A_43 = tpu.assume_multiple %add3A_42, 8 : i32
      %run_scoped3A_44 = arith.constant 0 : i32
      "tpu.region"() ({
        %run_scoped3A_492 = tpu.sem_alloc : memref<!tpu.dma_semaphore, #tpu.memory_space<semaphore_mem>>
        %dma_start3A_493 = arith.constant 0 : i32
        %dma_start3A_494 = arith.constant 0 : i32
        %dma_start3A_495 = tpu.memref_slice %arg6[%run_scoped3A_44, %dma_start3A_493, %dma_start3A_494] : memref<2x8x128xi32, #tpu.memory_space<vmem>> -> memref<1x8x128xi32, #tpu.memory_space<vmem>>
        %dma_start3A_496 = tpu.memref_squeeze %dma_start3A_495 : memref<1x8x128xi32, #tpu.memory_space<vmem>> -> memref<8x128xi32, #tpu.memory_space<vmem>>
        %dma_start3A_497 = arith.constant 0 : i32
        %dma_start3A_498 = tpu.memref_slice %arg3[%multiple_of3A_43, %dma_start3A_497] : memref<2560x128xi32, #tpu.memory_space<hbm>> -> memref<8x128xi32, #tpu.memory_space<hbm>>
        %dma_start3A_499 = arith.constant 0 : i32
        %dma_start3A_500 = arith.constant 0 : i32
        %dma_start3A_501 = tpu.memref_slice %arg6[%run_scoped3A_44, %dma_start3A_499, %dma_start3A_500] : memref<2x8x128xi32, #tpu.memory_space<vmem>> -> memref<1x8x128xi32, #tpu.memory_space<vmem>>
        %dma_start3A_502 = tpu.memref_squeeze %dma_start3A_501 : memref<1x8x128xi32, #tpu.memory_space<vmem>> -> memref<8x128xi32, #tpu.memory_space<vmem>>
        %dma_start3A_503 = arith.constant 0 : i32
        %dma_start3A_504 = tpu.memref_slice %arg3[%multiple_of3A_43, %dma_start3A_503] : memref<2560x128xi32, #tpu.memory_space<hbm>> -> memref<8x128xi32, #tpu.memory_space<hbm>>
        tpu.enqueue_dma source(%dma_start3A_504 : memref<8x128xi32, #tpu.memory_space<hbm>>) target(%dma_start3A_502 : memref<8x128xi32, #tpu.memory_space<vmem>>) target_semaphore(%run_scoped3A_492 : memref<!tpu.dma_semaphore, #tpu.memory_space<semaphore_mem>>)
        %dma_wait3A_505 = arith.constant 0 : i32
        %dma_wait3A_506 = arith.constant 0 : i32
        %dma_wait3A_507 = tpu.memref_slice %arg6[%run_scoped3A_44, %dma_wait3A_505, %dma_wait3A_506] : memref<2x8x128xi32, #tpu.memory_space<vmem>> -> memref<1x8x128xi32, #tpu.memory_space<vmem>>
        %dma_wait3A_508 = tpu.memref_squeeze %dma_wait3A_507 : memref<1x8x128xi32, #tpu.memory_space<vmem>> -> memref<8x128xi32, #tpu.memory_space<vmem>>
        %dma_wait3A_509 = arith.constant 0 : i32
        %dma_wait3A_510 = tpu.memref_slice %arg3[%multiple_of3A_43, %dma_wait3A_509] : memref<2560x128xi32, #tpu.memory_space<hbm>> -> memref<8x128xi32, #tpu.memory_space<hbm>>
        %dma_wait3A_511 = arith.constant 0 : i32
        %dma_wait3A_512 = arith.constant 0 : i32
        %dma_wait3A_513 = tpu.memref_slice %arg6[%run_scoped3A_44, %dma_wait3A_511, %dma_wait3A_512] : memref<2x8x128xi32, #tpu.memory_space<vmem>> -> memref<1x8x128xi32, #tpu.memory_space<vmem>>
        %dma_wait3A_514 = tpu.memref_squeeze %dma_wait3A_513 : memref<1x8x128xi32, #tpu.memory_space<vmem>> -> memref<8x128xi32, #tpu.memory_space<vmem>>
        %dma_wait3A_515 = arith.constant 0 : i32
        %dma_wait3A_516 = tpu.memref_slice %arg3[%multiple_of3A_43, %dma_wait3A_515] : memref<2560x128xi32, #tpu.memory_space<hbm>> -> memref<8x128xi32, #tpu.memory_space<hbm>>
        tpu.wait_dma2 semaphore(%run_scoped3A_492 : memref<!tpu.dma_semaphore, #tpu.memory_space<semaphore_mem>>) src(%dma_wait3A_516 : memref<8x128xi32, #tpu.memory_space<hbm>>) dst(%dma_wait3A_514 : memref<8x128xi32, #tpu.memory_space<vmem>>)
        tpu.yield
      }) : () -> ()
      %run_scoped3A_45 = arith.constant 0 : i32
      "tpu.region"() ({
        %run_scoped3A_492 = tpu.sem_alloc : memref<!tpu.dma_semaphore, #tpu.memory_space<semaphore_mem>>
        %dma_start3A_493 = arith.constant 0 : i32
        %dma_start3A_494 = arith.constant 0 : i32
        %dma_start3A_495 = tpu.memref_slice %arg7[%run_scoped3A_45, %dma_start3A_493, %dma_start3A_494] : memref<2x8x128xi32, #tpu.memory_space<vmem>> -> memref<1x8x128xi32, #tpu.memory_space<vmem>>
        %dma_start3A_496 = tpu.memref_squeeze %dma_start3A_495 : memref<1x8x128xi32, #tpu.memory_space<vmem>> -> memref<8x128xi32, #tpu.memory_space<vmem>>
        %dma_start3A_497 = arith.constant 0 : i32
        %dma_start3A_498 = tpu.memref_slice %arg4[%multiple_of3A_43, %dma_start3A_497] : memref<2560x128xi32, #tpu.memory_space<hbm>> -> memref<8x128xi32, #tpu.memory_space<hbm>>
        %dma_start3A_499 = arith.constant 0 : i32
        %dma_start3A_500 = arith.constant 0 : i32
        %dma_start3A_501 = tpu.memref_slice %arg7[%run_scoped3A_45, %dma_start3A_499, %dma_start3A_500] : memref<2x8x128xi32, #tpu.memory_space<vmem>> -> memref<1x8x128xi32, #tpu.memory_space<vmem>>
        %dma_start3A_502 = tpu.memref_squeeze %dma_start3A_501 : memref<1x8x128xi32, #tpu.memory_space<vmem>> -> memref<8x128xi32, #tpu.memory_space<vmem>>
        %dma_start3A_503 = arith.constant 0 : i32
        %dma_start3A_504 = tpu.memref_slice %arg4[%multiple_of3A_43, %dma_start3A_503] : memref<2560x128xi32, #tpu.memory_space<hbm>> -> memref<8x128xi32, #tpu.memory_space<hbm>>
        tpu.enqueue_dma source(%dma_start3A_504 : memref<8x128xi32, #tpu.memory_space<hbm>>) target(%dma_start3A_502 : memref<8x128xi32, #tpu.memory_space<vmem>>) target_semaphore(%run_scoped3A_492 : memref<!tpu.dma_semaphore, #tpu.memory_space<semaphore_mem>>)
        %dma_wait3A_505 = arith.constant 0 : i32
        %dma_wait3A_506 = arith.constant 0 : i32
        %dma_wait3A_507 = tpu.memref_slice %arg7[%run_scoped3A_45, %dma_wait3A_505, %dma_wait3A_506] : memref<2x8x128xi32, #tpu.memory_space<vmem>> -> memref<1x8x128xi32, #tpu.memory_space<vmem>>
        %dma_wait3A_508 = tpu.memref_squeeze %dma_wait3A_507 : memref<1x8x128xi32, #tpu.memory_space<vmem>> -> memref<8x128xi32, #tpu.memory_space<vmem>>
        %dma_wait3A_509 = arith.constant 0 : i32
        %dma_wait3A_510 = tpu.memref_slice %arg4[%multiple_of3A_43, %dma_wait3A_509] : memref<2560x128xi32, #tpu.memory_space<hbm>> -> memref<8x128xi32, #tpu.memory_space<hbm>>
        %dma_wait3A_511 = arith.constant 0 : i32
        %dma_wait3A_512 = arith.constant 0 : i32
        %dma_wait3A_513 = tpu.memref_slice %arg7[%run_scoped3A_45, %dma_wait3A_511, %dma_wait3A_512] : memref<2x8x128xi32, #tpu.memory_space<vmem>> -> memref<1x8x128xi32, #tpu.memory_space<vmem>>
        %dma_wait3A_514 = tpu.memref_squeeze %dma_wait3A_513 : memref<1x8x128xi32, #tpu.memory_space<vmem>> -> memref<8x128xi32, #tpu.memory_space<vmem>>
        %dma_wait3A_515 = arith.constant 0 : i32
        %dma_wait3A_516 = tpu.memref_slice %arg4[%multiple_of3A_43, %dma_wait3A_515] : memref<2560x128xi32, #tpu.memory_space<hbm>> -> memref<8x128xi32, #tpu.memory_space<hbm>>
        tpu.wait_dma2 semaphore(%run_scoped3A_492 : memref<!tpu.dma_semaphore, #tpu.memory_space<semaphore_mem>>) src(%dma_wait3A_516 : memref<8x128xi32, #tpu.memory_space<hbm>>) dst(%dma_wait3A_514 : memref<8x128xi32, #tpu.memory_space<vmem>>)
        tpu.yield
      }) : () -> ()
      %dma_start3A = arith.constant 0 : i32
      %dma_start3A_46 = arith.constant 0 : i32
      %dma_start3A_47 = arith.constant 0 : i32
      %dma_start3A_48 = arith.constant 0 : i32
      %dma_start3A_49 = arith.constant 0 : i32
      %dma_start3A_50 = tpu.memref_slice %arg8[%dma_start3A_47, %dma_start3A_48, %dma_start3A_49] : memref<2x128x128xf32, #tpu.memory_space<vmem>> -> memref<1x128x128xf32, #tpu.memory_space<vmem>>
      %dma_start3A_51 = tpu.memref_squeeze %dma_start3A_50 : memref<1x128x128xf32, #tpu.memory_space<vmem>> -> memref<128x128xf32, #tpu.memory_space<vmem>>
      %dma_start3A_52 = arith.constant 0 : i32
      %dma_start3A_53 = tpu.memref_slice %arg6[%dma_start3A, %dma_start3A_46, %dma_start3A_52] : memref<2x8x128xi32, #tpu.memory_space<vmem>> -> memref<1x1x128xi32, #tpu.memory_space<vmem>>
      %dma_start3A_54 = tpu.memref_squeeze %dma_start3A_53 : memref<1x1x128xi32, #tpu.memory_space<vmem>> -> memref<128xi32, #tpu.memory_space<vmem>>
      %dma_start3A_55 = arith.constant 0 : i32
      %dma_start3A_56 = arith.constant 0 : i32
      %dma_start3A_57 = tpu.memref_slice %arg2[%dma_start3A_55, %dma_start3A_56] : memref<10000x128xf32, #tpu.memory_space<hbm>> -> memref<10000x128xf32, #tpu.memory_space<hbm>>
      tpu.enqueue_indirect_dma source(%dma_start3A_57 : memref<10000x128xf32, #tpu.memory_space<hbm>>) target(%dma_start3A_51 : memref<128x128xf32, #tpu.memory_space<vmem>>) offsets(%dma_start3A_54 : memref<128xi32, #tpu.memory_space<vmem>>) semaphore(%arg10 : memref<!tpu.dma_semaphore, #tpu.memory_space<semaphore_mem>>)
      %dma_wait3A = arith.constant 0 : i32
      %dma_wait3A_58 = arith.constant 0 : i32
      %dma_wait3A_59 = arith.constant 0 : i32
      %dma_wait3A_60 = tpu.memref_slice %arg8[%dma_wait3A, %dma_wait3A_58, %dma_wait3A_59] : memref<2x128x128xf32, #tpu.memory_space<vmem>> -> memref<1x128x128xf32, #tpu.memory_space<vmem>>
      %dma_wait3A_61 = tpu.memref_squeeze %dma_wait3A_60 : memref<1x128x128xf32, #tpu.memory_space<vmem>> -> memref<128x128xf32, #tpu.memory_space<vmem>>
      %dma_wait3A_62 = arith.constant 0 : i32
      %dma_wait3A_63 = arith.constant 0 : i32
      %dma_wait3A_64 = tpu.memref_slice %arg2[%dma_wait3A_62, %dma_wait3A_63] : memref<10000x128xf32, #tpu.memory_space<hbm>> -> memref<128x128xf32, #tpu.memory_space<hbm>>
      %dma_wait3A_65 = arith.constant 0 : i32
      %dma_wait3A_66 = arith.constant 0 : i32
      %dma_wait3A_67 = tpu.memref_slice %arg8[%dma_wait3A, %dma_wait3A_65, %dma_wait3A_66] : memref<2x128x128xf32, #tpu.memory_space<vmem>> -> memref<1x128x128xf32, #tpu.memory_space<vmem>>
      %dma_wait3A_68 = tpu.memref_squeeze %dma_wait3A_67 : memref<1x128x128xf32, #tpu.memory_space<vmem>> -> memref<128x128xf32, #tpu.memory_space<vmem>>
      %dma_wait3A_69 = arith.constant 0 : i32
      %dma_wait3A_70 = arith.constant 0 : i32
      %dma_wait3A_71 = tpu.memref_slice %arg2[%dma_wait3A_69, %dma_wait3A_70] : memref<10000x128xf32, #tpu.memory_space<hbm>> -> memref<128x128xf32, #tpu.memory_space<hbm>>
      tpu.wait_dma2 semaphore(%arg10 : memref<!tpu.dma_semaphore, #tpu.memory_space<semaphore_mem>>) src(%dma_wait3A_71 : memref<128x128xf32, #tpu.memory_space<hbm>>) dst(%dma_wait3A_68 : memref<128x128xf32, #tpu.memory_space<vmem>>)
      %dma_start3A_72 = arith.constant 0 : i32
      %dma_start3A_73 = arith.constant 0 : i32
      %dma_start3A_74 = arith.constant 0 : i32
      %dma_start3A_75 = arith.constant 0 : i32
      %dma_start3A_76 = arith.constant 0 : i32
      %dma_start3A_77 = tpu.memref_slice %arg8[%dma_start3A_72, %dma_start3A_75, %dma_start3A_76] : memref<2x128x128xf32, #tpu.memory_space<vmem>> -> memref<1x128x128xf32, #tpu.memory_space<vmem>>
      %dma_start3A_78 = tpu.memref_squeeze %dma_start3A_77 : memref<1x128x128xf32, #tpu.memory_space<vmem>> -> memref<128x128xf32, #tpu.memory_space<vmem>>
      %dma_start3A_79 = arith.constant 0 : i32
      %dma_start3A_80 = tpu.memref_slice %arg7[%dma_start3A_73, %dma_start3A_74, %dma_start3A_79] : memref<2x8x128xi32, #tpu.memory_space<vmem>> -> memref<1x1x128xi32, #tpu.memory_space<vmem>>
      %dma_start3A_81 = tpu.memref_squeeze %dma_start3A_80 : memref<1x1x128xi32, #tpu.memory_space<vmem>> -> memref<128xi32, #tpu.memory_space<vmem>>
      %dma_start3A_82 = arith.constant 0 : i32
      %dma_start3A_83 = arith.constant 0 : i32
      %dma_start3A_84 = tpu.memref_slice %arg9[%dma_start3A_82, %dma_start3A_83] : memref<10112x128xf32, #tpu.memory_space<vmem_shared>> -> memref<10112x128xf32, #tpu.memory_space<vmem_shared>>
      tpu.enqueue_indirect_dma source(%dma_start3A_78 : memref<128x128xf32, #tpu.memory_space<vmem>>) target(%dma_start3A_84 : memref<10112x128xf32, #tpu.memory_space<vmem_shared>>) offsets(%dma_start3A_81 : memref<128xi32, #tpu.memory_space<vmem>>) semaphore(%arg12 : memref<!tpu.dma_semaphore, #tpu.memory_space<semaphore_mem>>) {add = true}
      %dma_wait3A_85 = arith.constant 0 : i32
      %dma_wait3A_86 = arith.constant 0 : i32
      %dma_wait3A_87 = arith.constant 0 : i32
      %dma_wait3A_88 = tpu.memref_slice %arg8[%dma_wait3A_85, %dma_wait3A_86, %dma_wait3A_87] : memref<2x128x128xf32, #tpu.memory_space<vmem>> -> memref<1x128x128xf32, #tpu.memory_space<vmem>>
      %dma_wait3A_89 = tpu.memref_squeeze %dma_wait3A_88 : memref<1x128x128xf32, #tpu.memory_space<vmem>> -> memref<128x128xf32, #tpu.memory_space<vmem>>
      %dma_wait3A_90 = arith.constant 0 : i32
      %dma_wait3A_91 = arith.constant 0 : i32
      %dma_wait3A_92 = tpu.memref_slice %arg2[%dma_wait3A_90, %dma_wait3A_91] : memref<10000x128xf32, #tpu.memory_space<hbm>> -> memref<128x128xf32, #tpu.memory_space<hbm>>
      %dma_wait3A_93 = arith.constant 0 : i32
      %dma_wait3A_94 = arith.constant 0 : i32
      %dma_wait3A_95 = tpu.memref_slice %arg8[%dma_wait3A_85, %dma_wait3A_93, %dma_wait3A_94] : memref<2x128x128xf32, #tpu.memory_space<vmem>> -> memref<1x128x128xf32, #tpu.memory_space<vmem>>
      %dma_wait3A_96 = tpu.memref_squeeze %dma_wait3A_95 : memref<1x128x128xf32, #tpu.memory_space<vmem>> -> memref<128x128xf32, #tpu.memory_space<vmem>>
      %dma_wait3A_97 = arith.constant 0 : i32
      %dma_wait3A_98 = arith.constant 0 : i32
      %dma_wait3A_99 = tpu.memref_slice %arg2[%dma_wait3A_97, %dma_wait3A_98] : memref<10000x128xf32, #tpu.memory_space<hbm>> -> memref<128x128xf32, #tpu.memory_space<hbm>>
      tpu.wait_dma2 semaphore(%arg12 : memref<!tpu.dma_semaphore, #tpu.memory_space<semaphore_mem>>) src(%dma_wait3A_99 : memref<128x128xf32, #tpu.memory_space<hbm>>) dst(%dma_wait3A_96 : memref<128x128xf32, #tpu.memory_space<vmem>>)
      %dma_start3A_100 = arith.constant 0 : i32
      %dma_start3A_101 = arith.constant 1 : i32
      %dma_start3A_102 = arith.constant 0 : i32
      %dma_start3A_103 = arith.constant 0 : i32
      %dma_start3A_104 = arith.constant 0 : i32
      %dma_start3A_105 = tpu.memref_slice %arg8[%dma_start3A_102, %dma_start3A_103, %dma_start3A_104] : memref<2x128x128xf32, #tpu.memory_space<vmem>> -> memref<1x128x128xf32, #tpu.memory_space<vmem>>
      %dma_start3A_106 = tpu.memref_squeeze %dma_start3A_105 : memref<1x128x128xf32, #tpu.memory_space<vmem>> -> memref<128x128xf32, #tpu.memory_space<vmem>>
      %dma_start3A_107 = arith.constant 0 : i32
      %dma_start3A_108 = tpu.memref_slice %arg6[%dma_start3A_100, %dma_start3A_101, %dma_start3A_107] : memref<2x8x128xi32, #tpu.memory_space<vmem>> -> memref<1x1x128xi32, #tpu.memory_space<vmem>>
      %dma_start3A_109 = tpu.memref_squeeze %dma_start3A_108 : memref<1x1x128xi32, #tpu.memory_space<vmem>> -> memref<128xi32, #tpu.memory_space<vmem>>
      %dma_start3A_110 = arith.constant 0 : i32
      %dma_start3A_111 = arith.constant 0 : i32
      %dma_start3A_112 = tpu.memref_slice %arg2[%dma_start3A_110, %dma_start3A_111] : memref<10000x128xf32, #tpu.memory_space<hbm>> -> memref<10000x128xf32, #tpu.memory_space<hbm>>
      tpu.enqueue_indirect_dma source(%dma_start3A_112 : memref<10000x128xf32, #tpu.memory_space<hbm>>) target(%dma_start3A_106 : memref<128x128xf32, #tpu.memory_space<vmem>>) offsets(%dma_start3A_109 : memref<128xi32, #tpu.memory_space<vmem>>) semaphore(%arg10 : memref<!tpu.dma_semaphore, #tpu.memory_space<semaphore_mem>>)
      %dma_wait3A_113 = arith.constant 0 : i32
      %dma_wait3A_114 = arith.constant 0 : i32
      %dma_wait3A_115 = arith.constant 0 : i32
      %dma_wait3A_116 = tpu.memref_slice %arg8[%dma_wait3A_113, %dma_wait3A_114, %dma_wait3A_115] : memref<2x128x128xf32, #tpu.memory_space<vmem>> -> memref<1x128x128xf32, #tpu.memory_space<vmem>>
      %dma_wait3A_117 = tpu.memref_squeeze %dma_wait3A_116 : memref<1x128x128xf32, #tpu.memory_space<vmem>> -> memref<128x128xf32, #tpu.memory_space<vmem>>
      %dma_wait3A_118 = arith.constant 0 : i32
      %dma_wait3A_119 = arith.constant 0 : i32
      %dma_wait3A_120 = tpu.memref_slice %arg2[%dma_wait3A_118, %dma_wait3A_119] : memref<10000x128xf32, #tpu.memory_space<hbm>> -> memref<128x128xf32, #tpu.memory_space<hbm>>
      %dma_wait3A_121 = arith.constant 0 : i32
      %dma_wait3A_122 = arith.constant 0 : i32
      %dma_wait3A_123 = tpu.memref_slice %arg8[%dma_wait3A_113, %dma_wait3A_121, %dma_wait3A_122] : memref<2x128x128xf32, #tpu.memory_space<vmem>> -> memref<1x128x128xf32, #tpu.memory_space<vmem>>
      %dma_wait3A_124 = tpu.memref_squeeze %dma_wait3A_123 : memref<1x128x128xf32, #tpu.memory_space<vmem>> -> memref<128x128xf32, #tpu.memory_space<vmem>>
      %dma_wait3A_125 = arith.constant 0 : i32
      %dma_wait3A_126 = arith.constant 0 : i32
      %dma_wait3A_127 = tpu.memref_slice %arg2[%dma_wait3A_125, %dma_wait3A_126] : memref<10000x128xf32, #tpu.memory_space<hbm>> -> memref<128x128xf32, #tpu.memory_space<hbm>>
      tpu.wait_dma2 semaphore(%arg10 : memref<!tpu.dma_semaphore, #tpu.memory_space<semaphore_mem>>) src(%dma_wait3A_127 : memref<128x128xf32, #tpu.memory_space<hbm>>) dst(%dma_wait3A_124 : memref<128x128xf32, #tpu.memory_space<vmem>>)
      %dma_start3A_128 = arith.constant 0 : i32
      %dma_start3A_129 = arith.constant 0 : i32
      %dma_start3A_130 = arith.constant 1 : i32
      %dma_start3A_131 = arith.constant 0 : i32
      %dma_start3A_132 = arith.constant 0 : i32
      %dma_start3A_133 = tpu.memref_slice %arg8[%dma_start3A_128, %dma_start3A_131, %dma_start3A_132] : memref<2x128x128xf32, #tpu.memory_space<vmem>> -> memref<1x128x128xf32, #tpu.memory_space<vmem>>
      %dma_start3A_134 = tpu.memref_squeeze %dma_start3A_133 : memref<1x128x128xf32, #tpu.memory_space<vmem>> -> memref<128x128xf32, #tpu.memory_space<vmem>>
      %dma_start3A_135 = arith.constant 0 : i32
      %dma_start3A_136 = tpu.memref_slice %arg7[%dma_start3A_129, %dma_start3A_130, %dma_start3A_135] : memref<2x8x128xi32, #tpu.memory_space<vmem>> -> memref<1x1x128xi32, #tpu.memory_space<vmem>>
      %dma_start3A_137 = tpu.memref_squeeze %dma_start3A_136 : memref<1x1x128xi32, #tpu.memory_space<vmem>> -> memref<128xi32, #tpu.memory_space<vmem>>
      %dma_start3A_138 = arith.constant 0 : i32
      %dma_start3A_139 = arith.constant 0 : i32
      %dma_start3A_140 = tpu.memref_slice %arg9[%dma_start3A_138, %dma_start3A_139] : memref<10112x128xf32, #tpu.memory_space<vmem_shared>> -> memref<10112x128xf32, #tpu.memory_space<vmem_shared>>
      tpu.enqueue_indirect_dma source(%dma_start3A_134 : memref<128x128xf32, #tpu.memory_space<vmem>>) target(%dma_start3A_140 : memref<10112x128xf32, #tpu.memory_space<vmem_shared>>) offsets(%dma_start3A_137 : memref<128xi32, #tpu.memory_space<vmem>>) semaphore(%arg12 : memref<!tpu.dma_semaphore, #tpu.memory_space<semaphore_mem>>) {add = true}
      %dma_wait3A_141 = arith.constant 0 : i32
      %dma_wait3A_142 = arith.constant 0 : i32
      %dma_wait3A_143 = arith.constant 0 : i32
      %dma_wait3A_144 = tpu.memref_slice %arg8[%dma_wait3A_141, %dma_wait3A_142, %dma_wait3A_143] : memref<2x128x128xf32, #tpu.memory_space<vmem>> -> memref<1x128x128xf32, #tpu.memory_space<vmem>>
      %dma_wait3A_145 = tpu.memref_squeeze %dma_wait3A_144 : memref<1x128x128xf32, #tpu.memory_space<vmem>> -> memref<128x128xf32, #tpu.memory_space<vmem>>
      %dma_wait3A_146 = arith.constant 0 : i32
      %dma_wait3A_147 = arith.constant 0 : i32
      %dma_wait3A_148 = tpu.memref_slice %arg2[%dma_wait3A_146, %dma_wait3A_147] : memref<10000x128xf32, #tpu.memory_space<hbm>> -> memref<128x128xf32, #tpu.memory_space<hbm>>
      %dma_wait3A_149 = arith.constant 0 : i32
      %dma_wait3A_150 = arith.constant 0 : i32
      %dma_wait3A_151 = tpu.memref_slice %arg8[%dma_wait3A_141, %dma_wait3A_149, %dma_wait3A_150] : memref<2x128x128xf32, #tpu.memory_space<vmem>> -> memref<1x128x128xf32, #tpu.memory_space<vmem>>
      %dma_wait3A_152 = tpu.memref_squeeze %dma_wait3A_151 : memref<1x128x128xf32, #tpu.memory_space<vmem>> -> memref<128x128xf32, #tpu.memory_space<vmem>>
      %dma_wait3A_153 = arith.constant 0 : i32
      %dma_wait3A_154 = arith.constant 0 : i32
      %dma_wait3A_155 = tpu.memref_slice %arg2[%dma_wait3A_153, %dma_wait3A_154] : memref<10000x128xf32, #tpu.memory_space<hbm>> -> memref<128x128xf32, #tpu.memory_space<hbm>>
      tpu.wait_dma2 semaphore(%arg12 : memref<!tpu.dma_semaphore, #tpu.memory_space<semaphore_mem>>) src(%dma_wait3A_155 : memref<128x128xf32, #tpu.memory_space<hbm>>) dst(%dma_wait3A_152 : memref<128x128xf32, #tpu.memory_space<vmem>>)
      %dma_start3A_156 = arith.constant 0 : i32
      %dma_start3A_157 = arith.constant 2 : i32
      %dma_start3A_158 = arith.constant 0 : i32
      %dma_start3A_159 = arith.constant 0 : i32
      %dma_start3A_160 = arith.constant 0 : i32
      %dma_start3A_161 = tpu.memref_slice %arg8[%dma_start3A_158, %dma_start3A_159, %dma_start3A_160] : memref<2x128x128xf32, #tpu.memory_space<vmem>> -> memref<1x128x128xf32, #tpu.memory_space<vmem>>
      %dma_start3A_162 = tpu.memref_squeeze %dma_start3A_161 : memref<1x128x128xf32, #tpu.memory_space<vmem>> -> memref<128x128xf32, #tpu.memory_space<vmem>>
      %dma_start3A_163 = arith.constant 0 : i32
      %dma_start3A_164 = tpu.memref_slice %arg6[%dma_start3A_156, %dma_start3A_157, %dma_start3A_163] : memref<2x8x128xi32, #tpu.memory_space<vmem>> -> memref<1x1x128xi32, #tpu.memory_space<vmem>>
      %dma_start3A_165 = tpu.memref_squeeze %dma_start3A_164 : memref<1x1x128xi32, #tpu.memory_space<vmem>> -> memref<128xi32, #tpu.memory_space<vmem>>
      %dma_start3A_166 = arith.constant 0 : i32
      %dma_start3A_167 = arith.constant 0 : i32
      %dma_start3A_168 = tpu.memref_slice %arg2[%dma_start3A_166, %dma_start3A_167] : memref<10000x128xf32, #tpu.memory_space<hbm>> -> memref<10000x128xf32, #tpu.memory_space<hbm>>
      tpu.enqueue_indirect_dma source(%dma_start3A_168 : memref<10000x128xf32, #tpu.memory_space<hbm>>) target(%dma_start3A_162 : memref<128x128xf32, #tpu.memory_space<vmem>>) offsets(%dma_start3A_165 : memref<128xi32, #tpu.memory_space<vmem>>) semaphore(%arg10 : memref<!tpu.dma_semaphore, #tpu.memory_space<semaphore_mem>>)
      %dma_wait3A_169 = arith.constant 0 : i32
      %dma_wait3A_170 = arith.constant 0 : i32
      %dma_wait3A_171 = arith.constant 0 : i32
      %dma_wait3A_172 = tpu.memref_slice %arg8[%dma_wait3A_169, %dma_wait3A_170, %dma_wait3A_171] : memref<2x128x128xf32, #tpu.memory_space<vmem>> -> memref<1x128x128xf32, #tpu.memory_space<vmem>>
      %dma_wait3A_173 = tpu.memref_squeeze %dma_wait3A_172 : memref<1x128x128xf32, #tpu.memory_space<vmem>> -> memref<128x128xf32, #tpu.memory_space<vmem>>
      %dma_wait3A_174 = arith.constant 0 : i32
      %dma_wait3A_175 = arith.constant 0 : i32
      %dma_wait3A_176 = tpu.memref_slice %arg2[%dma_wait3A_174, %dma_wait3A_175] : memref<10000x128xf32, #tpu.memory_space<hbm>> -> memref<128x128xf32, #tpu.memory_space<hbm>>
      %dma_wait3A_177 = arith.constant 0 : i32
      %dma_wait3A_178 = arith.constant 0 : i32
      %dma_wait3A_179 = tpu.memref_slice %arg8[%dma_wait3A_169, %dma_wait3A_177, %dma_wait3A_178] : memref<2x128x128xf32, #tpu.memory_space<vmem>> -> memref<1x128x128xf32, #tpu.memory_space<vmem>>
      %dma_wait3A_180 = tpu.memref_squeeze %dma_wait3A_179 : memref<1x128x128xf32, #tpu.memory_space<vmem>> -> memref<128x128xf32, #tpu.memory_space<vmem>>
      %dma_wait3A_181 = arith.constant 0 : i32
      %dma_wait3A_182 = arith.constant 0 : i32
      %dma_wait3A_183 = tpu.memref_slice %arg2[%dma_wait3A_181, %dma_wait3A_182] : memref<10000x128xf32, #tpu.memory_space<hbm>> -> memref<128x128xf32, #tpu.memory_space<hbm>>
      tpu.wait_dma2 semaphore(%arg10 : memref<!tpu.dma_semaphore, #tpu.memory_space<semaphore_mem>>) src(%dma_wait3A_183 : memref<128x128xf32, #tpu.memory_space<hbm>>) dst(%dma_wait3A_180 : memref<128x128xf32, #tpu.memory_space<vmem>>)
      %dma_start3A_184 = arith.constant 0 : i32
      %dma_start3A_185 = arith.constant 0 : i32
      %dma_start3A_186 = arith.constant 2 : i32
      %dma_start3A_187 = arith.constant 0 : i32
      %dma_start3A_188 = arith.constant 0 : i32
      %dma_start3A_189 = tpu.memref_slice %arg8[%dma_start3A_184, %dma_start3A_187, %dma_start3A_188] : memref<2x128x128xf32, #tpu.memory_space<vmem>> -> memref<1x128x128xf32, #tpu.memory_space<vmem>>
      %dma_start3A_190 = tpu.memref_squeeze %dma_start3A_189 : memref<1x128x128xf32, #tpu.memory_space<vmem>> -> memref<128x128xf32, #tpu.memory_space<vmem>>
      %dma_start3A_191 = arith.constant 0 : i32
      %dma_start3A_192 = tpu.memref_slice %arg7[%dma_start3A_185, %dma_start3A_186, %dma_start3A_191] : memref<2x8x128xi32, #tpu.memory_space<vmem>> -> memref<1x1x128xi32, #tpu.memory_space<vmem>>
      %dma_start3A_193 = tpu.memref_squeeze %dma_start3A_192 : memref<1x1x128xi32, #tpu.memory_space<vmem>> -> memref<128xi32, #tpu.memory_space<vmem>>
      %dma_start3A_194 = arith.constant 0 : i32
      %dma_start3A_195 = arith.constant 0 : i32
      %dma_start3A_196 = tpu.memref_slice %arg9[%dma_start3A_194, %dma_start3A_195] : memref<10112x128xf32, #tpu.memory_space<vmem_shared>> -> memref<10112x128xf32, #tpu.memory_space<vmem_shared>>
      tpu.enqueue_indirect_dma source(%dma_start3A_190 : memref<128x128xf32, #tpu.memory_space<vmem>>) target(%dma_start3A_196 : memref<10112x128xf32, #tpu.memory_space<vmem_shared>>) offsets(%dma_start3A_193 : memref<128xi32, #tpu.memory_space<vmem>>) semaphore(%arg12 : memref<!tpu.dma_semaphore, #tpu.memory_space<semaphore_mem>>) {add = true}
      %dma_wait3A_197 = arith.constant 0 : i32
      %dma_wait3A_198 = arith.constant 0 : i32
      %dma_wait3A_199 = arith.constant 0 : i32
      %dma_wait3A_200 = tpu.memref_slice %arg8[%dma_wait3A_197, %dma_wait3A_198, %dma_wait3A_199] : memref<2x128x128xf32, #tpu.memory_space<vmem>> -> memref<1x128x128xf32, #tpu.memory_space<vmem>>
      %dma_wait3A_201 = tpu.memref_squeeze %dma_wait3A_200 : memref<1x128x128xf32, #tpu.memory_space<vmem>> -> memref<128x128xf32, #tpu.memory_space<vmem>>
      %dma_wait3A_202 = arith.constant 0 : i32
      %dma_wait3A_203 = arith.constant 0 : i32
      %dma_wait3A_204 = tpu.memref_slice %arg2[%dma_wait3A_202, %dma_wait3A_203] : memref<10000x128xf32, #tpu.memory_space<hbm>> -> memref<128x128xf32, #tpu.memory_space<hbm>>
      %dma_wait3A_205 = arith.constant 0 : i32
      %dma_wait3A_206 = arith.constant 0 : i32
      %dma_wait3A_207 = tpu.memref_slice %arg8[%dma_wait3A_197, %dma_wait3A_205, %dma_wait3A_206] : memref<2x128x128xf32, #tpu.memory_space<vmem>> -> memref<1x128x128xf32, #tpu.memory_space<vmem>>
      %dma_wait3A_208 = tpu.memref_squeeze %dma_wait3A_207 : memref<1x128x128xf32, #tpu.memory_space<vmem>> -> memref<128x128xf32, #tpu.memory_space<vmem>>
      %dma_wait3A_209 = arith.constant 0 : i32
      %dma_wait3A_210 = arith.constant 0 : i32
      %dma_wait3A_211 = tpu.memref_slice %arg2[%dma_wait3A_209, %dma_wait3A_210] : memref<10000x128xf32, #tpu.memory_space<hbm>> -> memref<128x128xf32, #tpu.memory_space<hbm>>
      tpu.wait_dma2 semaphore(%arg12 : memref<!tpu.dma_semaphore, #tpu.memory_space<semaphore_mem>>) src(%dma_wait3A_211 : memref<128x128xf32, #tpu.memory_space<hbm>>) dst(%dma_wait3A_208 : memref<128x128xf32, #tpu.memory_space<vmem>>)
      %dma_start3A_212 = arith.constant 0 : i32
      %dma_start3A_213 = arith.constant 3 : i32
      %dma_start3A_214 = arith.constant 0 : i32
      %dma_start3A_215 = arith.constant 0 : i32
      %dma_start3A_216 = arith.constant 0 : i32
      %dma_start3A_217 = tpu.memref_slice %arg8[%dma_start3A_214, %dma_start3A_215, %dma_start3A_216] : memref<2x128x128xf32, #tpu.memory_space<vmem>> -> memref<1x128x128xf32, #tpu.memory_space<vmem>>
      %dma_start3A_218 = tpu.memref_squeeze %dma_start3A_217 : memref<1x128x128xf32, #tpu.memory_space<vmem>> -> memref<128x128xf32, #tpu.memory_space<vmem>>
      %dma_start3A_219 = arith.constant 0 : i32
      %dma_start3A_220 = tpu.memref_slice %arg6[%dma_start3A_212, %dma_start3A_213, %dma_start3A_219] : memref<2x8x128xi32, #tpu.memory_space<vmem>> -> memref<1x1x128xi32, #tpu.memory_space<vmem>>
      %dma_start3A_221 = tpu.memref_squeeze %dma_start3A_220 : memref<1x1x128xi32, #tpu.memory_space<vmem>> -> memref<128xi32, #tpu.memory_space<vmem>>
      %dma_start3A_222 = arith.constant 0 : i32
      %dma_start3A_223 = arith.constant 0 : i32
      %dma_start3A_224 = tpu.memref_slice %arg2[%dma_start3A_222, %dma_start3A_223] : memref<10000x128xf32, #tpu.memory_space<hbm>> -> memref<10000x128xf32, #tpu.memory_space<hbm>>
      tpu.enqueue_indirect_dma source(%dma_start3A_224 : memref<10000x128xf32, #tpu.memory_space<hbm>>) target(%dma_start3A_218 : memref<128x128xf32, #tpu.memory_space<vmem>>) offsets(%dma_start3A_221 : memref<128xi32, #tpu.memory_space<vmem>>) semaphore(%arg10 : memref<!tpu.dma_semaphore, #tpu.memory_space<semaphore_mem>>)
      %dma_wait3A_225 = arith.constant 0 : i32
      %dma_wait3A_226 = arith.constant 0 : i32
      %dma_wait3A_227 = arith.constant 0 : i32
      %dma_wait3A_228 = tpu.memref_slice %arg8[%dma_wait3A_225, %dma_wait3A_226, %dma_wait3A_227] : memref<2x128x128xf32, #tpu.memory_space<vmem>> -> memref<1x128x128xf32, #tpu.memory_space<vmem>>
      %dma_wait3A_229 = tpu.memref_squeeze %dma_wait3A_228 : memref<1x128x128xf32, #tpu.memory_space<vmem>> -> memref<128x128xf32, #tpu.memory_space<vmem>>
      %dma_wait3A_230 = arith.constant 0 : i32
      %dma_wait3A_231 = arith.constant 0 : i32
      %dma_wait3A_232 = tpu.memref_slice %arg2[%dma_wait3A_230, %dma_wait3A_231] : memref<10000x128xf32, #tpu.memory_space<hbm>> -> memref<128x128xf32, #tpu.memory_space<hbm>>
      %dma_wait3A_233 = arith.constant 0 : i32
      %dma_wait3A_234 = arith.constant 0 : i32
      %dma_wait3A_235 = tpu.memref_slice %arg8[%dma_wait3A_225, %dma_wait3A_233, %dma_wait3A_234] : memref<2x128x128xf32, #tpu.memory_space<vmem>> -> memref<1x128x128xf32, #tpu.memory_space<vmem>>
      %dma_wait3A_236 = tpu.memref_squeeze %dma_wait3A_235 : memref<1x128x128xf32, #tpu.memory_space<vmem>> -> memref<128x128xf32, #tpu.memory_space<vmem>>
      %dma_wait3A_237 = arith.constant 0 : i32
      %dma_wait3A_238 = arith.constant 0 : i32
      %dma_wait3A_239 = tpu.memref_slice %arg2[%dma_wait3A_237, %dma_wait3A_238] : memref<10000x128xf32, #tpu.memory_space<hbm>> -> memref<128x128xf32, #tpu.memory_space<hbm>>
      tpu.wait_dma2 semaphore(%arg10 : memref<!tpu.dma_semaphore, #tpu.memory_space<semaphore_mem>>) src(%dma_wait3A_239 : memref<128x128xf32, #tpu.memory_space<hbm>>) dst(%dma_wait3A_236 : memref<128x128xf32, #tpu.memory_space<vmem>>)
      %dma_start3A_240 = arith.constant 0 : i32
      %dma_start3A_241 = arith.constant 0 : i32
      %dma_start3A_242 = arith.constant 3 : i32
      %dma_start3A_243 = arith.constant 0 : i32
      %dma_start3A_244 = arith.constant 0 : i32
      %dma_start3A_245 = tpu.memref_slice %arg8[%dma_start3A_240, %dma_start3A_243, %dma_start3A_244] : memref<2x128x128xf32, #tpu.memory_space<vmem>> -> memref<1x128x128xf32, #tpu.memory_space<vmem>>
      %dma_start3A_246 = tpu.memref_squeeze %dma_start3A_245 : memref<1x128x128xf32, #tpu.memory_space<vmem>> -> memref<128x128xf32, #tpu.memory_space<vmem>>
      %dma_start3A_247 = arith.constant 0 : i32
      %dma_start3A_248 = tpu.memref_slice %arg7[%dma_start3A_241, %dma_start3A_242, %dma_start3A_247] : memref<2x8x128xi32, #tpu.memory_space<vmem>> -> memref<1x1x128xi32, #tpu.memory_space<vmem>>
      %dma_start3A_249 = tpu.memref_squeeze %dma_start3A_248 : memref<1x1x128xi32, #tpu.memory_space<vmem>> -> memref<128xi32, #tpu.memory_space<vmem>>
      %dma_start3A_250 = arith.constant 0 : i32
      %dma_start3A_251 = arith.constant 0 : i32
      %dma_start3A_252 = tpu.memref_slice %arg9[%dma_start3A_250, %dma_start3A_251] : memref<10112x128xf32, #tpu.memory_space<vmem_shared>> -> memref<10112x128xf32, #tpu.memory_space<vmem_shared>>
      tpu.enqueue_indirect_dma source(%dma_start3A_246 : memref<128x128xf32, #tpu.memory_space<vmem>>) target(%dma_start3A_252 : memref<10112x128xf32, #tpu.memory_space<vmem_shared>>) offsets(%dma_start3A_249 : memref<128xi32, #tpu.memory_space<vmem>>) semaphore(%arg12 : memref<!tpu.dma_semaphore, #tpu.memory_space<semaphore_mem>>) {add = true}
      %dma_wait3A_253 = arith.constant 0 : i32
      %dma_wait3A_254 = arith.constant 0 : i32
      %dma_wait3A_255 = arith.constant 0 : i32
      %dma_wait3A_256 = tpu.memref_slice %arg8[%dma_wait3A_253, %dma_wait3A_254, %dma_wait3A_255] : memref<2x128x128xf32, #tpu.memory_space<vmem>> -> memref<1x128x128xf32, #tpu.memory_space<vmem>>
      %dma_wait3A_257 = tpu.memref_squeeze %dma_wait3A_256 : memref<1x128x128xf32, #tpu.memory_space<vmem>> -> memref<128x128xf32, #tpu.memory_space<vmem>>
      %dma_wait3A_258 = arith.constant 0 : i32
      %dma_wait3A_259 = arith.constant 0 : i32
      %dma_wait3A_260 = tpu.memref_slice %arg2[%dma_wait3A_258, %dma_wait3A_259] : memref<10000x128xf32, #tpu.memory_space<hbm>> -> memref<128x128xf32, #tpu.memory_space<hbm>>
      %dma_wait3A_261 = arith.constant 0 : i32
      %dma_wait3A_262 = arith.constant 0 : i32
      %dma_wait3A_263 = tpu.memref_slice %arg8[%dma_wait3A_253, %dma_wait3A_261, %dma_wait3A_262] : memref<2x128x128xf32, #tpu.memory_space<vmem>> -> memref<1x128x128xf32, #tpu.memory_space<vmem>>
      %dma_wait3A_264 = tpu.memref_squeeze %dma_wait3A_263 : memref<1x128x128xf32, #tpu.memory_space<vmem>> -> memref<128x128xf32, #tpu.memory_space<vmem>>
      %dma_wait3A_265 = arith.constant 0 : i32
      %dma_wait3A_266 = arith.constant 0 : i32
      %dma_wait3A_267 = tpu.memref_slice %arg2[%dma_wait3A_265, %dma_wait3A_266] : memref<10000x128xf32, #tpu.memory_space<hbm>> -> memref<128x128xf32, #tpu.memory_space<hbm>>
      tpu.wait_dma2 semaphore(%arg12 : memref<!tpu.dma_semaphore, #tpu.memory_space<semaphore_mem>>) src(%dma_wait3A_267 : memref<128x128xf32, #tpu.memory_space<hbm>>) dst(%dma_wait3A_264 : memref<128x128xf32, #tpu.memory_space<vmem>>)
      %dma_start3A_268 = arith.constant 0 : i32
      %dma_start3A_269 = arith.constant 4 : i32
      %dma_start3A_270 = arith.constant 0 : i32
      %dma_start3A_271 = arith.constant 0 : i32
      %dma_start3A_272 = arith.constant 0 : i32
      %dma_start3A_273 = tpu.memref_slice %arg8[%dma_start3A_270, %dma_start3A_271, %dma_start3A_272] : memref<2x128x128xf32, #tpu.memory_space<vmem>> -> memref<1x128x128xf32, #tpu.memory_space<vmem>>
      %dma_start3A_274 = tpu.memref_squeeze %dma_start3A_273 : memref<1x128x128xf32, #tpu.memory_space<vmem>> -> memref<128x128xf32, #tpu.memory_space<vmem>>
      %dma_start3A_275 = arith.constant 0 : i32
      %dma_start3A_276 = tpu.memref_slice %arg6[%dma_start3A_268, %dma_start3A_269, %dma_start3A_275] : memref<2x8x128xi32, #tpu.memory_space<vmem>> -> memref<1x1x128xi32, #tpu.memory_space<vmem>>
      %dma_start3A_277 = tpu.memref_squeeze %dma_start3A_276 : memref<1x1x128xi32, #tpu.memory_space<vmem>> -> memref<128xi32, #tpu.memory_space<vmem>>
      %dma_start3A_278 = arith.constant 0 : i32
      %dma_start3A_279 = arith.constant 0 : i32
      %dma_start3A_280 = tpu.memref_slice %arg2[%dma_start3A_278, %dma_start3A_279] : memref<10000x128xf32, #tpu.memory_space<hbm>> -> memref<10000x128xf32, #tpu.memory_space<hbm>>
      tpu.enqueue_indirect_dma source(%dma_start3A_280 : memref<10000x128xf32, #tpu.memory_space<hbm>>) target(%dma_start3A_274 : memref<128x128xf32, #tpu.memory_space<vmem>>) offsets(%dma_start3A_277 : memref<128xi32, #tpu.memory_space<vmem>>) semaphore(%arg10 : memref<!tpu.dma_semaphore, #tpu.memory_space<semaphore_mem>>)
      %dma_wait3A_281 = arith.constant 0 : i32
      %dma_wait3A_282 = arith.constant 0 : i32
      %dma_wait3A_283 = arith.constant 0 : i32
      %dma_wait3A_284 = tpu.memref_slice %arg8[%dma_wait3A_281, %dma_wait3A_282, %dma_wait3A_283] : memref<2x128x128xf32, #tpu.memory_space<vmem>> -> memref<1x128x128xf32, #tpu.memory_space<vmem>>
      %dma_wait3A_285 = tpu.memref_squeeze %dma_wait3A_284 : memref<1x128x128xf32, #tpu.memory_space<vmem>> -> memref<128x128xf32, #tpu.memory_space<vmem>>
      %dma_wait3A_286 = arith.constant 0 : i32
      %dma_wait3A_287 = arith.constant 0 : i32
      %dma_wait3A_288 = tpu.memref_slice %arg2[%dma_wait3A_286, %dma_wait3A_287] : memref<10000x128xf32, #tpu.memory_space<hbm>> -> memref<128x128xf32, #tpu.memory_space<hbm>>
      %dma_wait3A_289 = arith.constant 0 : i32
      %dma_wait3A_290 = arith.constant 0 : i32
      %dma_wait3A_291 = tpu.memref_slice %arg8[%dma_wait3A_281, %dma_wait3A_289, %dma_wait3A_290] : memref<2x128x128xf32, #tpu.memory_space<vmem>> -> memref<1x128x128xf32, #tpu.memory_space<vmem>>
      %dma_wait3A_292 = tpu.memref_squeeze %dma_wait3A_291 : memref<1x128x128xf32, #tpu.memory_space<vmem>> -> memref<128x128xf32, #tpu.memory_space<vmem>>
      %dma_wait3A_293 = arith.constant 0 : i32
      %dma_wait3A_294 = arith.constant 0 : i32
      %dma_wait3A_295 = tpu.memref_slice %arg2[%dma_wait3A_293, %dma_wait3A_294] : memref<10000x128xf32, #tpu.memory_space<hbm>> -> memref<128x128xf32, #tpu.memory_space<hbm>>
      tpu.wait_dma2 semaphore(%arg10 : memref<!tpu.dma_semaphore, #tpu.memory_space<semaphore_mem>>) src(%dma_wait3A_295 : memref<128x128xf32, #tpu.memory_space<hbm>>) dst(%dma_wait3A_292 : memref<128x128xf32, #tpu.memory_space<vmem>>)
      %dma_start3A_296 = arith.constant 0 : i32
      %dma_start3A_297 = arith.constant 0 : i32
      %dma_start3A_298 = arith.constant 4 : i32
      %dma_start3A_299 = arith.constant 0 : i32
      %dma_start3A_300 = arith.constant 0 : i32
      %dma_start3A_301 = tpu.memref_slice %arg8[%dma_start3A_296, %dma_start3A_299, %dma_start3A_300] : memref<2x128x128xf32, #tpu.memory_space<vmem>> -> memref<1x128x128xf32, #tpu.memory_space<vmem>>
      %dma_start3A_302 = tpu.memref_squeeze %dma_start3A_301 : memref<1x128x128xf32, #tpu.memory_space<vmem>> -> memref<128x128xf32, #tpu.memory_space<vmem>>
      %dma_start3A_303 = arith.constant 0 : i32
      %dma_start3A_304 = tpu.memref_slice %arg7[%dma_start3A_297, %dma_start3A_298, %dma_start3A_303] : memref<2x8x128xi32, #tpu.memory_space<vmem>> -> memref<1x1x128xi32, #tpu.memory_space<vmem>>
      %dma_start3A_305 = tpu.memref_squeeze %dma_start3A_304 : memref<1x1x128xi32, #tpu.memory_space<vmem>> -> memref<128xi32, #tpu.memory_space<vmem>>
      %dma_start3A_306 = arith.constant 0 : i32
      %dma_start3A_307 = arith.constant 0 : i32
      %dma_start3A_308 = tpu.memref_slice %arg9[%dma_start3A_306, %dma_start3A_307] : memref<10112x128xf32, #tpu.memory_space<vmem_shared>> -> memref<10112x128xf32, #tpu.memory_space<vmem_shared>>
      tpu.enqueue_indirect_dma source(%dma_start3A_302 : memref<128x128xf32, #tpu.memory_space<vmem>>) target(%dma_start3A_308 : memref<10112x128xf32, #tpu.memory_space<vmem_shared>>) offsets(%dma_start3A_305 : memref<128xi32, #tpu.memory_space<vmem>>) semaphore(%arg12 : memref<!tpu.dma_semaphore, #tpu.memory_space<semaphore_mem>>) {add = true}
      %dma_wait3A_309 = arith.constant 0 : i32
      %dma_wait3A_310 = arith.constant 0 : i32
      %dma_wait3A_311 = arith.constant 0 : i32
      %dma_wait3A_312 = tpu.memref_slice %arg8[%dma_wait3A_309, %dma_wait3A_310, %dma_wait3A_311] : memref<2x128x128xf32, #tpu.memory_space<vmem>> -> memref<1x128x128xf32, #tpu.memory_space<vmem>>
      %dma_wait3A_313 = tpu.memref_squeeze %dma_wait3A_312 : memref<1x128x128xf32, #tpu.memory_space<vmem>> -> memref<128x128xf32, #tpu.memory_space<vmem>>
      %dma_wait3A_314 = arith.constant 0 : i32
      %dma_wait3A_315 = arith.constant 0 : i32
      %dma_wait3A_316 = tpu.memref_slice %arg2[%dma_wait3A_314, %dma_wait3A_315] : memref<10000x128xf32, #tpu.memory_space<hbm>> -> memref<128x128xf32, #tpu.memory_space<hbm>>
      %dma_wait3A_317 = arith.constant 0 : i32
      %dma_wait3A_318 = arith.constant 0 : i32
      %dma_wait3A_319 = tpu.memref_slice %arg8[%dma_wait3A_309, %dma_wait3A_317, %dma_wait3A_318] : memref<2x128x128xf32, #tpu.memory_space<vmem>> -> memref<1x128x128xf32, #tpu.memory_space<vmem>>
      %dma_wait3A_320 = tpu.memref_squeeze %dma_wait3A_319 : memref<1x128x128xf32, #tpu.memory_space<vmem>> -> memref<128x128xf32, #tpu.memory_space<vmem>>
      %dma_wait3A_321 = arith.constant 0 : i32
      %dma_wait3A_322 = arith.constant 0 : i32
      %dma_wait3A_323 = tpu.memref_slice %arg2[%dma_wait3A_321, %dma_wait3A_322] : memref<10000x128xf32, #tpu.memory_space<hbm>> -> memref<128x128xf32, #tpu.memory_space<hbm>>
      tpu.wait_dma2 semaphore(%arg12 : memref<!tpu.dma_semaphore, #tpu.memory_space<semaphore_mem>>) src(%dma_wait3A_323 : memref<128x128xf32, #tpu.memory_space<hbm>>) dst(%dma_wait3A_320 : memref<128x128xf32, #tpu.memory_space<vmem>>)
      %dma_start3A_324 = arith.constant 0 : i32
      %dma_start3A_325 = arith.constant 5 : i32
      %dma_start3A_326 = arith.constant 0 : i32
      %dma_start3A_327 = arith.constant 0 : i32
      %dma_start3A_328 = arith.constant 0 : i32
      %dma_start3A_329 = tpu.memref_slice %arg8[%dma_start3A_326, %dma_start3A_327, %dma_start3A_328] : memref<2x128x128xf32, #tpu.memory_space<vmem>> -> memref<1x128x128xf32, #tpu.memory_space<vmem>>
      %dma_start3A_330 = tpu.memref_squeeze %dma_start3A_329 : memref<1x128x128xf32, #tpu.memory_space<vmem>> -> memref<128x128xf32, #tpu.memory_space<vmem>>
      %dma_start3A_331 = arith.constant 0 : i32
      %dma_start3A_332 = tpu.memref_slice %arg6[%dma_start3A_324, %dma_start3A_325, %dma_start3A_331] : memref<2x8x128xi32, #tpu.memory_space<vmem>> -> memref<1x1x128xi32, #tpu.memory_space<vmem>>
      %dma_start3A_333 = tpu.memref_squeeze %dma_start3A_332 : memref<1x1x128xi32, #tpu.memory_space<vmem>> -> memref<128xi32, #tpu.memory_space<vmem>>
      %dma_start3A_334 = arith.constant 0 : i32
      %dma_start3A_335 = arith.constant 0 : i32
      %dma_start3A_336 = tpu.memref_slice %arg2[%dma_start3A_334, %dma_start3A_335] : memref<10000x128xf32, #tpu.memory_space<hbm>> -> memref<10000x128xf32, #tpu.memory_space<hbm>>
      tpu.enqueue_indirect_dma source(%dma_start3A_336 : memref<10000x128xf32, #tpu.memory_space<hbm>>) target(%dma_start3A_330 : memref<128x128xf32, #tpu.memory_space<vmem>>) offsets(%dma_start3A_333 : memref<128xi32, #tpu.memory_space<vmem>>) semaphore(%arg10 : memref<!tpu.dma_semaphore, #tpu.memory_space<semaphore_mem>>)
      %dma_wait3A_337 = arith.constant 0 : i32
      %dma_wait3A_338 = arith.constant 0 : i32
      %dma_wait3A_339 = arith.constant 0 : i32
      %dma_wait3A_340 = tpu.memref_slice %arg8[%dma_wait3A_337, %dma_wait3A_338, %dma_wait3A_339] : memref<2x128x128xf32, #tpu.memory_space<vmem>> -> memref<1x128x128xf32, #tpu.memory_space<vmem>>
      %dma_wait3A_341 = tpu.memref_squeeze %dma_wait3A_340 : memref<1x128x128xf32, #tpu.memory_space<vmem>> -> memref<128x128xf32, #tpu.memory_space<vmem>>
      %dma_wait3A_342 = arith.constant 0 : i32
      %dma_wait3A_343 = arith.constant 0 : i32
      %dma_wait3A_344 = tpu.memref_slice %arg2[%dma_wait3A_342, %dma_wait3A_343] : memref<10000x128xf32, #tpu.memory_space<hbm>> -> memref<128x128xf32, #tpu.memory_space<hbm>>
      %dma_wait3A_345 = arith.constant 0 : i32
      %dma_wait3A_346 = arith.constant 0 : i32
      %dma_wait3A_347 = tpu.memref_slice %arg8[%dma_wait3A_337, %dma_wait3A_345, %dma_wait3A_346] : memref<2x128x128xf32, #tpu.memory_space<vmem>> -> memref<1x128x128xf32, #tpu.memory_space<vmem>>
      %dma_wait3A_348 = tpu.memref_squeeze %dma_wait3A_347 : memref<1x128x128xf32, #tpu.memory_space<vmem>> -> memref<128x128xf32, #tpu.memory_space<vmem>>
      %dma_wait3A_349 = arith.constant 0 : i32
      %dma_wait3A_350 = arith.constant 0 : i32
      %dma_wait3A_351 = tpu.memref_slice %arg2[%dma_wait3A_349, %dma_wait3A_350] : memref<10000x128xf32, #tpu.memory_space<hbm>> -> memref<128x128xf32, #tpu.memory_space<hbm>>
      tpu.wait_dma2 semaphore(%arg10 : memref<!tpu.dma_semaphore, #tpu.memory_space<semaphore_mem>>) src(%dma_wait3A_351 : memref<128x128xf32, #tpu.memory_space<hbm>>) dst(%dma_wait3A_348 : memref<128x128xf32, #tpu.memory_space<vmem>>)
      %dma_start3A_352 = arith.constant 0 : i32
      %dma_start3A_353 = arith.constant 0 : i32
      %dma_start3A_354 = arith.constant 5 : i32
      %dma_start3A_355 = arith.constant 0 : i32
      %dma_start3A_356 = arith.constant 0 : i32
      %dma_start3A_357 = tpu.memref_slice %arg8[%dma_start3A_352, %dma_start3A_355, %dma_start3A_356] : memref<2x128x128xf32, #tpu.memory_space<vmem>> -> memref<1x128x128xf32, #tpu.memory_space<vmem>>
      %dma_start3A_358 = tpu.memref_squeeze %dma_start3A_357 : memref<1x128x128xf32, #tpu.memory_space<vmem>> -> memref<128x128xf32, #tpu.memory_space<vmem>>
      %dma_start3A_359 = arith.constant 0 : i32
      %dma_start3A_360 = tpu.memref_slice %arg7[%dma_start3A_353, %dma_start3A_354, %dma_start3A_359] : memref<2x8x128xi32, #tpu.memory_space<vmem>> -> memref<1x1x128xi32, #tpu.memory_space<vmem>>
      %dma_start3A_361 = tpu.memref_squeeze %dma_start3A_360 : memref<1x1x128xi32, #tpu.memory_space<vmem>> -> memref<128xi32, #tpu.memory_space<vmem>>
      %dma_start3A_362 = arith.constant 0 : i32
      %dma_start3A_363 = arith.constant 0 : i32
      %dma_start3A_364 = tpu.memref_slice %arg9[%dma_start3A_362, %dma_start3A_363] : memref<10112x128xf32, #tpu.memory_space<vmem_shared>> -> memref<10112x128xf32, #tpu.memory_space<vmem_shared>>
      tpu.enqueue_indirect_dma source(%dma_start3A_358 : memref<128x128xf32, #tpu.memory_space<vmem>>) target(%dma_start3A_364 : memref<10112x128xf32, #tpu.memory_space<vmem_shared>>) offsets(%dma_start3A_361 : memref<128xi32, #tpu.memory_space<vmem>>) semaphore(%arg12 : memref<!tpu.dma_semaphore, #tpu.memory_space<semaphore_mem>>) {add = true}
      %dma_wait3A_365 = arith.constant 0 : i32
      %dma_wait3A_366 = arith.constant 0 : i32
      %dma_wait3A_367 = arith.constant 0 : i32
      %dma_wait3A_368 = tpu.memref_slice %arg8[%dma_wait3A_365, %dma_wait3A_366, %dma_wait3A_367] : memref<2x128x128xf32, #tpu.memory_space<vmem>> -> memref<1x128x128xf32, #tpu.memory_space<vmem>>
      %dma_wait3A_369 = tpu.memref_squeeze %dma_wait3A_368 : memref<1x128x128xf32, #tpu.memory_space<vmem>> -> memref<128x128xf32, #tpu.memory_space<vmem>>
      %dma_wait3A_370 = arith.constant 0 : i32
      %dma_wait3A_371 = arith.constant 0 : i32
      %dma_wait3A_372 = tpu.memref_slice %arg2[%dma_wait3A_370, %dma_wait3A_371] : memref<10000x128xf32, #tpu.memory_space<hbm>> -> memref<128x128xf32, #tpu.memory_space<hbm>>
      %dma_wait3A_373 = arith.constant 0 : i32
      %dma_wait3A_374 = arith.constant 0 : i32
      %dma_wait3A_375 = tpu.memref_slice %arg8[%dma_wait3A_365, %dma_wait3A_373, %dma_wait3A_374] : memref<2x128x128xf32, #tpu.memory_space<vmem>> -> memref<1x128x128xf32, #tpu.memory_space<vmem>>
      %dma_wait3A_376 = tpu.memref_squeeze %dma_wait3A_375 : memref<1x128x128xf32, #tpu.memory_space<vmem>> -> memref<128x128xf32, #tpu.memory_space<vmem>>
      %dma_wait3A_377 = arith.constant 0 : i32
      %dma_wait3A_378 = arith.constant 0 : i32
      %dma_wait3A_379 = tpu.memref_slice %arg2[%dma_wait3A_377, %dma_wait3A_378] : memref<10000x128xf32, #tpu.memory_space<hbm>> -> memref<128x128xf32, #tpu.memory_space<hbm>>
      tpu.wait_dma2 semaphore(%arg12 : memref<!tpu.dma_semaphore, #tpu.memory_space<semaphore_mem>>) src(%dma_wait3A_379 : memref<128x128xf32, #tpu.memory_space<hbm>>) dst(%dma_wait3A_376 : memref<128x128xf32, #tpu.memory_space<vmem>>)
      %dma_start3A_380 = arith.constant 0 : i32
      %dma_start3A_381 = arith.constant 6 : i32
      %dma_start3A_382 = arith.constant 0 : i32
      %dma_start3A_383 = arith.constant 0 : i32
      %dma_start3A_384 = arith.constant 0 : i32
      %dma_start3A_385 = tpu.memref_slice %arg8[%dma_start3A_382, %dma_start3A_383, %dma_start3A_384] : memref<2x128x128xf32, #tpu.memory_space<vmem>> -> memref<1x128x128xf32, #tpu.memory_space<vmem>>
      %dma_start3A_386 = tpu.memref_squeeze %dma_start3A_385 : memref<1x128x128xf32, #tpu.memory_space<vmem>> -> memref<128x128xf32, #tpu.memory_space<vmem>>
      %dma_start3A_387 = arith.constant 0 : i32
      %dma_start3A_388 = tpu.memref_slice %arg6[%dma_start3A_380, %dma_start3A_381, %dma_start3A_387] : memref<2x8x128xi32, #tpu.memory_space<vmem>> -> memref<1x1x128xi32, #tpu.memory_space<vmem>>
      %dma_start3A_389 = tpu.memref_squeeze %dma_start3A_388 : memref<1x1x128xi32, #tpu.memory_space<vmem>> -> memref<128xi32, #tpu.memory_space<vmem>>
      %dma_start3A_390 = arith.constant 0 : i32
      %dma_start3A_391 = arith.constant 0 : i32
      %dma_start3A_392 = tpu.memref_slice %arg2[%dma_start3A_390, %dma_start3A_391] : memref<10000x128xf32, #tpu.memory_space<hbm>> -> memref<10000x128xf32, #tpu.memory_space<hbm>>
      tpu.enqueue_indirect_dma source(%dma_start3A_392 : memref<10000x128xf32, #tpu.memory_space<hbm>>) target(%dma_start3A_386 : memref<128x128xf32, #tpu.memory_space<vmem>>) offsets(%dma_start3A_389 : memref<128xi32, #tpu.memory_space<vmem>>) semaphore(%arg10 : memref<!tpu.dma_semaphore, #tpu.memory_space<semaphore_mem>>)
      %dma_wait3A_393 = arith.constant 0 : i32
      %dma_wait3A_394 = arith.constant 0 : i32
      %dma_wait3A_395 = arith.constant 0 : i32
      %dma_wait3A_396 = tpu.memref_slice %arg8[%dma_wait3A_393, %dma_wait3A_394, %dma_wait3A_395] : memref<2x128x128xf32, #tpu.memory_space<vmem>> -> memref<1x128x128xf32, #tpu.memory_space<vmem>>
      %dma_wait3A_397 = tpu.memref_squeeze %dma_wait3A_396 : memref<1x128x128xf32, #tpu.memory_space<vmem>> -> memref<128x128xf32, #tpu.memory_space<vmem>>
      %dma_wait3A_398 = arith.constant 0 : i32
      %dma_wait3A_399 = arith.constant 0 : i32
      %dma_wait3A_400 = tpu.memref_slice %arg2[%dma_wait3A_398, %dma_wait3A_399] : memref<10000x128xf32, #tpu.memory_space<hbm>> -> memref<128x128xf32, #tpu.memory_space<hbm>>
      %dma_wait3A_401 = arith.constant 0 : i32
      %dma_wait3A_402 = arith.constant 0 : i32
      %dma_wait3A_403 = tpu.memref_slice %arg8[%dma_wait3A_393, %dma_wait3A_401, %dma_wait3A_402] : memref<2x128x128xf32, #tpu.memory_space<vmem>> -> memref<1x128x128xf32, #tpu.memory_space<vmem>>
      %dma_wait3A_404 = tpu.memref_squeeze %dma_wait3A_403 : memref<1x128x128xf32, #tpu.memory_space<vmem>> -> memref<128x128xf32, #tpu.memory_space<vmem>>
      %dma_wait3A_405 = arith.constant 0 : i32
      %dma_wait3A_406 = arith.constant 0 : i32
      %dma_wait3A_407 = tpu.memref_slice %arg2[%dma_wait3A_405, %dma_wait3A_406] : memref<10000x128xf32, #tpu.memory_space<hbm>> -> memref<128x128xf32, #tpu.memory_space<hbm>>
      tpu.wait_dma2 semaphore(%arg10 : memref<!tpu.dma_semaphore, #tpu.memory_space<semaphore_mem>>) src(%dma_wait3A_407 : memref<128x128xf32, #tpu.memory_space<hbm>>) dst(%dma_wait3A_404 : memref<128x128xf32, #tpu.memory_space<vmem>>)
      %dma_start3A_408 = arith.constant 0 : i32
      %dma_start3A_409 = arith.constant 0 : i32
      %dma_start3A_410 = arith.constant 6 : i32
      %dma_start3A_411 = arith.constant 0 : i32
      %dma_start3A_412 = arith.constant 0 : i32
      %dma_start3A_413 = tpu.memref_slice %arg8[%dma_start3A_408, %dma_start3A_411, %dma_start3A_412] : memref<2x128x128xf32, #tpu.memory_space<vmem>> -> memref<1x128x128xf32, #tpu.memory_space<vmem>>
      %dma_start3A_414 = tpu.memref_squeeze %dma_start3A_413 : memref<1x128x128xf32, #tpu.memory_space<vmem>> -> memref<128x128xf32, #tpu.memory_space<vmem>>
      %dma_start3A_415 = arith.constant 0 : i32
      %dma_start3A_416 = tpu.memref_slice %arg7[%dma_start3A_409, %dma_start3A_410, %dma_start3A_415] : memref<2x8x128xi32, #tpu.memory_space<vmem>> -> memref<1x1x128xi32, #tpu.memory_space<vmem>>
      %dma_start3A_417 = tpu.memref_squeeze %dma_start3A_416 : memref<1x1x128xi32, #tpu.memory_space<vmem>> -> memref<128xi32, #tpu.memory_space<vmem>>
      %dma_start3A_418 = arith.constant 0 : i32
      %dma_start3A_419 = arith.constant 0 : i32
      %dma_start3A_420 = tpu.memref_slice %arg9[%dma_start3A_418, %dma_start3A_419] : memref<10112x128xf32, #tpu.memory_space<vmem_shared>> -> memref<10112x128xf32, #tpu.memory_space<vmem_shared>>
      tpu.enqueue_indirect_dma source(%dma_start3A_414 : memref<128x128xf32, #tpu.memory_space<vmem>>) target(%dma_start3A_420 : memref<10112x128xf32, #tpu.memory_space<vmem_shared>>) offsets(%dma_start3A_417 : memref<128xi32, #tpu.memory_space<vmem>>) semaphore(%arg12 : memref<!tpu.dma_semaphore, #tpu.memory_space<semaphore_mem>>) {add = true}
      %dma_wait3A_421 = arith.constant 0 : i32
      %dma_wait3A_422 = arith.constant 0 : i32
      %dma_wait3A_423 = arith.constant 0 : i32
      %dma_wait3A_424 = tpu.memref_slice %arg8[%dma_wait3A_421, %dma_wait3A_422, %dma_wait3A_423] : memref<2x128x128xf32, #tpu.memory_space<vmem>> -> memref<1x128x128xf32, #tpu.memory_space<vmem>>
      %dma_wait3A_425 = tpu.memref_squeeze %dma_wait3A_424 : memref<1x128x128xf32, #tpu.memory_space<vmem>> -> memref<128x128xf32, #tpu.memory_space<vmem>>
      %dma_wait3A_426 = arith.constant 0 : i32
      %dma_wait3A_427 = arith.constant 0 : i32
      %dma_wait3A_428 = tpu.memref_slice %arg2[%dma_wait3A_426, %dma_wait3A_427] : memref<10000x128xf32, #tpu.memory_space<hbm>> -> memref<128x128xf32, #tpu.memory_space<hbm>>
      %dma_wait3A_429 = arith.constant 0 : i32
      %dma_wait3A_430 = arith.constant 0 : i32
      %dma_wait3A_431 = tpu.memref_slice %arg8[%dma_wait3A_421, %dma_wait3A_429, %dma_wait3A_430] : memref<2x128x128xf32, #tpu.memory_space<vmem>> -> memref<1x128x128xf32, #tpu.memory_space<vmem>>
      %dma_wait3A_432 = tpu.memref_squeeze %dma_wait3A_431 : memref<1x128x128xf32, #tpu.memory_space<vmem>> -> memref<128x128xf32, #tpu.memory_space<vmem>>
      %dma_wait3A_433 = arith.constant 0 : i32
      %dma_wait3A_434 = arith.constant 0 : i32
      %dma_wait3A_435 = tpu.memref_slice %arg2[%dma_wait3A_433, %dma_wait3A_434] : memref<10000x128xf32, #tpu.memory_space<hbm>> -> memref<128x128xf32, #tpu.memory_space<hbm>>
      tpu.wait_dma2 semaphore(%arg12 : memref<!tpu.dma_semaphore, #tpu.memory_space<semaphore_mem>>) src(%dma_wait3A_435 : memref<128x128xf32, #tpu.memory_space<hbm>>) dst(%dma_wait3A_432 : memref<128x128xf32, #tpu.memory_space<vmem>>)
      %dma_start3A_436 = arith.constant 0 : i32
      %dma_start3A_437 = arith.constant 7 : i32
      %dma_start3A_438 = arith.constant 0 : i32
      %dma_start3A_439 = arith.constant 0 : i32
      %dma_start3A_440 = arith.constant 0 : i32
      %dma_start3A_441 = tpu.memref_slice %arg8[%dma_start3A_438, %dma_start3A_439, %dma_start3A_440] : memref<2x128x128xf32, #tpu.memory_space<vmem>> -> memref<1x128x128xf32, #tpu.memory_space<vmem>>
      %dma_start3A_442 = tpu.memref_squeeze %dma_start3A_441 : memref<1x128x128xf32, #tpu.memory_space<vmem>> -> memref<128x128xf32, #tpu.memory_space<vmem>>
      %dma_start3A_443 = arith.constant 0 : i32
      %dma_start3A_444 = tpu.memref_slice %arg6[%dma_start3A_436, %dma_start3A_437, %dma_start3A_443] : memref<2x8x128xi32, #tpu.memory_space<vmem>> -> memref<1x1x128xi32, #tpu.memory_space<vmem>>
      %dma_start3A_445 = tpu.memref_squeeze %dma_start3A_444 : memref<1x1x128xi32, #tpu.memory_space<vmem>> -> memref<128xi32, #tpu.memory_space<vmem>>
      %dma_start3A_446 = arith.constant 0 : i32
      %dma_start3A_447 = arith.constant 0 : i32
      %dma_start3A_448 = tpu.memref_slice %arg2[%dma_start3A_446, %dma_start3A_447] : memref<10000x128xf32, #tpu.memory_space<hbm>> -> memref<10000x128xf32, #tpu.memory_space<hbm>>
      tpu.enqueue_indirect_dma source(%dma_start3A_448 : memref<10000x128xf32, #tpu.memory_space<hbm>>) target(%dma_start3A_442 : memref<128x128xf32, #tpu.memory_space<vmem>>) offsets(%dma_start3A_445 : memref<128xi32, #tpu.memory_space<vmem>>) semaphore(%arg10 : memref<!tpu.dma_semaphore, #tpu.memory_space<semaphore_mem>>)
      %dma_wait3A_449 = arith.constant 0 : i32
      %dma_wait3A_450 = arith.constant 0 : i32
      %dma_wait3A_451 = arith.constant 0 : i32
      %dma_wait3A_452 = tpu.memref_slice %arg8[%dma_wait3A_449, %dma_wait3A_450, %dma_wait3A_451] : memref<2x128x128xf32, #tpu.memory_space<vmem>> -> memref<1x128x128xf32, #tpu.memory_space<vmem>>
      %dma_wait3A_453 = tpu.memref_squeeze %dma_wait3A_452 : memref<1x128x128xf32, #tpu.memory_space<vmem>> -> memref<128x128xf32, #tpu.memory_space<vmem>>
      %dma_wait3A_454 = arith.constant 0 : i32
      %dma_wait3A_455 = arith.constant 0 : i32
      %dma_wait3A_456 = tpu.memref_slice %arg2[%dma_wait3A_454, %dma_wait3A_455] : memref<10000x128xf32, #tpu.memory_space<hbm>> -> memref<128x128xf32, #tpu.memory_space<hbm>>
      %dma_wait3A_457 = arith.constant 0 : i32
      %dma_wait3A_458 = arith.constant 0 : i32
      %dma_wait3A_459 = tpu.memref_slice %arg8[%dma_wait3A_449, %dma_wait3A_457, %dma_wait3A_458] : memref<2x128x128xf32, #tpu.memory_space<vmem>> -> memref<1x128x128xf32, #tpu.memory_space<vmem>>
      %dma_wait3A_460 = tpu.memref_squeeze %dma_wait3A_459 : memref<1x128x128xf32, #tpu.memory_space<vmem>> -> memref<128x128xf32, #tpu.memory_space<vmem>>
      %dma_wait3A_461 = arith.constant 0 : i32
      %dma_wait3A_462 = arith.constant 0 : i32
      %dma_wait3A_463 = tpu.memref_slice %arg2[%dma_wait3A_461, %dma_wait3A_462] : memref<10000x128xf32, #tpu.memory_space<hbm>> -> memref<128x128xf32, #tpu.memory_space<hbm>>
      tpu.wait_dma2 semaphore(%arg10 : memref<!tpu.dma_semaphore, #tpu.memory_space<semaphore_mem>>) src(%dma_wait3A_463 : memref<128x128xf32, #tpu.memory_space<hbm>>) dst(%dma_wait3A_460 : memref<128x128xf32, #tpu.memory_space<vmem>>)
      %dma_start3A_464 = arith.constant 0 : i32
      %dma_start3A_465 = arith.constant 0 : i32
      %dma_start3A_466 = arith.constant 7 : i32
      %dma_start3A_467 = arith.constant 0 : i32
      %dma_start3A_468 = arith.constant 0 : i32
      %dma_start3A_469 = tpu.memref_slice %arg8[%dma_start3A_464, %dma_start3A_467, %dma_start3A_468] : memref<2x128x128xf32, #tpu.memory_space<vmem>> -> memref<1x128x128xf32, #tpu.memory_space<vmem>>
      %dma_start3A_470 = tpu.memref_squeeze %dma_start3A_469 : memref<1x128x128xf32, #tpu.memory_space<vmem>> -> memref<128x128xf32, #tpu.memory_space<vmem>>
      %dma_start3A_471 = arith.constant 0 : i32
      %dma_start3A_472 = tpu.memref_slice %arg7[%dma_start3A_465, %dma_start3A_466, %dma_start3A_471] : memref<2x8x128xi32, #tpu.memory_space<vmem>> -> memref<1x1x128xi32, #tpu.memory_space<vmem>>
      %dma_start3A_473 = tpu.memref_squeeze %dma_start3A_472 : memref<1x1x128xi32, #tpu.memory_space<vmem>> -> memref<128xi32, #tpu.memory_space<vmem>>
      %dma_start3A_474 = arith.constant 0 : i32
      %dma_start3A_475 = arith.constant 0 : i32
      %dma_start3A_476 = tpu.memref_slice %arg9[%dma_start3A_474, %dma_start3A_475] : memref<10112x128xf32, #tpu.memory_space<vmem_shared>> -> memref<10112x128xf32, #tpu.memory_space<vmem_shared>>
      tpu.enqueue_indirect_dma source(%dma_start3A_470 : memref<128x128xf32, #tpu.memory_space<vmem>>) target(%dma_start3A_476 : memref<10112x128xf32, #tpu.memory_space<vmem_shared>>) offsets(%dma_start3A_473 : memref<128xi32, #tpu.memory_space<vmem>>) semaphore(%arg12 : memref<!tpu.dma_semaphore, #tpu.memory_space<semaphore_mem>>) {add = true}
      %dma_wait3A_477 = arith.constant 0 : i32
      %dma_wait3A_478 = arith.constant 0 : i32
      %dma_wait3A_479 = arith.constant 0 : i32
      %dma_wait3A_480 = tpu.memref_slice %arg8[%dma_wait3A_477, %dma_wait3A_478, %dma_wait3A_479] : memref<2x128x128xf32, #tpu.memory_space<vmem>> -> memref<1x128x128xf32, #tpu.memory_space<vmem>>
      %dma_wait3A_481 = tpu.memref_squeeze %dma_wait3A_480 : memref<1x128x128xf32, #tpu.memory_space<vmem>> -> memref<128x128xf32, #tpu.memory_space<vmem>>
      %dma_wait3A_482 = arith.constant 0 : i32
      %dma_wait3A_483 = arith.constant 0 : i32
      %dma_wait3A_484 = tpu.memref_slice %arg2[%dma_wait3A_482, %dma_wait3A_483] : memref<10000x128xf32, #tpu.memory_space<hbm>> -> memref<128x128xf32, #tpu.memory_space<hbm>>
      %dma_wait3A_485 = arith.constant 0 : i32
      %dma_wait3A_486 = arith.constant 0 : i32
      %dma_wait3A_487 = tpu.memref_slice %arg8[%dma_wait3A_477, %dma_wait3A_485, %dma_wait3A_486] : memref<2x128x128xf32, #tpu.memory_space<vmem>> -> memref<1x128x128xf32, #tpu.memory_space<vmem>>
      %dma_wait3A_488 = tpu.memref_squeeze %dma_wait3A_487 : memref<1x128x128xf32, #tpu.memory_space<vmem>> -> memref<128x128xf32, #tpu.memory_space<vmem>>
      %dma_wait3A_489 = arith.constant 0 : i32
      %dma_wait3A_490 = arith.constant 0 : i32
      %dma_wait3A_491 = tpu.memref_slice %arg2[%dma_wait3A_489, %dma_wait3A_490] : memref<10000x128xf32, #tpu.memory_space<hbm>> -> memref<128x128xf32, #tpu.memory_space<hbm>>
      tpu.wait_dma2 semaphore(%arg12 : memref<!tpu.dma_semaphore, #tpu.memory_space<semaphore_mem>>) src(%dma_wait3A_491 : memref<128x128xf32, #tpu.memory_space<hbm>>) dst(%dma_wait3A_488 : memref<128x128xf32, #tpu.memory_space<vmem>>)
    }
    %scan3A_37 = arith.constant 10 : i32
    %barrier3A_38 = arith.constant 0 : index
    tpu.barrier barrier_id(%barrier3A_38)
    "tpu.region"() ({
      %run_scoped3A_39 = tpu.sem_alloc : memref<!tpu.dma_semaphore, #tpu.memory_space<semaphore_mem>>
      %dma_start3A = arith.constant 0 : i32
      %dma_start3A_40 = tpu.memref_slice %arg5[%arg0, %multiple_of3A, %dma_start3A] : memref<2x10112x128xf32, #tpu.memory_space<hbm>> -> memref<1x632x128xf32, #tpu.memory_space<hbm>>
      %dma_start3A_41 = tpu.memref_squeeze %dma_start3A_40 : memref<1x632x128xf32, #tpu.memory_space<hbm>> -> memref<632x128xf32, #tpu.memory_space<hbm>>
      %dma_start3A_42 = arith.constant 0 : i32
      %dma_start3A_43 = tpu.memref_slice %arg9[%multiple_of3A, %dma_start3A_42] : memref<10112x128xf32, #tpu.memory_space<vmem_shared>> -> memref<632x128xf32, #tpu.memory_space<vmem_shared>>
      tpu.enqueue_dma source(%dma_start3A_43 : memref<632x128xf32, #tpu.memory_space<vmem_shared>>) target(%dma_start3A_41 : memref<632x128xf32, #tpu.memory_space<hbm>>) target_semaphore(%run_scoped3A_39 : memref<!tpu.dma_semaphore, #tpu.memory_space<semaphore_mem>>)
      %dma_wait3A = arith.constant 0 : i32
      %dma_wait3A_44 = tpu.memref_slice %arg5[%arg0, %multiple_of3A, %dma_wait3A] : memref<2x10112x128xf32, #tpu.memory_space<hbm>> -> memref<1x632x128xf32, #tpu.memory_space<hbm>>
      %dma_wait3A_45 = tpu.memref_squeeze %dma_wait3A_44 : memref<1x632x128xf32, #tpu.memory_space<hbm>> -> memref<632x128xf32, #tpu.memory_space<hbm>>
      %dma_wait3A_46 = arith.constant 0 : i32
      %dma_wait3A_47 = tpu.memref_slice %arg9[%multiple_of3A, %dma_wait3A_46] : memref<10112x128xf32, #tpu.memory_space<vmem_shared>> -> memref<632x128xf32, #tpu.memory_space<vmem_shared>>
      tpu.wait_dma2 semaphore(%run_scoped3A_39 : memref<!tpu.dma_semaphore, #tpu.memory_space<semaphore_mem>>) src(%dma_wait3A_47 : memref<632x128xf32, #tpu.memory_space<vmem_shared>>) dst(%dma_wait3A_45 : memref<632x128xf32, #tpu.memory_space<hbm>>)
      tpu.yield
    }) : () -> ()
    return
  }
}

module attributes {stable_mosaic.version = 14 : i64} {
  func.func @body(%arg0: memref<2x10112x128xf32, #tpu.memory_space<vmem>>, %arg1: memref<2x10112x128xf32, #tpu.memory_space<vmem>>, %arg2: memref<1x64xf32, #tpu.memory_space<vmem>>, %arg3: memref<10000x64xf32, #tpu.memory_space<vmem>>, %arg4: memref<64x64xf32, #tpu.memory_space<vmem>>, %arg5: memref<64x64xf32, #tpu.memory_space<vmem>>, %arg6: memref<10000x128xf32, #tpu.memory_space<vmem>>, %arg7: memref<10000x64xf32, #tpu.memory_space<vmem>>) attributes {dimension_semantics = [], scalar_prefetch = 0 : i64, scratch_operands = 0 : i64, tpu.core_type = #tpu.core_type<tc>} {
    %get3A = arith.constant 0 : index
    %get3A_0 = arith.constant 0 : index
    %get3A_1 = arith.constant 64 : index
    %get3A_2 = vector.load %arg1[%get3A, %get3A_0, %get3A_1] : memref<2x10112x128xf32, #tpu.memory_space<vmem>>, vector<1x10000x64xf32>
    %get3A_3 = vector.shape_cast %get3A_2 : vector<1x10000x64xf32> to vector<10000x64xf32>
    %get3A_4 = arith.constant 1 : index
    %get3A_5 = arith.constant 0 : index
    %get3A_6 = arith.constant 64 : index
    %get3A_7 = vector.load %arg1[%get3A_4, %get3A_5, %get3A_6] : memref<2x10112x128xf32, #tpu.memory_space<vmem>>, vector<1x10000x64xf32>
    %get3A_8 = vector.shape_cast %get3A_7 : vector<1x10000x64xf32> to vector<10000x64xf32>
    %add3A = arith.addf %get3A_3, %get3A_8 : vector<10000x64xf32>
    %reduce_sum3A = arith.constant dense<0.000000e+00> : vector<10000xf32>
    %reduce_sum3A_9 = vector.multi_reduction <add>, %add3A, %reduce_sum3A [1] : vector<10000x64xf32> to vector<10000xf32>
    %broadcast_in_dim3A = vector.shape_cast %reduce_sum3A_9 : vector<10000xf32> to vector<10000x1xf32>
    %mul3A = arith.constant 1.562500e-02 : f32
    %mul3A_10 = vector.broadcast %mul3A : f32 to vector<10000x1xf32>
    %mul3A_11 = arith.mulf %broadcast_in_dim3A, %mul3A_10 : vector<10000x1xf32>
    %max3A = arith.constant 1.000000e+00 : f32
    %max3A_12 = vector.broadcast %max3A : f32 to vector<10000x1xf32>
    %max3A_13 = arith.maximumf %mul3A_11, %max3A_12 : vector<10000x1xf32>
    %div3A = arith.constant 1.000000e+00 : f32
    %div3A_14 = vector.broadcast %div3A : f32 to vector<10000x1xf32>
    %div3A_15 = arith.divf %div3A_14, %max3A_13 : vector<10000x1xf32>
    %get3A_16 = arith.constant 0 : index
    %get3A_17 = arith.constant 0 : index
    %get3A_18 = arith.constant 0 : index
    %get3A_19 = vector.load %arg0[%get3A_16, %get3A_17, %get3A_18] : memref<2x10112x128xf32, #tpu.memory_space<vmem>>, vector<1x10000x64xf32>
    %get3A_20 = vector.shape_cast %get3A_19 : vector<1x10000x64xf32> to vector<10000x64xf32>
    %get3A_21 = arith.constant 1 : index
    %get3A_22 = arith.constant 0 : index
    %get3A_23 = arith.constant 0 : index
    %get3A_24 = vector.load %arg0[%get3A_21, %get3A_22, %get3A_23] : memref<2x10112x128xf32, #tpu.memory_space<vmem>>, vector<1x10000x64xf32>
    %get3A_25 = vector.shape_cast %get3A_24 : vector<1x10000x64xf32> to vector<10000x64xf32>
    %add3A_26 = arith.addf %get3A_20, %get3A_25 : vector<10000x64xf32>
    %mul3A_27 = vector.broadcast %div3A_15 : vector<10000x1xf32> to vector<10000x64xf32>
    %mul3A_28 = arith.mulf %add3A_26, %mul3A_27 : vector<10000x64xf32>
    %get3A_29 = arith.constant 0 : index
    %get3A_30 = arith.constant 0 : index
    %get3A_31 = vector.load %arg2[%get3A_29, %get3A_30] : memref<1x64xf32, #tpu.memory_space<vmem>>, vector<1x64xf32>
    %add3A_32 = vector.broadcast %get3A_31 : vector<1x64xf32> to vector<10000x64xf32>
    %add3A_33 = arith.addf %mul3A_28, %add3A_32 : vector<10000x64xf32>
    %get3A_34 = arith.constant 0 : index
    %get3A_35 = arith.constant 0 : index
    %get3A_36 = vector.load %arg3[%get3A_34, %get3A_35] : memref<10000x64xf32, #tpu.memory_space<vmem>>, vector<10000x64xf32>
    %add3A_37 = arith.addf %add3A_33, %get3A_36 : vector<10000x64xf32>
    %max3A_38 = arith.constant 0.000000e+00 : f32
    %max3A_39 = vector.broadcast %max3A_38 : f32 to vector<10000x64xf32>
    %max3A_40 = arith.maximumf %add3A_37, %max3A_39 : vector<10000x64xf32>
    %get3A_41 = arith.constant 0 : index
    %get3A_42 = arith.constant 0 : index
    %get3A_43 = vector.load %arg4[%get3A_41, %get3A_42] : memref<64x64xf32, #tpu.memory_space<vmem>>, vector<64x64xf32>
    %dot_general3A = arith.constant dense<0.000000e+00> : vector<10000x64xf32>
    %dot_general3A_44 = tpu.matmul %max3A_40, %get3A_43, %dot_general3A {dimension_numbers = #tpu.dot_dimension_numbers<[1], [1], [0], [0], [0, 0, 1, 0], [], []>, transpose_lhs_hint = false} : vector<10000x64xf32>, vector<64x64xf32>, vector<10000x64xf32> -> vector<10000x64xf32>
    %broadcast_in_dim3A_45 = arith.constant 0.000000e+00 : f32
    %broadcast_in_dim3A_46 = vector.broadcast %broadcast_in_dim3A_45 : f32 to vector<10000x64xf32>
    %concatenate3A = tpu.concatenate %dot_general3A_44, %broadcast_in_dim3A_46 in 1 : vector<10000x64xf32>, vector<10000x64xf32> -> vector<10000x128xf32>
    %swap3A = arith.constant 0 : index
    %swap3A_47 = arith.constant 0 : index
    %swap3A_48 = vector.load %arg6[%swap3A, %swap3A_47] : memref<10000x128xf32, #tpu.memory_space<vmem>>, vector<10000x128xf32>
    tpu.vector_store %arg6[%swap3A, %swap3A_47], %concatenate3A {strides = array<i32>} : memref<10000x128xf32, #tpu.memory_space<vmem>>, vector<10000x128xf32>,
    %get3A_49 = arith.constant 0 : index
    %get3A_50 = arith.constant 0 : index
    %get3A_51 = vector.load %arg5[%get3A_49, %get3A_50] : memref<64x64xf32, #tpu.memory_space<vmem>>, vector<64x64xf32>
    %dot_general3A_52 = arith.constant dense<0.000000e+00> : vector<10000x64xf32>
    %dot_general3A_53 = tpu.matmul %max3A_40, %get3A_51, %dot_general3A_52 {dimension_numbers = #tpu.dot_dimension_numbers<[1], [1], [0], [0], [0, 0, 1, 0], [], []>, transpose_lhs_hint = false} : vector<10000x64xf32>, vector<64x64xf32>, vector<10000x64xf32> -> vector<10000x64xf32>
    %swap3A_54 = arith.constant 0 : index
    %swap3A_55 = arith.constant 0 : index
    %swap3A_56 = vector.load %arg7[%swap3A_54, %swap3A_55] : memref<10000x64xf32, #tpu.memory_space<vmem>>, vector<10000x64xf32>
    tpu.vector_store %arg7[%swap3A_54, %swap3A_55], %dot_general3A_53 {strides = array<i32>} : memref<10000x64xf32, #tpu.memory_space<vmem>>, vector<10000x64xf32>,
    return
  }
}

module attributes {stable_mosaic.version = 14 : i64} {
  func.func @body(%arg0: memref<10000x128xf32, #tpu.memory_space<vmem>>, %arg1: memref<64x128xf32, #tpu.memory_space<vmem>>, %arg2: memref<64x128xf32, #tpu.memory_space<vmem>>, %arg3: memref<10000x128xf32, #tpu.memory_space<vmem>>, %arg4: memref<10000x64xf32, #tpu.memory_space<vmem>>) attributes {dimension_semantics = [], scalar_prefetch = 0 : i64, scratch_operands = 0 : i64, tpu.core_type = #tpu.core_type<tc>} {
    %get3A = arith.constant 0 : index
    %get3A_0 = arith.constant 0 : index
    %get3A_1 = vector.load %arg0[%get3A, %get3A_0] : memref<10000x128xf32, #tpu.memory_space<vmem>>, vector<10000x128xf32>
    %get3A_2 = arith.constant 0 : index
    %get3A_3 = arith.constant 0 : index
    %get3A_4 = vector.load %arg1[%get3A_2, %get3A_3] : memref<64x128xf32, #tpu.memory_space<vmem>>, vector<64x128xf32>
    %dot_general3A = arith.constant dense<0.000000e+00> : vector<10000x64xf32>
    %dot_general3A_5 = tpu.matmul %get3A_1, %get3A_4, %dot_general3A {dimension_numbers = #tpu.dot_dimension_numbers<[1], [1], [0], [0], [0, 0, 1, 0], [], []>, transpose_lhs_hint = false} : vector<10000x128xf32>, vector<64x128xf32>, vector<10000x64xf32> -> vector<10000x64xf32>
    %broadcast_in_dim3A = arith.constant 1.000000e+00 : f32
    %broadcast_in_dim3A_6 = vector.broadcast %broadcast_in_dim3A : f32 to vector<10000x64xf32>
    %concatenate3A = tpu.concatenate %dot_general3A_5, %broadcast_in_dim3A_6 in 1 : vector<10000x64xf32>, vector<10000x64xf32> -> vector<10000x128xf32>
    %swap3A = arith.constant 0 : index
    %swap3A_7 = arith.constant 0 : index
    %swap3A_8 = vector.load %arg3[%swap3A, %swap3A_7] : memref<10000x128xf32, #tpu.memory_space<vmem>>, vector<10000x128xf32>
    tpu.vector_store %arg3[%swap3A, %swap3A_7], %concatenate3A {strides = array<i32>} : memref<10000x128xf32, #tpu.memory_space<vmem>>, vector<10000x128xf32>,
    %get3A_9 = arith.constant 0 : index
    %get3A_10 = arith.constant 0 : index
    %get3A_11 = vector.load %arg2[%get3A_9, %get3A_10] : memref<64x128xf32, #tpu.memory_space<vmem>>, vector<64x128xf32>
    %dot_general3A_12 = arith.constant dense<0.000000e+00> : vector<10000x64xf32>
    %dot_general3A_13 = tpu.matmul %get3A_1, %get3A_11, %dot_general3A_12 {dimension_numbers = #tpu.dot_dimension_numbers<[1], [1], [0], [0], [0, 0, 1, 0], [], []>, transpose_lhs_hint = false} : vector<10000x128xf32>, vector<64x128xf32>, vector<10000x64xf32> -> vector<10000x64xf32>
    %swap3A_14 = arith.constant 0 : index
    %swap3A_15 = arith.constant 0 : index
    %swap3A_16 = vector.load %arg4[%swap3A_14, %swap3A_15] : memref<10000x64xf32, #tpu.memory_space<vmem>>, vector<10000x64xf32>
    tpu.vector_store %arg4[%swap3A_14, %swap3A_15], %dot_general3A_13 {strides = array<i32>} : memref<10000x64xf32, #tpu.memory_space<vmem>>, vector<10000x64xf32>,
    return
  }
}

module attributes {stable_mosaic.version = 14 : i64} {
  func.func @body(%arg0: memref<2x10112x128xf32, #tpu.memory_space<vmem>>, %arg1: memref<2x10112x128xf32, #tpu.memory_space<vmem>>, %arg2: memref<1x64xf32, #tpu.memory_space<vmem>>, %arg3: memref<10000x64xf32, #tpu.memory_space<vmem>>, %arg4: memref<128x64xf32, #tpu.memory_space<vmem>>, %arg5: memref<10000x128xf32, #tpu.memory_space<vmem>>, %arg6: memref<10000x128xf32, #tpu.memory_space<vmem>>) attributes {dimension_semantics = [], scalar_prefetch = 0 : i64, scratch_operands = 0 : i64, tpu.core_type = #tpu.core_type<tc>} {
    %get3A = arith.constant 0 : index
    %get3A_0 = arith.constant 0 : index
    %get3A_1 = arith.constant 64 : index
    %get3A_2 = vector.load %arg1[%get3A, %get3A_0, %get3A_1] : memref<2x10112x128xf32, #tpu.memory_space<vmem>>, vector<1x10000x64xf32>
    %get3A_3 = vector.shape_cast %get3A_2 : vector<1x10000x64xf32> to vector<10000x64xf32>
    %get3A_4 = arith.constant 1 : index
    %get3A_5 = arith.constant 0 : index
    %get3A_6 = arith.constant 64 : index
    %get3A_7 = vector.load %arg1[%get3A_4, %get3A_5, %get3A_6] : memref<2x10112x128xf32, #tpu.memory_space<vmem>>, vector<1x10000x64xf32>
    %get3A_8 = vector.shape_cast %get3A_7 : vector<1x10000x64xf32> to vector<10000x64xf32>
    %add3A = arith.addf %get3A_3, %get3A_8 : vector<10000x64xf32>
    %reduce_sum3A = arith.constant dense<0.000000e+00> : vector<10000xf32>
    %reduce_sum3A_9 = vector.multi_reduction <add>, %add3A, %reduce_sum3A [1] : vector<10000x64xf32> to vector<10000xf32>
    %broadcast_in_dim3A = vector.shape_cast %reduce_sum3A_9 : vector<10000xf32> to vector<10000x1xf32>
    %mul3A = arith.constant 1.562500e-02 : f32
    %mul3A_10 = vector.broadcast %mul3A : f32 to vector<10000x1xf32>
    %mul3A_11 = arith.mulf %broadcast_in_dim3A, %mul3A_10 : vector<10000x1xf32>
    %max3A = arith.constant 1.000000e+00 : f32
    %max3A_12 = vector.broadcast %max3A : f32 to vector<10000x1xf32>
    %max3A_13 = arith.maximumf %mul3A_11, %max3A_12 : vector<10000x1xf32>
    %div3A = arith.constant 1.000000e+00 : f32
    %div3A_14 = vector.broadcast %div3A : f32 to vector<10000x1xf32>
    %div3A_15 = arith.divf %div3A_14, %max3A_13 : vector<10000x1xf32>
    %get3A_16 = arith.constant 0 : index
    %get3A_17 = arith.constant 0 : index
    %get3A_18 = arith.constant 0 : index
    %get3A_19 = vector.load %arg0[%get3A_16, %get3A_17, %get3A_18] : memref<2x10112x128xf32, #tpu.memory_space<vmem>>, vector<1x10000x64xf32>
    %get3A_20 = vector.shape_cast %get3A_19 : vector<1x10000x64xf32> to vector<10000x64xf32>
    %get3A_21 = arith.constant 1 : index
    %get3A_22 = arith.constant 0 : index
    %get3A_23 = arith.constant 0 : index
    %get3A_24 = vector.load %arg0[%get3A_21, %get3A_22, %get3A_23] : memref<2x10112x128xf32, #tpu.memory_space<vmem>>, vector<1x10000x64xf32>
    %get3A_25 = vector.shape_cast %get3A_24 : vector<1x10000x64xf32> to vector<10000x64xf32>
    %add3A_26 = arith.addf %get3A_20, %get3A_25 : vector<10000x64xf32>
    %mul3A_27 = vector.broadcast %div3A_15 : vector<10000x1xf32> to vector<10000x64xf32>
    %mul3A_28 = arith.mulf %add3A_26, %mul3A_27 : vector<10000x64xf32>
    %get3A_29 = arith.constant 0 : index
    %get3A_30 = arith.constant 0 : index
    %get3A_31 = vector.load %arg2[%get3A_29, %get3A_30] : memref<1x64xf32, #tpu.memory_space<vmem>>, vector<1x64xf32>
    %add3A_32 = vector.broadcast %get3A_31 : vector<1x64xf32> to vector<10000x64xf32>
    %add3A_33 = arith.addf %mul3A_28, %add3A_32 : vector<10000x64xf32>
    %get3A_34 = arith.constant 0 : index
    %get3A_35 = arith.constant 0 : index
    %get3A_36 = vector.load %arg3[%get3A_34, %get3A_35] : memref<10000x64xf32, #tpu.memory_space<vmem>>, vector<10000x64xf32>
    %add3A_37 = arith.addf %add3A_33, %get3A_36 : vector<10000x64xf32>
    %max3A_38 = arith.constant 0.000000e+00 : f32
    %max3A_39 = vector.broadcast %max3A_38 : f32 to vector<10000x64xf32>
    %max3A_40 = arith.maximumf %add3A_37, %max3A_39 : vector<10000x64xf32>
    %broadcast_in_dim3A_41 = arith.constant 0.000000e+00 : f32
    %broadcast_in_dim3A_42 = vector.broadcast %broadcast_in_dim3A_41 : f32 to vector<10000x64xf32>
    %concatenate3A = tpu.concatenate %max3A_40, %broadcast_in_dim3A_42 in 1 : vector<10000x64xf32>, vector<10000x64xf32> -> vector<10000x128xf32>
    %swap3A = arith.constant 0 : index
    %swap3A_43 = arith.constant 0 : index
    %swap3A_44 = vector.load %arg5[%swap3A, %swap3A_43] : memref<10000x128xf32, #tpu.memory_space<vmem>>, vector<10000x128xf32>
    tpu.vector_store %arg5[%swap3A, %swap3A_43], %concatenate3A {strides = array<i32>} : memref<10000x128xf32, #tpu.memory_space<vmem>>, vector<10000x128xf32>,
    %get3A_45 = arith.constant 0 : index
    %get3A_46 = arith.constant 0 : index
    %get3A_47 = vector.load %arg4[%get3A_45, %get3A_46] : memref<128x64xf32, #tpu.memory_space<vmem>>, vector<128x64xf32>
    %dot_general3A = arith.constant dense<0.000000e+00> : vector<10000x128xf32>
    %dot_general3A_48 = tpu.matmul %max3A_40, %get3A_47, %dot_general3A {dimension_numbers = #tpu.dot_dimension_numbers<[1], [1], [0], [0], [0, 0, 1, 0], [], []>, transpose_lhs_hint = false} : vector<10000x64xf32>, vector<128x64xf32>, vector<10000x128xf32> -> vector<10000x128xf32>
    %swap3A_49 = arith.constant 0 : index
    %swap3A_50 = arith.constant 0 : index
    %swap3A_51 = vector.load %arg6[%swap3A_49, %swap3A_50] : memref<10000x128xf32, #tpu.memory_space<vmem>>, vector<10000x128xf32>
    tpu.vector_store %arg6[%swap3A_49, %swap3A_50], %dot_general3A_48 {strides = array<i32>} : memref<10000x128xf32, #tpu.memory_space<vmem>>, vector<10000x128xf32>,
    return
  }
}

module attributes {stable_mosaic.version = 14 : i64} {
  func.func @body(%arg0: memref<2x10112x128xf32, #tpu.memory_space<vmem>>, %arg1: memref<2x10112x128xf32, #tpu.memory_space<vmem>>, %arg2: memref<1x128xf32, #tpu.memory_space<vmem>>, %arg3: memref<10000x128xf32, #tpu.memory_space<vmem>>, %arg4: memref<128x64xf32, #tpu.memory_space<vmem>>, %arg5: memref<10000x128xf32, #tpu.memory_space<vmem>>) attributes {dimension_semantics = [], scalar_prefetch = 0 : i64, scratch_operands = 0 : i64, tpu.core_type = #tpu.core_type<tc>} {
    %get3A = arith.constant 0 : index
    %get3A_0 = arith.constant 0 : index
    %get3A_1 = arith.constant 64 : index
    %get3A_2 = vector.load %arg1[%get3A, %get3A_0, %get3A_1] : memref<2x10112x128xf32, #tpu.memory_space<vmem>>, vector<1x10000x64xf32>
    %get3A_3 = vector.shape_cast %get3A_2 : vector<1x10000x64xf32> to vector<10000x64xf32>
    %get3A_4 = arith.constant 1 : index
    %get3A_5 = arith.constant 0 : index
    %get3A_6 = arith.constant 64 : index
    %get3A_7 = vector.load %arg1[%get3A_4, %get3A_5, %get3A_6] : memref<2x10112x128xf32, #tpu.memory_space<vmem>>, vector<1x10000x64xf32>
    %get3A_8 = vector.shape_cast %get3A_7 : vector<1x10000x64xf32> to vector<10000x64xf32>
    %add3A = arith.addf %get3A_3, %get3A_8 : vector<10000x64xf32>
    %reduce_sum3A = arith.constant dense<0.000000e+00> : vector<10000xf32>
    %reduce_sum3A_9 = vector.multi_reduction <add>, %add3A, %reduce_sum3A [1] : vector<10000x64xf32> to vector<10000xf32>
    %broadcast_in_dim3A = vector.shape_cast %reduce_sum3A_9 : vector<10000xf32> to vector<10000x1xf32>
    %mul3A = arith.constant 1.562500e-02 : f32
    %mul3A_10 = vector.broadcast %mul3A : f32 to vector<10000x1xf32>
    %mul3A_11 = arith.mulf %broadcast_in_dim3A, %mul3A_10 : vector<10000x1xf32>
    %max3A = arith.constant 1.000000e+00 : f32
    %max3A_12 = vector.broadcast %max3A : f32 to vector<10000x1xf32>
    %max3A_13 = arith.maximumf %mul3A_11, %max3A_12 : vector<10000x1xf32>
    %div3A = arith.constant 1.000000e+00 : f32
    %div3A_14 = vector.broadcast %div3A : f32 to vector<10000x1xf32>
    %div3A_15 = arith.divf %div3A_14, %max3A_13 : vector<10000x1xf32>
    %get3A_16 = arith.constant 0 : index
    %get3A_17 = arith.constant 0 : index
    %get3A_18 = arith.constant 0 : index
    %get3A_19 = vector.load %arg0[%get3A_16, %get3A_17, %get3A_18] : memref<2x10112x128xf32, #tpu.memory_space<vmem>>, vector<1x10000x64xf32>
    %get3A_20 = vector.shape_cast %get3A_19 : vector<1x10000x64xf32> to vector<10000x64xf32>
    %get3A_21 = arith.constant 1 : index
    %get3A_22 = arith.constant 0 : index
    %get3A_23 = arith.constant 0 : index
    %get3A_24 = vector.load %arg0[%get3A_21, %get3A_22, %get3A_23] : memref<2x10112x128xf32, #tpu.memory_space<vmem>>, vector<1x10000x64xf32>
    %get3A_25 = vector.shape_cast %get3A_24 : vector<1x10000x64xf32> to vector<10000x64xf32>
    %add3A_26 = arith.addf %get3A_20, %get3A_25 : vector<10000x64xf32>
    %mul3A_27 = vector.broadcast %div3A_15 : vector<10000x1xf32> to vector<10000x64xf32>
    %mul3A_28 = arith.mulf %add3A_26, %mul3A_27 : vector<10000x64xf32>
    %get3A_29 = arith.constant 0 : index
    %get3A_30 = arith.constant 0 : index
    %get3A_31 = vector.load %arg4[%get3A_29, %get3A_30] : memref<128x64xf32, #tpu.memory_space<vmem>>, vector<128x64xf32>
    %dot_general3A = arith.constant dense<0.000000e+00> : vector<10000x128xf32>
    %dot_general3A_32 = tpu.matmul %mul3A_28, %get3A_31, %dot_general3A {dimension_numbers = #tpu.dot_dimension_numbers<[1], [1], [0], [0], [0, 0, 1, 0], [], []>, transpose_lhs_hint = false} : vector<10000x64xf32>, vector<128x64xf32>, vector<10000x128xf32> -> vector<10000x128xf32>
    %get3A_33 = arith.constant 0 : index
    %get3A_34 = arith.constant 0 : index
    %get3A_35 = vector.load %arg2[%get3A_33, %get3A_34] : memref<1x128xf32, #tpu.memory_space<vmem>>, vector<1x128xf32>
    %add3A_36 = vector.broadcast %get3A_35 : vector<1x128xf32> to vector<10000x128xf32>
    %add3A_37 = arith.addf %dot_general3A_32, %add3A_36 : vector<10000x128xf32>
    %get3A_38 = arith.constant 0 : index
    %get3A_39 = arith.constant 0 : index
    %get3A_40 = vector.load %arg3[%get3A_38, %get3A_39] : memref<10000x128xf32, #tpu.memory_space<vmem>>, vector<10000x128xf32>
    %add3A_41 = arith.addf %add3A_37, %get3A_40 : vector<10000x128xf32>
    %swap3A = arith.constant 0 : index
    %swap3A_42 = arith.constant 0 : index
    %swap3A_43 = vector.load %arg5[%swap3A, %swap3A_42] : memref<10000x128xf32, #tpu.memory_space<vmem>>, vector<10000x128xf32>
    tpu.vector_store %arg5[%swap3A, %swap3A_42], %add3A_41 {strides = array<i32>} : memref<10000x128xf32, #tpu.memory_space<vmem>>, vector<10000x128xf32>,
    return
  }
}

</mosaic_0001>

<sc_bundles>
// kernel: kernel.12.cloned.1.call-start
scs
__scs_entry_jumppad:
0x0: {  	(pc) =	sbr.rel $0x88, $3  }
0x1: {  	(tag) =	ssettag $0x0;
	lr =	simm.s32 $0x1  }
0x2: {  	[smem:$0x3F96] =	sst lr;
	_ =	strace $0xD0000000  }
0x3: {  	_ = 	snop  }
0x4: {  	_ = 	snop  }
0x5: {  	_ = 	snop  }
0x6: {  	_ = 	snop  }
0x7: {  	_ = 	snop  }
__scs_overlays_trampoline_lowered:
0x8: {  	[smem:$0x3FA5] =	sst s0  }
0x9: {  	[smem:$0x3FA6] =	sst s1  }
0xa: {  	[smem:$0x3FA7] =	sst s2  }
0xb: {  	[smem:$0x3FA8] =	sst s3  }
0xc: {  	[smem:$0x3FA9] =	sst s4  }
0xd: {  	[smem:$0x3FAA] =	sst s5  }
0xe: {  	[smem:$0x3FAB] =	sst s6  }
0xf: {  	[smem:$0x3FAC] =	sst s7  }
0x10: {  	[smem:$0x3FAD] =	sst s8  }
0x11: {  	[smem:$0x3FAE] =	sst s9;
	s0 =	simm.s32 @!p0 $0x0  }
0x12: {  	s1 =	sld [smem:$0x3F94];
	s0 =	simm.s32 @p0 $0x1  }
0x13: {  	[smem:$0x3FAF] =	sst s0;
	s0 =	simm.s32 @!p1 $0x0  }
0x14: {  	s2 =	sld [smem:$0x3F93];
	s0 =	simm.s32 @p1 $0x1  }
0x15: {  	[smem:$0x3FB0] =	sst s0;
	s0 =	simm.s32 @!p2 $0x0  }
0x16: {  	s3 =	sld [smem:$0x3FDB];
	s0 =	simm.s32 @p2 $0x1  }
0x17: {  	s4 =	simm.s32 $0x1BF5;
	[smem:$0x3FB2] =	sst s0  }
0x18: {  	s0 =	sld [smem:$0x3F95];
	_ =	swait.ge [sflag:s4], $0x0  }
0x19: {  	s7 =	sld [smem:$0x3F96]  }
0x1a: {  	s8 =	sadd.s32 $0xFFFFE003, lr  }
0x1b: {  	s9 =	sadd.s32 $0xFFFFFEF7, lr;
	s5 =	simm.s32 $0xFFFFFFFF;
	p2 =	slt.u32 s8, $0xFFFFF086  }
0x1c: {  	p1 =	slt.u32 s9, $0xF7A;
	s5 =	simm.s32 @!p2 $0x0  }
0x1d: {  	s5 =	simm.s32 @p1 $0x1;
	p0 =	seq.s32 s7, s2  }
0x1e: {  	s7 =	smul.u32 @!p0 $0xF7A, s2;
	p2 =	seq.s32 @!p0 s5, $0x0  }
0x1f: {  	s9 =	smul.u32 $0xF7A, s1;
	s8 =	simm.s32 @!p0 $0x1BF5;
	p2 =	por !p2, p0  }
0x20: {  	[sflag:s8] =	ssyncset.s32 @!p0 $0xFFFFF086;
	s6 =	sadd.s32 @!p0 s3, s7;
	s7 =	simm.s32 @!p0 $0x108  }
0x21: {  	s3 =	sadd.s32 s3, s9;
	s6 =	sadd.s32 @!p0 $0x88, s6;
	s7 =	simm.s32 @p2 $0x1082  }
0x22: {  	[simem:s7], [sflag:s8] =	dma.local @!p0 [hbm:s6], $0xF7A  }
0x23: {  	s9 =	sor.u32 $0xD0000000, s2;
	s6 =	simm.s32 $0x108;
	_ =	swait.ge @!p0 [sflag:s8], $0x0  }
0x24: {  	s3 =	sadd.s32 $0x88, s3;
	s6 =	simm.s32 @!p1 $0x1082;
	[sflag:s4] =	ssyncset.s32 $0xFFFFF086  }
0x25: {  	[simem:s6], [sflag:s4] =	dma.local [hbm:s3], $0xF7A  }
0x26: {  	[smem:$0x3F96] =	sst s1;
	(tag) =	ssettag s2;
	_ =	strace s9  }
0x27: {  	s1 =	sld [smem:$0x3FA6]  }
0x28: {  	s2 =	sld [smem:$0x3FA7]  }
0x29: {  	s4 =	sld [smem:$0x3FA9]  }
0x2a: {  	p0 =	seq.s32 s5, $0x0;
	s5 =	sld [smem:$0x3FAA]  }
0x2b: {  	s6 =	sld [smem:$0x3FAB]  }
0x2c: {  	s7 =	sld [smem:$0x3FAC]  }
0x2d: {  	s3 =	simm.s32 $0x108;
	s8 =	sld [smem:$0x3FAD]  }
0x2e: {  	s3 =	simm.s32 @!p0 $0x1082;
	s9 =	sld [smem:$0x3FAE]  }
0x2f: {  	lr =	sadd.s32 s0, s3;
	s0 =	sld [smem:$0x3FA5]  }
0x30: {  	s3 =	sld [smem:$0x3FA8]  }
0x31: {  	[smem:$0x3FB1] =	sst s10  }
0x32: {  	s10 =	sld [smem:$0x3FAF];
	_ =	sdelay $0x3  }
0x33: {  	p0 =	seq.s32 s10, $0x1;
	s10 =	sld [smem:$0x3FB1];
	_ =	sdelay $0x3  }
0x34: {  	[smem:$0x3FB1] =	sst s10  }
0x35: {  	s10 =	sld [smem:$0x3FB0];
	_ =	sdelay $0x3  }
0x36: {  	p1 =	seq.s32 s10, $0x1;
	s10 =	sld [smem:$0x3FB1];
	_ =	sdelay $0x3  }
0x37: {  	[smem:$0x3FB1] =	sst s10  }
0x38: {  	s10 =	sld [smem:$0x3FB2]  }
0x39: {  	_ = 	snop;
	(pc) =	sbr.ind lr, $3  }
0x3a: {  	_ = 	snop  }
0x3b: {  	_ = 	snop  }
0x3c: {  	p2 =	seq.s32 s10, $0x1;
	s10 =	sld [smem:$0x3FB1]  }
0x3d: {  	_ =	shalt  }
0x3e: {  	_ =	shalt  }
0x3f: {  	_ =	shalt  }
0x40: {  	_ =	shalt  }
0x41: {  	_ =	shalt  }
0x42: {  	_ =	shalt  }
0x43: {  	_ =	shalt  }
0x44: {  	_ =	shalt  }
0x45: {  	_ =	shalt  }
0x46: {  	_ =	shalt  }
0x47: {  	_ =	shalt  }
0x48: {  	_ =	shalt  }
0x49: {  	_ =	shalt  }
0x4a: {  	_ =	shalt  }
0x4b: {  	_ =	shalt  }
0x4c: {  	_ =	shalt  }
0x4d: {  	_ =	shalt  }
0x4e: {  	_ =	shalt  }
0x4f: {  	_ =	shalt  }
0x50: {  	_ =	shalt  }
0x51: {  	_ =	shalt  }
0x52: {  	_ =	shalt  }
0x53: {  	_ =	shalt  }
0x54: {  	_ =	shalt  }
0x55: {  	_ =	shalt  }
0x56: {  	_ =	shalt  }
0x57: {  	_ =	shalt  }
0x58: {  	_ =	shalt  }
0x59: {  	_ =	shalt  }
0x5a: {  	_ =	shalt  }
0x5b: {  	_ =	shalt  }
0x5c: {  	_ =	shalt  }
0x5d: {  	_ =	shalt  }
0x5e: {  	_ =	shalt  }
0x5f: {  	_ =	shalt  }
0x60: {  	_ =	shalt  }
0x61: {  	_ =	shalt  }
0x62: {  	_ =	shalt  }
0x63: {  	_ =	shalt  }
0x64: {  	_ =	shalt  }
0x65: {  	_ =	shalt  }
0x66: {  	_ =	shalt  }
0x67: {  	_ =	shalt  }
0x68: {  	_ =	shalt  }
0x69: {  	_ =	shalt  }
0x6a: {  	_ =	shalt  }
0x6b: {  	_ =	shalt  }
0x6c: {  	_ =	shalt  }
0x6d: {  	_ =	shalt  }
0x6e: {  	_ =	shalt  }
0x6f: {  	_ =	shalt  }
0x70: {  	_ =	shalt  }
0x71: {  	_ =	shalt  }
0x72: {  	_ =	shalt  }
0x73: {  	_ =	shalt  }
0x74: {  	_ =	shalt  }
0x75: {  	_ =	shalt  }
0x76: {  	_ =	shalt  }
0x77: {  	_ =	shalt  }
0x78: {  	_ =	shalt  }
0x79: {  	_ =	shalt  }
0x7a: {  	_ =	shalt  }
0x7b: {  	_ =	shalt  }
0x7c: {  	_ =	shalt  }
0x7d: {  	_ =	shalt  }
0x7e: {  	_ =	shalt  }
0x7f: {  	_ =	shalt  }
0x80: {  	_ =	shalt  }
0x81: {  	_ =	shalt  }
0x82: {  	_ =	shalt  }
0x83: {  	_ =	shalt  }
0x84: {  	_ =	shalt  }
0x85: {  	_ =	shalt  }
0x86: {  	_ =	shalt  }
0x87: {  	_ =	shalt  }
.Lfunc_end0:
.L_simem_size_0:
called_computation.1_lowered:
.L_overlay_start_0:
0x88: {  	s2 =	sld [smem:$0x3FD9]  }
0x89: {  	s3 =	sld [smem:$0x3FFE];
	_ =	sdelay $0x1  }
0x8a: {  	s1 =	srdreg.scid  }
0x8b: {  	s0 =	sand.u32 $0x1, s1  }
0x8c: {  	s17 =	sshll.u32 s0, $0xA;
	s2 =	sadd.s32 s3, s2  }
0x8d: {  	s2 =	sadd.s32 s2, s17  }
0x8e: {  	[smem:$0x3FBD] =	sst s2  }
0x8f: {  	_ = 	snop  }
0x90: {  	s2 =	sld [smem:$0x3FD0];
	(tm) =	ssettm $0x1  }
0x91: {  	s18 =	sld [smem:$0x3FFB];
	_ =	sdelay $0x3  }
0x92: {  	_ =	strace s18  }
0x93: {  	s3 =	sld [smem:$0x3FFC];
	_ =	sdelay $0x3  }
0x94: {  	_ =	strace s3  }
0x95: {  	s3 =	sld [smem:$0x3FFD];
	_ =	sdelay $0x3  }
0x96: {  	_ =	strace s3  }
0x97: {  	_ =	strace $0x8FFFFFFF  }
0x98: {  	s19 =	sld [smem:$0x3FDB];
	_ =	sdelay $0x1  }
0x99: {  	s4 =	simm.s32 $_scs_section_size  }
0x9a: {  	s5 =	simm.s32 $_size__tile_overlayer_lowered;
	s6 =	simm.s32 $_tile_overlayer_lowered  }
0x9b: {  	s22 =	simm.s32 $0x1BFF;
	s21 =	sshll.u32 s6, $0x1;
	s3 =	sadd.s32 s4, s19  }
0x9c: {  	s7 =	simm.s32 $0x0;
	s20 =	sshll.u32 s5, $0x1;
	s5 =	sadd.s32 s21, s3  }
0x9d: {  	[timem:s7], [sflag:s22] =	dma.local [hbm:s5], s20  }
0x9e: {  	_ =	swait.ge [sflag:s22], s20  }
0x9f: {  	s4 =	ssub.s32 $0x0, s20;
	[sflag:s22] =	ssyncset.done $0x0  }
0xa0: {  	[sflag:s22] =	ssyncadd.s32 s4;
	_ =	sdelay $0x1  }
0xa1: {  	s23 =	simm.s32 $0x1B8B  }
0xa2: {  	_ =	swait.ge [sflag:s23], $0x1  }
0xa3: {  	[sflag:s23] =	ssyncset.done $0x0  }
0xa4: {  	s25 =	simm.s32 $0x1B8E;
	s24 =	sld [smem:$0x3FFE];
	[sflag:s23] =	ssyncadd.s32 $0xFFFFFFFF  }
0xa5: {  	s26 =	simm.s32 $execute0_lowered;
	[smem:$0x3FD2] =	sst s25  }
0xa6: {  	s5 =	sshll.u32 s26, $0x1;
	_ =	strace $0x80000049;
	[dreg:$0x1] =	wrdreg $0xFFFFFFFF  }
0xa7: {  	s28 =	simm.s32 $_size_execute0_lowered;
	s3 =	sadd.s32 s3, s5;
	[dreg:$0x0] =	wrdreg $0x0  }
0xa8: {  	s5 =	sshll.u32 s28, $0x1;
	[dreg:$0x2] =	wrdreg s3  }
0xa9: {  	[dreg:$0x3] =	wrdreg s5  }
0xaa: {  	[dreg:$0x4] =	wrdreg $0xC0  }
0xab: {  	_ =	task [dreg:s7], $0x5FFFF  }
0xac: {  	[dreg:$0x1] =	wrdreg $0xFFFFFFFF  }
0xad: {  	[dreg:$0x0] =	wrdreg $0x60  }
0xae: {  	[dreg:$0x2] =	wrdreg s2  }
0xaf: {  	[dreg:$0x3] =	wrdreg s24  }
0xb0: {  	[dreg:$0x4] =	wrdreg $0x90000  }
0xb1: {  	[dreg:$0x5] =	wrdreg $0x9  }
0xb2: {  	_ =	task.clear_ibuf [dreg:s7], $0x6FFFF;
	_ =	strace $0x90000049  }
0xb3: {  	s29 =	simm.s32 $0x9;
	_ =	strace $0x8000004B  }
0xb4: {  	_ =	swait.ge [sflag:s29], $0x1  }
0xb5: {  	[sflag:s29] =	ssyncadd.s32 $0xFFFFFFFF  }
0xb6: {  	_ =	strace $0x9000004B  }
0xb7: {  	_ =	sfence  }
0xb8: {  	s30 =	sld [smem:$0x0];
	_ =	sdelay $0x2  }
0xb9: {  	s31 =	sshll.u32 s1, $0xD;
	s1 =	sshrl.u32 s1, $0x2  }
0xba: {  	s3 =	sand.u32 $0x4000, s31;
	s1 =	sadd.s32 s1, s30  }
0xbb: {  	s0 =	sor.u32 s3, s0;
	s1 =	sshll.u32 s1, $0x11  }
0xbc: {  	s0 =	sor.u32 s1, s0  }
0xbd: {  	s0 =	sadd.s32 $0x8F2B, s0  }
0xbe: {  	[sflag:s0] =	ssyncadd.remote.s32 $0x1  }
0xbf: {  	_ =	sfence.sel $0xFFFF  }
0xc0: {  	[dreg:$0x0] =	wrdreg $0xFFFFFFFF;
	(pc) =	sbr.abs _section_cstart, $3  }
0xc1: {  	[dreg:$0x1] =	wrdreg $0xFFFFFFFF  }
0xc2: {  	_ =	task.clear_ibuf [dreg:s7], $0x2FFFF;
	_ =	strace $0x9FFFFFFF  }
0xc3: {  	(tm) =	ssettm $0x7FFFFFFF  }
tec
execute0_lowered:
.L_overlay_start_1:
0x0: {  	(tag) =	ssettag $0x1  }
0x1: {  	s1 =	rddreg [dreg:$0x0]  }
0x2: {  	s0 =	rddreg [dreg:$0x1]  }
0x3: {  	s2 =	rddreg [dreg:$0x2];
	s4 =	simm.s32 $0x0  }
0x4: {  	s3 =	srdreg.scid;
	s12 =	stileid.u32;
	s28 =	simm.s32 $0x200  }
0x5: {  	s29 =	simm.s32 $0xA00;
	s30 =	simm.s32 $0x280;
	s6 =	smul.u32 $0x13C00, s12  }
0x6: {  	s31 =	simm.s32 $0xA80;
	[smem:$0x7FF] =	sst s4;
	s15 =	smul.u32 $0x4F000, s12  }
0x7: {  	s3 =	sand.u32 $0x1, s3;
	s7 =	sadd.s32 $0xC800, s0;
	s21 =	smul.u32 $0xA00, s12  }
0x8: {  	s8 =	sadd.s32 $0x2800, s0;
	s9 =	sshll.u32 s12, $0x1;
	s5 =	smul.u32 $0x13C000, s3  }
0x9: {  	s14 =	sor.u32 s3, s9;
	s10 =	ssub.s32 $0x2, s3;
	s3 =	smul.u32 $0x500, s3  }
0xa: {  	_ =	strace $0x8000004A;
	s11 =	smul.u32 $0x500, s14;
	s16 =	sshrl.u32 s10, $0x1  }
0xb: {  	s17 =	sshrl.u32 s15, $0x2;
	s25 =	sadd.s32 s21, s8;
	s26 =	sadd.s32 s21, s7  }
0xc: {  	s21 =	simm.s32 $0x2;
	s5 =	sadd.s32 s6, s5;
	s6 =	sadd.s32 s17, s2  }
0xd: {  	s14 =	sadd.s32 s3, s25;
	s15 =	sadd.s32 s3, s26;
	s17 =	simm.s32 $0x800  }
0xe: {  	s25 =	simm.s32 $0x180;
	s26 =	simm.s32 $0x980;
	s18 =	sadd.s32 s7, s11  }
0xf: {  	s3 =	simm.s32 $0xB00;
	s19 =	sadd.s32 s8, s11;
	[dreg:$0x4] =	wrdreg s18  }
0x10: {  	s5 =	sshrl.u32 s5, $0x3;
	s20 =	sadd.s32 $0x4000, s6;
	[dreg:$0x5] =	wrdreg s19  }
0x11: {  	s22 =	sadd.s32 $0x8000, s6;
	s23 =	sadd.s32 $0xC000, s6;
	[dreg:$0x6] =	wrdreg s20  }
0x12: {  	s24 =	sadd.s32 $0x10000, s6;
	s7 =	simm.s32 $0xB80;
	[dreg:$0x7] =	wrdreg s22  }
0x13: {  	s8 =	simm.s32 $0x0;
	s0 =	sadd.s32 s5, s0;
	[dreg:$0x8] =	wrdreg s23  }
0x14: {  	s5 =	ssub.s32 s10, s16;
	[dreg:$0x9] =	wrdreg s24;
	s16 =	simm.s32 $0x3  }
0x15: {  	s18 =	simm.s32 $0x1000;
	s19 =	simm.s32 $0x80;
	s20 =	simm.s32 $0x1  }
0x16: {  	s22 =	simm.s32 $0x880;
	s23 =	simm.s32 $0x100;
	s0 =	sadd.s32 $0x65800, s0  }
0x17: {  	s24 =	simm.s32 $0x900;
	s5 =	smax.u32 s5, $0x1;
	[dreg:$0xa] =	wrdreg s0  }
0x18: {  	v0 =	vimm.f32 $0.0e+00;
	[dreg:$0xb] =	wrdreg s5;
	s0 =	simm.s32 $0x300;
	s5 =	simm.s32 $0x380  }
.LBB2_1:
0x19: {  	s9 =	rddreg [dreg:$0x4]  }
0x1a: {  	[tilespmem:s4], [sflag:$0x3] =	stream.linear.gather [hbm4b:s9+s4], $0x400, $0x38;
	[tilespmem:$0x1CC00] =	vst v63  }
0x1b: {  	_ =	swait.ge [sflag:s16], $0x400  }
0x1c: {  	[sflag:s16] =	ssyncset.done $0x0  }
0x1d: {  	s13 =	rddreg [dreg:$0x5];
	[sflag:s16] =	ssyncadd.s32 $0xFFFFFC00  }
0x1e: {  	[tilespmem:s17], [sflag:$0x3] =	stream.linear.gather [hbm4b:s13+s4], $0x400, $0x38;
	[tilespmem:$0x1CC00] =	vst v63  }
0x1f: {  	_ =	swait.ge [sflag:s16], $0x400  }
0x20: {  	[sflag:s16] =	ssyncset.done $0x0  }
0x21: {  	s10 =	simm.s32 $0x200;
	s9 =	simm.s32 $0x0;
	[sflag:s16] =	ssyncadd.s32 $0xFFFFFC00  }
.LBB2_2:
0x22: {  	p0 =	sne.s32 s10, $0xFE00;
	[tilespmem:s9+$0x1070] =	vst v0  }
0x23: {  	[tilespmem:s9+$0x1000] =	vst v0  }
0x24: {  	[tilespmem:s9+$0x1010] =	vst v0  }
.Ltmp0:
0x25: {  	[tilespmem:s9+$0x1020] =	vst v0;
	(pc) =	sbr.rel @p0 .LBB2_2-.Ltmp0, $4  }
0x26: {  	[tilespmem:s9+$0x1030] =	vst v0  }
0x27: {  	[tilespmem:s9+$0x1040] =	vst v0  }
0x28: {  	[tilespmem:s9+$0x1050] =	vst v0  }
0x29: {  	[tilespmem:s9+$0x1060] =	vst v0;
	s9 =	sshra.s32 s10, $0x2;
	s10 =	sadd.s32 $0x200, s10  }
0x2a: {  	[tilespmem:s9+$0x1070] =	vst v0  }
0x2b: {  	[tilespmem:s9+$0x1000] =	vst v0  }
0x2c: {  	[tilespmem:s9+$0x1010] =	vst v0  }
0x2d: {  	[tilespmem:s9+$0x1020] =	vst v0  }
0x2e: {  	[tilespmem:s9+$0x1030] =	vst v0  }
0x2f: {  	[tilespmem:s9+$0x1040] =	vst v0  }
0x30: {  	[tilespmem:s9+$0x1050] =	vst v0  }
0x31: {  	[tilespmem:s9+$0x1060] =	vst v0  }
0x32: {  	[spmem:s6] =	stream.linear.scatter [tilespmem:s18], [sflag:$0x3], $0x4000, $0x38;
	[tilespmem:$0x1CC00] =	vst v63  }
0x33: {  	_ =	swait.ge [sflag:s16], $0x4000  }
0x34: {  	[sflag:s16] =	ssyncset.done $0x0  }
0x35: {  	s12 =	rddreg [dreg:$0x6];
	[sflag:s16] =	ssyncadd.s32 $0xFFFFC000  }
0x36: {  	[spmem:s12] =	stream.linear.scatter [tilespmem:s18], [sflag:$0x3], $0x4000, $0x38;
	[tilespmem:$0x1CC00] =	vst v63  }
0x37: {  	_ =	swait.ge [sflag:s16], $0x4000  }
0x38: {  	[sflag:s16] =	ssyncset.done $0x0  }
0x39: {  	s13 =	rddreg [dreg:$0x7];
	[sflag:s16] =	ssyncadd.s32 $0xFFFFC000  }
0x3a: {  	[spmem:s13] =	stream.linear.scatter [tilespmem:s18], [sflag:$0x3], $0x4000, $0x38;
	[tilespmem:$0x1CC00] =	vst v63  }
0x3b: {  	_ =	swait.ge [sflag:s16], $0x4000  }
0x3c: {  	[sflag:s16] =	ssyncset.done $0x0  }
0x3d: {  	s10 =	rddreg [dreg:$0x8];
	[sflag:s16] =	ssyncadd.s32 $0xFFFFC000  }
0x3e: {  	[spmem:s10] =	stream.linear.scatter [tilespmem:s18], [sflag:$0x3], $0x4000, $0x38;
	[tilespmem:$0x1CC00] =	vst v63  }
0x3f: {  	_ =	swait.ge [sflag:s16], $0x4000  }
0x40: {  	[sflag:s16] =	ssyncset.done $0x0  }
0x41: {  	s11 =	rddreg [dreg:$0x9];
	[sflag:s16] =	ssyncadd.s32 $0xFFFFC000  }
0x42: {  	[spmem:s11] =	stream.linear.scatter [tilespmem:s18], [sflag:$0x3], $0x3C00, $0x38;
	[tilespmem:$0x1CC00] =	vst v63  }
0x43: {  	_ =	swait.ge [sflag:s16], $0x3C00  }
0x44: {  	[sflag:s16] =	ssyncset.done $0x0  }
0x45: {  	[sflag:s16] =	ssyncadd.s32 $0xFFFFC400  }
0x46: {  	s12 =	sadd.s32 $0x0, s15;
	[bflag:$0x0] =	sbarrier.arrive $0xFFFF  }
0x47: {  	[tilespmem:s4], [sflag:$0x3] =	stream.linear.gather [hbm4b:s12+s4], $0x400, $0x38;
	[tilespmem:$0x1CC00] =	vst v63  }
0x48: {  	_ =	swait.ge [sflag:s16], $0x400  }
0x49: {  	[sflag:s16] =	ssyncset.done $0x0  }
0x4a: {  	s13 =	sadd.s32 $0x0, s14;
	[sflag:s16] =	ssyncadd.s32 $0xFFFFFC00  }
0x4b: {  	[tilespmem:s17], [sflag:$0x3] =	stream.linear.gather [hbm4b:s13+s4], $0x400, $0x38;
	[tilespmem:$0x1CC00] =	vst v63  }
0x4c: {  	_ =	swait.ge [sflag:s16], $0x400  }
0x4d: {  	[sflag:s16] =	ssyncset.done $0x0  }
0x4e: {  	[sflag:s16] =	ssyncadd.s32 $0xFFFFFC00  }
0x4f: {  	[tilespmem:s18], [sflag:$0x1] =	stream.indirect.gather [hbm4b:s1+s19], $0x80, s4, s19, $0xb8;
	[tilespmem:$0x1CC00] =	vst v63  }
0x50: {  	_ =	swait.ge [sflag:s20], $0x4000  }
0x51: {  	[sflag:s20] =	ssyncset.done $0x0  }
0x52: {  	[sflag:s20] =	ssyncadd.s32 $0xFFFFC000  }
0x53: {  	[spmem:s2] =	stream.indirect.scatter.add.f32 [tilespmem:s18], [sflag:$0x2], $0x80, s17, s19, $0xb8;
	[tilespmem:$0x1CC00] =	vst v63  }
0x54: {  	_ =	swait.ge [sflag:s21], $0x4000  }
0x55: {  	[sflag:s21] =	ssyncset.done $0x0  }
0x56: {  	[sflag:s21] =	ssyncadd.s32 $0xFFFFC000  }
0x57: {  	[tilespmem:s18], [sflag:$0x1] =	stream.indirect.gather [hbm4b:s1+s19], $0x80, s19, s19, $0xb8;
	[tilespmem:$0x1CC00] =	vst v63  }
0x58: {  	_ =	swait.ge [sflag:s20], $0x4000  }
0x59: {  	[sflag:s20] =	ssyncset.done $0x0  }
0x5a: {  	[sflag:s20] =	ssyncadd.s32 $0xFFFFC000  }
0x5b: {  	[spmem:s2] =	stream.indirect.scatter.add.f32 [tilespmem:s18], [sflag:$0x2], $0x80, s22, s19, $0xb8;
	[tilespmem:$0x1CC00] =	vst v63  }
0x5c: {  	_ =	swait.ge [sflag:s21], $0x4000  }
0x5d: {  	[sflag:s21] =	ssyncset.done $0x0  }
0x5e: {  	[sflag:s21] =	ssyncadd.s32 $0xFFFFC000  }
0x5f: {  	[tilespmem:s18], [sflag:$0x1] =	stream.indirect.gather [hbm4b:s1+s19], $0x80, s23, s19, $0xb8;
	[tilespmem:$0x1CC00] =	vst v63  }
0x60: {  	_ =	swait.ge [sflag:s20], $0x4000  }
0x61: {  	[sflag:s20] =	ssyncset.done $0x0  }
0x62: {  	[sflag:s20] =	ssyncadd.s32 $0xFFFFC000  }
0x63: {  	[spmem:s2] =	stream.indirect.scatter.add.f32 [tilespmem:s18], [sflag:$0x2], $0x80, s24, s19, $0xb8;
	[tilespmem:$0x1CC00] =	vst v63  }
0x64: {  	_ =	swait.ge [sflag:s21], $0x4000  }
0x65: {  	[sflag:s21] =	ssyncset.done $0x0  }
0x66: {  	[sflag:s21] =	ssyncadd.s32 $0xFFFFC000  }
0x67: {  	[tilespmem:s18], [sflag:$0x1] =	stream.indirect.gather [hbm4b:s1+s19], $0x80, s25, s19, $0xb8;
	[tilespmem:$0x1CC00] =	vst v63  }
0x68: {  	_ =	swait.ge [sflag:s20], $0x4000  }
0x69: {  	[sflag:s20] =	ssyncset.done $0x0  }
0x6a: {  	[sflag:s20] =	ssyncadd.s32 $0xFFFFC000  }
0x6b: {  	[spmem:s2] =	stream.indirect.scatter.add.f32 [tilespmem:s18], [sflag:$0x2], $0x80, s26, s19, $0xb8;
	[tilespmem:$0x1CC00] =	vst v63  }
0x6c: {  	_ =	swait.ge [sflag:s21], $0x4000  }
0x6d: {  	[sflag:s21] =	ssyncset.done $0x0  }
0x6e: {  	[sflag:s21] =	ssyncadd.s32 $0xFFFFC000  }
0x6f: {  	[tilespmem:s18], [sflag:$0x1] =	stream.indirect.gather [hbm4b:s1+s19], $0x80, s28, s19, $0xb8;
	[tilespmem:$0x1CC00] =	vst v63  }
0x70: {  	_ =	swait.ge [sflag:s20], $0x4000  }
0x71: {  	[sflag:s20] =	ssyncset.done $0x0  }
0x72: {  	[sflag:s20] =	ssyncadd.s32 $0xFFFFC000  }
0x73: {  	[spmem:s2] =	stream.indirect.scatter.add.f32 [tilespmem:s18], [sflag:$0x2], $0x80, s29, s19, $0xb8;
	[tilespmem:$0x1CC00] =	vst v63  }
0x74: {  	_ =	swait.ge [sflag:s21], $0x4000  }
0x75: {  	[sflag:s21] =	ssyncset.done $0x0  }
0x76: {  	[sflag:s21] =	ssyncadd.s32 $0xFFFFC000  }
0x77: {  	[tilespmem:s18], [sflag:$0x1] =	stream.indirect.gather [hbm4b:s1+s19], $0x80, s30, s19, $0xb8;
	[tilespmem:$0x1CC00] =	vst v63  }
0x78: {  	_ =	swait.ge [sflag:s20], $0x4000  }
0x79: {  	[sflag:s20] =	ssyncset.done $0x0  }
0x7a: {  	[sflag:s20] =	ssyncadd.s32 $0xFFFFC000  }
0x7b: {  	[spmem:s2] =	stream.indirect.scatter.add.f32 [tilespmem:s18], [sflag:$0x2], $0x80, s31, s19, $0xb8;
	[tilespmem:$0x1CC00] =	vst v63  }
0x7c: {  	_ =	swait.ge [sflag:s21], $0x4000  }
0x7d: {  	[sflag:s21] =	ssyncset.done $0x0  }
0x7e: {  	[sflag:s21] =	ssyncadd.s32 $0xFFFFC000  }
0x7f: {  	[tilespmem:s18], [sflag:$0x1] =	stream.indirect.gather [hbm4b:s1+s19], $0x80, s0, s19, $0xb8;
	[tilespmem:$0x1CC00] =	vst v63  }
0x80: {  	_ =	swait.ge [sflag:s20], $0x4000  }
0x81: {  	[sflag:s20] =	ssyncset.done $0x0  }
0x82: {  	[sflag:s20] =	ssyncadd.s32 $0xFFFFC000  }
0x83: {  	[spmem:s2] =	stream.indirect.scatter.add.f32 [tilespmem:s18], [sflag:$0x2], $0x80, s3, s19, $0xb8;
	[tilespmem:$0x1CC00] =	vst v63  }
0x84: {  	_ =	swait.ge [sflag:s21], $0x4000  }
0x85: {  	[sflag:s21] =	ssyncset.done $0x0  }
0x86: {  	[sflag:s21] =	ssyncadd.s32 $0xFFFFC000  }
0x87: {  	[tilespmem:s18], [sflag:$0x1] =	stream.indirect.gather [hbm4b:s1+s19], $0x80, s5, s19, $0xb8;
	[tilespmem:$0x1CC00] =	vst v63  }
0x88: {  	_ =	swait.ge [sflag:s20], $0x4000  }
0x89: {  	[sflag:s20] =	ssyncset.done $0x0  }
0x8a: {  	[sflag:s20] =	ssyncadd.s32 $0xFFFFC000  }
0x8b: {  	[spmem:s2] =	stream.indirect.scatter.add.f32 [tilespmem:s18], [sflag:$0x2], $0x80, s7, s19, $0xb8;
	[tilespmem:$0x1CC00] =	vst v63  }
0x8c: {  	_ =	swait.ge [sflag:s21], $0x4000  }
0x8d: {  	s9 =	simm.s32 $0x80;
	s10 =	simm.s32 $0x100;
	[sflag:s21] =	ssyncset.done $0x0  }
.LBB2_4:
0x8e: {  	s12 =	sadd.s32 s9, s15  }
0x8f: {  	[sflag:s21] =	ssyncadd.s32 $0xFFFFC000;
	s13 =	smov.u32 s10;
	s11 =	sadd.s32 $0x80, s10  }
0x90: {  	[tilespmem:s4], [sflag:$0x3] =	stream.linear.gather [hbm4b:s12+s4], $0x400, $0x38;
	[tilespmem:$0x1CC00] =	vst v63  }
0x91: {  	p0 =	sne.s32 s10, $0x480;
	_ =	swait.ge [sflag:s16], $0x400  }
0x92: {  	[sflag:s16] =	ssyncset.done $0x0  }
0x93: {  	s10 =	sadd.s32 s9, s14;
	s9 =	smov.u32 s13;
	[sflag:s16] =	ssyncadd.s32 $0xFFFFFC00  }
0x94: {  	[tilespmem:s17], [sflag:$0x3] =	stream.linear.gather [hbm4b:s10+s4], $0x400, $0x38;
	[tilespmem:$0x1CC00] =	vst v63  }
0x95: {  	_ =	swait.ge [sflag:s16], $0x400  }
0x96: {  	[sflag:s16] =	ssyncset.done $0x0  }
0x97: {  	[sflag:s16] =	ssyncadd.s32 $0xFFFFFC00  }
0x98: {  	[tilespmem:s18], [sflag:$0x1] =	stream.indirect.gather [hbm4b:s1+s19], $0x80, s4, s19, $0xb8;
	[tilespmem:$0x1CC00] =	vst v63  }
0x99: {  	_ =	swait.ge [sflag:s20], $0x4000  }
0x9a: {  	[sflag:s20] =	ssyncset.done $0x0  }
0x9b: {  	[sflag:s20] =	ssyncadd.s32 $0xFFFFC000  }
0x9c: {  	[spmem:s2] =	stream.indirect.scatter.add.f32 [tilespmem:s18], [sflag:$0x2], $0x80, s17, s19, $0xb8;
	[tilespmem:$0x1CC00] =	vst v63  }
0x9d: {  	_ =	swait.ge [sflag:s21], $0x4000  }
0x9e: {  	[sflag:s21] =	ssyncset.done $0x0  }
0x9f: {  	[sflag:s21] =	ssyncadd.s32 $0xFFFFC000  }
0xa0: {  	[tilespmem:s18], [sflag:$0x1] =	stream.indirect.gather [hbm4b:s1+s19], $0x80, s19, s19, $0xb8;
	[tilespmem:$0x1CC00] =	vst v63  }
0xa1: {  	_ =	swait.ge [sflag:s20], $0x4000  }
0xa2: {  	[sflag:s20] =	ssyncset.done $0x0  }
0xa3: {  	[sflag:s20] =	ssyncadd.s32 $0xFFFFC000  }
0xa4: {  	[spmem:s2] =	stream.indirect.scatter.add.f32 [tilespmem:s18], [sflag:$0x2], $0x80, s22, s19, $0xb8;
	[tilespmem:$0x1CC00] =	vst v63  }
0xa5: {  	_ =	swait.ge [sflag:s21], $0x4000  }
0xa6: {  	[sflag:s21] =	ssyncset.done $0x0  }
0xa7: {  	[sflag:s21] =	ssyncadd.s32 $0xFFFFC000  }
0xa8: {  	[tilespmem:s18], [sflag:$0x1] =	stream.indirect.gather [hbm4b:s1+s19], $0x80, s23, s19, $0xb8;
	[tilespmem:$0x1CC00] =	vst v63  }
0xa9: {  	_ =	swait.ge [sflag:s20], $0x4000  }
0xaa: {  	[sflag:s20] =	ssyncset.done $0x0  }
0xab: {  	[sflag:s20] =	ssyncadd.s32 $0xFFFFC000  }
0xac: {  	[spmem:s2] =	stream.indirect.scatter.add.f32 [tilespmem:s18], [sflag:$0x2], $0x80, s24, s19, $0xb8;
	[tilespmem:$0x1CC00] =	vst v63  }
0xad: {  	_ =	swait.ge [sflag:s21], $0x4000  }
0xae: {  	[sflag:s21] =	ssyncset.done $0x0  }
0xaf: {  	[sflag:s21] =	ssyncadd.s32 $0xFFFFC000  }
0xb0: {  	[tilespmem:s18], [sflag:$0x1] =	stream.indirect.gather [hbm4b:s1+s19], $0x80, s25, s19, $0xb8;
	[tilespmem:$0x1CC00] =	vst v63  }
0xb1: {  	_ =	swait.ge [sflag:s20], $0x4000  }
0xb2: {  	[sflag:s20] =	ssyncset.done $0x0  }
0xb3: {  	[sflag:s20] =	ssyncadd.s32 $0xFFFFC000  }
0xb4: {  	[spmem:s2] =	stream.indirect.scatter.add.f32 [tilespmem:s18], [sflag:$0x2], $0x80, s26, s19, $0xb8;
	[tilespmem:$0x1CC00] =	vst v63  }
0xb5: {  	_ =	swait.ge [sflag:s21], $0x4000  }
0xb6: {  	[sflag:s21] =	ssyncset.done $0x0  }
0xb7: {  	[sflag:s21] =	ssyncadd.s32 $0xFFFFC000  }
0xb8: {  	[tilespmem:s18], [sflag:$0x1] =	stream.indirect.gather [hbm4b:s1+s19], $0x80, s28, s19, $0xb8;
	[tilespmem:$0x1CC00] =	vst v63  }
0xb9: {  	_ =	swait.ge [sflag:s20], $0x4000  }
0xba: {  	[sflag:s20] =	ssyncset.done $0x0  }
0xbb: {  	[sflag:s20] =	ssyncadd.s32 $0xFFFFC000  }
0xbc: {  	[spmem:s2] =	stream.indirect.scatter.add.f32 [tilespmem:s18], [sflag:$0x2], $0x80, s29, s19, $0xb8;
	[tilespmem:$0x1CC00] =	vst v63  }
0xbd: {  	_ =	swait.ge [sflag:s21], $0x4000  }
0xbe: {  	[sflag:s21] =	ssyncset.done $0x0  }
0xbf: {  	[sflag:s21] =	ssyncadd.s32 $0xFFFFC000  }
0xc0: {  	[tilespmem:s18], [sflag:$0x1] =	stream.indirect.gather [hbm4b:s1+s19], $0x80, s30, s19, $0xb8;
	[tilespmem:$0x1CC00] =	vst v63  }
0xc1: {  	_ =	swait.ge [sflag:s20], $0x4000  }
0xc2: {  	[sflag:s20] =	ssyncset.done $0x0  }
0xc3: {  	[sflag:s20] =	ssyncadd.s32 $0xFFFFC000  }
0xc4: {  	[spmem:s2] =	stream.indirect.scatter.add.f32 [tilespmem:s18], [sflag:$0x2], $0x80, s31, s19, $0xb8;
	[tilespmem:$0x1CC00] =	vst v63  }
0xc5: {  	_ =	swait.ge [sflag:s21], $0x4000  }
0xc6: {  	[sflag:s21] =	ssyncset.done $0x0  }
0xc7: {  	[sflag:s21] =	ssyncadd.s32 $0xFFFFC000  }
0xc8: {  	[tilespmem:s18], [sflag:$0x1] =	stream.indirect.gather [hbm4b:s1+s19], $0x80, s0, s19, $0xb8;
	[tilespmem:$0x1CC00] =	vst v63  }
0xc9: {  	_ =	swait.ge [sflag:s20], $0x4000  }
0xca: {  	[sflag:s20] =	ssyncset.done $0x0  }
0xcb: {  	[sflag:s20] =	ssyncadd.s32 $0xFFFFC000  }
0xcc: {  	[spmem:s2] =	stream.indirect.scatter.add.f32 [tilespmem:s18], [sflag:$0x2], $0x80, s3, s19, $0xb8;
	[tilespmem:$0x1CC00] =	vst v63  }
0xcd: {  	_ =	swait.ge [sflag:s21], $0x4000  }
0xce: {  	[sflag:s21] =	ssyncset.done $0x0  }
0xcf: {  	[sflag:s21] =	ssyncadd.s32 $0xFFFFC000  }
0xd0: {  	[tilespmem:s18], [sflag:$0x1] =	stream.indirect.gather [hbm4b:s1+s19], $0x80, s5, s19, $0xb8;
	[tilespmem:$0x1CC00] =	vst v63  }
0xd1: {  	_ =	swait.ge [sflag:s20], $0x4000  }
.Ltmp1:
0xd2: {  	[sflag:s20] =	ssyncset.done $0x0;
	(pc) =	sbr.rel @p0 .LBB2_4-.Ltmp1, $4  }
0xd3: {  	[sflag:s20] =	ssyncadd.s32 $0xFFFFC000  }
0xd4: {  	[spmem:s2] =	stream.indirect.scatter.add.f32 [tilespmem:s18], [sflag:$0x2], $0x80, s7, s19, $0xb8;
	[tilespmem:$0x1CC00] =	vst v63  }
0xd5: {  	_ =	swait.ge [sflag:s21], $0x4000  }
0xd6: {  	s10 =	smov.u32 s11;
	[sflag:s21] =	ssyncset.done $0x0  }
0xd7: {  	s10 =	sadd.s32 s9, s15;
	[sflag:s21] =	ssyncadd.s32 $0xFFFFC000  }
0xd8: {  	[tilespmem:s4], [sflag:$0x3] =	stream.linear.gather [hbm4b:s10+s4], $0x400, $0x38;
	[tilespmem:$0x1CC00] =	vst v63  }
0xd9: {  	_ =	swait.ge [sflag:s16], $0x400  }
0xda: {  	[sflag:s16] =	ssyncset.done $0x0  }
0xdb: {  	s10 =	sadd.s32 s9, s14;
	[sflag:s16] =	ssyncadd.s32 $0xFFFFFC00  }
0xdc: {  	[tilespmem:s17], [sflag:$0x3] =	stream.linear.gather [hbm4b:s10+s4], $0x400, $0x38;
	[tilespmem:$0x1CC00] =	vst v63  }
0xdd: {  	_ =	swait.ge [sflag:s16], $0x400  }
0xde: {  	[sflag:s16] =	ssyncset.done $0x0  }
0xdf: {  	[sflag:s16] =	ssyncadd.s32 $0xFFFFFC00  }
0xe0: {  	[tilespmem:s18], [sflag:$0x1] =	stream.indirect.gather [hbm4b:s1+s19], $0x80, s4, s19, $0xb8;
	[tilespmem:$0x1CC00] =	vst v63  }
0xe1: {  	_ =	swait.ge [sflag:s20], $0x4000  }
0xe2: {  	[sflag:s20] =	ssyncset.done $0x0  }
0xe3: {  	[sflag:s20] =	ssyncadd.s32 $0xFFFFC000  }
0xe4: {  	[spmem:s2] =	stream.indirect.scatter.add.f32 [tilespmem:s18], [sflag:$0x2], $0x80, s17, s19, $0xb8;
	[tilespmem:$0x1CC00] =	vst v63  }
0xe5: {  	_ =	swait.ge [sflag:s21], $0x4000  }
0xe6: {  	[sflag:s21] =	ssyncset.done $0x0  }
0xe7: {  	[sflag:s21] =	ssyncadd.s32 $0xFFFFC000  }
0xe8: {  	[tilespmem:s18], [sflag:$0x1] =	stream.indirect.gather [hbm4b:s1+s19], $0x80, s19, s19, $0xb8;
	[tilespmem:$0x1CC00] =	vst v63  }
0xe9: {  	_ =	swait.ge [sflag:s20], $0x4000  }
0xea: {  	[sflag:s20] =	ssyncset.done $0x0  }
0xeb: {  	[sflag:s20] =	ssyncadd.s32 $0xFFFFC000  }
0xec: {  	[spmem:s2] =	stream.indirect.scatter.add.f32 [tilespmem:s18], [sflag:$0x2], $0x80, s22, s19, $0xb8;
	[tilespmem:$0x1CC00] =	vst v63  }
0xed: {  	_ =	swait.ge [sflag:s21], $0x4000  }
0xee: {  	[sflag:s21] =	ssyncset.done $0x0  }
0xef: {  	[sflag:s21] =	ssyncadd.s32 $0xFFFFC000  }
0xf0: {  	[tilespmem:s18], [sflag:$0x1] =	stream.indirect.gather [hbm4b:s1+s19], $0x80, s23, s19, $0xb8;
	[tilespmem:$0x1CC00] =	vst v63  }
0xf1: {  	_ =	swait.ge [sflag:s20], $0x4000  }
0xf2: {  	[sflag:s20] =	ssyncset.done $0x0  }
0xf3: {  	[sflag:s20] =	ssyncadd.s32 $0xFFFFC000  }
0xf4: {  	[spmem:s2] =	stream.indirect.scatter.add.f32 [tilespmem:s18], [sflag:$0x2], $0x80, s24, s19, $0xb8;
	[tilespmem:$0x1CC00] =	vst v63  }
0xf5: {  	_ =	swait.ge [sflag:s21], $0x4000  }
0xf6: {  	[sflag:s21] =	ssyncset.done $0x0  }
0xf7: {  	[sflag:s21] =	ssyncadd.s32 $0xFFFFC000  }
0xf8: {  	[tilespmem:s18], [sflag:$0x1] =	stream.indirect.gather [hbm4b:s1+s19], $0x80, s25, s19, $0xb8;
	[tilespmem:$0x1CC00] =	vst v63  }
0xf9: {  	_ =	swait.ge [sflag:s20], $0x4000  }
0xfa: {  	[sflag:s20] =	ssyncset.done $0x0  }
0xfb: {  	[sflag:s20] =	ssyncadd.s32 $0xFFFFC000  }
0xfc: {  	[spmem:s2] =	stream.indirect.scatter.add.f32 [tilespmem:s18], [sflag:$0x2], $0x80, s26, s19, $0xb8;
	[tilespmem:$0x1CC00] =	vst v63  }
0xfd: {  	_ =	swait.ge [sflag:s21], $0x4000  }
0xfe: {  	[sflag:s21] =	ssyncset.done $0x0  }
0xff: {  	[sflag:s21] =	ssyncadd.s32 $0xFFFFC000  }
0x100: {  	[tilespmem:s18], [sflag:$0x1] =	stream.indirect.gather [hbm4b:s1+s19], $0x80, s28, s19, $0xb8;
	[tilespmem:$0x1CC00] =	vst v63  }
0x101: {  	_ =	swait.ge [sflag:s20], $0x4000  }
0x102: {  	[sflag:s20] =	ssyncset.done $0x0  }
0x103: {  	[sflag:s20] =	ssyncadd.s32 $0xFFFFC000  }
0x104: {  	[spmem:s2] =	stream.indirect.scatter.add.f32 [tilespmem:s18], [sflag:$0x2], $0x80, s29, s19, $0xb8;
	[tilespmem:$0x1CC00] =	vst v63  }
0x105: {  	_ =	swait.ge [sflag:s21], $0x4000  }
0x106: {  	[sflag:s21] =	ssyncset.done $0x0  }
0x107: {  	[sflag:s21] =	ssyncadd.s32 $0xFFFFC000  }
0x108: {  	[tilespmem:s18], [sflag:$0x1] =	stream.indirect.gather [hbm4b:s1+s19], $0x80, s30, s19, $0xb8;
	[tilespmem:$0x1CC00] =	vst v63  }
0x109: {  	_ =	swait.ge [sflag:s20], $0x4000  }
0x10a: {  	[sflag:s20] =	ssyncset.done $0x0  }
0x10b: {  	[sflag:s20] =	ssyncadd.s32 $0xFFFFC000  }
0x10c: {  	[spmem:s2] =	stream.indirect.scatter.add.f32 [tilespmem:s18], [sflag:$0x2], $0x80, s31, s19, $0xb8;
	[tilespmem:$0x1CC00] =	vst v63  }
0x10d: {  	_ =	swait.ge [sflag:s21], $0x4000  }
0x10e: {  	[sflag:s21] =	ssyncset.done $0x0  }
0x10f: {  	[sflag:s21] =	ssyncadd.s32 $0xFFFFC000  }
0x110: {  	[tilespmem:s18], [sflag:$0x1] =	stream.indirect.gather [hbm4b:s1+s19], $0x80, s0, s19, $0xb8;
	[tilespmem:$0x1CC00] =	vst v63  }
0x111: {  	_ =	swait.ge [sflag:s20], $0x4000  }
0x112: {  	[sflag:s20] =	ssyncset.done $0x0  }
0x113: {  	[sflag:s20] =	ssyncadd.s32 $0xFFFFC000  }
0x114: {  	[spmem:s2] =	stream.indirect.scatter.add.f32 [tilespmem:s18], [sflag:$0x2], $0x80, s3, s19, $0xb8;
	[tilespmem:$0x1CC00] =	vst v63  }
0x115: {  	_ =	swait.ge [sflag:s21], $0x4000  }
0x116: {  	[sflag:s21] =	ssyncset.done $0x0  }
0x117: {  	[sflag:s21] =	ssyncadd.s32 $0xFFFFC000  }
0x118: {  	[tilespmem:s18], [sflag:$0x1] =	stream.indirect.gather [hbm4b:s1+s19], $0x80, s5, s19, $0xb8;
	[tilespmem:$0x1CC00] =	vst v63  }
0x119: {  	_ =	swait.ge [sflag:s20], $0x4000  }
0x11a: {  	[sflag:s20] =	ssyncset.done $0x0  }
0x11b: {  	[sflag:s20] =	ssyncadd.s32 $0xFFFFC000  }
0x11c: {  	[spmem:s2] =	stream.indirect.scatter.add.f32 [tilespmem:s18], [sflag:$0x2], $0x80, s7, s19, $0xb8;
	[tilespmem:$0x1CC00] =	vst v63  }
0x11d: {  	_ =	swait.ge [sflag:s21], $0x4000  }
0x11e: {  	[sflag:s21] =	ssyncset.done $0x0  }
0x11f: {  	s11 =	stileid.u32;
	[sflag:s21] =	ssyncadd.s32 $0xFFFFC000  }
0x120: {  	s9 =	sshll.u32 s11, $0x6;
	[bflag:$0x0] =	sbarrier.arrive $0xFFFF  }
0x121: {  	s12 =	sshrl.u32 s6, $0x3;
	s9 =	sor.u32 $0x1C03, s9;
	s11 =	rddreg [dreg:$0xa]  }
0x122: {  	[hbm:s11], [sflag:s9] =	dma.local [spmem:s12], $0x2780  }
0x123: {  	_ =	swait.ge [sflag:s16], $0x2780  }
0x124: {  	s8 =	sadd.s32 $0x1, s8;
	s13 =	rddreg [dreg:$0xb]  }
0x125: {  	p0 =	sne.s32 s8, s13  }
.Ltmp2:
0x126: {  	_ = 	snop;
	(pc) =	sbr.rel @p0 .LBB2_1-.Ltmp2, $3  }
0x127: {  	_ =	sdelay $0x1  }
0x128: {  	[sflag:s16] =	ssyncset.done $0x0  }
0x129: {  	[sflag:s16] =	ssyncadd.s32 $0xFFFFD880  }
0x12a: {  	_ =	sfence.sel $0x180000  }
0x12b: {  	[bflag:$0x0] =	sbarrier.arrive $0xFFFF  }
0x12c: {  	_ =	strace $0x9000004A  }
0x12d: {  	s0 =	stileid.u32;
	[bflag:$0x2] =	sbarrier.arrive $0xFFFF  }
0x12e: {  	p0 =	sne.s32 s0, $0x0;
	s0 =	rddreg [dreg:$0x3]  }
0x12f: {  	s0 =	sadd.s32 @!p0 $0x100000, s0  }
0x130: {  	[sflag:s0] =	ssyncadd.tile.s32 @!p0 $0x1;
	_ =	shalt  }
.Lfunc_end2:
_tile_overlayer_lowered:
.L_overlay_start_2:
0x131: {  	(tag) =	ssettag $0x2  }
0x132: {  	s0 =	rddreg [dreg:$0x0];
	s2 =	stileid.u32  }
0x133: {  	s1 =	rddreg [dreg:$0x1];
	p0 =	sne.s32 s2, $0x0  }
0x134: {  	s3 =	rddreg [dreg:$0x2];
	[bflag:$0x3] =	sbarrier.arrive $0xFFFF;
	s2 =	simm.s32 @!p0 $0x1C03  }
0x135: {  	[timem:s3], [sflag:s2] =	dma.local @!p0 [hbm:s0], s1  }
0x136: {  	s0 =	simm.s32 @!p0 $0x3  }
0x137: {  	_ =	swait.ge @!p0 [sflag:s0], s1  }
0x138: {  	s1 =	ssub.s32 @!p0 $0x0, s1;
	[sflag:s0] =	ssyncset.done @!p0 $0x0  }
0x139: {  	[sflag:s0] =	ssyncadd.s32 @!p0 s1  }
0x13a: {  	[bflag:$0x3] =	sbarrier.arrive $0xFFFF  }
0x13b: {  	_ =	shalt  }

// kernel: kernel.15.cloned.1.call-start
scs
__scs_entry_jumppad:
0x0: {  	(pc) =	sbr.rel $0x88, $3  }
0x1: {  	(tag) =	ssettag $0x0;
	lr =	simm.s32 $0x1  }
0x2: {  	[smem:$0x3F96] =	sst lr;
	_ =	strace $0xD0000000  }
0x3: {  	_ = 	snop  }
0x4: {  	_ = 	snop  }
0x5: {  	_ = 	snop  }
0x6: {  	_ = 	snop  }
0x7: {  	_ = 	snop  }
__scs_overlays_trampoline_lowered:
0x8: {  	[smem:$0x3FA5] =	sst s0  }
0x9: {  	[smem:$0x3FA6] =	sst s1  }
0xa: {  	[smem:$0x3FA7] =	sst s2  }
0xb: {  	[smem:$0x3FA8] =	sst s3  }
0xc: {  	[smem:$0x3FA9] =	sst s4  }
0xd: {  	[smem:$0x3FAA] =	sst s5  }
0xe: {  	[smem:$0x3FAB] =	sst s6  }
0xf: {  	[smem:$0x3FAC] =	sst s7  }
0x10: {  	[smem:$0x3FAD] =	sst s8  }
0x11: {  	[smem:$0x3FAE] =	sst s9;
	s0 =	simm.s32 @!p0 $0x0  }
0x12: {  	s1 =	sld [smem:$0x3F94];
	s0 =	simm.s32 @p0 $0x1  }
0x13: {  	[smem:$0x3FAF] =	sst s0;
	s0 =	simm.s32 @!p1 $0x0  }
0x14: {  	s2 =	sld [smem:$0x3F93];
	s0 =	simm.s32 @p1 $0x1  }
0x15: {  	[smem:$0x3FB0] =	sst s0;
	s0 =	simm.s32 @!p2 $0x0  }
0x16: {  	s3 =	sld [smem:$0x3FDB];
	s0 =	simm.s32 @p2 $0x1  }
0x17: {  	s4 =	simm.s32 $0x1BF5;
	[smem:$0x3FB2] =	sst s0  }
0x18: {  	s0 =	sld [smem:$0x3F95];
	_ =	swait.ge [sflag:s4], $0x0  }
0x19: {  	s7 =	sld [smem:$0x3F96]  }
0x1a: {  	s8 =	sadd.s32 $0xFFFFE003, lr  }
0x1b: {  	s9 =	sadd.s32 $0xFFFFFEF7, lr;
	s5 =	simm.s32 $0xFFFFFFFF;
	p2 =	slt.u32 s8, $0xFFFFF086  }
0x1c: {  	p1 =	slt.u32 s9, $0xF7A;
	s5 =	simm.s32 @!p2 $0x0  }
0x1d: {  	s5 =	simm.s32 @p1 $0x1;
	p0 =	seq.s32 s7, s2  }
0x1e: {  	s7 =	smul.u32 @!p0 $0xF7A, s2;
	p2 =	seq.s32 @!p0 s5, $0x0  }
0x1f: {  	s9 =	smul.u32 $0xF7A, s1;
	s8 =	simm.s32 @!p0 $0x1BF5;
	p2 =	por !p2, p0  }
0x20: {  	[sflag:s8] =	ssyncset.s32 @!p0 $0xFFFFF086;
	s6 =	sadd.s32 @!p0 s3, s7;
	s7 =	simm.s32 @!p0 $0x108  }
0x21: {  	s3 =	sadd.s32 s3, s9;
	s6 =	sadd.s32 @!p0 $0x88, s6;
	s7 =	simm.s32 @p2 $0x1082  }
0x22: {  	[simem:s7], [sflag:s8] =	dma.local @!p0 [hbm:s6], $0xF7A  }
0x23: {  	s9 =	sor.u32 $0xD0000000, s2;
	s6 =	simm.s32 $0x108;
	_ =	swait.ge @!p0 [sflag:s8], $0x0  }
0x24: {  	s3 =	sadd.s32 $0x88, s3;
	s6 =	simm.s32 @!p1 $0x1082;
	[sflag:s4] =	ssyncset.s32 $0xFFFFF086  }
0x25: {  	[simem:s6], [sflag:s4] =	dma.local [hbm:s3], $0xF7A  }
0x26: {  	[smem:$0x3F96] =	sst s1;
	(tag) =	ssettag s2;
	_ =	strace s9  }
0x27: {  	s1 =	sld [smem:$0x3FA6]  }
0x28: {  	s2 =	sld [smem:$0x3FA7]  }
0x29: {  	s4 =	sld [smem:$0x3FA9]  }
0x2a: {  	p0 =	seq.s32 s5, $0x0;
	s5 =	sld [smem:$0x3FAA]  }
0x2b: {  	s6 =	sld [smem:$0x3FAB]  }
0x2c: {  	s7 =	sld [smem:$0x3FAC]  }
0x2d: {  	s3 =	simm.s32 $0x108;
	s8 =	sld [smem:$0x3FAD]  }
0x2e: {  	s3 =	simm.s32 @!p0 $0x1082;
	s9 =	sld [smem:$0x3FAE]  }
0x2f: {  	lr =	sadd.s32 s0, s3;
	s0 =	sld [smem:$0x3FA5]  }
0x30: {  	s3 =	sld [smem:$0x3FA8]  }
0x31: {  	[smem:$0x3FB1] =	sst s10  }
0x32: {  	s10 =	sld [smem:$0x3FAF];
	_ =	sdelay $0x3  }
0x33: {  	p0 =	seq.s32 s10, $0x1;
	s10 =	sld [smem:$0x3FB1];
	_ =	sdelay $0x3  }
0x34: {  	[smem:$0x3FB1] =	sst s10  }
0x35: {  	s10 =	sld [smem:$0x3FB0];
	_ =	sdelay $0x3  }
0x36: {  	p1 =	seq.s32 s10, $0x1;
	s10 =	sld [smem:$0x3FB1];
	_ =	sdelay $0x3  }
0x37: {  	[smem:$0x3FB1] =	sst s10  }
0x38: {  	s10 =	sld [smem:$0x3FB2]  }
0x39: {  	_ = 	snop;
	(pc) =	sbr.ind lr, $3  }
0x3a: {  	_ = 	snop  }
0x3b: {  	_ = 	snop  }
0x3c: {  	p2 =	seq.s32 s10, $0x1;
	s10 =	sld [smem:$0x3FB1]  }
0x3d: {  	_ =	shalt  }
0x3e: {  	_ =	shalt  }
0x3f: {  	_ =	shalt  }
0x40: {  	_ =	shalt  }
0x41: {  	_ =	shalt  }
0x42: {  	_ =	shalt  }
0x43: {  	_ =	shalt  }
0x44: {  	_ =	shalt  }
0x45: {  	_ =	shalt  }
0x46: {  	_ =	shalt  }
0x47: {  	_ =	shalt  }
0x48: {  	_ =	shalt  }
0x49: {  	_ =	shalt  }
0x4a: {  	_ =	shalt  }
0x4b: {  	_ =	shalt  }
0x4c: {  	_ =	shalt  }
0x4d: {  	_ =	shalt  }
0x4e: {  	_ =	shalt  }
0x4f: {  	_ =	shalt  }
0x50: {  	_ =	shalt  }
0x51: {  	_ =	shalt  }
0x52: {  	_ =	shalt  }
0x53: {  	_ =	shalt  }
0x54: {  	_ =	shalt  }
0x55: {  	_ =	shalt  }
0x56: {  	_ =	shalt  }
0x57: {  	_ =	shalt  }
0x58: {  	_ =	shalt  }
0x59: {  	_ =	shalt  }
0x5a: {  	_ =	shalt  }
0x5b: {  	_ =	shalt  }
0x5c: {  	_ =	shalt  }
0x5d: {  	_ =	shalt  }
0x5e: {  	_ =	shalt  }
0x5f: {  	_ =	shalt  }
0x60: {  	_ =	shalt  }
0x61: {  	_ =	shalt  }
0x62: {  	_ =	shalt  }
0x63: {  	_ =	shalt  }
0x64: {  	_ =	shalt  }
0x65: {  	_ =	shalt  }
0x66: {  	_ =	shalt  }
0x67: {  	_ =	shalt  }
0x68: {  	_ =	shalt  }
0x69: {  	_ =	shalt  }
0x6a: {  	_ =	shalt  }
0x6b: {  	_ =	shalt  }
0x6c: {  	_ =	shalt  }
0x6d: {  	_ =	shalt  }
0x6e: {  	_ =	shalt  }
0x6f: {  	_ =	shalt  }
0x70: {  	_ =	shalt  }
0x71: {  	_ =	shalt  }
0x72: {  	_ =	shalt  }
0x73: {  	_ =	shalt  }
0x74: {  	_ =	shalt  }
0x75: {  	_ =	shalt  }
0x76: {  	_ =	shalt  }
0x77: {  	_ =	shalt  }
0x78: {  	_ =	shalt  }
0x79: {  	_ =	shalt  }
0x7a: {  	_ =	shalt  }
0x7b: {  	_ =	shalt  }
0x7c: {  	_ =	shalt  }
0x7d: {  	_ =	shalt  }
0x7e: {  	_ =	shalt  }
0x7f: {  	_ =	shalt  }
0x80: {  	_ =	shalt  }
0x81: {  	_ =	shalt  }
0x82: {  	_ =	shalt  }
0x83: {  	_ =	shalt  }
0x84: {  	_ =	shalt  }
0x85: {  	_ =	shalt  }
0x86: {  	_ =	shalt  }
0x87: {  	_ =	shalt  }
.Lfunc_end0:
.L_simem_size_0:
called_computation.2_lowered:
.L_overlay_start_0:
0x88: {  	s2 =	sld [smem:$0x3FD9]  }
0x89: {  	s3 =	sld [smem:$0x3FFE];
	_ =	sdelay $0x1  }
0x8a: {  	s1 =	srdreg.scid  }
0x8b: {  	s0 =	sand.u32 $0x1, s1  }
0x8c: {  	s17 =	sshll.u32 s0, $0xA;
	s2 =	sadd.s32 s3, s2  }
0x8d: {  	s2 =	sadd.s32 s2, s17  }
0x8e: {  	[smem:$0x3FBD] =	sst s2  }
0x8f: {  	_ = 	snop  }
0x90: {  	s2 =	sld [smem:$0x3FD0];
	(tm) =	ssettm $0x1  }
0x91: {  	s18 =	sld [smem:$0x3FFB];
	_ =	sdelay $0x3  }
0x92: {  	_ =	strace s18  }
0x93: {  	s3 =	sld [smem:$0x3FFC];
	_ =	sdelay $0x3  }
0x94: {  	_ =	strace s3  }
0x95: {  	s3 =	sld [smem:$0x3FFD];
	_ =	sdelay $0x3  }
0x96: {  	_ =	strace s3  }
0x97: {  	_ =	strace $0x8FFFFFFF  }
0x98: {  	s19 =	sld [smem:$0x3FDB];
	_ =	sdelay $0x1  }
0x99: {  	s4 =	simm.s32 $_scs_section_size  }
0x9a: {  	s5 =	simm.s32 $_size__tile_overlayer_lowered;
	s6 =	simm.s32 $_tile_overlayer_lowered  }
0x9b: {  	s22 =	simm.s32 $0x1BFF;
	s21 =	sshll.u32 s6, $0x1;
	s3 =	sadd.s32 s4, s19  }
0x9c: {  	s7 =	simm.s32 $0x0;
	s20 =	sshll.u32 s5, $0x1;
	s5 =	sadd.s32 s21, s3  }
0x9d: {  	[timem:s7], [sflag:s22] =	dma.local [hbm:s5], s20  }
0x9e: {  	_ =	swait.ge [sflag:s22], s20  }
0x9f: {  	s4 =	ssub.s32 $0x0, s20;
	[sflag:s22] =	ssyncset.done $0x0  }
0xa0: {  	[sflag:s22] =	ssyncadd.s32 s4;
	_ =	sdelay $0x1  }
0xa1: {  	s23 =	simm.s32 $0x1B8B  }
0xa2: {  	_ =	swait.ge [sflag:s23], $0x1  }
0xa3: {  	[sflag:s23] =	ssyncset.done $0x0  }
0xa4: {  	s25 =	simm.s32 $0x1B8E;
	s24 =	sld [smem:$0x3FFE];
	[sflag:s23] =	ssyncadd.s32 $0xFFFFFFFF  }
0xa5: {  	s26 =	simm.s32 $execute0_lowered;
	[smem:$0x3FD2] =	sst s25  }
0xa6: {  	s5 =	sshll.u32 s26, $0x1;
	_ =	strace $0x8000004C;
	[dreg:$0x1] =	wrdreg $0xFFFFFFFF  }
0xa7: {  	s28 =	simm.s32 $_size_execute0_lowered;
	s3 =	sadd.s32 s3, s5;
	[dreg:$0x0] =	wrdreg $0x0  }
0xa8: {  	s5 =	sshll.u32 s28, $0x1;
	[dreg:$0x2] =	wrdreg s3  }
0xa9: {  	[dreg:$0x3] =	wrdreg s5  }
0xaa: {  	[dreg:$0x4] =	wrdreg $0xC0  }
0xab: {  	_ =	task [dreg:s7], $0x5FFFF  }
0xac: {  	[dreg:$0x1] =	wrdreg $0xFFFFFFFF  }
0xad: {  	[dreg:$0x0] =	wrdreg $0x60  }
0xae: {  	[dreg:$0x2] =	wrdreg s2  }
0xaf: {  	[dreg:$0x3] =	wrdreg s24  }
0xb0: {  	[dreg:$0x4] =	wrdreg $0x90000  }
0xb1: {  	[dreg:$0x5] =	wrdreg $0x9  }
0xb2: {  	_ =	task.clear_ibuf [dreg:s7], $0x6FFFF;
	_ =	strace $0x9000004C  }
0xb3: {  	s29 =	simm.s32 $0x9;
	_ =	strace $0x8000004E  }
0xb4: {  	_ =	swait.ge [sflag:s29], $0x1  }
0xb5: {  	[sflag:s29] =	ssyncadd.s32 $0xFFFFFFFF  }
0xb6: {  	_ =	strace $0x9000004E  }
0xb7: {  	_ =	sfence  }
0xb8: {  	s30 =	sld [smem:$0x0];
	_ =	sdelay $0x2  }
0xb9: {  	s31 =	sshll.u32 s1, $0xD;
	s1 =	sshrl.u32 s1, $0x2  }
0xba: {  	s3 =	sand.u32 $0x4000, s31;
	s1 =	sadd.s32 s1, s30  }
0xbb: {  	s0 =	sor.u32 s3, s0;
	s1 =	sshll.u32 s1, $0x11  }
0xbc: {  	s0 =	sor.u32 s1, s0  }
0xbd: {  	s0 =	sadd.s32 $0x8F2B, s0  }
0xbe: {  	[sflag:s0] =	ssyncadd.remote.s32 $0x1  }
0xbf: {  	_ =	sfence.sel $0xFFFF  }
0xc0: {  	[dreg:$0x0] =	wrdreg $0xFFFFFFFF;
	(pc) =	sbr.abs _section_cstart, $3  }
0xc1: {  	[dreg:$0x1] =	wrdreg $0xFFFFFFFF  }
0xc2: {  	_ =	task.clear_ibuf [dreg:s7], $0x2FFFF;
	_ =	strace $0x9FFFFFFF  }
0xc3: {  	(tm) =	ssettm $0x7FFFFFFF  }
tec
execute0_lowered:
.L_overlay_start_1:
0x0: {  	(tag) =	ssettag $0x1  }
0x1: {  	s1 =	rddreg [dreg:$0x0]  }
0x2: {  	s0 =	rddreg [dreg:$0x1]  }
0x3: {  	s2 =	rddreg [dreg:$0x2];
	s4 =	simm.s32 $0x0  }
0x4: {  	s3 =	srdreg.scid;
	s12 =	stileid.u32;
	s28 =	simm.s32 $0x200  }
0x5: {  	s29 =	simm.s32 $0xA00;
	s30 =	simm.s32 $0x280;
	s6 =	smul.u32 $0x13C00, s12  }
0x6: {  	s31 =	simm.s32 $0xA80;
	[smem:$0x7FF] =	sst s4;
	s15 =	smul.u32 $0x4F000, s12  }
0x7: {  	s3 =	sand.u32 $0x1, s3;
	s7 =	sadd.s32 $0xC800, s0;
	s21 =	smul.u32 $0xA00, s12  }
0x8: {  	s8 =	sadd.s32 $0x2800, s0;
	s9 =	sshll.u32 s12, $0x1;
	s5 =	smul.u32 $0x13C000, s3  }
0x9: {  	s14 =	sor.u32 s3, s9;
	s10 =	ssub.s32 $0x2, s3;
	s3 =	smul.u32 $0x500, s3  }
0xa: {  	_ =	strace $0x8000004D;
	s11 =	smul.u32 $0x500, s14;
	s16 =	sshrl.u32 s10, $0x1  }
0xb: {  	s17 =	sshrl.u32 s15, $0x2;
	s25 =	sadd.s32 s21, s8;
	s26 =	sadd.s32 s21, s7  }
0xc: {  	s21 =	simm.s32 $0x2;
	s5 =	sadd.s32 s6, s5;
	s6 =	sadd.s32 s17, s2  }
0xd: {  	s14 =	sadd.s32 s3, s25;
	s15 =	sadd.s32 s3, s26;
	s17 =	simm.s32 $0x800  }
0xe: {  	s25 =	simm.s32 $0x180;
	s26 =	simm.s32 $0x980;
	s18 =	sadd.s32 s7, s11  }
0xf: {  	s3 =	simm.s32 $0xB00;
	s19 =	sadd.s32 s8, s11;
	[dreg:$0x4] =	wrdreg s18  }
0x10: {  	s5 =	sshrl.u32 s5, $0x3;
	s20 =	sadd.s32 $0x4000, s6;
	[dreg:$0x5] =	wrdreg s19  }
0x11: {  	s22 =	sadd.s32 $0x8000, s6;
	s23 =	sadd.s32 $0xC000, s6;
	[dreg:$0x6] =	wrdreg s20  }
0x12: {  	s24 =	sadd.s32 $0x10000, s6;
	s7 =	simm.s32 $0xB80;
	[dreg:$0x7] =	wrdreg s22  }
0x13: {  	s8 =	simm.s32 $0x0;
	s0 =	sadd.s32 s5, s0;
	[dreg:$0x8] =	wrdreg s23  }
0x14: {  	s5 =	ssub.s32 s10, s16;
	[dreg:$0x9] =	wrdreg s24;
	s16 =	simm.s32 $0x3  }
0x15: {  	s18 =	simm.s32 $0x1000;
	s19 =	simm.s32 $0x80;
	s20 =	simm.s32 $0x1  }
0x16: {  	s22 =	simm.s32 $0x880;
	s23 =	simm.s32 $0x100;
	s0 =	sadd.s32 $0x65800, s0  }
0x17: {  	s24 =	simm.s32 $0x900;
	s5 =	smax.u32 s5, $0x1;
	[dreg:$0xa] =	wrdreg s0  }
0x18: {  	v0 =	vimm.f32 $0.0e+00;
	[dreg:$0xb] =	wrdreg s5;
	s0 =	simm.s32 $0x300;
	s5 =	simm.s32 $0x380  }
.LBB2_1:
0x19: {  	s9 =	rddreg [dreg:$0x4]  }
0x1a: {  	[tilespmem:s4], [sflag:$0x3] =	stream.linear.gather [hbm4b:s9+s4], $0x400, $0x38;
	[tilespmem:$0x1CC00] =	vst v63  }
0x1b: {  	_ =	swait.ge [sflag:s16], $0x400  }
0x1c: {  	[sflag:s16] =	ssyncset.done $0x0  }
0x1d: {  	s13 =	rddreg [dreg:$0x5];
	[sflag:s16] =	ssyncadd.s32 $0xFFFFFC00  }
0x1e: {  	[tilespmem:s17], [sflag:$0x3] =	stream.linear.gather [hbm4b:s13+s4], $0x400, $0x38;
	[tilespmem:$0x1CC00] =	vst v63  }
0x1f: {  	_ =	swait.ge [sflag:s16], $0x400  }
0x20: {  	[sflag:s16] =	ssyncset.done $0x0  }
0x21: {  	s10 =	simm.s32 $0x200;
	s9 =	simm.s32 $0x0;
	[sflag:s16] =	ssyncadd.s32 $0xFFFFFC00  }
.LBB2_2:
0x22: {  	p0 =	sne.s32 s10, $0xFE00;
	[tilespmem:s9+$0x1070] =	vst v0  }
0x23: {  	[tilespmem:s9+$0x1000] =	vst v0  }
0x24: {  	[tilespmem:s9+$0x1010] =	vst v0  }
.Ltmp0:
0x25: {  	[tilespmem:s9+$0x1020] =	vst v0;
	(pc) =	sbr.rel @p0 .LBB2_2-.Ltmp0, $4  }
0x26: {  	[tilespmem:s9+$0x1030] =	vst v0  }
0x27: {  	[tilespmem:s9+$0x1040] =	vst v0  }
0x28: {  	[tilespmem:s9+$0x1050] =	vst v0  }
0x29: {  	[tilespmem:s9+$0x1060] =	vst v0;
	s9 =	sshra.s32 s10, $0x2;
	s10 =	sadd.s32 $0x200, s10  }
0x2a: {  	[tilespmem:s9+$0x1070] =	vst v0  }
0x2b: {  	[tilespmem:s9+$0x1000] =	vst v0  }
0x2c: {  	[tilespmem:s9+$0x1010] =	vst v0  }
0x2d: {  	[tilespmem:s9+$0x1020] =	vst v0  }
0x2e: {  	[tilespmem:s9+$0x1030] =	vst v0  }
0x2f: {  	[tilespmem:s9+$0x1040] =	vst v0  }
0x30: {  	[tilespmem:s9+$0x1050] =	vst v0  }
0x31: {  	[tilespmem:s9+$0x1060] =	vst v0  }
0x32: {  	[spmem:s6] =	stream.linear.scatter [tilespmem:s18], [sflag:$0x3], $0x4000, $0x38;
	[tilespmem:$0x1CC00] =	vst v63  }
0x33: {  	_ =	swait.ge [sflag:s16], $0x4000  }
0x34: {  	[sflag:s16] =	ssyncset.done $0x0  }
0x35: {  	s12 =	rddreg [dreg:$0x6];
	[sflag:s16] =	ssyncadd.s32 $0xFFFFC000  }
0x36: {  	[spmem:s12] =	stream.linear.scatter [tilespmem:s18], [sflag:$0x3], $0x4000, $0x38;
	[tilespmem:$0x1CC00] =	vst v63  }
0x37: {  	_ =	swait.ge [sflag:s16], $0x4000  }
0x38: {  	[sflag:s16] =	ssyncset.done $0x0  }
0x39: {  	s13 =	rddreg [dreg:$0x7];
	[sflag:s16] =	ssyncadd.s32 $0xFFFFC000  }
0x3a: {  	[spmem:s13] =	stream.linear.scatter [tilespmem:s18], [sflag:$0x3], $0x4000, $0x38;
	[tilespmem:$0x1CC00] =	vst v63  }
0x3b: {  	_ =	swait.ge [sflag:s16], $0x4000  }
0x3c: {  	[sflag:s16] =	ssyncset.done $0x0  }
0x3d: {  	s10 =	rddreg [dreg:$0x8];
	[sflag:s16] =	ssyncadd.s32 $0xFFFFC000  }
0x3e: {  	[spmem:s10] =	stream.linear.scatter [tilespmem:s18], [sflag:$0x3], $0x4000, $0x38;
	[tilespmem:$0x1CC00] =	vst v63  }
0x3f: {  	_ =	swait.ge [sflag:s16], $0x4000  }
0x40: {  	[sflag:s16] =	ssyncset.done $0x0  }
0x41: {  	s11 =	rddreg [dreg:$0x9];
	[sflag:s16] =	ssyncadd.s32 $0xFFFFC000  }
0x42: {  	[spmem:s11] =	stream.linear.scatter [tilespmem:s18], [sflag:$0x3], $0x3C00, $0x38;
	[tilespmem:$0x1CC00] =	vst v63  }
0x43: {  	_ =	swait.ge [sflag:s16], $0x3C00  }
0x44: {  	[sflag:s16] =	ssyncset.done $0x0  }
0x45: {  	[sflag:s16] =	ssyncadd.s32 $0xFFFFC400  }
0x46: {  	s12 =	sadd.s32 $0x0, s15;
	[bflag:$0x0] =	sbarrier.arrive $0xFFFF  }
0x47: {  	[tilespmem:s4], [sflag:$0x3] =	stream.linear.gather [hbm4b:s12+s4], $0x400, $0x38;
	[tilespmem:$0x1CC00] =	vst v63  }
0x48: {  	_ =	swait.ge [sflag:s16], $0x400  }
0x49: {  	[sflag:s16] =	ssyncset.done $0x0  }
0x4a: {  	s13 =	sadd.s32 $0x0, s14;
	[sflag:s16] =	ssyncadd.s32 $0xFFFFFC00  }
0x4b: {  	[tilespmem:s17], [sflag:$0x3] =	stream.linear.gather [hbm4b:s13+s4], $0x400, $0x38;
	[tilespmem:$0x1CC00] =	vst v63  }
0x4c: {  	_ =	swait.ge [sflag:s16], $0x400  }
0x4d: {  	[sflag:s16] =	ssyncset.done $0x0  }
0x4e: {  	[sflag:s16] =	ssyncadd.s32 $0xFFFFFC00  }
0x4f: {  	[tilespmem:s18], [sflag:$0x1] =	stream.indirect.gather [hbm4b:s1+s19], $0x80, s4, s19, $0xb8;
	[tilespmem:$0x1CC00] =	vst v63  }
0x50: {  	_ =	swait.ge [sflag:s20], $0x4000  }
0x51: {  	[sflag:s20] =	ssyncset.done $0x0  }
0x52: {  	[sflag:s20] =	ssyncadd.s32 $0xFFFFC000  }
0x53: {  	[spmem:s2] =	stream.indirect.scatter.add.f32 [tilespmem:s18], [sflag:$0x2], $0x80, s17, s19, $0xb8;
	[tilespmem:$0x1CC00] =	vst v63  }
0x54: {  	_ =	swait.ge [sflag:s21], $0x4000  }
0x55: {  	[sflag:s21] =	ssyncset.done $0x0  }
0x56: {  	[sflag:s21] =	ssyncadd.s32 $0xFFFFC000  }
0x57: {  	[tilespmem:s18], [sflag:$0x1] =	stream.indirect.gather [hbm4b:s1+s19], $0x80, s19, s19, $0xb8;
	[tilespmem:$0x1CC00] =	vst v63  }
0x58: {  	_ =	swait.ge [sflag:s20], $0x4000  }
0x59: {  	[sflag:s20] =	ssyncset.done $0x0  }
0x5a: {  	[sflag:s20] =	ssyncadd.s32 $0xFFFFC000  }
0x5b: {  	[spmem:s2] =	stream.indirect.scatter.add.f32 [tilespmem:s18], [sflag:$0x2], $0x80, s22, s19, $0xb8;
	[tilespmem:$0x1CC00] =	vst v63  }
0x5c: {  	_ =	swait.ge [sflag:s21], $0x4000  }
0x5d: {  	[sflag:s21] =	ssyncset.done $0x0  }
0x5e: {  	[sflag:s21] =	ssyncadd.s32 $0xFFFFC000  }
0x5f: {  	[tilespmem:s18], [sflag:$0x1] =	stream.indirect.gather [hbm4b:s1+s19], $0x80, s23, s19, $0xb8;
	[tilespmem:$0x1CC00] =	vst v63  }
0x60: {  	_ =	swait.ge [sflag:s20], $0x4000  }
0x61: {  	[sflag:s20] =	ssyncset.done $0x0  }
0x62: {  	[sflag:s20] =	ssyncadd.s32 $0xFFFFC000  }
0x63: {  	[spmem:s2] =	stream.indirect.scatter.add.f32 [tilespmem:s18], [sflag:$0x2], $0x80, s24, s19, $0xb8;
	[tilespmem:$0x1CC00] =	vst v63  }
0x64: {  	_ =	swait.ge [sflag:s21], $0x4000  }
0x65: {  	[sflag:s21] =	ssyncset.done $0x0  }
0x66: {  	[sflag:s21] =	ssyncadd.s32 $0xFFFFC000  }
0x67: {  	[tilespmem:s18], [sflag:$0x1] =	stream.indirect.gather [hbm4b:s1+s19], $0x80, s25, s19, $0xb8;
	[tilespmem:$0x1CC00] =	vst v63  }
0x68: {  	_ =	swait.ge [sflag:s20], $0x4000  }
0x69: {  	[sflag:s20] =	ssyncset.done $0x0  }
0x6a: {  	[sflag:s20] =	ssyncadd.s32 $0xFFFFC000  }
0x6b: {  	[spmem:s2] =	stream.indirect.scatter.add.f32 [tilespmem:s18], [sflag:$0x2], $0x80, s26, s19, $0xb8;
	[tilespmem:$0x1CC00] =	vst v63  }
0x6c: {  	_ =	swait.ge [sflag:s21], $0x4000  }
0x6d: {  	[sflag:s21] =	ssyncset.done $0x0  }
0x6e: {  	[sflag:s21] =	ssyncadd.s32 $0xFFFFC000  }
0x6f: {  	[tilespmem:s18], [sflag:$0x1] =	stream.indirect.gather [hbm4b:s1+s19], $0x80, s28, s19, $0xb8;
	[tilespmem:$0x1CC00] =	vst v63  }
0x70: {  	_ =	swait.ge [sflag:s20], $0x4000  }
0x71: {  	[sflag:s20] =	ssyncset.done $0x0  }
0x72: {  	[sflag:s20] =	ssyncadd.s32 $0xFFFFC000  }
0x73: {  	[spmem:s2] =	stream.indirect.scatter.add.f32 [tilespmem:s18], [sflag:$0x2], $0x80, s29, s19, $0xb8;
	[tilespmem:$0x1CC00] =	vst v63  }
0x74: {  	_ =	swait.ge [sflag:s21], $0x4000  }
0x75: {  	[sflag:s21] =	ssyncset.done $0x0  }
0x76: {  	[sflag:s21] =	ssyncadd.s32 $0xFFFFC000  }
0x77: {  	[tilespmem:s18], [sflag:$0x1] =	stream.indirect.gather [hbm4b:s1+s19], $0x80, s30, s19, $0xb8;
	[tilespmem:$0x1CC00] =	vst v63  }
0x78: {  	_ =	swait.ge [sflag:s20], $0x4000  }
0x79: {  	[sflag:s20] =	ssyncset.done $0x0  }
0x7a: {  	[sflag:s20] =	ssyncadd.s32 $0xFFFFC000  }
0x7b: {  	[spmem:s2] =	stream.indirect.scatter.add.f32 [tilespmem:s18], [sflag:$0x2], $0x80, s31, s19, $0xb8;
	[tilespmem:$0x1CC00] =	vst v63  }
0x7c: {  	_ =	swait.ge [sflag:s21], $0x4000  }
0x7d: {  	[sflag:s21] =	ssyncset.done $0x0  }
0x7e: {  	[sflag:s21] =	ssyncadd.s32 $0xFFFFC000  }
0x7f: {  	[tilespmem:s18], [sflag:$0x1] =	stream.indirect.gather [hbm4b:s1+s19], $0x80, s0, s19, $0xb8;
	[tilespmem:$0x1CC00] =	vst v63  }
0x80: {  	_ =	swait.ge [sflag:s20], $0x4000  }
0x81: {  	[sflag:s20] =	ssyncset.done $0x0  }
0x82: {  	[sflag:s20] =	ssyncadd.s32 $0xFFFFC000  }
0x83: {  	[spmem:s2] =	stream.indirect.scatter.add.f32 [tilespmem:s18], [sflag:$0x2], $0x80, s3, s19, $0xb8;
	[tilespmem:$0x1CC00] =	vst v63  }
0x84: {  	_ =	swait.ge [sflag:s21], $0x4000  }
0x85: {  	[sflag:s21] =	ssyncset.done $0x0  }
0x86: {  	[sflag:s21] =	ssyncadd.s32 $0xFFFFC000  }
0x87: {  	[tilespmem:s18], [sflag:$0x1] =	stream.indirect.gather [hbm4b:s1+s19], $0x80, s5, s19, $0xb8;
	[tilespmem:$0x1CC00] =	vst v63  }
0x88: {  	_ =	swait.ge [sflag:s20], $0x4000  }
0x89: {  	[sflag:s20] =	ssyncset.done $0x0  }
0x8a: {  	[sflag:s20] =	ssyncadd.s32 $0xFFFFC000  }
0x8b: {  	[spmem:s2] =	stream.indirect.scatter.add.f32 [tilespmem:s18], [sflag:$0x2], $0x80, s7, s19, $0xb8;
	[tilespmem:$0x1CC00] =	vst v63  }
0x8c: {  	_ =	swait.ge [sflag:s21], $0x4000  }
0x8d: {  	s9 =	simm.s32 $0x80;
	s10 =	simm.s32 $0x100;
	[sflag:s21] =	ssyncset.done $0x0  }
.LBB2_4:
0x8e: {  	s12 =	sadd.s32 s9, s15  }
0x8f: {  	[sflag:s21] =	ssyncadd.s32 $0xFFFFC000;
	s13 =	smov.u32 s10;
	s11 =	sadd.s32 $0x80, s10  }
0x90: {  	[tilespmem:s4], [sflag:$0x3] =	stream.linear.gather [hbm4b:s12+s4], $0x400, $0x38;
	[tilespmem:$0x1CC00] =	vst v63  }
0x91: {  	p0 =	sne.s32 s10, $0x480;
	_ =	swait.ge [sflag:s16], $0x400  }
0x92: {  	[sflag:s16] =	ssyncset.done $0x0  }
0x93: {  	s10 =	sadd.s32 s9, s14;
	s9 =	smov.u32 s13;
	[sflag:s16] =	ssyncadd.s32 $0xFFFFFC00  }
0x94: {  	[tilespmem:s17], [sflag:$0x3] =	stream.linear.gather [hbm4b:s10+s4], $0x400, $0x38;
	[tilespmem:$0x1CC00] =	vst v63  }
0x95: {  	_ =	swait.ge [sflag:s16], $0x400  }
0x96: {  	[sflag:s16] =	ssyncset.done $0x0  }
0x97: {  	[sflag:s16] =	ssyncadd.s32 $0xFFFFFC00  }
0x98: {  	[tilespmem:s18], [sflag:$0x1] =	stream.indirect.gather [hbm4b:s1+s19], $0x80, s4, s19, $0xb8;
	[tilespmem:$0x1CC00] =	vst v63  }
0x99: {  	_ =	swait.ge [sflag:s20], $0x4000  }
0x9a: {  	[sflag:s20] =	ssyncset.done $0x0  }
0x9b: {  	[sflag:s20] =	ssyncadd.s32 $0xFFFFC000  }
0x9c: {  	[spmem:s2] =	stream.indirect.scatter.add.f32 [tilespmem:s18], [sflag:$0x2], $0x80, s17, s19, $0xb8;
	[tilespmem:$0x1CC00] =	vst v63  }
0x9d: {  	_ =	swait.ge [sflag:s21], $0x4000  }
0x9e: {  	[sflag:s21] =	ssyncset.done $0x0  }
0x9f: {  	[sflag:s21] =	ssyncadd.s32 $0xFFFFC000  }
0xa0: {  	[tilespmem:s18], [sflag:$0x1] =	stream.indirect.gather [hbm4b:s1+s19], $0x80, s19, s19, $0xb8;
	[tilespmem:$0x1CC00] =	vst v63  }
0xa1: {  	_ =	swait.ge [sflag:s20], $0x4000  }
0xa2: {  	[sflag:s20] =	ssyncset.done $0x0  }
0xa3: {  	[sflag:s20] =	ssyncadd.s32 $0xFFFFC000  }
0xa4: {  	[spmem:s2] =	stream.indirect.scatter.add.f32 [tilespmem:s18], [sflag:$0x2], $0x80, s22, s19, $0xb8;
	[tilespmem:$0x1CC00] =	vst v63  }
0xa5: {  	_ =	swait.ge [sflag:s21], $0x4000  }
0xa6: {  	[sflag:s21] =	ssyncset.done $0x0  }
0xa7: {  	[sflag:s21] =	ssyncadd.s32 $0xFFFFC000  }
0xa8: {  	[tilespmem:s18], [sflag:$0x1] =	stream.indirect.gather [hbm4b:s1+s19], $0x80, s23, s19, $0xb8;
	[tilespmem:$0x1CC00] =	vst v63  }
0xa9: {  	_ =	swait.ge [sflag:s20], $0x4000  }
0xaa: {  	[sflag:s20] =	ssyncset.done $0x0  }
0xab: {  	[sflag:s20] =	ssyncadd.s32 $0xFFFFC000  }
0xac: {  	[spmem:s2] =	stream.indirect.scatter.add.f32 [tilespmem:s18], [sflag:$0x2], $0x80, s24, s19, $0xb8;
	[tilespmem:$0x1CC00] =	vst v63  }
0xad: {  	_ =	swait.ge [sflag:s21], $0x4000  }
0xae: {  	[sflag:s21] =	ssyncset.done $0x0  }
0xaf: {  	[sflag:s21] =	ssyncadd.s32 $0xFFFFC000  }
0xb0: {  	[tilespmem:s18], [sflag:$0x1] =	stream.indirect.gather [hbm4b:s1+s19], $0x80, s25, s19, $0xb8;
	[tilespmem:$0x1CC00] =	vst v63  }
0xb1: {  	_ =	swait.ge [sflag:s20], $0x4000  }
0xb2: {  	[sflag:s20] =	ssyncset.done $0x0  }
0xb3: {  	[sflag:s20] =	ssyncadd.s32 $0xFFFFC000  }
0xb4: {  	[spmem:s2] =	stream.indirect.scatter.add.f32 [tilespmem:s18], [sflag:$0x2], $0x80, s26, s19, $0xb8;
	[tilespmem:$0x1CC00] =	vst v63  }
0xb5: {  	_ =	swait.ge [sflag:s21], $0x4000  }
0xb6: {  	[sflag:s21] =	ssyncset.done $0x0  }
0xb7: {  	[sflag:s21] =	ssyncadd.s32 $0xFFFFC000  }
0xb8: {  	[tilespmem:s18], [sflag:$0x1] =	stream.indirect.gather [hbm4b:s1+s19], $0x80, s28, s19, $0xb8;
	[tilespmem:$0x1CC00] =	vst v63  }
0xb9: {  	_ =	swait.ge [sflag:s20], $0x4000  }
0xba: {  	[sflag:s20] =	ssyncset.done $0x0  }
0xbb: {  	[sflag:s20] =	ssyncadd.s32 $0xFFFFC000  }
0xbc: {  	[spmem:s2] =	stream.indirect.scatter.add.f32 [tilespmem:s18], [sflag:$0x2], $0x80, s29, s19, $0xb8;
	[tilespmem:$0x1CC00] =	vst v63  }
0xbd: {  	_ =	swait.ge [sflag:s21], $0x4000  }
0xbe: {  	[sflag:s21] =	ssyncset.done $0x0  }
0xbf: {  	[sflag:s21] =	ssyncadd.s32 $0xFFFFC000  }
0xc0: {  	[tilespmem:s18], [sflag:$0x1] =	stream.indirect.gather [hbm4b:s1+s19], $0x80, s30, s19, $0xb8;
	[tilespmem:$0x1CC00] =	vst v63  }
0xc1: {  	_ =	swait.ge [sflag:s20], $0x4000  }
0xc2: {  	[sflag:s20] =	ssyncset.done $0x0  }
0xc3: {  	[sflag:s20] =	ssyncadd.s32 $0xFFFFC000  }
0xc4: {  	[spmem:s2] =	stream.indirect.scatter.add.f32 [tilespmem:s18], [sflag:$0x2], $0x80, s31, s19, $0xb8;
	[tilespmem:$0x1CC00] =	vst v63  }
0xc5: {  	_ =	swait.ge [sflag:s21], $0x4000  }
0xc6: {  	[sflag:s21] =	ssyncset.done $0x0  }
0xc7: {  	[sflag:s21] =	ssyncadd.s32 $0xFFFFC000  }
0xc8: {  	[tilespmem:s18], [sflag:$0x1] =	stream.indirect.gather [hbm4b:s1+s19], $0x80, s0, s19, $0xb8;
	[tilespmem:$0x1CC00] =	vst v63  }
0xc9: {  	_ =	swait.ge [sflag:s20], $0x4000  }
0xca: {  	[sflag:s20] =	ssyncset.done $0x0  }
0xcb: {  	[sflag:s20] =	ssyncadd.s32 $0xFFFFC000  }
0xcc: {  	[spmem:s2] =	stream.indirect.scatter.add.f32 [tilespmem:s18], [sflag:$0x2], $0x80, s3, s19, $0xb8;
	[tilespmem:$0x1CC00] =	vst v63  }
0xcd: {  	_ =	swait.ge [sflag:s21], $0x4000  }
0xce: {  	[sflag:s21] =	ssyncset.done $0x0  }
0xcf: {  	[sflag:s21] =	ssyncadd.s32 $0xFFFFC000  }
0xd0: {  	[tilespmem:s18], [sflag:$0x1] =	stream.indirect.gather [hbm4b:s1+s19], $0x80, s5, s19, $0xb8;
	[tilespmem:$0x1CC00] =	vst v63  }
0xd1: {  	_ =	swait.ge [sflag:s20], $0x4000  }
.Ltmp1:
0xd2: {  	[sflag:s20] =	ssyncset.done $0x0;
	(pc) =	sbr.rel @p0 .LBB2_4-.Ltmp1, $4  }
0xd3: {  	[sflag:s20] =	ssyncadd.s32 $0xFFFFC000  }
0xd4: {  	[spmem:s2] =	stream.indirect.scatter.add.f32 [tilespmem:s18], [sflag:$0x2], $0x80, s7, s19, $0xb8;
	[tilespmem:$0x1CC00] =	vst v63  }
0xd5: {  	_ =	swait.ge [sflag:s21], $0x4000  }
0xd6: {  	s10 =	smov.u32 s11;
	[sflag:s21] =	ssyncset.done $0x0  }
0xd7: {  	s10 =	sadd.s32 s9, s15;
	[sflag:s21] =	ssyncadd.s32 $0xFFFFC000  }
0xd8: {  	[tilespmem:s4], [sflag:$0x3] =	stream.linear.gather [hbm4b:s10+s4], $0x400, $0x38;
	[tilespmem:$0x1CC00] =	vst v63  }
0xd9: {  	_ =	swait.ge [sflag:s16], $0x400  }
0xda: {  	[sflag:s16] =	ssyncset.done $0x0  }
0xdb: {  	s10 =	sadd.s32 s9, s14;
	[sflag:s16] =	ssyncadd.s32 $0xFFFFFC00  }
0xdc: {  	[tilespmem:s17], [sflag:$0x3] =	stream.linear.gather [hbm4b:s10+s4], $0x400, $0x38;
	[tilespmem:$0x1CC00] =	vst v63  }
0xdd: {  	_ =	swait.ge [sflag:s16], $0x400  }
0xde: {  	[sflag:s16] =	ssyncset.done $0x0  }
0xdf: {  	[sflag:s16] =	ssyncadd.s32 $0xFFFFFC00  }
0xe0: {  	[tilespmem:s18], [sflag:$0x1] =	stream.indirect.gather [hbm4b:s1+s19], $0x80, s4, s19, $0xb8;
	[tilespmem:$0x1CC00] =	vst v63  }
0xe1: {  	_ =	swait.ge [sflag:s20], $0x4000  }
0xe2: {  	[sflag:s20] =	ssyncset.done $0x0  }
0xe3: {  	[sflag:s20] =	ssyncadd.s32 $0xFFFFC000  }
0xe4: {  	[spmem:s2] =	stream.indirect.scatter.add.f32 [tilespmem:s18], [sflag:$0x2], $0x80, s17, s19, $0xb8;
	[tilespmem:$0x1CC00] =	vst v63  }
0xe5: {  	_ =	swait.ge [sflag:s21], $0x4000  }
0xe6: {  	[sflag:s21] =	ssyncset.done $0x0  }
0xe7: {  	[sflag:s21] =	ssyncadd.s32 $0xFFFFC000  }
0xe8: {  	[tilespmem:s18], [sflag:$0x1] =	stream.indirect.gather [hbm4b:s1+s19], $0x80, s19, s19, $0xb8;
	[tilespmem:$0x1CC00] =	vst v63  }
0xe9: {  	_ =	swait.ge [sflag:s20], $0x4000  }
0xea: {  	[sflag:s20] =	ssyncset.done $0x0  }
0xeb: {  	[sflag:s20] =	ssyncadd.s32 $0xFFFFC000  }
0xec: {  	[spmem:s2] =	stream.indirect.scatter.add.f32 [tilespmem:s18], [sflag:$0x2], $0x80, s22, s19, $0xb8;
	[tilespmem:$0x1CC00] =	vst v63  }
0xed: {  	_ =	swait.ge [sflag:s21], $0x4000  }
0xee: {  	[sflag:s21] =	ssyncset.done $0x0  }
0xef: {  	[sflag:s21] =	ssyncadd.s32 $0xFFFFC000  }
0xf0: {  	[tilespmem:s18], [sflag:$0x1] =	stream.indirect.gather [hbm4b:s1+s19], $0x80, s23, s19, $0xb8;
	[tilespmem:$0x1CC00] =	vst v63  }
0xf1: {  	_ =	swait.ge [sflag:s20], $0x4000  }
0xf2: {  	[sflag:s20] =	ssyncset.done $0x0  }
0xf3: {  	[sflag:s20] =	ssyncadd.s32 $0xFFFFC000  }
0xf4: {  	[spmem:s2] =	stream.indirect.scatter.add.f32 [tilespmem:s18], [sflag:$0x2], $0x80, s24, s19, $0xb8;
	[tilespmem:$0x1CC00] =	vst v63  }
0xf5: {  	_ =	swait.ge [sflag:s21], $0x4000  }
0xf6: {  	[sflag:s21] =	ssyncset.done $0x0  }
0xf7: {  	[sflag:s21] =	ssyncadd.s32 $0xFFFFC000  }
0xf8: {  	[tilespmem:s18], [sflag:$0x1] =	stream.indirect.gather [hbm4b:s1+s19], $0x80, s25, s19, $0xb8;
	[tilespmem:$0x1CC00] =	vst v63  }
0xf9: {  	_ =	swait.ge [sflag:s20], $0x4000  }
0xfa: {  	[sflag:s20] =	ssyncset.done $0x0  }
0xfb: {  	[sflag:s20] =	ssyncadd.s32 $0xFFFFC000  }
0xfc: {  	[spmem:s2] =	stream.indirect.scatter.add.f32 [tilespmem:s18], [sflag:$0x2], $0x80, s26, s19, $0xb8;
	[tilespmem:$0x1CC00] =	vst v63  }
0xfd: {  	_ =	swait.ge [sflag:s21], $0x4000  }
0xfe: {  	[sflag:s21] =	ssyncset.done $0x0  }
0xff: {  	[sflag:s21] =	ssyncadd.s32 $0xFFFFC000  }
0x100: {  	[tilespmem:s18], [sflag:$0x1] =	stream.indirect.gather [hbm4b:s1+s19], $0x80, s28, s19, $0xb8;
	[tilespmem:$0x1CC00] =	vst v63  }
0x101: {  	_ =	swait.ge [sflag:s20], $0x4000  }
0x102: {  	[sflag:s20] =	ssyncset.done $0x0  }
0x103: {  	[sflag:s20] =	ssyncadd.s32 $0xFFFFC000  }
0x104: {  	[spmem:s2] =	stream.indirect.scatter.add.f32 [tilespmem:s18], [sflag:$0x2], $0x80, s29, s19, $0xb8;
	[tilespmem:$0x1CC00] =	vst v63  }
0x105: {  	_ =	swait.ge [sflag:s21], $0x4000  }
0x106: {  	[sflag:s21] =	ssyncset.done $0x0  }
0x107: {  	[sflag:s21] =	ssyncadd.s32 $0xFFFFC000  }
0x108: {  	[tilespmem:s18], [sflag:$0x1] =	stream.indirect.gather [hbm4b:s1+s19], $0x80, s30, s19, $0xb8;
	[tilespmem:$0x1CC00] =	vst v63  }
0x109: {  	_ =	swait.ge [sflag:s20], $0x4000  }
0x10a: {  	[sflag:s20] =	ssyncset.done $0x0  }
0x10b: {  	[sflag:s20] =	ssyncadd.s32 $0xFFFFC000  }
0x10c: {  	[spmem:s2] =	stream.indirect.scatter.add.f32 [tilespmem:s18], [sflag:$0x2], $0x80, s31, s19, $0xb8;
	[tilespmem:$0x1CC00] =	vst v63  }
0x10d: {  	_ =	swait.ge [sflag:s21], $0x4000  }
0x10e: {  	[sflag:s21] =	ssyncset.done $0x0  }
0x10f: {  	[sflag:s21] =	ssyncadd.s32 $0xFFFFC000  }
0x110: {  	[tilespmem:s18], [sflag:$0x1] =	stream.indirect.gather [hbm4b:s1+s19], $0x80, s0, s19, $0xb8;
	[tilespmem:$0x1CC00] =	vst v63  }
0x111: {  	_ =	swait.ge [sflag:s20], $0x4000  }
0x112: {  	[sflag:s20] =	ssyncset.done $0x0  }
0x113: {  	[sflag:s20] =	ssyncadd.s32 $0xFFFFC000  }
0x114: {  	[spmem:s2] =	stream.indirect.scatter.add.f32 [tilespmem:s18], [sflag:$0x2], $0x80, s3, s19, $0xb8;
	[tilespmem:$0x1CC00] =	vst v63  }
0x115: {  	_ =	swait.ge [sflag:s21], $0x4000  }
0x116: {  	[sflag:s21] =	ssyncset.done $0x0  }
0x117: {  	[sflag:s21] =	ssyncadd.s32 $0xFFFFC000  }
0x118: {  	[tilespmem:s18], [sflag:$0x1] =	stream.indirect.gather [hbm4b:s1+s19], $0x80, s5, s19, $0xb8;
	[tilespmem:$0x1CC00] =	vst v63  }
0x119: {  	_ =	swait.ge [sflag:s20], $0x4000  }
0x11a: {  	[sflag:s20] =	ssyncset.done $0x0  }
0x11b: {  	[sflag:s20] =	ssyncadd.s32 $0xFFFFC000  }
0x11c: {  	[spmem:s2] =	stream.indirect.scatter.add.f32 [tilespmem:s18], [sflag:$0x2], $0x80, s7, s19, $0xb8;
	[tilespmem:$0x1CC00] =	vst v63  }
0x11d: {  	_ =	swait.ge [sflag:s21], $0x4000  }
0x11e: {  	[sflag:s21] =	ssyncset.done $0x0  }
0x11f: {  	s11 =	stileid.u32;
	[sflag:s21] =	ssyncadd.s32 $0xFFFFC000  }
0x120: {  	s9 =	sshll.u32 s11, $0x6;
	[bflag:$0x0] =	sbarrier.arrive $0xFFFF  }
0x121: {  	s12 =	sshrl.u32 s6, $0x3;
	s9 =	sor.u32 $0x1C03, s9;
	s11 =	rddreg [dreg:$0xa]  }
0x122: {  	[hbm:s11], [sflag:s9] =	dma.local [spmem:s12], $0x2780  }
0x123: {  	_ =	swait.ge [sflag:s16], $0x2780  }
0x124: {  	s8 =	sadd.s32 $0x1, s8;
	s13 =	rddreg [dreg:$0xb]  }
0x125: {  	p0 =	sne.s32 s8, s13  }
.Ltmp2:
0x126: {  	_ = 	snop;
	(pc) =	sbr.rel @p0 .LBB2_1-.Ltmp2, $3  }
0x127: {  	_ =	sdelay $0x1  }
0x128: {  	[sflag:s16] =	ssyncset.done $0x0  }
0x129: {  	[sflag:s16] =	ssyncadd.s32 $0xFFFFD880  }
0x12a: {  	_ =	sfence.sel $0x180000  }
0x12b: {  	[bflag:$0x0] =	sbarrier.arrive $0xFFFF  }
0x12c: {  	_ =	strace $0x9000004D  }
0x12d: {  	s0 =	stileid.u32;
	[bflag:$0x2] =	sbarrier.arrive $0xFFFF  }
0x12e: {  	p0 =	sne.s32 s0, $0x0;
	s0 =	rddreg [dreg:$0x3]  }
0x12f: {  	s0 =	sadd.s32 @!p0 $0x100000, s0  }
0x130: {  	[sflag:s0] =	ssyncadd.tile.s32 @!p0 $0x1;
	_ =	shalt  }
.Lfunc_end2:
_tile_overlayer_lowered:
.L_overlay_start_2:
0x131: {  	(tag) =	ssettag $0x2  }
0x132: {  	s0 =	rddreg [dreg:$0x0];
	s2 =	stileid.u32  }
0x133: {  	s1 =	rddreg [dreg:$0x1];
	p0 =	sne.s32 s2, $0x0  }
0x134: {  	s3 =	rddreg [dreg:$0x2];
	[bflag:$0x3] =	sbarrier.arrive $0xFFFF;
	s2 =	simm.s32 @!p0 $0x1C03  }
0x135: {  	[timem:s3], [sflag:s2] =	dma.local @!p0 [hbm:s0], s1  }
0x136: {  	s0 =	simm.s32 @!p0 $0x3  }
0x137: {  	_ =	swait.ge @!p0 [sflag:s0], s1  }
0x138: {  	s1 =	ssub.s32 @!p0 $0x0, s1;
	[sflag:s0] =	ssyncset.done @!p0 $0x0  }
0x139: {  	[sflag:s0] =	ssyncadd.s32 @!p0 s1  }
0x13a: {  	[bflag:$0x3] =	sbarrier.arrive $0xFFFF  }
0x13b: {  	_ =	shalt  }

// kernel: kernel.9.cloned.1.call-start
scs
__scs_entry_jumppad:
0x0: {  	(pc) =	sbr.rel $0x88, $3  }
0x1: {  	(tag) =	ssettag $0x0;
	lr =	simm.s32 $0x1  }
0x2: {  	[smem:$0x3F96] =	sst lr;
	_ =	strace $0xD0000000  }
0x3: {  	_ = 	snop  }
0x4: {  	_ = 	snop  }
0x5: {  	_ = 	snop  }
0x6: {  	_ = 	snop  }
0x7: {  	_ = 	snop  }
__scs_overlays_trampoline_lowered:
0x8: {  	[smem:$0x3FA5] =	sst s0  }
0x9: {  	[smem:$0x3FA6] =	sst s1  }
0xa: {  	[smem:$0x3FA7] =	sst s2  }
0xb: {  	[smem:$0x3FA8] =	sst s3  }
0xc: {  	[smem:$0x3FA9] =	sst s4  }
0xd: {  	[smem:$0x3FAA] =	sst s5  }
0xe: {  	[smem:$0x3FAB] =	sst s6  }
0xf: {  	[smem:$0x3FAC] =	sst s7  }
0x10: {  	[smem:$0x3FAD] =	sst s8  }
0x11: {  	[smem:$0x3FAE] =	sst s9;
	s0 =	simm.s32 @!p0 $0x0  }
0x12: {  	s1 =	sld [smem:$0x3F94];
	s0 =	simm.s32 @p0 $0x1  }
0x13: {  	[smem:$0x3FAF] =	sst s0;
	s0 =	simm.s32 @!p1 $0x0  }
0x14: {  	s2 =	sld [smem:$0x3F93];
	s0 =	simm.s32 @p1 $0x1  }
0x15: {  	[smem:$0x3FB0] =	sst s0;
	s0 =	simm.s32 @!p2 $0x0  }
0x16: {  	s3 =	sld [smem:$0x3FDB];
	s0 =	simm.s32 @p2 $0x1  }
0x17: {  	s4 =	simm.s32 $0x1BF5;
	[smem:$0x3FB2] =	sst s0  }
0x18: {  	s0 =	sld [smem:$0x3F95];
	_ =	swait.ge [sflag:s4], $0x0  }
0x19: {  	s7 =	sld [smem:$0x3F96]  }
0x1a: {  	s8 =	sadd.s32 $0xFFFFE003, lr  }
0x1b: {  	s9 =	sadd.s32 $0xFFFFFEF7, lr;
	s5 =	simm.s32 $0xFFFFFFFF;
	p2 =	slt.u32 s8, $0xFFFFF086  }
0x1c: {  	p1 =	slt.u32 s9, $0xF7A;
	s5 =	simm.s32 @!p2 $0x0  }
0x1d: {  	s5 =	simm.s32 @p1 $0x1;
	p0 =	seq.s32 s7, s2  }
0x1e: {  	s7 =	smul.u32 @!p0 $0xF7A, s2;
	p2 =	seq.s32 @!p0 s5, $0x0  }
0x1f: {  	s9 =	smul.u32 $0xF7A, s1;
	s8 =	simm.s32 @!p0 $0x1BF5;
	p2 =	por !p2, p0  }
0x20: {  	[sflag:s8] =	ssyncset.s32 @!p0 $0xFFFFF086;
	s6 =	sadd.s32 @!p0 s3, s7;
	s7 =	simm.s32 @!p0 $0x108  }
0x21: {  	s3 =	sadd.s32 s3, s9;
	s6 =	sadd.s32 @!p0 $0x88, s6;
	s7 =	simm.s32 @p2 $0x1082  }
0x22: {  	[simem:s7], [sflag:s8] =	dma.local @!p0 [hbm:s6], $0xF7A  }
0x23: {  	s9 =	sor.u32 $0xD0000000, s2;
	s6 =	simm.s32 $0x108;
	_ =	swait.ge @!p0 [sflag:s8], $0x0  }
0x24: {  	s3 =	sadd.s32 $0x88, s3;
	s6 =	simm.s32 @!p1 $0x1082;
	[sflag:s4] =	ssyncset.s32 $0xFFFFF086  }
0x25: {  	[simem:s6], [sflag:s4] =	dma.local [hbm:s3], $0xF7A  }
0x26: {  	[smem:$0x3F96] =	sst s1;
	(tag) =	ssettag s2;
	_ =	strace s9  }
0x27: {  	s1 =	sld [smem:$0x3FA6]  }
0x28: {  	s2 =	sld [smem:$0x3FA7]  }
0x29: {  	s4 =	sld [smem:$0x3FA9]  }
0x2a: {  	p0 =	seq.s32 s5, $0x0;
	s5 =	sld [smem:$0x3FAA]  }
0x2b: {  	s6 =	sld [smem:$0x3FAB]  }
0x2c: {  	s7 =	sld [smem:$0x3FAC]  }
0x2d: {  	s3 =	simm.s32 $0x108;
	s8 =	sld [smem:$0x3FAD]  }
0x2e: {  	s3 =	simm.s32 @!p0 $0x1082;
	s9 =	sld [smem:$0x3FAE]  }
0x2f: {  	lr =	sadd.s32 s0, s3;
	s0 =	sld [smem:$0x3FA5]  }
0x30: {  	s3 =	sld [smem:$0x3FA8]  }
0x31: {  	[smem:$0x3FB1] =	sst s10  }
0x32: {  	s10 =	sld [smem:$0x3FAF];
	_ =	sdelay $0x3  }
0x33: {  	p0 =	seq.s32 s10, $0x1;
	s10 =	sld [smem:$0x3FB1];
	_ =	sdelay $0x3  }
0x34: {  	[smem:$0x3FB1] =	sst s10  }
0x35: {  	s10 =	sld [smem:$0x3FB0];
	_ =	sdelay $0x3  }
0x36: {  	p1 =	seq.s32 s10, $0x1;
	s10 =	sld [smem:$0x3FB1];
	_ =	sdelay $0x3  }
0x37: {  	[smem:$0x3FB1] =	sst s10  }
0x38: {  	s10 =	sld [smem:$0x3FB2]  }
0x39: {  	_ = 	snop;
	(pc) =	sbr.ind lr, $3  }
0x3a: {  	_ = 	snop  }
0x3b: {  	_ = 	snop  }
0x3c: {  	p2 =	seq.s32 s10, $0x1;
	s10 =	sld [smem:$0x3FB1]  }
0x3d: {  	_ =	shalt  }
0x3e: {  	_ =	shalt  }
0x3f: {  	_ =	shalt  }
0x40: {  	_ =	shalt  }
0x41: {  	_ =	shalt  }
0x42: {  	_ =	shalt  }
0x43: {  	_ =	shalt  }
0x44: {  	_ =	shalt  }
0x45: {  	_ =	shalt  }
0x46: {  	_ =	shalt  }
0x47: {  	_ =	shalt  }
0x48: {  	_ =	shalt  }
0x49: {  	_ =	shalt  }
0x4a: {  	_ =	shalt  }
0x4b: {  	_ =	shalt  }
0x4c: {  	_ =	shalt  }
0x4d: {  	_ =	shalt  }
0x4e: {  	_ =	shalt  }
0x4f: {  	_ =	shalt  }
0x50: {  	_ =	shalt  }
0x51: {  	_ =	shalt  }
0x52: {  	_ =	shalt  }
0x53: {  	_ =	shalt  }
0x54: {  	_ =	shalt  }
0x55: {  	_ =	shalt  }
0x56: {  	_ =	shalt  }
0x57: {  	_ =	shalt  }
0x58: {  	_ =	shalt  }
0x59: {  	_ =	shalt  }
0x5a: {  	_ =	shalt  }
0x5b: {  	_ =	shalt  }
0x5c: {  	_ =	shalt  }
0x5d: {  	_ =	shalt  }
0x5e: {  	_ =	shalt  }
0x5f: {  	_ =	shalt  }
0x60: {  	_ =	shalt  }
0x61: {  	_ =	shalt  }
0x62: {  	_ =	shalt  }
0x63: {  	_ =	shalt  }
0x64: {  	_ =	shalt  }
0x65: {  	_ =	shalt  }
0x66: {  	_ =	shalt  }
0x67: {  	_ =	shalt  }
0x68: {  	_ =	shalt  }
0x69: {  	_ =	shalt  }
0x6a: {  	_ =	shalt  }
0x6b: {  	_ =	shalt  }
0x6c: {  	_ =	shalt  }
0x6d: {  	_ =	shalt  }
0x6e: {  	_ =	shalt  }
0x6f: {  	_ =	shalt  }
0x70: {  	_ =	shalt  }
0x71: {  	_ =	shalt  }
0x72: {  	_ =	shalt  }
0x73: {  	_ =	shalt  }
0x74: {  	_ =	shalt  }
0x75: {  	_ =	shalt  }
0x76: {  	_ =	shalt  }
0x77: {  	_ =	shalt  }
0x78: {  	_ =	shalt  }
0x79: {  	_ =	shalt  }
0x7a: {  	_ =	shalt  }
0x7b: {  	_ =	shalt  }
0x7c: {  	_ =	shalt  }
0x7d: {  	_ =	shalt  }
0x7e: {  	_ =	shalt  }
0x7f: {  	_ =	shalt  }
0x80: {  	_ =	shalt  }
0x81: {  	_ =	shalt  }
0x82: {  	_ =	shalt  }
0x83: {  	_ =	shalt  }
0x84: {  	_ =	shalt  }
0x85: {  	_ =	shalt  }
0x86: {  	_ =	shalt  }
0x87: {  	_ =	shalt  }
.Lfunc_end0:
.L_simem_size_0:
called_computation_lowered:
.L_overlay_start_0:
0x88: {  	s2 =	sld [smem:$0x3FD9]  }
0x89: {  	s3 =	sld [smem:$0x3FFE];
	_ =	sdelay $0x1  }
0x8a: {  	s1 =	srdreg.scid  }
0x8b: {  	s0 =	sand.u32 $0x1, s1  }
0x8c: {  	s17 =	sshll.u32 s0, $0xA;
	s2 =	sadd.s32 s3, s2  }
0x8d: {  	s2 =	sadd.s32 s2, s17  }
0x8e: {  	[smem:$0x3FBD] =	sst s2  }
0x8f: {  	_ = 	snop  }
0x90: {  	s2 =	sld [smem:$0x3FD0];
	(tm) =	ssettm $0x1  }
0x91: {  	s18 =	sld [smem:$0x3FFB];
	_ =	sdelay $0x3  }
0x92: {  	_ =	strace s18  }
0x93: {  	s3 =	sld [smem:$0x3FFC];
	_ =	sdelay $0x3  }
0x94: {  	_ =	strace s3  }
0x95: {  	s3 =	sld [smem:$0x3FFD];
	_ =	sdelay $0x3  }
0x96: {  	_ =	strace s3  }
0x97: {  	_ =	strace $0x8FFFFFFF  }
0x98: {  	s19 =	sld [smem:$0x3FDB];
	_ =	sdelay $0x1  }
0x99: {  	s4 =	simm.s32 $_scs_section_size  }
0x9a: {  	s5 =	simm.s32 $_size__tile_overlayer_lowered;
	s6 =	simm.s32 $_tile_overlayer_lowered  }
0x9b: {  	s22 =	simm.s32 $0x1BFF;
	s21 =	sshll.u32 s6, $0x1;
	s3 =	sadd.s32 s4, s19  }
0x9c: {  	s7 =	simm.s32 $0x0;
	s20 =	sshll.u32 s5, $0x1;
	s5 =	sadd.s32 s21, s3  }
0x9d: {  	[timem:s7], [sflag:s22] =	dma.local [hbm:s5], s20  }
0x9e: {  	_ =	swait.ge [sflag:s22], s20  }
0x9f: {  	s4 =	ssub.s32 $0x0, s20;
	[sflag:s22] =	ssyncset.done $0x0  }
0xa0: {  	[sflag:s22] =	ssyncadd.s32 s4;
	_ =	sdelay $0x1  }
0xa1: {  	s23 =	simm.s32 $0x1B8B  }
0xa2: {  	_ =	swait.ge [sflag:s23], $0x1  }
0xa3: {  	[sflag:s23] =	ssyncset.done $0x0  }
0xa4: {  	s25 =	simm.s32 $0x1B8E;
	s24 =	sld [smem:$0x3FFE];
	[sflag:s23] =	ssyncadd.s32 $0xFFFFFFFF  }
0xa5: {  	s26 =	simm.s32 $execute0_lowered;
	[smem:$0x3FD2] =	sst s25  }
0xa6: {  	s5 =	sshll.u32 s26, $0x1;
	_ =	strace $0x80000046;
	[dreg:$0x1] =	wrdreg $0xFFFFFFFF  }
0xa7: {  	s28 =	simm.s32 $_size_execute0_lowered;
	s3 =	sadd.s32 s3, s5;
	[dreg:$0x0] =	wrdreg $0x0  }
0xa8: {  	s5 =	sshll.u32 s28, $0x1;
	[dreg:$0x2] =	wrdreg s3  }
0xa9: {  	[dreg:$0x3] =	wrdreg s5  }
0xaa: {  	[dreg:$0x4] =	wrdreg $0xC0  }
0xab: {  	_ =	task [dreg:s7], $0x5FFFF  }
0xac: {  	[dreg:$0x1] =	wrdreg $0xFFFFFFFF  }
0xad: {  	[dreg:$0x0] =	wrdreg $0x60  }
0xae: {  	[dreg:$0x2] =	wrdreg s2  }
0xaf: {  	[dreg:$0x3] =	wrdreg s24  }
0xb0: {  	[dreg:$0x4] =	wrdreg $0x90000  }
0xb1: {  	[dreg:$0x5] =	wrdreg $0x9  }
0xb2: {  	_ =	task.clear_ibuf [dreg:s7], $0x6FFFF;
	_ =	strace $0x90000046  }
0xb3: {  	s29 =	simm.s32 $0x9;
	_ =	strace $0x80000048  }
0xb4: {  	_ =	swait.ge [sflag:s29], $0x1  }
0xb5: {  	[sflag:s29] =	ssyncadd.s32 $0xFFFFFFFF  }
0xb6: {  	_ =	strace $0x90000048  }
0xb7: {  	_ =	sfence  }
0xb8: {  	s30 =	sld [smem:$0x0];
	_ =	sdelay $0x2  }
0xb9: {  	s31 =	sshll.u32 s1, $0xD;
	s1 =	sshrl.u32 s1, $0x2  }
0xba: {  	s3 =	sand.u32 $0x4000, s31;
	s1 =	sadd.s32 s1, s30  }
0xbb: {  	s0 =	sor.u32 s3, s0;
	s1 =	sshll.u32 s1, $0x11  }
0xbc: {  	s0 =	sor.u32 s1, s0  }
0xbd: {  	s0 =	sadd.s32 $0x8F2B, s0  }
0xbe: {  	[sflag:s0] =	ssyncadd.remote.s32 $0x1  }
0xbf: {  	_ =	sfence.sel $0xFFFF  }
0xc0: {  	[dreg:$0x0] =	wrdreg $0xFFFFFFFF;
	(pc) =	sbr.abs _section_cstart, $3  }
0xc1: {  	[dreg:$0x1] =	wrdreg $0xFFFFFFFF  }
0xc2: {  	_ =	task.clear_ibuf [dreg:s7], $0x2FFFF;
	_ =	strace $0x9FFFFFFF  }
0xc3: {  	(tm) =	ssettm $0x7FFFFFFF  }
tec
execute0_lowered:
.L_overlay_start_1:
0x0: {  	(tag) =	ssettag $0x1  }
0x1: {  	s1 =	rddreg [dreg:$0x0]  }
0x2: {  	s0 =	rddreg [dreg:$0x1]  }
0x3: {  	s2 =	rddreg [dreg:$0x2];
	s4 =	simm.s32 $0x0  }
0x4: {  	s3 =	srdreg.scid;
	s12 =	stileid.u32;
	s28 =	simm.s32 $0x200  }
0x5: {  	s29 =	simm.s32 $0xA00;
	s30 =	simm.s32 $0x280;
	s6 =	smul.u32 $0x13C00, s12  }
0x6: {  	s31 =	simm.s32 $0xA80;
	[smem:$0x7FF] =	sst s4;
	s15 =	smul.u32 $0x4F000, s12  }
0x7: {  	s3 =	sand.u32 $0x1, s3;
	s7 =	sadd.s32 $0xC800, s0;
	s21 =	smul.u32 $0xA00, s12  }
0x8: {  	s8 =	sadd.s32 $0x2800, s0;
	s9 =	sshll.u32 s12, $0x1;
	s5 =	smul.u32 $0x13C000, s3  }
0x9: {  	s14 =	sor.u32 s3, s9;
	s10 =	ssub.s32 $0x2, s3;
	s3 =	smul.u32 $0x500, s3  }
0xa: {  	_ =	strace $0x80000047;
	s11 =	smul.u32 $0x500, s14;
	s16 =	sshrl.u32 s10, $0x1  }
0xb: {  	s17 =	sshrl.u32 s15, $0x2;
	s25 =	sadd.s32 s21, s8;
	s26 =	sadd.s32 s21, s7  }
0xc: {  	s21 =	simm.s32 $0x2;
	s5 =	sadd.s32 s6, s5;
	s6 =	sadd.s32 s17, s2  }
0xd: {  	s14 =	sadd.s32 s3, s25;
	s15 =	sadd.s32 s3, s26;
	s17 =	simm.s32 $0x800  }
0xe: {  	s25 =	simm.s32 $0x180;
	s26 =	simm.s32 $0x980;
	s18 =	sadd.s32 s7, s11  }
0xf: {  	s3 =	simm.s32 $0xB00;
	s19 =	sadd.s32 s8, s11;
	[dreg:$0x4] =	wrdreg s18  }
0x10: {  	s5 =	sshrl.u32 s5, $0x3;
	s20 =	sadd.s32 $0x4000, s6;
	[dreg:$0x5] =	wrdreg s19  }
0x11: {  	s22 =	sadd.s32 $0x8000, s6;
	s23 =	sadd.s32 $0xC000, s6;
	[dreg:$0x6] =	wrdreg s20  }
0x12: {  	s24 =	sadd.s32 $0x10000, s6;
	s7 =	simm.s32 $0xB80;
	[dreg:$0x7] =	wrdreg s22  }
0x13: {  	s8 =	simm.s32 $0x0;
	s0 =	sadd.s32 s5, s0;
	[dreg:$0x8] =	wrdreg s23  }
0x14: {  	s5 =	ssub.s32 s10, s16;
	[dreg:$0x9] =	wrdreg s24;
	s16 =	simm.s32 $0x3  }
0x15: {  	s18 =	simm.s32 $0x1000;
	s19 =	simm.s32 $0x80;
	s20 =	simm.s32 $0x1  }
0x16: {  	s22 =	simm.s32 $0x880;
	s23 =	simm.s32 $0x100;
	s0 =	sadd.s32 $0x16800, s0  }
0x17: {  	s24 =	simm.s32 $0x900;
	s5 =	smax.u32 s5, $0x1;
	[dreg:$0xa] =	wrdreg s0  }
0x18: {  	v0 =	vimm.f32 $0.0e+00;
	[dreg:$0xb] =	wrdreg s5;
	s0 =	simm.s32 $0x300;
	s5 =	simm.s32 $0x380  }
.LBB2_1:
0x19: {  	s9 =	rddreg [dreg:$0x4]  }
0x1a: {  	[tilespmem:s4], [sflag:$0x3] =	stream.linear.gather [hbm4b:s9+s4], $0x400, $0x38;
	[tilespmem:$0x1CC00] =	vst v63  }
0x1b: {  	_ =	swait.ge [sflag:s16], $0x400  }
0x1c: {  	[sflag:s16] =	ssyncset.done $0x0  }
0x1d: {  	s13 =	rddreg [dreg:$0x5];
	[sflag:s16] =	ssyncadd.s32 $0xFFFFFC00  }
0x1e: {  	[tilespmem:s17], [sflag:$0x3] =	stream.linear.gather [hbm4b:s13+s4], $0x400, $0x38;
	[tilespmem:$0x1CC00] =	vst v63  }
0x1f: {  	_ =	swait.ge [sflag:s16], $0x400  }
0x20: {  	[sflag:s16] =	ssyncset.done $0x0  }
0x21: {  	s10 =	simm.s32 $0x200;
	s9 =	simm.s32 $0x0;
	[sflag:s16] =	ssyncadd.s32 $0xFFFFFC00  }
.LBB2_2:
0x22: {  	p0 =	sne.s32 s10, $0xFE00;
	[tilespmem:s9+$0x1070] =	vst v0  }
0x23: {  	[tilespmem:s9+$0x1000] =	vst v0  }
0x24: {  	[tilespmem:s9+$0x1010] =	vst v0  }
.Ltmp0:
0x25: {  	[tilespmem:s9+$0x1020] =	vst v0;
	(pc) =	sbr.rel @p0 .LBB2_2-.Ltmp0, $4  }
0x26: {  	[tilespmem:s9+$0x1030] =	vst v0  }
0x27: {  	[tilespmem:s9+$0x1040] =	vst v0  }
0x28: {  	[tilespmem:s9+$0x1050] =	vst v0  }
0x29: {  	[tilespmem:s9+$0x1060] =	vst v0;
	s9 =	sshra.s32 s10, $0x2;
	s10 =	sadd.s32 $0x200, s10  }
0x2a: {  	[tilespmem:s9+$0x1070] =	vst v0  }
0x2b: {  	[tilespmem:s9+$0x1000] =	vst v0  }
0x2c: {  	[tilespmem:s9+$0x1010] =	vst v0  }
0x2d: {  	[tilespmem:s9+$0x1020] =	vst v0  }
0x2e: {  	[tilespmem:s9+$0x1030] =	vst v0  }
0x2f: {  	[tilespmem:s9+$0x1040] =	vst v0  }
0x30: {  	[tilespmem:s9+$0x1050] =	vst v0  }
0x31: {  	[tilespmem:s9+$0x1060] =	vst v0  }
0x32: {  	[spmem:s6] =	stream.linear.scatter [tilespmem:s18], [sflag:$0x3], $0x4000, $0x38;
	[tilespmem:$0x1CC00] =	vst v63  }
0x33: {  	_ =	swait.ge [sflag:s16], $0x4000  }
0x34: {  	[sflag:s16] =	ssyncset.done $0x0  }
0x35: {  	s12 =	rddreg [dreg:$0x6];
	[sflag:s16] =	ssyncadd.s32 $0xFFFFC000  }
0x36: {  	[spmem:s12] =	stream.linear.scatter [tilespmem:s18], [sflag:$0x3], $0x4000, $0x38;
	[tilespmem:$0x1CC00] =	vst v63  }
0x37: {  	_ =	swait.ge [sflag:s16], $0x4000  }
0x38: {  	[sflag:s16] =	ssyncset.done $0x0  }
0x39: {  	s13 =	rddreg [dreg:$0x7];
	[sflag:s16] =	ssyncadd.s32 $0xFFFFC000  }
0x3a: {  	[spmem:s13] =	stream.linear.scatter [tilespmem:s18], [sflag:$0x3], $0x4000, $0x38;
	[tilespmem:$0x1CC00] =	vst v63  }
0x3b: {  	_ =	swait.ge [sflag:s16], $0x4000  }
0x3c: {  	[sflag:s16] =	ssyncset.done $0x0  }
0x3d: {  	s10 =	rddreg [dreg:$0x8];
	[sflag:s16] =	ssyncadd.s32 $0xFFFFC000  }
0x3e: {  	[spmem:s10] =	stream.linear.scatter [tilespmem:s18], [sflag:$0x3], $0x4000, $0x38;
	[tilespmem:$0x1CC00] =	vst v63  }
0x3f: {  	_ =	swait.ge [sflag:s16], $0x4000  }
0x40: {  	[sflag:s16] =	ssyncset.done $0x0  }
0x41: {  	s11 =	rddreg [dreg:$0x9];
	[sflag:s16] =	ssyncadd.s32 $0xFFFFC000  }
0x42: {  	[spmem:s11] =	stream.linear.scatter [tilespmem:s18], [sflag:$0x3], $0x3C00, $0x38;
	[tilespmem:$0x1CC00] =	vst v63  }
0x43: {  	_ =	swait.ge [sflag:s16], $0x3C00  }
0x44: {  	[sflag:s16] =	ssyncset.done $0x0  }
0x45: {  	[sflag:s16] =	ssyncadd.s32 $0xFFFFC400  }
0x46: {  	s12 =	sadd.s32 $0x0, s15;
	[bflag:$0x0] =	sbarrier.arrive $0xFFFF  }
0x47: {  	[tilespmem:s4], [sflag:$0x3] =	stream.linear.gather [hbm4b:s12+s4], $0x400, $0x38;
	[tilespmem:$0x1CC00] =	vst v63  }
0x48: {  	_ =	swait.ge [sflag:s16], $0x400  }
0x49: {  	[sflag:s16] =	ssyncset.done $0x0  }
0x4a: {  	s13 =	sadd.s32 $0x0, s14;
	[sflag:s16] =	ssyncadd.s32 $0xFFFFFC00  }
0x4b: {  	[tilespmem:s17], [sflag:$0x3] =	stream.linear.gather [hbm4b:s13+s4], $0x400, $0x38;
	[tilespmem:$0x1CC00] =	vst v63  }
0x4c: {  	_ =	swait.ge [sflag:s16], $0x400  }
0x4d: {  	[sflag:s16] =	ssyncset.done $0x0  }
0x4e: {  	[sflag:s16] =	ssyncadd.s32 $0xFFFFFC00  }
0x4f: {  	[tilespmem:s18], [sflag:$0x1] =	stream.indirect.gather [hbm4b:s1+s19], $0x80, s4, s19, $0xb8;
	[tilespmem:$0x1CC00] =	vst v63  }
0x50: {  	_ =	swait.ge [sflag:s20], $0x4000  }
0x51: {  	[sflag:s20] =	ssyncset.done $0x0  }
0x52: {  	[sflag:s20] =	ssyncadd.s32 $0xFFFFC000  }
0x53: {  	[spmem:s2] =	stream.indirect.scatter.add.f32 [tilespmem:s18], [sflag:$0x2], $0x80, s17, s19, $0xb8;
	[tilespmem:$0x1CC00] =	vst v63  }
0x54: {  	_ =	swait.ge [sflag:s21], $0x4000  }
0x55: {  	[sflag:s21] =	ssyncset.done $0x0  }
0x56: {  	[sflag:s21] =	ssyncadd.s32 $0xFFFFC000  }
0x57: {  	[tilespmem:s18], [sflag:$0x1] =	stream.indirect.gather [hbm4b:s1+s19], $0x80, s19, s19, $0xb8;
	[tilespmem:$0x1CC00] =	vst v63  }
0x58: {  	_ =	swait.ge [sflag:s20], $0x4000  }
0x59: {  	[sflag:s20] =	ssyncset.done $0x0  }
0x5a: {  	[sflag:s20] =	ssyncadd.s32 $0xFFFFC000  }
0x5b: {  	[spmem:s2] =	stream.indirect.scatter.add.f32 [tilespmem:s18], [sflag:$0x2], $0x80, s22, s19, $0xb8;
	[tilespmem:$0x1CC00] =	vst v63  }
0x5c: {  	_ =	swait.ge [sflag:s21], $0x4000  }
0x5d: {  	[sflag:s21] =	ssyncset.done $0x0  }
0x5e: {  	[sflag:s21] =	ssyncadd.s32 $0xFFFFC000  }
0x5f: {  	[tilespmem:s18], [sflag:$0x1] =	stream.indirect.gather [hbm4b:s1+s19], $0x80, s23, s19, $0xb8;
	[tilespmem:$0x1CC00] =	vst v63  }
0x60: {  	_ =	swait.ge [sflag:s20], $0x4000  }
0x61: {  	[sflag:s20] =	ssyncset.done $0x0  }
0x62: {  	[sflag:s20] =	ssyncadd.s32 $0xFFFFC000  }
0x63: {  	[spmem:s2] =	stream.indirect.scatter.add.f32 [tilespmem:s18], [sflag:$0x2], $0x80, s24, s19, $0xb8;
	[tilespmem:$0x1CC00] =	vst v63  }
0x64: {  	_ =	swait.ge [sflag:s21], $0x4000  }
0x65: {  	[sflag:s21] =	ssyncset.done $0x0  }
0x66: {  	[sflag:s21] =	ssyncadd.s32 $0xFFFFC000  }
0x67: {  	[tilespmem:s18], [sflag:$0x1] =	stream.indirect.gather [hbm4b:s1+s19], $0x80, s25, s19, $0xb8;
	[tilespmem:$0x1CC00] =	vst v63  }
0x68: {  	_ =	swait.ge [sflag:s20], $0x4000  }
0x69: {  	[sflag:s20] =	ssyncset.done $0x0  }
0x6a: {  	[sflag:s20] =	ssyncadd.s32 $0xFFFFC000  }
0x6b: {  	[spmem:s2] =	stream.indirect.scatter.add.f32 [tilespmem:s18], [sflag:$0x2], $0x80, s26, s19, $0xb8;
	[tilespmem:$0x1CC00] =	vst v63  }
0x6c: {  	_ =	swait.ge [sflag:s21], $0x4000  }
0x6d: {  	[sflag:s21] =	ssyncset.done $0x0  }
0x6e: {  	[sflag:s21] =	ssyncadd.s32 $0xFFFFC000  }
0x6f: {  	[tilespmem:s18], [sflag:$0x1] =	stream.indirect.gather [hbm4b:s1+s19], $0x80, s28, s19, $0xb8;
	[tilespmem:$0x1CC00] =	vst v63  }
0x70: {  	_ =	swait.ge [sflag:s20], $0x4000  }
0x71: {  	[sflag:s20] =	ssyncset.done $0x0  }
0x72: {  	[sflag:s20] =	ssyncadd.s32 $0xFFFFC000  }
0x73: {  	[spmem:s2] =	stream.indirect.scatter.add.f32 [tilespmem:s18], [sflag:$0x2], $0x80, s29, s19, $0xb8;
	[tilespmem:$0x1CC00] =	vst v63  }
0x74: {  	_ =	swait.ge [sflag:s21], $0x4000  }
0x75: {  	[sflag:s21] =	ssyncset.done $0x0  }
0x76: {  	[sflag:s21] =	ssyncadd.s32 $0xFFFFC000  }
0x77: {  	[tilespmem:s18], [sflag:$0x1] =	stream.indirect.gather [hbm4b:s1+s19], $0x80, s30, s19, $0xb8;
	[tilespmem:$0x1CC00] =	vst v63  }
0x78: {  	_ =	swait.ge [sflag:s20], $0x4000  }
0x79: {  	[sflag:s20] =	ssyncset.done $0x0  }
0x7a: {  	[sflag:s20] =	ssyncadd.s32 $0xFFFFC000  }
0x7b: {  	[spmem:s2] =	stream.indirect.scatter.add.f32 [tilespmem:s18], [sflag:$0x2], $0x80, s31, s19, $0xb8;
	[tilespmem:$0x1CC00] =	vst v63  }
0x7c: {  	_ =	swait.ge [sflag:s21], $0x4000  }
0x7d: {  	[sflag:s21] =	ssyncset.done $0x0  }
0x7e: {  	[sflag:s21] =	ssyncadd.s32 $0xFFFFC000  }
0x7f: {  	[tilespmem:s18], [sflag:$0x1] =	stream.indirect.gather [hbm4b:s1+s19], $0x80, s0, s19, $0xb8;
	[tilespmem:$0x1CC00] =	vst v63  }
0x80: {  	_ =	swait.ge [sflag:s20], $0x4000  }
0x81: {  	[sflag:s20] =	ssyncset.done $0x0  }
0x82: {  	[sflag:s20] =	ssyncadd.s32 $0xFFFFC000  }
0x83: {  	[spmem:s2] =	stream.indirect.scatter.add.f32 [tilespmem:s18], [sflag:$0x2], $0x80, s3, s19, $0xb8;
	[tilespmem:$0x1CC00] =	vst v63  }
0x84: {  	_ =	swait.ge [sflag:s21], $0x4000  }
0x85: {  	[sflag:s21] =	ssyncset.done $0x0  }
0x86: {  	[sflag:s21] =	ssyncadd.s32 $0xFFFFC000  }
0x87: {  	[tilespmem:s18], [sflag:$0x1] =	stream.indirect.gather [hbm4b:s1+s19], $0x80, s5, s19, $0xb8;
	[tilespmem:$0x1CC00] =	vst v63  }
0x88: {  	_ =	swait.ge [sflag:s20], $0x4000  }
0x89: {  	[sflag:s20] =	ssyncset.done $0x0  }
0x8a: {  	[sflag:s20] =	ssyncadd.s32 $0xFFFFC000  }
0x8b: {  	[spmem:s2] =	stream.indirect.scatter.add.f32 [tilespmem:s18], [sflag:$0x2], $0x80, s7, s19, $0xb8;
	[tilespmem:$0x1CC00] =	vst v63  }
0x8c: {  	_ =	swait.ge [sflag:s21], $0x4000  }
0x8d: {  	s9 =	simm.s32 $0x80;
	s10 =	simm.s32 $0x100;
	[sflag:s21] =	ssyncset.done $0x0  }
.LBB2_4:
0x8e: {  	s12 =	sadd.s32 s9, s15  }
0x8f: {  	[sflag:s21] =	ssyncadd.s32 $0xFFFFC000;
	s13 =	smov.u32 s10;
	s11 =	sadd.s32 $0x80, s10  }
0x90: {  	[tilespmem:s4], [sflag:$0x3] =	stream.linear.gather [hbm4b:s12+s4], $0x400, $0x38;
	[tilespmem:$0x1CC00] =	vst v63  }
0x91: {  	p0 =	sne.s32 s10, $0x480;
	_ =	swait.ge [sflag:s16], $0x400  }
0x92: {  	[sflag:s16] =	ssyncset.done $0x0  }
0x93: {  	s10 =	sadd.s32 s9, s14;
	s9 =	smov.u32 s13;
	[sflag:s16] =	ssyncadd.s32 $0xFFFFFC00  }
0x94: {  	[tilespmem:s17], [sflag:$0x3] =	stream.linear.gather [hbm4b:s10+s4], $0x400, $0x38;
	[tilespmem:$0x1CC00] =	vst v63  }
0x95: {  	_ =	swait.ge [sflag:s16], $0x400  }
0x96: {  	[sflag:s16] =	ssyncset.done $0x0  }
0x97: {  	[sflag:s16] =	ssyncadd.s32 $0xFFFFFC00  }
0x98: {  	[tilespmem:s18], [sflag:$0x1] =	stream.indirect.gather [hbm4b:s1+s19], $0x80, s4, s19, $0xb8;
	[tilespmem:$0x1CC00] =	vst v63  }
0x99: {  	_ =	swait.ge [sflag:s20], $0x4000  }
0x9a: {  	[sflag:s20] =	ssyncset.done $0x0  }
0x9b: {  	[sflag:s20] =	ssyncadd.s32 $0xFFFFC000  }
0x9c: {  	[spmem:s2] =	stream.indirect.scatter.add.f32 [tilespmem:s18], [sflag:$0x2], $0x80, s17, s19, $0xb8;
	[tilespmem:$0x1CC00] =	vst v63  }
0x9d: {  	_ =	swait.ge [sflag:s21], $0x4000  }
0x9e: {  	[sflag:s21] =	ssyncset.done $0x0  }
0x9f: {  	[sflag:s21] =	ssyncadd.s32 $0xFFFFC000  }
0xa0: {  	[tilespmem:s18], [sflag:$0x1] =	stream.indirect.gather [hbm4b:s1+s19], $0x80, s19, s19, $0xb8;
	[tilespmem:$0x1CC00] =	vst v63  }
0xa1: {  	_ =	swait.ge [sflag:s20], $0x4000  }
0xa2: {  	[sflag:s20] =	ssyncset.done $0x0  }
0xa3: {  	[sflag:s20] =	ssyncadd.s32 $0xFFFFC000  }
0xa4: {  	[spmem:s2] =	stream.indirect.scatter.add.f32 [tilespmem:s18], [sflag:$0x2], $0x80, s22, s19, $0xb8;
	[tilespmem:$0x1CC00] =	vst v63  }
0xa5: {  	_ =	swait.ge [sflag:s21], $0x4000  }
0xa6: {  	[sflag:s21] =	ssyncset.done $0x0  }
0xa7: {  	[sflag:s21] =	ssyncadd.s32 $0xFFFFC000  }
0xa8: {  	[tilespmem:s18], [sflag:$0x1] =	stream.indirect.gather [hbm4b:s1+s19], $0x80, s23, s19, $0xb8;
	[tilespmem:$0x1CC00] =	vst v63  }
0xa9: {  	_ =	swait.ge [sflag:s20], $0x4000  }
0xaa: {  	[sflag:s20] =	ssyncset.done $0x0  }
0xab: {  	[sflag:s20] =	ssyncadd.s32 $0xFFFFC000  }
0xac: {  	[spmem:s2] =	stream.indirect.scatter.add.f32 [tilespmem:s18], [sflag:$0x2], $0x80, s24, s19, $0xb8;
	[tilespmem:$0x1CC00] =	vst v63  }
0xad: {  	_ =	swait.ge [sflag:s21], $0x4000  }
0xae: {  	[sflag:s21] =	ssyncset.done $0x0  }
0xaf: {  	[sflag:s21] =	ssyncadd.s32 $0xFFFFC000  }
0xb0: {  	[tilespmem:s18], [sflag:$0x1] =	stream.indirect.gather [hbm4b:s1+s19], $0x80, s25, s19, $0xb8;
	[tilespmem:$0x1CC00] =	vst v63  }
0xb1: {  	_ =	swait.ge [sflag:s20], $0x4000  }
0xb2: {  	[sflag:s20] =	ssyncset.done $0x0  }
0xb3: {  	[sflag:s20] =	ssyncadd.s32 $0xFFFFC000  }
0xb4: {  	[spmem:s2] =	stream.indirect.scatter.add.f32 [tilespmem:s18], [sflag:$0x2], $0x80, s26, s19, $0xb8;
	[tilespmem:$0x1CC00] =	vst v63  }
0xb5: {  	_ =	swait.ge [sflag:s21], $0x4000  }
0xb6: {  	[sflag:s21] =	ssyncset.done $0x0  }
0xb7: {  	[sflag:s21] =	ssyncadd.s32 $0xFFFFC000  }
0xb8: {  	[tilespmem:s18], [sflag:$0x1] =	stream.indirect.gather [hbm4b:s1+s19], $0x80, s28, s19, $0xb8;
	[tilespmem:$0x1CC00] =	vst v63  }
0xb9: {  	_ =	swait.ge [sflag:s20], $0x4000  }
0xba: {  	[sflag:s20] =	ssyncset.done $0x0  }
0xbb: {  	[sflag:s20] =	ssyncadd.s32 $0xFFFFC000  }
0xbc: {  	[spmem:s2] =	stream.indirect.scatter.add.f32 [tilespmem:s18], [sflag:$0x2], $0x80, s29, s19, $0xb8;
	[tilespmem:$0x1CC00] =	vst v63  }
0xbd: {  	_ =	swait.ge [sflag:s21], $0x4000  }
0xbe: {  	[sflag:s21] =	ssyncset.done $0x0  }
0xbf: {  	[sflag:s21] =	ssyncadd.s32 $0xFFFFC000  }
0xc0: {  	[tilespmem:s18], [sflag:$0x1] =	stream.indirect.gather [hbm4b:s1+s19], $0x80, s30, s19, $0xb8;
	[tilespmem:$0x1CC00] =	vst v63  }
0xc1: {  	_ =	swait.ge [sflag:s20], $0x4000  }
0xc2: {  	[sflag:s20] =	ssyncset.done $0x0  }
0xc3: {  	[sflag:s20] =	ssyncadd.s32 $0xFFFFC000  }
0xc4: {  	[spmem:s2] =	stream.indirect.scatter.add.f32 [tilespmem:s18], [sflag:$0x2], $0x80, s31, s19, $0xb8;
	[tilespmem:$0x1CC00] =	vst v63  }
0xc5: {  	_ =	swait.ge [sflag:s21], $0x4000  }
0xc6: {  	[sflag:s21] =	ssyncset.done $0x0  }
0xc7: {  	[sflag:s21] =	ssyncadd.s32 $0xFFFFC000  }
0xc8: {  	[tilespmem:s18], [sflag:$0x1] =	stream.indirect.gather [hbm4b:s1+s19], $0x80, s0, s19, $0xb8;
	[tilespmem:$0x1CC00] =	vst v63  }
0xc9: {  	_ =	swait.ge [sflag:s20], $0x4000  }
0xca: {  	[sflag:s20] =	ssyncset.done $0x0  }
0xcb: {  	[sflag:s20] =	ssyncadd.s32 $0xFFFFC000  }
0xcc: {  	[spmem:s2] =	stream.indirect.scatter.add.f32 [tilespmem:s18], [sflag:$0x2], $0x80, s3, s19, $0xb8;
	[tilespmem:$0x1CC00] =	vst v63  }
0xcd: {  	_ =	swait.ge [sflag:s21], $0x4000  }
0xce: {  	[sflag:s21] =	ssyncset.done $0x0  }
0xcf: {  	[sflag:s21] =	ssyncadd.s32 $0xFFFFC000  }
0xd0: {  	[tilespmem:s18], [sflag:$0x1] =	stream.indirect.gather [hbm4b:s1+s19], $0x80, s5, s19, $0xb8;
	[tilespmem:$0x1CC00] =	vst v63  }
0xd1: {  	_ =	swait.ge [sflag:s20], $0x4000  }
.Ltmp1:
0xd2: {  	[sflag:s20] =	ssyncset.done $0x0;
	(pc) =	sbr.rel @p0 .LBB2_4-.Ltmp1, $4  }
0xd3: {  	[sflag:s20] =	ssyncadd.s32 $0xFFFFC000  }
0xd4: {  	[spmem:s2] =	stream.indirect.scatter.add.f32 [tilespmem:s18], [sflag:$0x2], $0x80, s7, s19, $0xb8;
	[tilespmem:$0x1CC00] =	vst v63  }
0xd5: {  	_ =	swait.ge [sflag:s21], $0x4000  }
0xd6: {  	s10 =	smov.u32 s11;
	[sflag:s21] =	ssyncset.done $0x0  }
0xd7: {  	s10 =	sadd.s32 s9, s15;
	[sflag:s21] =	ssyncadd.s32 $0xFFFFC000  }
0xd8: {  	[tilespmem:s4], [sflag:$0x3] =	stream.linear.gather [hbm4b:s10+s4], $0x400, $0x38;
	[tilespmem:$0x1CC00] =	vst v63  }
0xd9: {  	_ =	swait.ge [sflag:s16], $0x400  }
0xda: {  	[sflag:s16] =	ssyncset.done $0x0  }
0xdb: {  	s10 =	sadd.s32 s9, s14;
	[sflag:s16] =	ssyncadd.s32 $0xFFFFFC00  }
0xdc: {  	[tilespmem:s17], [sflag:$0x3] =	stream.linear.gather [hbm4b:s10+s4], $0x400, $0x38;
	[tilespmem:$0x1CC00] =	vst v63  }
0xdd: {  	_ =	swait.ge [sflag:s16], $0x400  }
0xde: {  	[sflag:s16] =	ssyncset.done $0x0  }
0xdf: {  	[sflag:s16] =	ssyncadd.s32 $0xFFFFFC00  }
0xe0: {  	[tilespmem:s18], [sflag:$0x1] =	stream.indirect.gather [hbm4b:s1+s19], $0x80, s4, s19, $0xb8;
	[tilespmem:$0x1CC00] =	vst v63  }
0xe1: {  	_ =	swait.ge [sflag:s20], $0x4000  }
0xe2: {  	[sflag:s20] =	ssyncset.done $0x0  }
0xe3: {  	[sflag:s20] =	ssyncadd.s32 $0xFFFFC000  }
0xe4: {  	[spmem:s2] =	stream.indirect.scatter.add.f32 [tilespmem:s18], [sflag:$0x2], $0x80, s17, s19, $0xb8;
	[tilespmem:$0x1CC00] =	vst v63  }
0xe5: {  	_ =	swait.ge [sflag:s21], $0x4000  }
0xe6: {  	[sflag:s21] =	ssyncset.done $0x0  }
0xe7: {  	[sflag:s21] =	ssyncadd.s32 $0xFFFFC000  }
0xe8: {  	[tilespmem:s18], [sflag:$0x1] =	stream.indirect.gather [hbm4b:s1+s19], $0x80, s19, s19, $0xb8;
	[tilespmem:$0x1CC00] =	vst v63  }
0xe9: {  	_ =	swait.ge [sflag:s20], $0x4000  }
0xea: {  	[sflag:s20] =	ssyncset.done $0x0  }
0xeb: {  	[sflag:s20] =	ssyncadd.s32 $0xFFFFC000  }
0xec: {  	[spmem:s2] =	stream.indirect.scatter.add.f32 [tilespmem:s18], [sflag:$0x2], $0x80, s22, s19, $0xb8;
	[tilespmem:$0x1CC00] =	vst v63  }
0xed: {  	_ =	swait.ge [sflag:s21], $0x4000  }
0xee: {  	[sflag:s21] =	ssyncset.done $0x0  }
0xef: {  	[sflag:s21] =	ssyncadd.s32 $0xFFFFC000  }
0xf0: {  	[tilespmem:s18], [sflag:$0x1] =	stream.indirect.gather [hbm4b:s1+s19], $0x80, s23, s19, $0xb8;
	[tilespmem:$0x1CC00] =	vst v63  }
0xf1: {  	_ =	swait.ge [sflag:s20], $0x4000  }
0xf2: {  	[sflag:s20] =	ssyncset.done $0x0  }
0xf3: {  	[sflag:s20] =	ssyncadd.s32 $0xFFFFC000  }
0xf4: {  	[spmem:s2] =	stream.indirect.scatter.add.f32 [tilespmem:s18], [sflag:$0x2], $0x80, s24, s19, $0xb8;
	[tilespmem:$0x1CC00] =	vst v63  }
0xf5: {  	_ =	swait.ge [sflag:s21], $0x4000  }
0xf6: {  	[sflag:s21] =	ssyncset.done $0x0  }
0xf7: {  	[sflag:s21] =	ssyncadd.s32 $0xFFFFC000  }
0xf8: {  	[tilespmem:s18], [sflag:$0x1] =	stream.indirect.gather [hbm4b:s1+s19], $0x80, s25, s19, $0xb8;
	[tilespmem:$0x1CC00] =	vst v63  }
0xf9: {  	_ =	swait.ge [sflag:s20], $0x4000  }
0xfa: {  	[sflag:s20] =	ssyncset.done $0x0  }
0xfb: {  	[sflag:s20] =	ssyncadd.s32 $0xFFFFC000  }
0xfc: {  	[spmem:s2] =	stream.indirect.scatter.add.f32 [tilespmem:s18], [sflag:$0x2], $0x80, s26, s19, $0xb8;
	[tilespmem:$0x1CC00] =	vst v63  }
0xfd: {  	_ =	swait.ge [sflag:s21], $0x4000  }
0xfe: {  	[sflag:s21] =	ssyncset.done $0x0  }
0xff: {  	[sflag:s21] =	ssyncadd.s32 $0xFFFFC000  }
0x100: {  	[tilespmem:s18], [sflag:$0x1] =	stream.indirect.gather [hbm4b:s1+s19], $0x80, s28, s19, $0xb8;
	[tilespmem:$0x1CC00] =	vst v63  }
0x101: {  	_ =	swait.ge [sflag:s20], $0x4000  }
0x102: {  	[sflag:s20] =	ssyncset.done $0x0  }
0x103: {  	[sflag:s20] =	ssyncadd.s32 $0xFFFFC000  }
0x104: {  	[spmem:s2] =	stream.indirect.scatter.add.f32 [tilespmem:s18], [sflag:$0x2], $0x80, s29, s19, $0xb8;
	[tilespmem:$0x1CC00] =	vst v63  }
0x105: {  	_ =	swait.ge [sflag:s21], $0x4000  }
0x106: {  	[sflag:s21] =	ssyncset.done $0x0  }
0x107: {  	[sflag:s21] =	ssyncadd.s32 $0xFFFFC000  }
0x108: {  	[tilespmem:s18], [sflag:$0x1] =	stream.indirect.gather [hbm4b:s1+s19], $0x80, s30, s19, $0xb8;
	[tilespmem:$0x1CC00] =	vst v63  }
0x109: {  	_ =	swait.ge [sflag:s20], $0x4000  }
0x10a: {  	[sflag:s20] =	ssyncset.done $0x0  }
0x10b: {  	[sflag:s20] =	ssyncadd.s32 $0xFFFFC000  }
0x10c: {  	[spmem:s2] =	stream.indirect.scatter.add.f32 [tilespmem:s18], [sflag:$0x2], $0x80, s31, s19, $0xb8;
	[tilespmem:$0x1CC00] =	vst v63  }
0x10d: {  	_ =	swait.ge [sflag:s21], $0x4000  }
0x10e: {  	[sflag:s21] =	ssyncset.done $0x0  }
0x10f: {  	[sflag:s21] =	ssyncadd.s32 $0xFFFFC000  }
0x110: {  	[tilespmem:s18], [sflag:$0x1] =	stream.indirect.gather [hbm4b:s1+s19], $0x80, s0, s19, $0xb8;
	[tilespmem:$0x1CC00] =	vst v63  }
0x111: {  	_ =	swait.ge [sflag:s20], $0x4000  }
0x112: {  	[sflag:s20] =	ssyncset.done $0x0  }
0x113: {  	[sflag:s20] =	ssyncadd.s32 $0xFFFFC000  }
0x114: {  	[spmem:s2] =	stream.indirect.scatter.add.f32 [tilespmem:s18], [sflag:$0x2], $0x80, s3, s19, $0xb8;
	[tilespmem:$0x1CC00] =	vst v63  }
0x115: {  	_ =	swait.ge [sflag:s21], $0x4000  }
0x116: {  	[sflag:s21] =	ssyncset.done $0x0  }
0x117: {  	[sflag:s21] =	ssyncadd.s32 $0xFFFFC000  }
0x118: {  	[tilespmem:s18], [sflag:$0x1] =	stream.indirect.gather [hbm4b:s1+s19], $0x80, s5, s19, $0xb8;
	[tilespmem:$0x1CC00] =	vst v63  }
0x119: {  	_ =	swait.ge [sflag:s20], $0x4000  }
0x11a: {  	[sflag:s20] =	ssyncset.done $0x0  }
0x11b: {  	[sflag:s20] =	ssyncadd.s32 $0xFFFFC000  }
0x11c: {  	[spmem:s2] =	stream.indirect.scatter.add.f32 [tilespmem:s18], [sflag:$0x2], $0x80, s7, s19, $0xb8;
	[tilespmem:$0x1CC00] =	vst v63  }
0x11d: {  	_ =	swait.ge [sflag:s21], $0x4000  }
0x11e: {  	[sflag:s21] =	ssyncset.done $0x0  }
0x11f: {  	s11 =	stileid.u32;
	[sflag:s21] =	ssyncadd.s32 $0xFFFFC000  }
0x120: {  	s9 =	sshll.u32 s11, $0x6;
	[bflag:$0x0] =	sbarrier.arrive $0xFFFF  }
0x121: {  	s12 =	sshrl.u32 s6, $0x3;
	s9 =	sor.u32 $0x1C03, s9;
	s11 =	rddreg [dreg:$0xa]  }
0x122: {  	[hbm:s11], [sflag:s9] =	dma.local [spmem:s12], $0x2780  }
0x123: {  	_ =	swait.ge [sflag:s16], $0x2780  }
0x124: {  	s8 =	sadd.s32 $0x1, s8;
	s13 =	rddreg [dreg:$0xb]  }
0x125: {  	p0 =	sne.s32 s8, s13  }
.Ltmp2:
0x126: {  	_ = 	snop;
	(pc) =	sbr.rel @p0 .LBB2_1-.Ltmp2, $3  }
0x127: {  	_ =	sdelay $0x1  }
0x128: {  	[sflag:s16] =	ssyncset.done $0x0  }
0x129: {  	[sflag:s16] =	ssyncadd.s32 $0xFFFFD880  }
0x12a: {  	_ =	sfence.sel $0x180000  }
0x12b: {  	[bflag:$0x0] =	sbarrier.arrive $0xFFFF  }
0x12c: {  	_ =	strace $0x90000047  }
0x12d: {  	s0 =	stileid.u32;
	[bflag:$0x2] =	sbarrier.arrive $0xFFFF  }
0x12e: {  	p0 =	sne.s32 s0, $0x0;
	s0 =	rddreg [dreg:$0x3]  }
0x12f: {  	s0 =	sadd.s32 @!p0 $0x100000, s0  }
0x130: {  	[sflag:s0] =	ssyncadd.tile.s32 @!p0 $0x1;
	_ =	shalt  }
.Lfunc_end2:
_tile_overlayer_lowered:
.L_overlay_start_2:
0x131: {  	(tag) =	ssettag $0x2  }
0x132: {  	s0 =	rddreg [dreg:$0x0];
	s2 =	stileid.u32  }
0x133: {  	s1 =	rddreg [dreg:$0x1];
	p0 =	sne.s32 s2, $0x0  }
0x134: {  	s3 =	rddreg [dreg:$0x2];
	[bflag:$0x3] =	sbarrier.arrive $0xFFFF;
	s2 =	simm.s32 @!p0 $0x1C03  }
0x135: {  	[timem:s3], [sflag:s2] =	dma.local @!p0 [hbm:s0], s1  }
0x136: {  	s0 =	simm.s32 @!p0 $0x3  }
0x137: {  	_ =	swait.ge @!p0 [sflag:s0], s1  }
0x138: {  	s1 =	ssub.s32 @!p0 $0x0, s1;
	[sflag:s0] =	ssyncset.done @!p0 $0x0  }
0x139: {  	[sflag:s0] =	ssyncadd.s32 @!p0 s1  }
0x13a: {  	[bflag:$0x3] =	sbarrier.arrive $0xFFFF  }
0x13b: {  	_ =	shalt  }

</sc_bundles>
